<compile_context>
chip_gen: v7x
topology: tpu7x:2x2x1
jax: 0.10.2.dev20260603
libtpu: 0.0.44.dev20260713+nightly
codegen_flags: <defaults>
</compile_context>

<pallas_src>
import functools

import jax
import jax.numpy as jnp
from jax import lax
from jax.experimental import pallas as pl
from jax.experimental.pallas import tpu as pltpu
from jax.experimental.pallas import tpu_sc as plsc

B, L, D, C, H = 4096, 50, 128, 128, 128
R = 256
G = B // R
NW = 32
RW = B // NW

_sc_mesh = plsc.VectorSubcoreMesh(core_axis_name="c", subcore_axis_name="s")
_sc_params = pltpu.CompilerParams(needs_layout_passes=False)


@functools.partial(
    pl.kernel,
    out_type=[jax.ShapeDtypeStruct((B,), jnp.int32),
              jax.ShapeDtypeStruct((16,), jnp.int32),
              jax.ShapeDtypeStruct((B, C), jnp.float32)],
    mesh=_sc_mesh,
    compiler_params=_sc_params,
    scratch_types=[pltpu.VMEM((B,), jnp.int32),
                   pltpu.VMEM((B,), jnp.int32),
                   pltpu.VMEM((16,), jnp.int32),
                   pltpu.VMEM((RW,), jnp.int32),
                   pltpu.VMEM((RW, C), jnp.float32),
                   pltpu.SemaphoreType.DMA],
)
def _route_sc(seg_hbm, ctx_hbm, perm_hbm, cnt_hbm, ctxc_hbm,
              seg_v, perm_v, cnt_v, idx_v, rows_v, sem):
    wid = lax.axis_index("s") * 2 + lax.axis_index("c")

    pltpu.sync_copy(seg_hbm, seg_v)
    lanes = lax.iota(jnp.int32, 16)
    one = jnp.ones((16,), jnp.int32)
    nil = jnp.zeros((16,), jnp.int32)

    def count_body(i, carry):
        c0, c1 = carry
        v = seg_v[pl.ds(i * 16, 16)]
        c0 = c0 + jnp.sum(jnp.where(v == 0, one, nil))
        c1 = c1 + jnp.sum(jnp.where(v == 1, one, nil))
        return c0, c1

    c0, c1 = lax.fori_loop(0, B // 16, count_body,
                           (jnp.int32(0), jnp.int32(0)))

    def scat_body(i, bases):
        b0, b1, b2 = bases
        v = seg_v[pl.ds(i * 16, 16)]
        rowid = lanes + i * 16
        m0 = v == 0
        m1 = v == 1
        m2 = v == 2
        p0 = plsc.cumsum(jnp.where(m0, one, nil))
        p1 = plsc.cumsum(jnp.where(m1, one, nil))
        p2 = plsc.cumsum(jnp.where(m2, one, nil))
        plsc.store_scatter(perm_v, [b0 + p0 - 1], rowid, mask=m0)
        plsc.store_scatter(perm_v, [b1 + p1 - 1], rowid, mask=m1)
        plsc.store_scatter(perm_v, [b2 + p2 - 1], rowid, mask=m2)
        return (b0 + jnp.sum(jnp.where(m0, one, nil)),
                b1 + jnp.sum(jnp.where(m1, one, nil)),
                b2 + jnp.sum(jnp.where(m2, one, nil)))

    lax.fori_loop(0, B // 16, scat_body, (jnp.int32(0), c0, c0 + c1))

    @pl.when(wid == 0)
    def _():
        cnt_v[...] = jnp.where(lanes == 0, c0,
                               jnp.where(lanes == 1, c0 + c1, nil))
        pltpu.sync_copy(perm_v, perm_hbm)
        pltpu.sync_copy(cnt_v, cnt_hbm)

    base = wid * RW

    def cp_body(j, carry):
        idx_v[pl.ds(j * 16, 16)] = perm_v[pl.ds(base + j * 16, 16)]
        return carry

    lax.fori_loop(0, RW // 16, cp_body, 0)
    pltpu.async_copy(ctx_hbm.at[idx_v], rows_v, sem).wait()
    pltpu.sync_copy(rows_v, ctxc_hbm.at[pl.ds(base, RW)])


@functools.partial(
    pl.kernel,
    out_type=jax.ShapeDtypeStruct((B, H), jnp.float32),
    mesh=_sc_mesh,
    compiler_params=_sc_params,
    scratch_types=[pltpu.VMEM((RW,), jnp.int32),
                   pltpu.VMEM((RW, H), jnp.float32),
                   pltpu.SemaphoreType.DMA],
)
def _scatter_sc(perm_hbm, outc_hbm, out_hbm, idx_v, rows_v, sem):
    wid = lax.axis_index("s") * 2 + lax.axis_index("c")
    base = wid * RW
    pltpu.sync_copy(perm_hbm.at[pl.ds(base, RW)], idx_v)
    pltpu.sync_copy(outc_hbm.at[pl.ds(base, RW)], rows_v)
    pltpu.async_copy(rows_v, out_hbm.at[idx_v], sem).wait()


def _experts_tc(perm_sref, cnt_sref, item_hbm, ctxc_ref,
                W_ih_ref, W_hh_ref, b_ih_ref, b_hh_ref,
                attn_W_ref, attn_b_ref,
                ue_W_ref, ue_b_ref, ce_W_ref, ce_b_ref,
                fus_W_ref, fus_b_ref,
                cs_W1_ref, cs_b1_ref, cs_W2_ref, cs_b2_ref,
                out_ref, xacc, sem):
    f32 = jnp.float32
    b = pl.program_id(0)
    start = b * R
    c0 = cnt_sref[0]
    c01 = cnt_sref[1]
    par = lax.rem(b, 2)

    def issue(blk, buf):
        s0 = blk * R

        def body(r, carry):
            idx = perm_sref[jnp.minimum(s0 + r, c01 - 1)]
            pltpu.make_async_copy(item_hbm.at[idx], xacc.at[buf, :, r, :],
                                  sem.at[buf]).start()
            return carry

        lax.fori_loop(0, R, body, 0, unroll=8)

    @pl.when(jnp.logical_and(b == 0, c01 > 0))
    def _():
        issue(0, 0)

    @pl.when(jnp.logical_and(b + 1 < G, (b + 1) * R < c01))
    def _():
        issue(b + 1, 1 - par)

    @pl.when(start < c01)
    def _():
        def dbody(r, carry):
            pltpu.make_async_copy(item_hbm.at[0], xacc.at[par, :, 0, :],
                                  sem.at[par]).wait()
            return carry

        lax.fori_loop(0, R, dbody, 0, unroll=8)

    xp = xacc.at[par]
    rowpos = start + lax.broadcasted_iota(jnp.int32, (R, 1), 0)
    ctx = ctxc_ref[...]

    cold = (jnp.dot(jax.nn.relu(jnp.dot(ctx, cs_W1_ref[...],
                                        preferred_element_type=f32)
                                + cs_b1_ref[...]),
                    cs_W2_ref[...], preferred_element_type=f32)
            + cs_b2_ref[...])
    out_ref[...] = cold

    @pl.when(jnp.logical_and(start < c01, start + R > c0))
    def _():
        xsum = jnp.zeros((R, D), f32)
        for t in range(L):
            xsum = xsum + xp[t]
        mean = xsum * (1.0 / L)
        ue = jax.nn.relu(jnp.dot(mean, ue_W_ref[...],
                                 preferred_element_type=f32) + ue_b_ref[...])
        ce = jax.nn.relu(jnp.dot(ctx, ce_W_ref[...],
                                 preferred_element_type=f32) + ce_b_ref[...])
        fus_W = fus_W_ref[...]
        reg = (jnp.dot(ue, fus_W[:H], preferred_element_type=f32)
               + jnp.dot(ce, fus_W[H:], preferred_element_type=f32)
               + fus_b_ref[...])
        keep = jnp.logical_and(rowpos >= c0, rowpos < c01)
        out_ref[...] = jnp.where(keep, reg, out_ref[...])

    @pl.when(start < c0)
    def _():
        W_ih = W_ih_ref[...]
        W_hh = W_hh_ref[...]
        b_ih = b_ih_ref[...]
        b_hh = b_hh_ref[...]
        attn_W = attn_W_ref[...]
        attn_b = attn_b_ref[...]

        h = jnp.zeros((R, H), f32)
        s = jnp.zeros((R, 1), f32)
        acc = jnp.zeros((R, H), f32)
        bf16 = jnp.bfloat16
        for t in range(L):
            xt = xp[t]
            gi = jnp.dot(xt.astype(bf16), W_ih,
                         preferred_element_type=f32) + b_ih
            gh = jnp.dot(h.astype(bf16), W_hh,
                         preferred_element_type=f32) + b_hh
            rg = jax.nn.sigmoid(gi[:, :H] + gh[:, :H])
            z = jax.nn.sigmoid(gi[:, H:2 * H] + gh[:, H:2 * H])
            n = jnp.tanh(gi[:, 2 * H:] + rg * gh[:, 2 * H:])
            h = n + z * (h - n)
            sc = jnp.dot(h, attn_W, preferred_element_type=f32) + attn_b
            p = jnp.exp(sc)
            s = s + p
            acc = acc + p * h
        power = acc / s
        out_ref[...] = jnp.where(rowpos < c0, power, out_ref[...])


def _experts_call(perm, cnt, item, ctx_c, *weights):
    def full(shape):
        return pl.BlockSpec(shape, lambda b, *_: (0,) * len(shape))

    grid_spec = pltpu.PrefetchScalarGridSpec(
        num_scalar_prefetch=2,
        grid=(G,),
        in_specs=[
            pl.BlockSpec(memory_space=pltpu.MemorySpace.HBM),
            pl.BlockSpec((R, C), lambda b, *_: (b, 0)),
            full((D, 3 * H)), full((H, 3 * H)),
            full((1, 3 * H)), full((1, 3 * H)),
            full((H, 1)), full((1, 1)),
            full((D, H)), full((1, H)),
            full((C, H)), full((1, H)),
            full((2 * H, H)), full((1, H)),
            full((C, H)), full((1, H)),
            full((H, H)), full((1, H)),
        ],
        out_specs=pl.BlockSpec((R, H), lambda b, *_: (b, 0)),
        scratch_shapes=[
            pltpu.VMEM((2, L, R, D), jnp.float32),
            pltpu.SemaphoreType.DMA((2,)),
        ],
    )
    return pl.pallas_call(
        _experts_tc,
        grid_spec=grid_spec,
        out_shape=jax.ShapeDtypeStruct((B, H), jnp.float32),
    )(perm, cnt, item, ctx_c, *weights)


def kernel(user_segment, item_embeddings, context_embedding,
           W_ih, W_hh, b_ih, b_hh, attn_W, attn_b,
           ue_W, ue_b, ce_W, ce_b, fus_W, fus_b,
           cs_W1, cs_b1, cs_W2, cs_b2):
    seg = user_segment.astype(jnp.int32)

    perm, cnt, ctx_c = _route_sc(seg, context_embedding)
    out_c = _experts_call(
        perm, cnt, item_embeddings, ctx_c,
        W_ih.astype(jnp.bfloat16), W_hh.astype(jnp.bfloat16),
        b_ih.reshape(1, 3 * H), b_hh.reshape(1, 3 * H),
        attn_W, attn_b.reshape(1, 1),
        ue_W, ue_b.reshape(1, H), ce_W, ce_b.reshape(1, H),
        fus_W, fus_b.reshape(1, H),
        cs_W1, cs_b1.reshape(1, H), cs_W2, cs_b2.reshape(1, H))
    return _scatter_sc(perm, out_c)

# --- scband reference (transcript-rebuilt; emitter-appended) ---
"""Pipeline reference for scband-hybrid-user-encoder-3281355014772 (READ-ONLY COPY).

The authoritative reference and input builder live on the scoring server;
editing this copy changes nothing except your own understanding.
"""

import jax, jax.numpy as jnp
import numpy as np

B, L, D, C, H = 4096, 50, 128, 128, 128

def setup_inputs(seed: int = 0) -> dict:
    key = jax.random.key(seed)
    ks = jax.random.split(key, 16)
    s = 0.05
    inp = {}
    inp['user_segment'] = jax.random.randint(ks[0], (B,), 0, 3)
    inp['item_embeddings'] = jax.random.normal(ks[1], (B, L, D), dtype=jnp.float32)
    inp['context_embedding'] = jax.random.normal(ks[2], (B, C), dtype=jnp.float32)
    # PowerUserModule (GRU, torch gate order r,z,n) + attention
    inp['W_ih'] = jax.random.normal(ks[3], (D, 3 * H), dtype=jnp.float32) * s
    inp['W_hh'] = jax.random.normal(ks[4], (H, 3 * H), dtype=jnp.float32) * s
    inp['b_ih'] = jnp.zeros((3 * H,), dtype=jnp.float32)
    inp['b_hh'] = jnp.zeros((3 * H,), dtype=jnp.float32)
    inp['attn_W'] = jax.random.normal(ks[5], (H, 1), dtype=jnp.float32) * s
    inp['attn_b'] = jnp.zeros((1,), dtype=jnp.float32)
    # RegularUserModule
    inp['ue_W'] = jax.random.normal(ks[6], (D, H), dtype=jnp.float32) * s
    inp['ue_b'] = jnp.zeros((H,), dtype=jnp.float32)
    inp['ce_W'] = jax.random.normal(ks[7], (C, H), dtype=jnp.float32) * s
    inp['ce_b'] = jnp.zeros((H,), dtype=jnp.float32)
    inp['fus_W'] = jax.random.normal(ks[8], (2 * H, H), dtype=jnp.float32) * s
    inp['fus_b'] = jnp.zeros((H,), dtype=jnp.float32)
    # ColdStartModule
    inp['cs_W1'] = jax.random.normal(ks[9], (C, H), dtype=jnp.float32) * s
    inp['cs_b1'] = jnp.zeros((H,), dtype=jnp.float32)
    inp['cs_W2'] = jax.random.normal(ks[10], (H, H), dtype=jnp.float32) * s
    inp['cs_b2'] = jnp.zeros((H,), dtype=jnp.float32)
    return inp

def _gru(x, W_ih, W_hh, b_ih, b_hh):
    # x: (B, L, D) -> outputs (B, L, H); torch GRU gate order: r, z, n
    bsz = x.shape[0]
    Hd = W_hh.shape[0]
    def step(h, xt):
        gi = xt @ W_ih + b_ih
        gh = h @ W_hh + b_hh
        i_r, i_z, i_n = jnp.split(gi, 3, axis=-1)
        h_r, h_z, h_n = jnp.split(gh, 3, axis=-1)
        r = jax.nn.sigmoid(i_r + h_r)
        z = jax.nn.sigmoid(i_z + h_z)
        n = jnp.tanh(i_n + r * h_n)
        h_new = (1.0 - z) * n + z * h
        return h_new, h_new
    h0 = jnp.zeros((bsz, Hd), dtype=x.dtype)
    xs = jnp.swapaxes(x, 0, 1)
    _, outs = jax.lax.scan(step, h0, xs)
    return jnp.swapaxes(outs, 0, 1)

def reference(user_segment, item_embeddings, context_embedding,
              W_ih, W_hh, b_ih, b_hh, attn_W, attn_b,
              ue_W, ue_b, ce_W, ce_b, fus_W, fus_b,
              cs_W1, cs_b1, cs_W2, cs_b2):
    # PowerUserModule (GRU + softmax attention pooling)
    gru_out = _gru(item_embeddings, W_ih, W_hh, b_ih, b_hh)
    scores = gru_out @ attn_W + attn_b  # (B, L, 1)
    attn = jax.nn.softmax(scores, axis=1)
    power_repr = (gru_out * attn).sum(axis=1)  # (B, H)
    # RegularUserModule (dropout is identity in eval)
    user_pref = item_embeddings.mean(axis=1)
    ue = jax.nn.relu(user_pref @ ue_W + ue_b)
    ce = jax.nn.relu(context_embedding @ ce_W + ce_b)
    regular_repr = jnp.concatenate([ue, ce], axis=-1) @ fus_W + fus_b
    # ColdStartModule
    cold_repr = jax.nn.relu(context_embedding @ cs_W1 + cs_b1) @ cs_W2 + cs_b2
    # Route per-row by segment (0=power, 1=regular, 2=cold)
    seg = user_segment[:, None]
    out = jnp.where(seg == 0, power_repr, jnp.where(seg == 1, regular_repr, cold_repr))
    return out

if __name__ == "__main__":
    import jax
    _d = setup_inputs()
    print(jax.jit(kernel)(*tuple(_d.values())))

</pallas_src>

<mosaic_0001>
#map = affine_map<(d0, d1) -> (0)>
#map1 = affine_map<(d0, d1) -> (0, 0)>
module attributes {stable_mosaic.version = 14 : i64} {
  func.func @_scatter_sc(%arg0: i32, %arg1: i32, %arg2: memref<4096xi32, #tpu.memory_space<hbm>>, %arg3: memref<4096x128xf32, #tpu.memory_space<hbm>>, %arg4: memref<4096x128xf32, #tpu.memory_space<hbm>>, %arg5: memref<128xi32, #tpu.memory_space<vmem>>, %arg6: memref<128x128xf32, #tpu.memory_space<vmem>>, %arg7: memref<!tpu.dma_semaphore, #tpu.memory_space<semaphore_mem>>) attributes {dimension_semantics = [#tpu.dimension_semantics<core_parallel>, #tpu.dimension_semantics<subcore_parallel>], iteration_bounds = array<i64: 2, 16>, scalar_prefetch = 0 : i64, scratch_operands = 3 : i64, tpu.core_type = #tpu.core_type<sc_vector_subcore>, window_params = [{transform_indices = #map}, {transform_indices = #map1}, {transform_indices = #map1}]} {
    %mul3A = arith.constant 2 : i32
    %mul3A_0 = arith.muli %arg1, %mul3A : i32
    %add3A = arith.addi %mul3A_0, %arg0 : i32
    %mul3A_1 = arith.constant 128 : i32
    %mul3A_2 = arith.muli %add3A, %mul3A_1 : i32
    "tpu.region"() ({
      %run_scoped3A = tpu.sem_alloc : memref<!tpu.dma_semaphore, #tpu.memory_space<semaphore_mem>>
      %dma_start3A_7 = tpu.memref_slice %arg2[%mul3A_2] : memref<4096xi32, #tpu.memory_space<hbm>> -> memref<128xi32, #tpu.memory_space<hbm>>
      %dma_start3A_8 = tpu.memref_slice %arg2[%mul3A_2] : memref<4096xi32, #tpu.memory_space<hbm>> -> memref<128xi32, #tpu.memory_space<hbm>>
      tpu.enqueue_dma source(%dma_start3A_8 : memref<128xi32, #tpu.memory_space<hbm>>) target(%arg5 : memref<128xi32, #tpu.memory_space<vmem>>) target_semaphore(%run_scoped3A : memref<!tpu.dma_semaphore, #tpu.memory_space<semaphore_mem>>)
      %dma_wait3A_9 = tpu.memref_slice %arg2[%mul3A_2] : memref<4096xi32, #tpu.memory_space<hbm>> -> memref<128xi32, #tpu.memory_space<hbm>>
      %dma_wait3A_10 = tpu.memref_slice %arg2[%mul3A_2] : memref<4096xi32, #tpu.memory_space<hbm>> -> memref<128xi32, #tpu.memory_space<hbm>>
      tpu.wait_dma2 semaphore(%run_scoped3A : memref<!tpu.dma_semaphore, #tpu.memory_space<semaphore_mem>>) src(%dma_wait3A_10 : memref<128xi32, #tpu.memory_space<hbm>>) dst(%arg5 : memref<128xi32, #tpu.memory_space<vmem>>)
      tpu.yield
    }) : () -> ()
    "tpu.region"() ({
      %run_scoped3A = tpu.sem_alloc : memref<!tpu.dma_semaphore, #tpu.memory_space<semaphore_mem>>
      %dma_start3A_7 = arith.constant 0 : i32
      %dma_start3A_8 = tpu.memref_slice %arg3[%mul3A_2, %dma_start3A_7] : memref<4096x128xf32, #tpu.memory_space<hbm>> -> memref<128x128xf32, #tpu.memory_space<hbm>>
      %dma_start3A_9 = arith.constant 0 : i32
      %dma_start3A_10 = tpu.memref_slice %arg3[%mul3A_2, %dma_start3A_9] : memref<4096x128xf32, #tpu.memory_space<hbm>> -> memref<128x128xf32, #tpu.memory_space<hbm>>
      tpu.enqueue_dma source(%dma_start3A_10 : memref<128x128xf32, #tpu.memory_space<hbm>>) target(%arg6 : memref<128x128xf32, #tpu.memory_space<vmem>>) target_semaphore(%run_scoped3A : memref<!tpu.dma_semaphore, #tpu.memory_space<semaphore_mem>>)
      %dma_wait3A_11 = arith.constant 0 : i32
      %dma_wait3A_12 = tpu.memref_slice %arg3[%mul3A_2, %dma_wait3A_11] : memref<4096x128xf32, #tpu.memory_space<hbm>> -> memref<128x128xf32, #tpu.memory_space<hbm>>
      %dma_wait3A_13 = arith.constant 0 : i32
      %dma_wait3A_14 = tpu.memref_slice %arg3[%mul3A_2, %dma_wait3A_13] : memref<4096x128xf32, #tpu.memory_space<hbm>> -> memref<128x128xf32, #tpu.memory_space<hbm>>
      tpu.wait_dma2 semaphore(%run_scoped3A : memref<!tpu.dma_semaphore, #tpu.memory_space<semaphore_mem>>) src(%dma_wait3A_14 : memref<128x128xf32, #tpu.memory_space<hbm>>) dst(%arg6 : memref<128x128xf32, #tpu.memory_space<vmem>>)
      tpu.yield
    }) : () -> ()
    %dma_start3A = arith.constant 0 : i32
    %dma_start3A_3 = arith.constant 0 : i32
    %dma_start3A_4 = tpu.memref_slice %arg4[%dma_start3A, %dma_start3A_3] : memref<4096x128xf32, #tpu.memory_space<hbm>> -> memref<4096x128xf32, #tpu.memory_space<hbm>>
    tpu.enqueue_indirect_dma source(%arg6 : memref<128x128xf32, #tpu.memory_space<vmem>>) target(%dma_start3A_4 : memref<4096x128xf32, #tpu.memory_space<hbm>>) offsets(%arg5 : memref<128xi32, #tpu.memory_space<vmem>>) semaphore(%arg7 : memref<!tpu.dma_semaphore, #tpu.memory_space<semaphore_mem>>)
    %dma_wait3A = arith.constant 0 : i32
    %dma_wait3A_5 = arith.constant 0 : i32
    %dma_wait3A_6 = tpu.memref_slice %arg4[%dma_wait3A, %dma_wait3A_5] : memref<4096x128xf32, #tpu.memory_space<hbm>> -> memref<4096x128xf32, #tpu.memory_space<hbm>>
    tpu.wait_indirect_dma semaphore(%arg7 : memref<!tpu.dma_semaphore, #tpu.memory_space<semaphore_mem>>) src(%arg6 : memref<128x128xf32, #tpu.memory_space<vmem>>) dst(%dma_wait3A_6 : memref<4096x128xf32, #tpu.memory_space<hbm>>)
    return
  }
}

#map = affine_map<(d0, d1) -> (0)>
#map1 = affine_map<(d0, d1) -> (0, 0)>
module attributes {stable_mosaic.version = 14 : i64} {
  func.func @_route_sc(%arg0: i32, %arg1: i32, %arg2: memref<4096xi32, #tpu.memory_space<hbm>>, %arg3: memref<4096x128xf32, #tpu.memory_space<hbm>>, %arg4: memref<4096xi32, #tpu.memory_space<hbm>>, %arg5: memref<16xi32, #tpu.memory_space<hbm>>, %arg6: memref<4096x128xf32, #tpu.memory_space<hbm>>, %arg7: memref<4096xi32, #tpu.memory_space<vmem>>, %arg8: memref<4096xi32, #tpu.memory_space<vmem>>, %arg9: memref<16xi32, #tpu.memory_space<vmem>>, %arg10: memref<128xi32, #tpu.memory_space<vmem>>, %arg11: memref<128x128xf32, #tpu.memory_space<vmem>>, %arg12: memref<!tpu.dma_semaphore, #tpu.memory_space<semaphore_mem>>) attributes {dimension_semantics = [#tpu.dimension_semantics<core_parallel>, #tpu.dimension_semantics<subcore_parallel>], iteration_bounds = array<i64: 2, 16>, scalar_prefetch = 0 : i64, scratch_operands = 6 : i64, tpu.core_type = #tpu.core_type<sc_vector_subcore>, window_params = [{transform_indices = #map}, {transform_indices = #map1}, {transform_indices = #map}, {transform_indices = #map}, {transform_indices = #map1}]} {
    %mul3A = arith.constant 2 : i32
    %mul3A_0 = arith.muli %arg1, %mul3A : i32
    %add3A = arith.addi %mul3A_0, %arg0 : i32
    "tpu.region"() ({
      %run_scoped3A = tpu.sem_alloc : memref<!tpu.dma_semaphore, #tpu.memory_space<semaphore_mem>>
      tpu.enqueue_dma source(%arg2 : memref<4096xi32, #tpu.memory_space<hbm>>) target(%arg7 : memref<4096xi32, #tpu.memory_space<vmem>>) target_semaphore(%run_scoped3A : memref<!tpu.dma_semaphore, #tpu.memory_space<semaphore_mem>>)
      tpu.wait_dma2 semaphore(%run_scoped3A : memref<!tpu.dma_semaphore, #tpu.memory_space<semaphore_mem>>) src(%arg2 : memref<4096xi32, #tpu.memory_space<hbm>>) dst(%arg7 : memref<4096xi32, #tpu.memory_space<vmem>>)
      tpu.yield
    }) : () -> ()
    %iota3A = tpu.iota {dimensions = array<i32: 0>} : vector<16xi32>
    %broadcast_in_dim3A = arith.constant 1 : i32
    %broadcast_in_dim3A_1 = vector.broadcast %broadcast_in_dim3A : i32 to vector<16xi32>
    %broadcast_in_dim3A_2 = arith.constant 0 : i32
    %broadcast_in_dim3A_3 = vector.broadcast %broadcast_in_dim3A_2 : i32 to vector<16xi32>
    %scan3A = arith.constant 0 : i32
    %scan3A_4 = arith.constant 0 : i32
    %scan3A_5 = arith.constant 0 : i32
    %scan3A_6 = arith.constant 256 : i32
    %scan3A_7 = arith.addi %scan3A_5, %scan3A_6 : i32
    %scan3A_8 = arith.constant 1 : i32
    %scan3A_9:2 = scf.for %scan3A_33 = %scan3A_5 to %scan3A_7 step %scan3A_8 iter_args(%scan3A_34 = %scan3A, %scan3A_35 = %scan3A_4) -> (i32, i32)  : i32 {
      %mul3A_36 = arith.constant 16 : i32
      %mul3A_37 = arith.muli %scan3A_33, %mul3A_36 : i32
      %get3A = arith.index_cast %mul3A_37 : i32 to index
      %get3A_38 = tpu.vector_load %arg7[%get3A] {strides = array<i32>} : memref<4096xi32, #tpu.memory_space<vmem>>, vector<16xi32>,
      %eq3A_39 = arith.constant 0 : i32
      %eq3A_40 = vector.broadcast %eq3A_39 : i32 to vector<16xi32>
      %eq3A_41 = arith.cmpi eq, %get3A_38, %eq3A_40 : vector<16xi32>
      %select_n3A = arith.select %eq3A_41, %broadcast_in_dim3A_1, %broadcast_in_dim3A_3 : vector<16xi1>, vector<16xi32>
      %reduce_sum3A = arith.constant true
      %reduce_sum3A_42 = vector.broadcast %reduce_sum3A : i1 to vector<16xi1>
      %reduce_sum3A_43 = tpu.scan <sum>, %select_n3A masked %reduce_sum3A_42 : vector<16xi32>, vector<16xi1> -> vector<16xi32>
      %reduce_sum3A_44 = vector.extract %reduce_sum3A_43[15] : i32 from vector<16xi32>
      %add3A_45 = arith.addi %scan3A_34, %reduce_sum3A_44 : i32
      %eq3A_46 = arith.constant 1 : i32
      %eq3A_47 = vector.broadcast %eq3A_46 : i32 to vector<16xi32>
      %eq3A_48 = arith.cmpi eq, %get3A_38, %eq3A_47 : vector<16xi32>
      %select_n3A_49 = arith.select %eq3A_48, %broadcast_in_dim3A_1, %broadcast_in_dim3A_3 : vector<16xi1>, vector<16xi32>
      %reduce_sum3A_50 = arith.constant true
      %reduce_sum3A_51 = vector.broadcast %reduce_sum3A_50 : i1 to vector<16xi1>
      %reduce_sum3A_52 = tpu.scan <sum>, %select_n3A_49 masked %reduce_sum3A_51 : vector<16xi32>, vector<16xi1> -> vector<16xi32>
      %reduce_sum3A_53 = vector.extract %reduce_sum3A_52[15] : i32 from vector<16xi32>
      %add3A_54 = arith.addi %scan3A_35, %reduce_sum3A_53 : i32
      scf.yield %add3A_45, %add3A_54 : i32, i32
    }
    %scan3A_10 = arith.constant 256 : i32
    %add3A_11 = arith.addi %scan3A_9#0, %scan3A_9#1 : i32
    %scan3A_12 = arith.constant 0 : i32
    %scan3A_13 = arith.constant 0 : i32
    %scan3A_14 = arith.constant 256 : i32
    %scan3A_15 = arith.addi %scan3A_13, %scan3A_14 : i32
    %scan3A_16 = arith.constant 1 : i32
    %scan3A_17:3 = scf.for %scan3A_33 = %scan3A_13 to %scan3A_15 step %scan3A_16 iter_args(%scan3A_34 = %scan3A_12, %scan3A_35 = %scan3A_9#0, %scan3A_36 = %add3A_11) -> (i32, i32, i32)  : i32 {
      %mul3A_37 = arith.constant 16 : i32
      %mul3A_38 = arith.muli %scan3A_33, %mul3A_37 : i32
      %get3A = arith.index_cast %mul3A_38 : i32 to index
      %get3A_39 = tpu.vector_load %arg7[%get3A] {strides = array<i32>} : memref<4096xi32, #tpu.memory_space<vmem>>, vector<16xi32>,
      %mul3A_40 = arith.constant 16 : i32
      %mul3A_41 = arith.muli %scan3A_33, %mul3A_40 : i32
      %add3A_42 = vector.broadcast %mul3A_41 : i32 to vector<16xi32>
      %add3A_43 = arith.addi %iota3A, %add3A_42 : vector<16xi32>
      %eq3A_44 = arith.constant 0 : i32
      %eq3A_45 = vector.broadcast %eq3A_44 : i32 to vector<16xi32>
      %eq3A_46 = arith.cmpi eq, %get3A_39, %eq3A_45 : vector<16xi32>
      %eq3A_47 = arith.constant 1 : i32
      %eq3A_48 = vector.broadcast %eq3A_47 : i32 to vector<16xi32>
      %eq3A_49 = arith.cmpi eq, %get3A_39, %eq3A_48 : vector<16xi32>
      %eq3A_50 = arith.constant 2 : i32
      %eq3A_51 = vector.broadcast %eq3A_50 : i32 to vector<16xi32>
      %eq3A_52 = arith.cmpi eq, %get3A_39, %eq3A_51 : vector<16xi32>
      %select_n3A = arith.select %eq3A_46, %broadcast_in_dim3A_1, %broadcast_in_dim3A_3 : vector<16xi1>, vector<16xi32>
      %broadcast_in_dim3A_53 = arith.constant true
      %broadcast_in_dim3A_54 = vector.broadcast %broadcast_in_dim3A_53 : i1 to vector<16xi1>
      %masked_cumsum3A = tpu.scan <sum>, %select_n3A masked %broadcast_in_dim3A_54 : vector<16xi32>, vector<16xi1> -> vector<16xi32>
      %select_n3A_55 = arith.select %eq3A_49, %broadcast_in_dim3A_1, %broadcast_in_dim3A_3 : vector<16xi1>, vector<16xi32>
      %broadcast_in_dim3A_56 = arith.constant true
      %broadcast_in_dim3A_57 = vector.broadcast %broadcast_in_dim3A_56 : i1 to vector<16xi1>
      %masked_cumsum3A_58 = tpu.scan <sum>, %select_n3A_55 masked %broadcast_in_dim3A_57 : vector<16xi32>, vector<16xi1> -> vector<16xi32>
      %select_n3A_59 = arith.select %eq3A_52, %broadcast_in_dim3A_1, %broadcast_in_dim3A_3 : vector<16xi1>, vector<16xi32>
      %broadcast_in_dim3A_60 = arith.constant true
      %broadcast_in_dim3A_61 = vector.broadcast %broadcast_in_dim3A_60 : i1 to vector<16xi1>
      %masked_cumsum3A_62 = tpu.scan <sum>, %select_n3A_59 masked %broadcast_in_dim3A_61 : vector<16xi32>, vector<16xi1> -> vector<16xi32>
      %add3A_63 = vector.broadcast %scan3A_34 : i32 to vector<16xi32>
      %add3A_64 = arith.addi %add3A_63, %masked_cumsum3A : vector<16xi32>
      %sub3A = arith.constant 1 : i32
      %sub3A_65 = vector.broadcast %sub3A : i32 to vector<16xi32>
      %sub3A_66 = arith.subi %add3A_64, %sub3A_65 : vector<16xi32>
      tpu.vector_store_idx %arg8[%sub3A_66], %add3A_43 masked %eq3A_46 : memref<4096xi32, #tpu.memory_space<vmem>>[vector<16xi32>], vector<16xi32>, vector<16xi1>
      %add3A_67 = vector.broadcast %scan3A_35 : i32 to vector<16xi32>
      %add3A_68 = arith.addi %add3A_67, %masked_cumsum3A_58 : vector<16xi32>
      %sub3A_69 = arith.constant 1 : i32
      %sub3A_70 = vector.broadcast %sub3A_69 : i32 to vector<16xi32>
      %sub3A_71 = arith.subi %add3A_68, %sub3A_70 : vector<16xi32>
      tpu.vector_store_idx %arg8[%sub3A_71], %add3A_43 masked %eq3A_49 : memref<4096xi32, #tpu.memory_space<vmem>>[vector<16xi32>], vector<16xi32>, vector<16xi1>
      %add3A_72 = vector.broadcast %scan3A_36 : i32 to vector<16xi32>
      %add3A_73 = arith.addi %add3A_72, %masked_cumsum3A_62 : vector<16xi32>
      %sub3A_74 = arith.constant 1 : i32
      %sub3A_75 = vector.broadcast %sub3A_74 : i32 to vector<16xi32>
      %sub3A_76 = arith.subi %add3A_73, %sub3A_75 : vector<16xi32>
      tpu.vector_store_idx %arg8[%sub3A_76], %add3A_43 masked %eq3A_52 : memref<4096xi32, #tpu.memory_space<vmem>>[vector<16xi32>], vector<16xi32>, vector<16xi1>
      %select_n3A_77 = arith.select %eq3A_46, %broadcast_in_dim3A_1, %broadcast_in_dim3A_3 : vector<16xi1>, vector<16xi32>
      %reduce_sum3A = arith.constant true
      %reduce_sum3A_78 = vector.broadcast %reduce_sum3A : i1 to vector<16xi1>
      %reduce_sum3A_79 = tpu.scan <sum>, %select_n3A_77 masked %reduce_sum3A_78 : vector<16xi32>, vector<16xi1> -> vector<16xi32>
      %reduce_sum3A_80 = vector.extract %reduce_sum3A_79[15] : i32 from vector<16xi32>
      %add3A_81 = arith.addi %scan3A_34, %reduce_sum3A_80 : i32
      %select_n3A_82 = arith.select %eq3A_49, %broadcast_in_dim3A_1, %broadcast_in_dim3A_3 : vector<16xi1>, vector<16xi32>
      %reduce_sum3A_83 = arith.constant true
      %reduce_sum3A_84 = vector.broadcast %reduce_sum3A_83 : i1 to vector<16xi1>
      %reduce_sum3A_85 = tpu.scan <sum>, %select_n3A_82 masked %reduce_sum3A_84 : vector<16xi32>, vector<16xi1> -> vector<16xi32>
      %reduce_sum3A_86 = vector.extract %reduce_sum3A_85[15] : i32 from vector<16xi32>
      %add3A_87 = arith.addi %scan3A_35, %reduce_sum3A_86 : i32
      %select_n3A_88 = arith.select %eq3A_52, %broadcast_in_dim3A_1, %broadcast_in_dim3A_3 : vector<16xi1>, vector<16xi32>
      %reduce_sum3A_89 = arith.constant true
      %reduce_sum3A_90 = vector.broadcast %reduce_sum3A_89 : i1 to vector<16xi1>
      %reduce_sum3A_91 = tpu.scan <sum>, %select_n3A_88 masked %reduce_sum3A_90 : vector<16xi32>, vector<16xi1> -> vector<16xi32>
      %reduce_sum3A_92 = vector.extract %reduce_sum3A_91[15] : i32 from vector<16xi32>
      %add3A_93 = arith.addi %scan3A_36, %reduce_sum3A_92 : i32
      scf.yield %add3A_81, %add3A_87, %add3A_93 : i32, i32, i32
    }
    %scan3A_18 = arith.constant 256 : i32
    %eq3A = arith.constant 0 : i32
    %eq3A_19 = arith.cmpi eq, %add3A, %eq3A : i32
    %convert_element_type3A = arith.extui %eq3A_19 : i1 to i32
    %cond3A = arith.constant 0 : i32
    %cond3A_20 = arith.cmpi ne, %convert_element_type3A, %cond3A : i32
    scf.if %cond3A_20 {
      %eq3A_33 = arith.constant 0 : i32
      %eq3A_34 = vector.broadcast %eq3A_33 : i32 to vector<16xi32>
      %eq3A_35 = arith.cmpi eq, %iota3A, %eq3A_34 : vector<16xi32>
      %eq3A_36 = arith.constant 1 : i32
      %eq3A_37 = vector.broadcast %eq3A_36 : i32 to vector<16xi32>
      %eq3A_38 = arith.cmpi eq, %iota3A, %eq3A_37 : vector<16xi32>
      %add3A_39 = arith.addi %scan3A_9#0, %scan3A_9#1 : i32
      %broadcast_in_dim3A_40 = vector.broadcast %add3A_39 : i32 to vector<16xi32>
      %select_n3A = arith.select %eq3A_38, %broadcast_in_dim3A_40, %broadcast_in_dim3A_3 : vector<16xi1>, vector<16xi32>
      %broadcast_in_dim3A_41 = vector.broadcast %scan3A_9#0 : i32 to vector<16xi32>
      %select_n3A_42 = arith.select %eq3A_35, %broadcast_in_dim3A_41, %select_n3A : vector<16xi1>, vector<16xi32>
      %swap3A = arith.constant 0 : index
      %swap3A_43 = tpu.vector_load %arg9[%swap3A] {strides = array<i32>} : memref<16xi32, #tpu.memory_space<vmem>>, vector<16xi32>,
      tpu.vector_store %arg9[%swap3A], %select_n3A_42 {strides = array<i32>} : memref<16xi32, #tpu.memory_space<vmem>>, vector<16xi32>,
      "tpu.region"() ({
        %run_scoped3A = tpu.sem_alloc : memref<!tpu.dma_semaphore, #tpu.memory_space<semaphore_mem>>
        tpu.enqueue_dma source(%arg8 : memref<4096xi32, #tpu.memory_space<vmem>>) target(%arg4 : memref<4096xi32, #tpu.memory_space<hbm>>) target_semaphore(%run_scoped3A : memref<!tpu.dma_semaphore, #tpu.memory_space<semaphore_mem>>)
        tpu.wait_dma2 semaphore(%run_scoped3A : memref<!tpu.dma_semaphore, #tpu.memory_space<semaphore_mem>>) src(%arg8 : memref<4096xi32, #tpu.memory_space<vmem>>) dst(%arg4 : memref<4096xi32, #tpu.memory_space<hbm>>)
        tpu.yield
      }) : () -> ()
      "tpu.region"() ({
        %run_scoped3A = tpu.sem_alloc : memref<!tpu.dma_semaphore, #tpu.memory_space<semaphore_mem>>
        tpu.enqueue_dma source(%arg9 : memref<16xi32, #tpu.memory_space<vmem>>) target(%arg5 : memref<16xi32, #tpu.memory_space<hbm>>) target_semaphore(%run_scoped3A : memref<!tpu.dma_semaphore, #tpu.memory_space<semaphore_mem>>)
        tpu.wait_dma2 semaphore(%run_scoped3A : memref<!tpu.dma_semaphore, #tpu.memory_space<semaphore_mem>>) src(%arg9 : memref<16xi32, #tpu.memory_space<vmem>>) dst(%arg5 : memref<16xi32, #tpu.memory_space<hbm>>)
        tpu.yield
      }) : () -> ()
    } else {
    }
    %mul3A_21 = arith.constant 128 : i32
    %mul3A_22 = arith.muli %add3A, %mul3A_21 : i32
    %scan3A_23 = arith.constant 0 : i32
    %scan3A_24 = arith.constant 0 : i32
    %scan3A_25 = arith.constant 8 : i32
    %scan3A_26 = arith.addi %scan3A_24, %scan3A_25 : i32
    %scan3A_27 = arith.constant 1 : i32
    scf.for %scan3A_33 = %scan3A_24 to %scan3A_26 step %scan3A_27  : i32 {
      %mul3A_34 = arith.constant 16 : i32
      %mul3A_35 = arith.muli %scan3A_33, %mul3A_34 : i32
      %add3A_36 = arith.addi %mul3A_22, %mul3A_35 : i32
      %get3A = arith.index_cast %add3A_36 : i32 to index
      %get3A_37 = tpu.vector_load %arg8[%get3A] {strides = array<i32>} : memref<4096xi32, #tpu.memory_space<vmem>>, vector<16xi32>,
      %mul3A_38 = arith.constant 16 : i32
      %mul3A_39 = arith.muli %scan3A_33, %mul3A_38 : i32
      %swap3A = arith.index_cast %mul3A_39 : i32 to index
      %swap3A_40 = tpu.vector_load %arg10[%swap3A] {strides = array<i32>} : memref<128xi32, #tpu.memory_space<vmem>>, vector<16xi32>,
      tpu.vector_store %arg10[%swap3A], %get3A_37 {strides = array<i32>} : memref<128xi32, #tpu.memory_space<vmem>>, vector<16xi32>,
    }
    %scan3A_28 = arith.constant 8 : i32
    %dma_start3A = arith.constant 0 : i32
    %dma_start3A_29 = arith.constant 0 : i32
    %dma_start3A_30 = tpu.memref_slice %arg3[%dma_start3A, %dma_start3A_29] : memref<4096x128xf32, #tpu.memory_space<hbm>> -> memref<4096x128xf32, #tpu.memory_space<hbm>>
    tpu.enqueue_indirect_dma source(%dma_start3A_30 : memref<4096x128xf32, #tpu.memory_space<hbm>>) target(%arg11 : memref<128x128xf32, #tpu.memory_space<vmem>>) offsets(%arg10 : memref<128xi32, #tpu.memory_space<vmem>>) semaphore(%arg12 : memref<!tpu.dma_semaphore, #tpu.memory_space<semaphore_mem>>)
    %dma_wait3A = arith.constant 0 : i32
    %dma_wait3A_31 = arith.constant 0 : i32
    %dma_wait3A_32 = tpu.memref_slice %arg3[%dma_wait3A, %dma_wait3A_31] : memref<4096x128xf32, #tpu.memory_space<hbm>> -> memref<4096x128xf32, #tpu.memory_space<hbm>>
    tpu.wait_indirect_dma semaphore(%arg12 : memref<!tpu.dma_semaphore, #tpu.memory_space<semaphore_mem>>) src(%dma_wait3A_32 : memref<4096x128xf32, #tpu.memory_space<hbm>>) dst(%arg11 : memref<128x128xf32, #tpu.memory_space<vmem>>)
    "tpu.region"() ({
      %run_scoped3A = tpu.sem_alloc : memref<!tpu.dma_semaphore, #tpu.memory_space<semaphore_mem>>
      %dma_start3A_33 = arith.constant 0 : i32
      %dma_start3A_34 = tpu.memref_slice %arg6[%mul3A_22, %dma_start3A_33] : memref<4096x128xf32, #tpu.memory_space<hbm>> -> memref<128x128xf32, #tpu.memory_space<hbm>>
      %dma_start3A_35 = arith.constant 0 : i32
      %dma_start3A_36 = tpu.memref_slice %arg6[%mul3A_22, %dma_start3A_35] : memref<4096x128xf32, #tpu.memory_space<hbm>> -> memref<128x128xf32, #tpu.memory_space<hbm>>
      tpu.enqueue_dma source(%arg11 : memref<128x128xf32, #tpu.memory_space<vmem>>) target(%dma_start3A_36 : memref<128x128xf32, #tpu.memory_space<hbm>>) target_semaphore(%run_scoped3A : memref<!tpu.dma_semaphore, #tpu.memory_space<semaphore_mem>>)
      %dma_wait3A_37 = arith.constant 0 : i32
      %dma_wait3A_38 = tpu.memref_slice %arg6[%mul3A_22, %dma_wait3A_37] : memref<4096x128xf32, #tpu.memory_space<hbm>> -> memref<128x128xf32, #tpu.memory_space<hbm>>
      %dma_wait3A_39 = arith.constant 0 : i32
      %dma_wait3A_40 = tpu.memref_slice %arg6[%mul3A_22, %dma_wait3A_39] : memref<4096x128xf32, #tpu.memory_space<hbm>> -> memref<128x128xf32, #tpu.memory_space<hbm>>
      tpu.wait_dma2 semaphore(%run_scoped3A : memref<!tpu.dma_semaphore, #tpu.memory_space<semaphore_mem>>) src(%arg11 : memref<128x128xf32, #tpu.memory_space<vmem>>) dst(%dma_wait3A_40 : memref<128x128xf32, #tpu.memory_space<hbm>>)
      tpu.yield
    }) : () -> ()
    return
  }
}

module attributes {stable_mosaic.version = 14 : i64} {
  func.func @_experts_tc(%arg0: i32, %arg1: memref<4096xi32, #tpu.memory_space<smem>>, %arg2: memref<16xi32, #tpu.memory_space<smem>>, %arg3: memref<4096x50x128xf32, #tpu.memory_space<hbm>>, %arg4: memref<256x128xf32, #tpu.memory_space<vmem>>, %arg5: memref<128x384xbf16, #tpu.memory_space<vmem>>, %arg6: memref<128x384xbf16, #tpu.memory_space<vmem>>, %arg7: memref<1x384xf32, #tpu.memory_space<vmem>>, %arg8: memref<1x384xf32, #tpu.memory_space<vmem>>, %arg9: memref<128x1xf32, #tpu.memory_space<vmem>>, %arg10: memref<1x1xf32, #tpu.memory_space<vmem>>, %arg11: memref<128x128xf32, #tpu.memory_space<vmem>>, %arg12: memref<1x128xf32, #tpu.memory_space<vmem>>, %arg13: memref<128x128xf32, #tpu.memory_space<vmem>>, %arg14: memref<1x128xf32, #tpu.memory_space<vmem>>, %arg15: memref<256x128xf32, #tpu.memory_space<vmem>>, %arg16: memref<1x128xf32, #tpu.memory_space<vmem>>, %arg17: memref<128x128xf32, #tpu.memory_space<vmem>>, %arg18: memref<1x128xf32, #tpu.memory_space<vmem>>, %arg19: memref<128x128xf32, #tpu.memory_space<vmem>>, %arg20: memref<1x128xf32, #tpu.memory_space<vmem>>, %arg21: memref<256x128xf32, #tpu.memory_space<vmem>>, %arg22: memref<2x50x256x128xf32, #tpu.memory_space<vmem>>, %arg23: memref<2x!tpu.dma_semaphore, #tpu.memory_space<semaphore_mem>>) attributes {dimension_semantics = [#tpu.dimension_semantics<arbitrary>], iteration_bounds = array<i64: 16>, scalar_prefetch = 2 : i64, scratch_operands = 2 : i64, tpu.core_type = #tpu.core_type<tc>, window_params = [{}, {transform_indices = @transform_1, window_bounds = array<i64: 256, 128>}, {pipeline_mode = #tpu.pipeline_mode<synchronous>, transform_indices = @transform_2, window_bounds = array<i64: 128, 384>}, {pipeline_mode = #tpu.pipeline_mode<synchronous>, transform_indices = @transform_3, window_bounds = array<i64: 128, 384>}, {pipeline_mode = #tpu.pipeline_mode<synchronous>, transform_indices = @transform_4, window_bounds = array<i64: 1, 384>}, {pipeline_mode = #tpu.pipeline_mode<synchronous>, transform_indices = @transform_5, window_bounds = array<i64: 1, 384>}, {pipeline_mode = #tpu.pipeline_mode<synchronous>, transform_indices = @transform_6, window_bounds = array<i64: 128, 1>}, {pipeline_mode = #tpu.pipeline_mode<synchronous>, transform_indices = @transform_7, window_bounds = array<i64: 1, 1>}, {pipeline_mode = #tpu.pipeline_mode<synchronous>, transform_indices = @transform_8, window_bounds = array<i64: 128, 128>}, {pipeline_mode = #tpu.pipeline_mode<synchronous>, transform_indices = @transform_9, window_bounds = array<i64: 1, 128>}, {pipeline_mode = #tpu.pipeline_mode<synchronous>, transform_indices = @transform_10, window_bounds = array<i64: 128, 128>}, {pipeline_mode = #tpu.pipeline_mode<synchronous>, transform_indices = @transform_11, window_bounds = array<i64: 1, 128>}, {pipeline_mode = #tpu.pipeline_mode<synchronous>, transform_indices = @transform_12, window_bounds = array<i64: 256, 128>}, {pipeline_mode = #tpu.pipeline_mode<synchronous>, transform_indices = @transform_13, window_bounds = array<i64: 1, 128>}, {pipeline_mode = #tpu.pipeline_mode<synchronous>, transform_indices = @transform_14, window_bounds = array<i64: 128, 128>}, {pipeline_mode = #tpu.pipeline_mode<synchronous>, transform_indices = @transform_15, window_bounds = array<i64: 1, 128>}, {pipeline_mode = #tpu.pipeline_mode<synchronous>, transform_indices = @transform_16, window_bounds = array<i64: 128, 128>}, {pipeline_mode = #tpu.pipeline_mode<synchronous>, transform_indices = @transform_17, window_bounds = array<i64: 1, 128>}, {transform_indices = @transform_18, window_bounds = array<i64: 256, 128>}]} {
    %mul3A = arith.constant 256 : i32
    %mul3A_0 = arith.muli %arg0, %mul3A : i32
    %get3A = arith.constant 0 : index
    %get3A_1 = memref.load %arg2[%get3A] : memref<16xi32, #tpu.memory_space<smem>>
    %get3A_2 = arith.constant 1 : index
    %get3A_3 = memref.load %arg2[%get3A_2] : memref<16xi32, #tpu.memory_space<smem>>
    %rem3A = arith.constant 2 : i32
    %rem3A_4 = arith.remsi %arg0, %rem3A : i32
    %eq3A = arith.constant 0 : i32
    %eq3A_5 = arith.cmpi eq, %arg0, %eq3A : i32
    %gt3A = arith.constant 0 : i32
    %gt3A_6 = arith.cmpi sgt, %get3A_3, %gt3A : i32
    %and3A = arith.andi %eq3A_5, %gt3A_6 : i1
    %convert_element_type3A = arith.extui %and3A : i1 to i32
    %cond3A = arith.constant 0 : i32
    %cond3A_7 = arith.cmpi ne, %convert_element_type3A, %cond3A : i32
    scf.if %cond3A_7 {
      %scan3A = arith.constant 0 : i32
      %scan3A_63 = arith.constant 256 : i32
      %scan3A_64 = arith.addi %scan3A, %scan3A_63 : i32
      %scan3A_65 = arith.constant 8 : i32
      scf.for %scan3A_67 = %scan3A to %scan3A_64 step %scan3A_65  : i32 {
        %add3A_68 = arith.constant 0 : i32
        %add3A_69 = arith.addi %add3A_68, %scan3A_67 : i32
        %sub3A = arith.constant 1 : i32
        %sub3A_70 = arith.subi %get3A_3, %sub3A : i32
        %min3A = arith.minsi %add3A_69, %sub3A_70 : i32
        %get3A_71 = arith.index_cast %min3A : i32 to index
        %get3A_72 = memref.load %arg1[%get3A_71] : memref<4096xi32, #tpu.memory_space<smem>>
        %dma_start3A = arith.constant 0 : i32
        %dma_start3A_73 = arith.constant 0 : i32
        %dma_start3A_74 = tpu.memref_slice %arg23[%dma_start3A_73] : memref<2x!tpu.dma_semaphore, #tpu.memory_space<semaphore_mem>> -> memref<1x!tpu.dma_semaphore, #tpu.memory_space<semaphore_mem>>
        %dma_start3A_75 = tpu.memref_squeeze %dma_start3A_74 : memref<1x!tpu.dma_semaphore, #tpu.memory_space<semaphore_mem>> -> memref<!tpu.dma_semaphore, #tpu.memory_space<semaphore_mem>>
        %dma_start3A_76 = arith.constant 0 : i32
        %dma_start3A_77 = arith.constant 0 : i32
        %dma_start3A_78 = tpu.memref_slice %arg22[%dma_start3A, %dma_start3A_76, %scan3A_67, %dma_start3A_77] : memref<2x50x256x128xf32, #tpu.memory_space<vmem>> -> memref<1x50x1x128xf32, #tpu.memory_space<vmem>>
        %dma_start3A_79 = tpu.memref_squeeze %dma_start3A_78 : memref<1x50x1x128xf32, #tpu.memory_space<vmem>> -> memref<50x128xf32, #tpu.memory_space<vmem>>
        %dma_start3A_80 = arith.constant 0 : i32
        %dma_start3A_81 = arith.constant 0 : i32
        %dma_start3A_82 = tpu.memref_slice %arg3[%get3A_72, %dma_start3A_80, %dma_start3A_81] : memref<4096x50x128xf32, #tpu.memory_space<hbm>> -> memref<1x50x128xf32, #tpu.memory_space<hbm>>
        %dma_start3A_83 = tpu.memref_squeeze %dma_start3A_82 : memref<1x50x128xf32, #tpu.memory_space<hbm>> -> memref<50x128xf32, #tpu.memory_space<hbm>>
        tpu.enqueue_dma source(%dma_start3A_83 : memref<50x128xf32, #tpu.memory_space<hbm>>) target(%dma_start3A_79 : memref<50x128xf32, #tpu.memory_space<vmem>>) target_semaphore(%dma_start3A_75 : memref<!tpu.dma_semaphore, #tpu.memory_space<semaphore_mem>>)
        %scan3A_84 = arith.constant 1 : i32
        %scan3A_85 = arith.addi %scan3A_67, %scan3A_84 : i32
        %add3A_86 = arith.constant 0 : i32
        %add3A_87 = arith.addi %add3A_86, %scan3A_85 : i32
        %sub3A_88 = arith.constant 1 : i32
        %sub3A_89 = arith.subi %get3A_3, %sub3A_88 : i32
        %min3A_90 = arith.minsi %add3A_87, %sub3A_89 : i32
        %get3A_91 = arith.index_cast %min3A_90 : i32 to index
        %get3A_92 = memref.load %arg1[%get3A_91] : memref<4096xi32, #tpu.memory_space<smem>>
        %dma_start3A_93 = arith.constant 0 : i32
        %dma_start3A_94 = arith.constant 0 : i32
        %dma_start3A_95 = tpu.memref_slice %arg23[%dma_start3A_94] : memref<2x!tpu.dma_semaphore, #tpu.memory_space<semaphore_mem>> -> memref<1x!tpu.dma_semaphore, #tpu.memory_space<semaphore_mem>>
        %dma_start3A_96 = tpu.memref_squeeze %dma_start3A_95 : memref<1x!tpu.dma_semaphore, #tpu.memory_space<semaphore_mem>> -> memref<!tpu.dma_semaphore, #tpu.memory_space<semaphore_mem>>
        %dma_start3A_97 = arith.constant 0 : i32
        %dma_start3A_98 = arith.constant 0 : i32
        %dma_start3A_99 = tpu.memref_slice %arg22[%dma_start3A_93, %dma_start3A_97, %scan3A_85, %dma_start3A_98] : memref<2x50x256x128xf32, #tpu.memory_space<vmem>> -> memref<1x50x1x128xf32, #tpu.memory_space<vmem>>
        %dma_start3A_100 = tpu.memref_squeeze %dma_start3A_99 : memref<1x50x1x128xf32, #tpu.memory_space<vmem>> -> memref<50x128xf32, #tpu.memory_space<vmem>>
        %dma_start3A_101 = arith.constant 0 : i32
        %dma_start3A_102 = arith.constant 0 : i32
        %dma_start3A_103 = tpu.memref_slice %arg3[%get3A_92, %dma_start3A_101, %dma_start3A_102] : memref<4096x50x128xf32, #tpu.memory_space<hbm>> -> memref<1x50x128xf32, #tpu.memory_space<hbm>>
        %dma_start3A_104 = tpu.memref_squeeze %dma_start3A_103 : memref<1x50x128xf32, #tpu.memory_space<hbm>> -> memref<50x128xf32, #tpu.memory_space<hbm>>
        tpu.enqueue_dma source(%dma_start3A_104 : memref<50x128xf32, #tpu.memory_space<hbm>>) target(%dma_start3A_100 : memref<50x128xf32, #tpu.memory_space<vmem>>) target_semaphore(%dma_start3A_96 : memref<!tpu.dma_semaphore, #tpu.memory_space<semaphore_mem>>)
        %scan3A_105 = arith.constant 2 : i32
        %scan3A_106 = arith.addi %scan3A_67, %scan3A_105 : i32
        %add3A_107 = arith.constant 0 : i32
        %add3A_108 = arith.addi %add3A_107, %scan3A_106 : i32
        %sub3A_109 = arith.constant 1 : i32
        %sub3A_110 = arith.subi %get3A_3, %sub3A_109 : i32
        %min3A_111 = arith.minsi %add3A_108, %sub3A_110 : i32
        %get3A_112 = arith.index_cast %min3A_111 : i32 to index
        %get3A_113 = memref.load %arg1[%get3A_112] : memref<4096xi32, #tpu.memory_space<smem>>
        %dma_start3A_114 = arith.constant 0 : i32
        %dma_start3A_115 = arith.constant 0 : i32
        %dma_start3A_116 = tpu.memref_slice %arg23[%dma_start3A_115] : memref<2x!tpu.dma_semaphore, #tpu.memory_space<semaphore_mem>> -> memref<1x!tpu.dma_semaphore, #tpu.memory_space<semaphore_mem>>
        %dma_start3A_117 = tpu.memref_squeeze %dma_start3A_116 : memref<1x!tpu.dma_semaphore, #tpu.memory_space<semaphore_mem>> -> memref<!tpu.dma_semaphore, #tpu.memory_space<semaphore_mem>>
        %dma_start3A_118 = arith.constant 0 : i32
        %dma_start3A_119 = arith.constant 0 : i32
        %dma_start3A_120 = tpu.memref_slice %arg22[%dma_start3A_114, %dma_start3A_118, %scan3A_106, %dma_start3A_119] : memref<2x50x256x128xf32, #tpu.memory_space<vmem>> -> memref<1x50x1x128xf32, #tpu.memory_space<vmem>>
        %dma_start3A_121 = tpu.memref_squeeze %dma_start3A_120 : memref<1x50x1x128xf32, #tpu.memory_space<vmem>> -> memref<50x128xf32, #tpu.memory_space<vmem>>
        %dma_start3A_122 = arith.constant 0 : i32
        %dma_start3A_123 = arith.constant 0 : i32
        %dma_start3A_124 = tpu.memref_slice %arg3[%get3A_113, %dma_start3A_122, %dma_start3A_123] : memref<4096x50x128xf32, #tpu.memory_space<hbm>> -> memref<1x50x128xf32, #tpu.memory_space<hbm>>
        %dma_start3A_125 = tpu.memref_squeeze %dma_start3A_124 : memref<1x50x128xf32, #tpu.memory_space<hbm>> -> memref<50x128xf32, #tpu.memory_space<hbm>>
        tpu.enqueue_dma source(%dma_start3A_125 : memref<50x128xf32, #tpu.memory_space<hbm>>) target(%dma_start3A_121 : memref<50x128xf32, #tpu.memory_space<vmem>>) target_semaphore(%dma_start3A_117 : memref<!tpu.dma_semaphore, #tpu.memory_space<semaphore_mem>>)
        %scan3A_126 = arith.constant 3 : i32
        %scan3A_127 = arith.addi %scan3A_67, %scan3A_126 : i32
        %add3A_128 = arith.constant 0 : i32
        %add3A_129 = arith.addi %add3A_128, %scan3A_127 : i32
        %sub3A_130 = arith.constant 1 : i32
        %sub3A_131 = arith.subi %get3A_3, %sub3A_130 : i32
        %min3A_132 = arith.minsi %add3A_129, %sub3A_131 : i32
        %get3A_133 = arith.index_cast %min3A_132 : i32 to index
        %get3A_134 = memref.load %arg1[%get3A_133] : memref<4096xi32, #tpu.memory_space<smem>>
        %dma_start3A_135 = arith.constant 0 : i32
        %dma_start3A_136 = arith.constant 0 : i32
        %dma_start3A_137 = tpu.memref_slice %arg23[%dma_start3A_136] : memref<2x!tpu.dma_semaphore, #tpu.memory_space<semaphore_mem>> -> memref<1x!tpu.dma_semaphore, #tpu.memory_space<semaphore_mem>>
        %dma_start3A_138 = tpu.memref_squeeze %dma_start3A_137 : memref<1x!tpu.dma_semaphore, #tpu.memory_space<semaphore_mem>> -> memref<!tpu.dma_semaphore, #tpu.memory_space<semaphore_mem>>
        %dma_start3A_139 = arith.constant 0 : i32
        %dma_start3A_140 = arith.constant 0 : i32
        %dma_start3A_141 = tpu.memref_slice %arg22[%dma_start3A_135, %dma_start3A_139, %scan3A_127, %dma_start3A_140] : memref<2x50x256x128xf32, #tpu.memory_space<vmem>> -> memref<1x50x1x128xf32, #tpu.memory_space<vmem>>
        %dma_start3A_142 = tpu.memref_squeeze %dma_start3A_141 : memref<1x50x1x128xf32, #tpu.memory_space<vmem>> -> memref<50x128xf32, #tpu.memory_space<vmem>>
        %dma_start3A_143 = arith.constant 0 : i32
        %dma_start3A_144 = arith.constant 0 : i32
        %dma_start3A_145 = tpu.memref_slice %arg3[%get3A_134, %dma_start3A_143, %dma_start3A_144] : memref<4096x50x128xf32, #tpu.memory_space<hbm>> -> memref<1x50x128xf32, #tpu.memory_space<hbm>>
        %dma_start3A_146 = tpu.memref_squeeze %dma_start3A_145 : memref<1x50x128xf32, #tpu.memory_space<hbm>> -> memref<50x128xf32, #tpu.memory_space<hbm>>
        tpu.enqueue_dma source(%dma_start3A_146 : memref<50x128xf32, #tpu.memory_space<hbm>>) target(%dma_start3A_142 : memref<50x128xf32, #tpu.memory_space<vmem>>) target_semaphore(%dma_start3A_138 : memref<!tpu.dma_semaphore, #tpu.memory_space<semaphore_mem>>)
        %scan3A_147 = arith.constant 4 : i32
        %scan3A_148 = arith.addi %scan3A_67, %scan3A_147 : i32
        %add3A_149 = arith.constant 0 : i32
        %add3A_150 = arith.addi %add3A_149, %scan3A_148 : i32
        %sub3A_151 = arith.constant 1 : i32
        %sub3A_152 = arith.subi %get3A_3, %sub3A_151 : i32
        %min3A_153 = arith.minsi %add3A_150, %sub3A_152 : i32
        %get3A_154 = arith.index_cast %min3A_153 : i32 to index
        %get3A_155 = memref.load %arg1[%get3A_154] : memref<4096xi32, #tpu.memory_space<smem>>
        %dma_start3A_156 = arith.constant 0 : i32
        %dma_start3A_157 = arith.constant 0 : i32
        %dma_start3A_158 = tpu.memref_slice %arg23[%dma_start3A_157] : memref<2x!tpu.dma_semaphore, #tpu.memory_space<semaphore_mem>> -> memref<1x!tpu.dma_semaphore, #tpu.memory_space<semaphore_mem>>
        %dma_start3A_159 = tpu.memref_squeeze %dma_start3A_158 : memref<1x!tpu.dma_semaphore, #tpu.memory_space<semaphore_mem>> -> memref<!tpu.dma_semaphore, #tpu.memory_space<semaphore_mem>>
        %dma_start3A_160 = arith.constant 0 : i32
        %dma_start3A_161 = arith.constant 0 : i32
        %dma_start3A_162 = tpu.memref_slice %arg22[%dma_start3A_156, %dma_start3A_160, %scan3A_148, %dma_start3A_161] : memref<2x50x256x128xf32, #tpu.memory_space<vmem>> -> memref<1x50x1x128xf32, #tpu.memory_space<vmem>>
        %dma_start3A_163 = tpu.memref_squeeze %dma_start3A_162 : memref<1x50x1x128xf32, #tpu.memory_space<vmem>> -> memref<50x128xf32, #tpu.memory_space<vmem>>
        %dma_start3A_164 = arith.constant 0 : i32
        %dma_start3A_165 = arith.constant 0 : i32
        %dma_start3A_166 = tpu.memref_slice %arg3[%get3A_155, %dma_start3A_164, %dma_start3A_165] : memref<4096x50x128xf32, #tpu.memory_space<hbm>> -> memref<1x50x128xf32, #tpu.memory_space<hbm>>
        %dma_start3A_167 = tpu.memref_squeeze %dma_start3A_166 : memref<1x50x128xf32, #tpu.memory_space<hbm>> -> memref<50x128xf32, #tpu.memory_space<hbm>>
        tpu.enqueue_dma source(%dma_start3A_167 : memref<50x128xf32, #tpu.memory_space<hbm>>) target(%dma_start3A_163 : memref<50x128xf32, #tpu.memory_space<vmem>>) target_semaphore(%dma_start3A_159 : memref<!tpu.dma_semaphore, #tpu.memory_space<semaphore_mem>>)
        %scan3A_168 = arith.constant 5 : i32
        %scan3A_169 = arith.addi %scan3A_67, %scan3A_168 : i32
        %add3A_170 = arith.constant 0 : i32
        %add3A_171 = arith.addi %add3A_170, %scan3A_169 : i32
        %sub3A_172 = arith.constant 1 : i32
        %sub3A_173 = arith.subi %get3A_3, %sub3A_172 : i32
        %min3A_174 = arith.minsi %add3A_171, %sub3A_173 : i32
        %get3A_175 = arith.index_cast %min3A_174 : i32 to index
        %get3A_176 = memref.load %arg1[%get3A_175] : memref<4096xi32, #tpu.memory_space<smem>>
        %dma_start3A_177 = arith.constant 0 : i32
        %dma_start3A_178 = arith.constant 0 : i32
        %dma_start3A_179 = tpu.memref_slice %arg23[%dma_start3A_178] : memref<2x!tpu.dma_semaphore, #tpu.memory_space<semaphore_mem>> -> memref<1x!tpu.dma_semaphore, #tpu.memory_space<semaphore_mem>>
        %dma_start3A_180 = tpu.memref_squeeze %dma_start3A_179 : memref<1x!tpu.dma_semaphore, #tpu.memory_space<semaphore_mem>> -> memref<!tpu.dma_semaphore, #tpu.memory_space<semaphore_mem>>
        %dma_start3A_181 = arith.constant 0 : i32
        %dma_start3A_182 = arith.constant 0 : i32
        %dma_start3A_183 = tpu.memref_slice %arg22[%dma_start3A_177, %dma_start3A_181, %scan3A_169, %dma_start3A_182] : memref<2x50x256x128xf32, #tpu.memory_space<vmem>> -> memref<1x50x1x128xf32, #tpu.memory_space<vmem>>
        %dma_start3A_184 = tpu.memref_squeeze %dma_start3A_183 : memref<1x50x1x128xf32, #tpu.memory_space<vmem>> -> memref<50x128xf32, #tpu.memory_space<vmem>>
        %dma_start3A_185 = arith.constant 0 : i32
        %dma_start3A_186 = arith.constant 0 : i32
        %dma_start3A_187 = tpu.memref_slice %arg3[%get3A_176, %dma_start3A_185, %dma_start3A_186] : memref<4096x50x128xf32, #tpu.memory_space<hbm>> -> memref<1x50x128xf32, #tpu.memory_space<hbm>>
        %dma_start3A_188 = tpu.memref_squeeze %dma_start3A_187 : memref<1x50x128xf32, #tpu.memory_space<hbm>> -> memref<50x128xf32, #tpu.memory_space<hbm>>
        tpu.enqueue_dma source(%dma_start3A_188 : memref<50x128xf32, #tpu.memory_space<hbm>>) target(%dma_start3A_184 : memref<50x128xf32, #tpu.memory_space<vmem>>) target_semaphore(%dma_start3A_180 : memref<!tpu.dma_semaphore, #tpu.memory_space<semaphore_mem>>)
        %scan3A_189 = arith.constant 6 : i32
        %scan3A_190 = arith.addi %scan3A_67, %scan3A_189 : i32
        %add3A_191 = arith.constant 0 : i32
        %add3A_192 = arith.addi %add3A_191, %scan3A_190 : i32
        %sub3A_193 = arith.constant 1 : i32
        %sub3A_194 = arith.subi %get3A_3, %sub3A_193 : i32
        %min3A_195 = arith.minsi %add3A_192, %sub3A_194 : i32
        %get3A_196 = arith.index_cast %min3A_195 : i32 to index
        %get3A_197 = memref.load %arg1[%get3A_196] : memref<4096xi32, #tpu.memory_space<smem>>
        %dma_start3A_198 = arith.constant 0 : i32
        %dma_start3A_199 = arith.constant 0 : i32
        %dma_start3A_200 = tpu.memref_slice %arg23[%dma_start3A_199] : memref<2x!tpu.dma_semaphore, #tpu.memory_space<semaphore_mem>> -> memref<1x!tpu.dma_semaphore, #tpu.memory_space<semaphore_mem>>
        %dma_start3A_201 = tpu.memref_squeeze %dma_start3A_200 : memref<1x!tpu.dma_semaphore, #tpu.memory_space<semaphore_mem>> -> memref<!tpu.dma_semaphore, #tpu.memory_space<semaphore_mem>>
        %dma_start3A_202 = arith.constant 0 : i32
        %dma_start3A_203 = arith.constant 0 : i32
        %dma_start3A_204 = tpu.memref_slice %arg22[%dma_start3A_198, %dma_start3A_202, %scan3A_190, %dma_start3A_203] : memref<2x50x256x128xf32, #tpu.memory_space<vmem>> -> memref<1x50x1x128xf32, #tpu.memory_space<vmem>>
        %dma_start3A_205 = tpu.memref_squeeze %dma_start3A_204 : memref<1x50x1x128xf32, #tpu.memory_space<vmem>> -> memref<50x128xf32, #tpu.memory_space<vmem>>
        %dma_start3A_206 = arith.constant 0 : i32
        %dma_start3A_207 = arith.constant 0 : i32
        %dma_start3A_208 = tpu.memref_slice %arg3[%get3A_197, %dma_start3A_206, %dma_start3A_207] : memref<4096x50x128xf32, #tpu.memory_space<hbm>> -> memref<1x50x128xf32, #tpu.memory_space<hbm>>
        %dma_start3A_209 = tpu.memref_squeeze %dma_start3A_208 : memref<1x50x128xf32, #tpu.memory_space<hbm>> -> memref<50x128xf32, #tpu.memory_space<hbm>>
        tpu.enqueue_dma source(%dma_start3A_209 : memref<50x128xf32, #tpu.memory_space<hbm>>) target(%dma_start3A_205 : memref<50x128xf32, #tpu.memory_space<vmem>>) target_semaphore(%dma_start3A_201 : memref<!tpu.dma_semaphore, #tpu.memory_space<semaphore_mem>>)
        %scan3A_210 = arith.constant 7 : i32
        %scan3A_211 = arith.addi %scan3A_67, %scan3A_210 : i32
        %add3A_212 = arith.constant 0 : i32
        %add3A_213 = arith.addi %add3A_212, %scan3A_211 : i32
        %sub3A_214 = arith.constant 1 : i32
        %sub3A_215 = arith.subi %get3A_3, %sub3A_214 : i32
        %min3A_216 = arith.minsi %add3A_213, %sub3A_215 : i32
        %get3A_217 = arith.index_cast %min3A_216 : i32 to index
        %get3A_218 = memref.load %arg1[%get3A_217] : memref<4096xi32, #tpu.memory_space<smem>>
        %dma_start3A_219 = arith.constant 0 : i32
        %dma_start3A_220 = arith.constant 0 : i32
        %dma_start3A_221 = tpu.memref_slice %arg23[%dma_start3A_220] : memref<2x!tpu.dma_semaphore, #tpu.memory_space<semaphore_mem>> -> memref<1x!tpu.dma_semaphore, #tpu.memory_space<semaphore_mem>>
        %dma_start3A_222 = tpu.memref_squeeze %dma_start3A_221 : memref<1x!tpu.dma_semaphore, #tpu.memory_space<semaphore_mem>> -> memref<!tpu.dma_semaphore, #tpu.memory_space<semaphore_mem>>
        %dma_start3A_223 = arith.constant 0 : i32
        %dma_start3A_224 = arith.constant 0 : i32
        %dma_start3A_225 = tpu.memref_slice %arg22[%dma_start3A_219, %dma_start3A_223, %scan3A_211, %dma_start3A_224] : memref<2x50x256x128xf32, #tpu.memory_space<vmem>> -> memref<1x50x1x128xf32, #tpu.memory_space<vmem>>
        %dma_start3A_226 = tpu.memref_squeeze %dma_start3A_225 : memref<1x50x1x128xf32, #tpu.memory_space<vmem>> -> memref<50x128xf32, #tpu.memory_space<vmem>>
        %dma_start3A_227 = arith.constant 0 : i32
        %dma_start3A_228 = arith.constant 0 : i32
        %dma_start3A_229 = tpu.memref_slice %arg3[%get3A_218, %dma_start3A_227, %dma_start3A_228] : memref<4096x50x128xf32, #tpu.memory_space<hbm>> -> memref<1x50x128xf32, #tpu.memory_space<hbm>>
        %dma_start3A_230 = tpu.memref_squeeze %dma_start3A_229 : memref<1x50x128xf32, #tpu.memory_space<hbm>> -> memref<50x128xf32, #tpu.memory_space<hbm>>
        tpu.enqueue_dma source(%dma_start3A_230 : memref<50x128xf32, #tpu.memory_space<hbm>>) target(%dma_start3A_226 : memref<50x128xf32, #tpu.memory_space<vmem>>) target_semaphore(%dma_start3A_222 : memref<!tpu.dma_semaphore, #tpu.memory_space<semaphore_mem>>)
      }
      %scan3A_66 = arith.constant 256 : i32
    } else {
    }
    %add3A = arith.constant 1 : i32
    %add3A_8 = arith.addi %arg0, %add3A : i32
    %lt3A = arith.constant 16 : i32
    %lt3A_9 = arith.cmpi slt, %add3A_8, %lt3A : i32
    %add3A_10 = arith.constant 1 : i32
    %add3A_11 = arith.addi %arg0, %add3A_10 : i32
    %mul3A_12 = arith.constant 256 : i32
    %mul3A_13 = arith.muli %add3A_11, %mul3A_12 : i32
    %lt3A_14 = arith.cmpi slt, %mul3A_13, %get3A_3 : i32
    %and3A_15 = arith.andi %lt3A_9, %lt3A_14 : i1
    %convert_element_type3A_16 = arith.extui %and3A_15 : i1 to i32
    %cond3A_17 = arith.constant 0 : i32
    %cond3A_18 = arith.cmpi ne, %convert_element_type3A_16, %cond3A_17 : i32
    scf.if %cond3A_18 {
      %add3A_63 = arith.constant 1 : i32
      %add3A_64 = arith.addi %arg0, %add3A_63 : i32
      %sub3A = arith.constant 1 : i32
      %sub3A_65 = arith.subi %sub3A, %rem3A_4 : i32
      %mul3A_66 = arith.constant 256 : i32
      %mul3A_67 = arith.muli %add3A_64, %mul3A_66 : i32
      %scan3A = arith.constant 0 : i32
      %scan3A_68 = arith.constant 256 : i32
      %scan3A_69 = arith.addi %scan3A, %scan3A_68 : i32
      %scan3A_70 = arith.constant 8 : i32
      scf.for %scan3A_72 = %scan3A to %scan3A_69 step %scan3A_70  : i32 {
        %add3A_73 = arith.addi %mul3A_67, %scan3A_72 : i32
        %sub3A_74 = arith.constant 1 : i32
        %sub3A_75 = arith.subi %get3A_3, %sub3A_74 : i32
        %min3A = arith.minsi %add3A_73, %sub3A_75 : i32
        %get3A_76 = arith.index_cast %min3A : i32 to index
        %get3A_77 = memref.load %arg1[%get3A_76] : memref<4096xi32, #tpu.memory_space<smem>>
        %dma_start3A = tpu.memref_slice %arg23[%sub3A_65] : memref<2x!tpu.dma_semaphore, #tpu.memory_space<semaphore_mem>> -> memref<1x!tpu.dma_semaphore, #tpu.memory_space<semaphore_mem>>
        %dma_start3A_78 = tpu.memref_squeeze %dma_start3A : memref<1x!tpu.dma_semaphore, #tpu.memory_space<semaphore_mem>> -> memref<!tpu.dma_semaphore, #tpu.memory_space<semaphore_mem>>
        %dma_start3A_79 = arith.constant 0 : i32
        %dma_start3A_80 = arith.constant 0 : i32
        %dma_start3A_81 = tpu.memref_slice %arg22[%sub3A_65, %dma_start3A_79, %scan3A_72, %dma_start3A_80] : memref<2x50x256x128xf32, #tpu.memory_space<vmem>> -> memref<1x50x1x128xf32, #tpu.memory_space<vmem>>
        %dma_start3A_82 = tpu.memref_squeeze %dma_start3A_81 : memref<1x50x1x128xf32, #tpu.memory_space<vmem>> -> memref<50x128xf32, #tpu.memory_space<vmem>>
        %dma_start3A_83 = arith.constant 0 : i32
        %dma_start3A_84 = arith.constant 0 : i32
        %dma_start3A_85 = tpu.memref_slice %arg3[%get3A_77, %dma_start3A_83, %dma_start3A_84] : memref<4096x50x128xf32, #tpu.memory_space<hbm>> -> memref<1x50x128xf32, #tpu.memory_space<hbm>>
        %dma_start3A_86 = tpu.memref_squeeze %dma_start3A_85 : memref<1x50x128xf32, #tpu.memory_space<hbm>> -> memref<50x128xf32, #tpu.memory_space<hbm>>
        tpu.enqueue_dma source(%dma_start3A_86 : memref<50x128xf32, #tpu.memory_space<hbm>>) target(%dma_start3A_82 : memref<50x128xf32, #tpu.memory_space<vmem>>) target_semaphore(%dma_start3A_78 : memref<!tpu.dma_semaphore, #tpu.memory_space<semaphore_mem>>)
        %scan3A_87 = arith.constant 1 : i32
        %scan3A_88 = arith.addi %scan3A_72, %scan3A_87 : i32
        %add3A_89 = arith.addi %mul3A_67, %scan3A_88 : i32
        %sub3A_90 = arith.constant 1 : i32
        %sub3A_91 = arith.subi %get3A_3, %sub3A_90 : i32
        %min3A_92 = arith.minsi %add3A_89, %sub3A_91 : i32
        %get3A_93 = arith.index_cast %min3A_92 : i32 to index
        %get3A_94 = memref.load %arg1[%get3A_93] : memref<4096xi32, #tpu.memory_space<smem>>
        %dma_start3A_95 = tpu.memref_slice %arg23[%sub3A_65] : memref<2x!tpu.dma_semaphore, #tpu.memory_space<semaphore_mem>> -> memref<1x!tpu.dma_semaphore, #tpu.memory_space<semaphore_mem>>
        %dma_start3A_96 = tpu.memref_squeeze %dma_start3A_95 : memref<1x!tpu.dma_semaphore, #tpu.memory_space<semaphore_mem>> -> memref<!tpu.dma_semaphore, #tpu.memory_space<semaphore_mem>>
        %dma_start3A_97 = arith.constant 0 : i32
        %dma_start3A_98 = arith.constant 0 : i32
        %dma_start3A_99 = tpu.memref_slice %arg22[%sub3A_65, %dma_start3A_97, %scan3A_88, %dma_start3A_98] : memref<2x50x256x128xf32, #tpu.memory_space<vmem>> -> memref<1x50x1x128xf32, #tpu.memory_space<vmem>>
        %dma_start3A_100 = tpu.memref_squeeze %dma_start3A_99 : memref<1x50x1x128xf32, #tpu.memory_space<vmem>> -> memref<50x128xf32, #tpu.memory_space<vmem>>
        %dma_start3A_101 = arith.constant 0 : i32
        %dma_start3A_102 = arith.constant 0 : i32
        %dma_start3A_103 = tpu.memref_slice %arg3[%get3A_94, %dma_start3A_101, %dma_start3A_102] : memref<4096x50x128xf32, #tpu.memory_space<hbm>> -> memref<1x50x128xf32, #tpu.memory_space<hbm>>
        %dma_start3A_104 = tpu.memref_squeeze %dma_start3A_103 : memref<1x50x128xf32, #tpu.memory_space<hbm>> -> memref<50x128xf32, #tpu.memory_space<hbm>>
        tpu.enqueue_dma source(%dma_start3A_104 : memref<50x128xf32, #tpu.memory_space<hbm>>) target(%dma_start3A_100 : memref<50x128xf32, #tpu.memory_space<vmem>>) target_semaphore(%dma_start3A_96 : memref<!tpu.dma_semaphore, #tpu.memory_space<semaphore_mem>>)
        %scan3A_105 = arith.constant 2 : i32
        %scan3A_106 = arith.addi %scan3A_72, %scan3A_105 : i32
        %add3A_107 = arith.addi %mul3A_67, %scan3A_106 : i32
        %sub3A_108 = arith.constant 1 : i32
        %sub3A_109 = arith.subi %get3A_3, %sub3A_108 : i32
        %min3A_110 = arith.minsi %add3A_107, %sub3A_109 : i32
        %get3A_111 = arith.index_cast %min3A_110 : i32 to index
        %get3A_112 = memref.load %arg1[%get3A_111] : memref<4096xi32, #tpu.memory_space<smem>>
        %dma_start3A_113 = tpu.memref_slice %arg23[%sub3A_65] : memref<2x!tpu.dma_semaphore, #tpu.memory_space<semaphore_mem>> -> memref<1x!tpu.dma_semaphore, #tpu.memory_space<semaphore_mem>>
        %dma_start3A_114 = tpu.memref_squeeze %dma_start3A_113 : memref<1x!tpu.dma_semaphore, #tpu.memory_space<semaphore_mem>> -> memref<!tpu.dma_semaphore, #tpu.memory_space<semaphore_mem>>
        %dma_start3A_115 = arith.constant 0 : i32
        %dma_start3A_116 = arith.constant 0 : i32
        %dma_start3A_117 = tpu.memref_slice %arg22[%sub3A_65, %dma_start3A_115, %scan3A_106, %dma_start3A_116] : memref<2x50x256x128xf32, #tpu.memory_space<vmem>> -> memref<1x50x1x128xf32, #tpu.memory_space<vmem>>
        %dma_start3A_118 = tpu.memref_squeeze %dma_start3A_117 : memref<1x50x1x128xf32, #tpu.memory_space<vmem>> -> memref<50x128xf32, #tpu.memory_space<vmem>>
        %dma_start3A_119 = arith.constant 0 : i32
        %dma_start3A_120 = arith.constant 0 : i32
        %dma_start3A_121 = tpu.memref_slice %arg3[%get3A_112, %dma_start3A_119, %dma_start3A_120] : memref<4096x50x128xf32, #tpu.memory_space<hbm>> -> memref<1x50x128xf32, #tpu.memory_space<hbm>>
        %dma_start3A_122 = tpu.memref_squeeze %dma_start3A_121 : memref<1x50x128xf32, #tpu.memory_space<hbm>> -> memref<50x128xf32, #tpu.memory_space<hbm>>
        tpu.enqueue_dma source(%dma_start3A_122 : memref<50x128xf32, #tpu.memory_space<hbm>>) target(%dma_start3A_118 : memref<50x128xf32, #tpu.memory_space<vmem>>) target_semaphore(%dma_start3A_114 : memref<!tpu.dma_semaphore, #tpu.memory_space<semaphore_mem>>)
        %scan3A_123 = arith.constant 3 : i32
        %scan3A_124 = arith.addi %scan3A_72, %scan3A_123 : i32
        %add3A_125 = arith.addi %mul3A_67, %scan3A_124 : i32
        %sub3A_126 = arith.constant 1 : i32
        %sub3A_127 = arith.subi %get3A_3, %sub3A_126 : i32
        %min3A_128 = arith.minsi %add3A_125, %sub3A_127 : i32
        %get3A_129 = arith.index_cast %min3A_128 : i32 to index
        %get3A_130 = memref.load %arg1[%get3A_129] : memref<4096xi32, #tpu.memory_space<smem>>
        %dma_start3A_131 = tpu.memref_slice %arg23[%sub3A_65] : memref<2x!tpu.dma_semaphore, #tpu.memory_space<semaphore_mem>> -> memref<1x!tpu.dma_semaphore, #tpu.memory_space<semaphore_mem>>
        %dma_start3A_132 = tpu.memref_squeeze %dma_start3A_131 : memref<1x!tpu.dma_semaphore, #tpu.memory_space<semaphore_mem>> -> memref<!tpu.dma_semaphore, #tpu.memory_space<semaphore_mem>>
        %dma_start3A_133 = arith.constant 0 : i32
        %dma_start3A_134 = arith.constant 0 : i32
        %dma_start3A_135 = tpu.memref_slice %arg22[%sub3A_65, %dma_start3A_133, %scan3A_124, %dma_start3A_134] : memref<2x50x256x128xf32, #tpu.memory_space<vmem>> -> memref<1x50x1x128xf32, #tpu.memory_space<vmem>>
        %dma_start3A_136 = tpu.memref_squeeze %dma_start3A_135 : memref<1x50x1x128xf32, #tpu.memory_space<vmem>> -> memref<50x128xf32, #tpu.memory_space<vmem>>
        %dma_start3A_137 = arith.constant 0 : i32
        %dma_start3A_138 = arith.constant 0 : i32
        %dma_start3A_139 = tpu.memref_slice %arg3[%get3A_130, %dma_start3A_137, %dma_start3A_138] : memref<4096x50x128xf32, #tpu.memory_space<hbm>> -> memref<1x50x128xf32, #tpu.memory_space<hbm>>
        %dma_start3A_140 = tpu.memref_squeeze %dma_start3A_139 : memref<1x50x128xf32, #tpu.memory_space<hbm>> -> memref<50x128xf32, #tpu.memory_space<hbm>>
        tpu.enqueue_dma source(%dma_start3A_140 : memref<50x128xf32, #tpu.memory_space<hbm>>) target(%dma_start3A_136 : memref<50x128xf32, #tpu.memory_space<vmem>>) target_semaphore(%dma_start3A_132 : memref<!tpu.dma_semaphore, #tpu.memory_space<semaphore_mem>>)
        %scan3A_141 = arith.constant 4 : i32
        %scan3A_142 = arith.addi %scan3A_72, %scan3A_141 : i32
        %add3A_143 = arith.addi %mul3A_67, %scan3A_142 : i32
        %sub3A_144 = arith.constant 1 : i32
        %sub3A_145 = arith.subi %get3A_3, %sub3A_144 : i32
        %min3A_146 = arith.minsi %add3A_143, %sub3A_145 : i32
        %get3A_147 = arith.index_cast %min3A_146 : i32 to index
        %get3A_148 = memref.load %arg1[%get3A_147] : memref<4096xi32, #tpu.memory_space<smem>>
        %dma_start3A_149 = tpu.memref_slice %arg23[%sub3A_65] : memref<2x!tpu.dma_semaphore, #tpu.memory_space<semaphore_mem>> -> memref<1x!tpu.dma_semaphore, #tpu.memory_space<semaphore_mem>>
        %dma_start3A_150 = tpu.memref_squeeze %dma_start3A_149 : memref<1x!tpu.dma_semaphore, #tpu.memory_space<semaphore_mem>> -> memref<!tpu.dma_semaphore, #tpu.memory_space<semaphore_mem>>
        %dma_start3A_151 = arith.constant 0 : i32
        %dma_start3A_152 = arith.constant 0 : i32
        %dma_start3A_153 = tpu.memref_slice %arg22[%sub3A_65, %dma_start3A_151, %scan3A_142, %dma_start3A_152] : memref<2x50x256x128xf32, #tpu.memory_space<vmem>> -> memref<1x50x1x128xf32, #tpu.memory_space<vmem>>
        %dma_start3A_154 = tpu.memref_squeeze %dma_start3A_153 : memref<1x50x1x128xf32, #tpu.memory_space<vmem>> -> memref<50x128xf32, #tpu.memory_space<vmem>>
        %dma_start3A_155 = arith.constant 0 : i32
        %dma_start3A_156 = arith.constant 0 : i32
        %dma_start3A_157 = tpu.memref_slice %arg3[%get3A_148, %dma_start3A_155, %dma_start3A_156] : memref<4096x50x128xf32, #tpu.memory_space<hbm>> -> memref<1x50x128xf32, #tpu.memory_space<hbm>>
        %dma_start3A_158 = tpu.memref_squeeze %dma_start3A_157 : memref<1x50x128xf32, #tpu.memory_space<hbm>> -> memref<50x128xf32, #tpu.memory_space<hbm>>
        tpu.enqueue_dma source(%dma_start3A_158 : memref<50x128xf32, #tpu.memory_space<hbm>>) target(%dma_start3A_154 : memref<50x128xf32, #tpu.memory_space<vmem>>) target_semaphore(%dma_start3A_150 : memref<!tpu.dma_semaphore, #tpu.memory_space<semaphore_mem>>)
        %scan3A_159 = arith.constant 5 : i32
        %scan3A_160 = arith.addi %scan3A_72, %scan3A_159 : i32
        %add3A_161 = arith.addi %mul3A_67, %scan3A_160 : i32
        %sub3A_162 = arith.constant 1 : i32
        %sub3A_163 = arith.subi %get3A_3, %sub3A_162 : i32
        %min3A_164 = arith.minsi %add3A_161, %sub3A_163 : i32
        %get3A_165 = arith.index_cast %min3A_164 : i32 to index
        %get3A_166 = memref.load %arg1[%get3A_165] : memref<4096xi32, #tpu.memory_space<smem>>
        %dma_start3A_167 = tpu.memref_slice %arg23[%sub3A_65] : memref<2x!tpu.dma_semaphore, #tpu.memory_space<semaphore_mem>> -> memref<1x!tpu.dma_semaphore, #tpu.memory_space<semaphore_mem>>
        %dma_start3A_168 = tpu.memref_squeeze %dma_start3A_167 : memref<1x!tpu.dma_semaphore, #tpu.memory_space<semaphore_mem>> -> memref<!tpu.dma_semaphore, #tpu.memory_space<semaphore_mem>>
        %dma_start3A_169 = arith.constant 0 : i32
        %dma_start3A_170 = arith.constant 0 : i32
        %dma_start3A_171 = tpu.memref_slice %arg22[%sub3A_65, %dma_start3A_169, %scan3A_160, %dma_start3A_170] : memref<2x50x256x128xf32, #tpu.memory_space<vmem>> -> memref<1x50x1x128xf32, #tpu.memory_space<vmem>>
        %dma_start3A_172 = tpu.memref_squeeze %dma_start3A_171 : memref<1x50x1x128xf32, #tpu.memory_space<vmem>> -> memref<50x128xf32, #tpu.memory_space<vmem>>
        %dma_start3A_173 = arith.constant 0 : i32
        %dma_start3A_174 = arith.constant 0 : i32
        %dma_start3A_175 = tpu.memref_slice %arg3[%get3A_166, %dma_start3A_173, %dma_start3A_174] : memref<4096x50x128xf32, #tpu.memory_space<hbm>> -> memref<1x50x128xf32, #tpu.memory_space<hbm>>
        %dma_start3A_176 = tpu.memref_squeeze %dma_start3A_175 : memref<1x50x128xf32, #tpu.memory_space<hbm>> -> memref<50x128xf32, #tpu.memory_space<hbm>>
        tpu.enqueue_dma source(%dma_start3A_176 : memref<50x128xf32, #tpu.memory_space<hbm>>) target(%dma_start3A_172 : memref<50x128xf32, #tpu.memory_space<vmem>>) target_semaphore(%dma_start3A_168 : memref<!tpu.dma_semaphore, #tpu.memory_space<semaphore_mem>>)
        %scan3A_177 = arith.constant 6 : i32
        %scan3A_178 = arith.addi %scan3A_72, %scan3A_177 : i32
        %add3A_179 = arith.addi %mul3A_67, %scan3A_178 : i32
        %sub3A_180 = arith.constant 1 : i32
        %sub3A_181 = arith.subi %get3A_3, %sub3A_180 : i32
        %min3A_182 = arith.minsi %add3A_179, %sub3A_181 : i32
        %get3A_183 = arith.index_cast %min3A_182 : i32 to index
        %get3A_184 = memref.load %arg1[%get3A_183] : memref<4096xi32, #tpu.memory_space<smem>>
        %dma_start3A_185 = tpu.memref_slice %arg23[%sub3A_65] : memref<2x!tpu.dma_semaphore, #tpu.memory_space<semaphore_mem>> -> memref<1x!tpu.dma_semaphore, #tpu.memory_space<semaphore_mem>>
        %dma_start3A_186 = tpu.memref_squeeze %dma_start3A_185 : memref<1x!tpu.dma_semaphore, #tpu.memory_space<semaphore_mem>> -> memref<!tpu.dma_semaphore, #tpu.memory_space<semaphore_mem>>
        %dma_start3A_187 = arith.constant 0 : i32
        %dma_start3A_188 = arith.constant 0 : i32
        %dma_start3A_189 = tpu.memref_slice %arg22[%sub3A_65, %dma_start3A_187, %scan3A_178, %dma_start3A_188] : memref<2x50x256x128xf32, #tpu.memory_space<vmem>> -> memref<1x50x1x128xf32, #tpu.memory_space<vmem>>
        %dma_start3A_190 = tpu.memref_squeeze %dma_start3A_189 : memref<1x50x1x128xf32, #tpu.memory_space<vmem>> -> memref<50x128xf32, #tpu.memory_space<vmem>>
        %dma_start3A_191 = arith.constant 0 : i32
        %dma_start3A_192 = arith.constant 0 : i32
        %dma_start3A_193 = tpu.memref_slice %arg3[%get3A_184, %dma_start3A_191, %dma_start3A_192] : memref<4096x50x128xf32, #tpu.memory_space<hbm>> -> memref<1x50x128xf32, #tpu.memory_space<hbm>>
        %dma_start3A_194 = tpu.memref_squeeze %dma_start3A_193 : memref<1x50x128xf32, #tpu.memory_space<hbm>> -> memref<50x128xf32, #tpu.memory_space<hbm>>
        tpu.enqueue_dma source(%dma_start3A_194 : memref<50x128xf32, #tpu.memory_space<hbm>>) target(%dma_start3A_190 : memref<50x128xf32, #tpu.memory_space<vmem>>) target_semaphore(%dma_start3A_186 : memref<!tpu.dma_semaphore, #tpu.memory_space<semaphore_mem>>)
        %scan3A_195 = arith.constant 7 : i32
        %scan3A_196 = arith.addi %scan3A_72, %scan3A_195 : i32
        %add3A_197 = arith.addi %mul3A_67, %scan3A_196 : i32
        %sub3A_198 = arith.constant 1 : i32
        %sub3A_199 = arith.subi %get3A_3, %sub3A_198 : i32
        %min3A_200 = arith.minsi %add3A_197, %sub3A_199 : i32
        %get3A_201 = arith.index_cast %min3A_200 : i32 to index
        %get3A_202 = memref.load %arg1[%get3A_201] : memref<4096xi32, #tpu.memory_space<smem>>
        %dma_start3A_203 = tpu.memref_slice %arg23[%sub3A_65] : memref<2x!tpu.dma_semaphore, #tpu.memory_space<semaphore_mem>> -> memref<1x!tpu.dma_semaphore, #tpu.memory_space<semaphore_mem>>
        %dma_start3A_204 = tpu.memref_squeeze %dma_start3A_203 : memref<1x!tpu.dma_semaphore, #tpu.memory_space<semaphore_mem>> -> memref<!tpu.dma_semaphore, #tpu.memory_space<semaphore_mem>>
        %dma_start3A_205 = arith.constant 0 : i32
        %dma_start3A_206 = arith.constant 0 : i32
        %dma_start3A_207 = tpu.memref_slice %arg22[%sub3A_65, %dma_start3A_205, %scan3A_196, %dma_start3A_206] : memref<2x50x256x128xf32, #tpu.memory_space<vmem>> -> memref<1x50x1x128xf32, #tpu.memory_space<vmem>>
        %dma_start3A_208 = tpu.memref_squeeze %dma_start3A_207 : memref<1x50x1x128xf32, #tpu.memory_space<vmem>> -> memref<50x128xf32, #tpu.memory_space<vmem>>
        %dma_start3A_209 = arith.constant 0 : i32
        %dma_start3A_210 = arith.constant 0 : i32
        %dma_start3A_211 = tpu.memref_slice %arg3[%get3A_202, %dma_start3A_209, %dma_start3A_210] : memref<4096x50x128xf32, #tpu.memory_space<hbm>> -> memref<1x50x128xf32, #tpu.memory_space<hbm>>
        %dma_start3A_212 = tpu.memref_squeeze %dma_start3A_211 : memref<1x50x128xf32, #tpu.memory_space<hbm>> -> memref<50x128xf32, #tpu.memory_space<hbm>>
        tpu.enqueue_dma source(%dma_start3A_212 : memref<50x128xf32, #tpu.memory_space<hbm>>) target(%dma_start3A_208 : memref<50x128xf32, #tpu.memory_space<vmem>>) target_semaphore(%dma_start3A_204 : memref<!tpu.dma_semaphore, #tpu.memory_space<semaphore_mem>>)
      }
      %scan3A_71 = arith.constant 256 : i32
    } else {
    }
    %lt3A_19 = arith.cmpi slt, %mul3A_0, %get3A_3 : i32
    %convert_element_type3A_20 = arith.extui %lt3A_19 : i1 to i32
    %cond3A_21 = arith.constant 0 : i32
    %cond3A_22 = arith.cmpi ne, %convert_element_type3A_20, %cond3A_21 : i32
    scf.if %cond3A_22 {
      %scan3A = arith.constant 0 : i32
      %scan3A_63 = arith.constant 256 : i32
      %scan3A_64 = arith.addi %scan3A, %scan3A_63 : i32
      %scan3A_65 = arith.constant 8 : i32
      scf.for %scan3A_66 = %scan3A to %scan3A_64 step %scan3A_65  : i32 {
        %dma_wait3A = arith.constant 0 : i32
        %dma_wait3A_67 = arith.constant 0 : i32
        %dma_wait3A_68 = tpu.memref_slice %arg23[%rem3A_4] : memref<2x!tpu.dma_semaphore, #tpu.memory_space<semaphore_mem>> -> memref<1x!tpu.dma_semaphore, #tpu.memory_space<semaphore_mem>>
        %dma_wait3A_69 = tpu.memref_squeeze %dma_wait3A_68 : memref<1x!tpu.dma_semaphore, #tpu.memory_space<semaphore_mem>> -> memref<!tpu.dma_semaphore, #tpu.memory_space<semaphore_mem>>
        %dma_wait3A_70 = arith.constant 0 : i32
        %dma_wait3A_71 = arith.constant 0 : i32
        %dma_wait3A_72 = tpu.memref_slice %arg22[%rem3A_4, %dma_wait3A_70, %dma_wait3A_67, %dma_wait3A_71] : memref<2x50x256x128xf32, #tpu.memory_space<vmem>> -> memref<1x50x1x128xf32, #tpu.memory_space<vmem>>
        %dma_wait3A_73 = tpu.memref_squeeze %dma_wait3A_72 : memref<1x50x1x128xf32, #tpu.memory_space<vmem>> -> memref<50x128xf32, #tpu.memory_space<vmem>>
        %dma_wait3A_74 = arith.constant 0 : i32
        %dma_wait3A_75 = arith.constant 0 : i32
        %dma_wait3A_76 = tpu.memref_slice %arg3[%dma_wait3A, %dma_wait3A_74, %dma_wait3A_75] : memref<4096x50x128xf32, #tpu.memory_space<hbm>> -> memref<1x50x128xf32, #tpu.memory_space<hbm>>
        %dma_wait3A_77 = tpu.memref_squeeze %dma_wait3A_76 : memref<1x50x128xf32, #tpu.memory_space<hbm>> -> memref<50x128xf32, #tpu.memory_space<hbm>>
        tpu.wait_dma2 semaphore(%dma_wait3A_69 : memref<!tpu.dma_semaphore, #tpu.memory_space<semaphore_mem>>) src(%dma_wait3A_77 : memref<50x128xf32, #tpu.memory_space<hbm>>) dst(%dma_wait3A_73 : memref<50x128xf32, #tpu.memory_space<vmem>>)
        %scan3A_78 = arith.constant 1 : i32
        %scan3A_79 = arith.addi %scan3A_66, %scan3A_78 : i32
        %dma_wait3A_80 = arith.constant 0 : i32
        %dma_wait3A_81 = arith.constant 0 : i32
        %dma_wait3A_82 = tpu.memref_slice %arg23[%rem3A_4] : memref<2x!tpu.dma_semaphore, #tpu.memory_space<semaphore_mem>> -> memref<1x!tpu.dma_semaphore, #tpu.memory_space<semaphore_mem>>
        %dma_wait3A_83 = tpu.memref_squeeze %dma_wait3A_82 : memref<1x!tpu.dma_semaphore, #tpu.memory_space<semaphore_mem>> -> memref<!tpu.dma_semaphore, #tpu.memory_space<semaphore_mem>>
        %dma_wait3A_84 = arith.constant 0 : i32
        %dma_wait3A_85 = arith.constant 0 : i32
        %dma_wait3A_86 = tpu.memref_slice %arg22[%rem3A_4, %dma_wait3A_84, %dma_wait3A_81, %dma_wait3A_85] : memref<2x50x256x128xf32, #tpu.memory_space<vmem>> -> memref<1x50x1x128xf32, #tpu.memory_space<vmem>>
        %dma_wait3A_87 = tpu.memref_squeeze %dma_wait3A_86 : memref<1x50x1x128xf32, #tpu.memory_space<vmem>> -> memref<50x128xf32, #tpu.memory_space<vmem>>
        %dma_wait3A_88 = arith.constant 0 : i32
        %dma_wait3A_89 = arith.constant 0 : i32
        %dma_wait3A_90 = tpu.memref_slice %arg3[%dma_wait3A_80, %dma_wait3A_88, %dma_wait3A_89] : memref<4096x50x128xf32, #tpu.memory_space<hbm>> -> memref<1x50x128xf32, #tpu.memory_space<hbm>>
        %dma_wait3A_91 = tpu.memref_squeeze %dma_wait3A_90 : memref<1x50x128xf32, #tpu.memory_space<hbm>> -> memref<50x128xf32, #tpu.memory_space<hbm>>
        tpu.wait_dma2 semaphore(%dma_wait3A_83 : memref<!tpu.dma_semaphore, #tpu.memory_space<semaphore_mem>>) src(%dma_wait3A_91 : memref<50x128xf32, #tpu.memory_space<hbm>>) dst(%dma_wait3A_87 : memref<50x128xf32, #tpu.memory_space<vmem>>)
        %scan3A_92 = arith.constant 2 : i32
        %scan3A_93 = arith.addi %scan3A_66, %scan3A_92 : i32
        %dma_wait3A_94 = arith.constant 0 : i32
        %dma_wait3A_95 = arith.constant 0 : i32
        %dma_wait3A_96 = tpu.memref_slice %arg23[%rem3A_4] : memref<2x!tpu.dma_semaphore, #tpu.memory_space<semaphore_mem>> -> memref<1x!tpu.dma_semaphore, #tpu.memory_space<semaphore_mem>>
        %dma_wait3A_97 = tpu.memref_squeeze %dma_wait3A_96 : memref<1x!tpu.dma_semaphore, #tpu.memory_space<semaphore_mem>> -> memref<!tpu.dma_semaphore, #tpu.memory_space<semaphore_mem>>
        %dma_wait3A_98 = arith.constant 0 : i32
        %dma_wait3A_99 = arith.constant 0 : i32
        %dma_wait3A_100 = tpu.memref_slice %arg22[%rem3A_4, %dma_wait3A_98, %dma_wait3A_95, %dma_wait3A_99] : memref<2x50x256x128xf32, #tpu.memory_space<vmem>> -> memref<1x50x1x128xf32, #tpu.memory_space<vmem>>
        %dma_wait3A_101 = tpu.memref_squeeze %dma_wait3A_100 : memref<1x50x1x128xf32, #tpu.memory_space<vmem>> -> memref<50x128xf32, #tpu.memory_space<vmem>>
        %dma_wait3A_102 = arith.constant 0 : i32
        %dma_wait3A_103 = arith.constant 0 : i32
        %dma_wait3A_104 = tpu.memref_slice %arg3[%dma_wait3A_94, %dma_wait3A_102, %dma_wait3A_103] : memref<4096x50x128xf32, #tpu.memory_space<hbm>> -> memref<1x50x128xf32, #tpu.memory_space<hbm>>
        %dma_wait3A_105 = tpu.memref_squeeze %dma_wait3A_104 : memref<1x50x128xf32, #tpu.memory_space<hbm>> -> memref<50x128xf32, #tpu.memory_space<hbm>>
        tpu.wait_dma2 semaphore(%dma_wait3A_97 : memref<!tpu.dma_semaphore, #tpu.memory_space<semaphore_mem>>) src(%dma_wait3A_105 : memref<50x128xf32, #tpu.memory_space<hbm>>) dst(%dma_wait3A_101 : memref<50x128xf32, #tpu.memory_space<vmem>>)
        %scan3A_106 = arith.constant 3 : i32
        %scan3A_107 = arith.addi %scan3A_66, %scan3A_106 : i32
        %dma_wait3A_108 = arith.constant 0 : i32
        %dma_wait3A_109 = arith.constant 0 : i32
        %dma_wait3A_110 = tpu.memref_slice %arg23[%rem3A_4] : memref<2x!tpu.dma_semaphore, #tpu.memory_space<semaphore_mem>> -> memref<1x!tpu.dma_semaphore, #tpu.memory_space<semaphore_mem>>
        %dma_wait3A_111 = tpu.memref_squeeze %dma_wait3A_110 : memref<1x!tpu.dma_semaphore, #tpu.memory_space<semaphore_mem>> -> memref<!tpu.dma_semaphore, #tpu.memory_space<semaphore_mem>>
        %dma_wait3A_112 = arith.constant 0 : i32
        %dma_wait3A_113 = arith.constant 0 : i32
        %dma_wait3A_114 = tpu.memref_slice %arg22[%rem3A_4, %dma_wait3A_112, %dma_wait3A_109, %dma_wait3A_113] : memref<2x50x256x128xf32, #tpu.memory_space<vmem>> -> memref<1x50x1x128xf32, #tpu.memory_space<vmem>>
        %dma_wait3A_115 = tpu.memref_squeeze %dma_wait3A_114 : memref<1x50x1x128xf32, #tpu.memory_space<vmem>> -> memref<50x128xf32, #tpu.memory_space<vmem>>
        %dma_wait3A_116 = arith.constant 0 : i32
        %dma_wait3A_117 = arith.constant 0 : i32
        %dma_wait3A_118 = tpu.memref_slice %arg3[%dma_wait3A_108, %dma_wait3A_116, %dma_wait3A_117] : memref<4096x50x128xf32, #tpu.memory_space<hbm>> -> memref<1x50x128xf32, #tpu.memory_space<hbm>>
        %dma_wait3A_119 = tpu.memref_squeeze %dma_wait3A_118 : memref<1x50x128xf32, #tpu.memory_space<hbm>> -> memref<50x128xf32, #tpu.memory_space<hbm>>
        tpu.wait_dma2 semaphore(%dma_wait3A_111 : memref<!tpu.dma_semaphore, #tpu.memory_space<semaphore_mem>>) src(%dma_wait3A_119 : memref<50x128xf32, #tpu.memory_space<hbm>>) dst(%dma_wait3A_115 : memref<50x128xf32, #tpu.memory_space<vmem>>)
        %scan3A_120 = arith.constant 4 : i32
        %scan3A_121 = arith.addi %scan3A_66, %scan3A_120 : i32
        %dma_wait3A_122 = arith.constant 0 : i32
        %dma_wait3A_123 = arith.constant 0 : i32
        %dma_wait3A_124 = tpu.memref_slice %arg23[%rem3A_4] : memref<2x!tpu.dma_semaphore, #tpu.memory_space<semaphore_mem>> -> memref<1x!tpu.dma_semaphore, #tpu.memory_space<semaphore_mem>>
        %dma_wait3A_125 = tpu.memref_squeeze %dma_wait3A_124 : memref<1x!tpu.dma_semaphore, #tpu.memory_space<semaphore_mem>> -> memref<!tpu.dma_semaphore, #tpu.memory_space<semaphore_mem>>
        %dma_wait3A_126 = arith.constant 0 : i32
        %dma_wait3A_127 = arith.constant 0 : i32
        %dma_wait3A_128 = tpu.memref_slice %arg22[%rem3A_4, %dma_wait3A_126, %dma_wait3A_123, %dma_wait3A_127] : memref<2x50x256x128xf32, #tpu.memory_space<vmem>> -> memref<1x50x1x128xf32, #tpu.memory_space<vmem>>
        %dma_wait3A_129 = tpu.memref_squeeze %dma_wait3A_128 : memref<1x50x1x128xf32, #tpu.memory_space<vmem>> -> memref<50x128xf32, #tpu.memory_space<vmem>>
        %dma_wait3A_130 = arith.constant 0 : i32
        %dma_wait3A_131 = arith.constant 0 : i32
        %dma_wait3A_132 = tpu.memref_slice %arg3[%dma_wait3A_122, %dma_wait3A_130, %dma_wait3A_131] : memref<4096x50x128xf32, #tpu.memory_space<hbm>> -> memref<1x50x128xf32, #tpu.memory_space<hbm>>
        %dma_wait3A_133 = tpu.memref_squeeze %dma_wait3A_132 : memref<1x50x128xf32, #tpu.memory_space<hbm>> -> memref<50x128xf32, #tpu.memory_space<hbm>>
        tpu.wait_dma2 semaphore(%dma_wait3A_125 : memref<!tpu.dma_semaphore, #tpu.memory_space<semaphore_mem>>) src(%dma_wait3A_133 : memref<50x128xf32, #tpu.memory_space<hbm>>) dst(%dma_wait3A_129 : memref<50x128xf32, #tpu.memory_space<vmem>>)
        %scan3A_134 = arith.constant 5 : i32
        %scan3A_135 = arith.addi %scan3A_66, %scan3A_134 : i32
        %dma_wait3A_136 = arith.constant 0 : i32
        %dma_wait3A_137 = arith.constant 0 : i32
        %dma_wait3A_138 = tpu.memref_slice %arg23[%rem3A_4] : memref<2x!tpu.dma_semaphore, #tpu.memory_space<semaphore_mem>> -> memref<1x!tpu.dma_semaphore, #tpu.memory_space<semaphore_mem>>
        %dma_wait3A_139 = tpu.memref_squeeze %dma_wait3A_138 : memref<1x!tpu.dma_semaphore, #tpu.memory_space<semaphore_mem>> -> memref<!tpu.dma_semaphore, #tpu.memory_space<semaphore_mem>>
        %dma_wait3A_140 = arith.constant 0 : i32
        %dma_wait3A_141 = arith.constant 0 : i32
        %dma_wait3A_142 = tpu.memref_slice %arg22[%rem3A_4, %dma_wait3A_140, %dma_wait3A_137, %dma_wait3A_141] : memref<2x50x256x128xf32, #tpu.memory_space<vmem>> -> memref<1x50x1x128xf32, #tpu.memory_space<vmem>>
        %dma_wait3A_143 = tpu.memref_squeeze %dma_wait3A_142 : memref<1x50x1x128xf32, #tpu.memory_space<vmem>> -> memref<50x128xf32, #tpu.memory_space<vmem>>
        %dma_wait3A_144 = arith.constant 0 : i32
        %dma_wait3A_145 = arith.constant 0 : i32
        %dma_wait3A_146 = tpu.memref_slice %arg3[%dma_wait3A_136, %dma_wait3A_144, %dma_wait3A_145] : memref<4096x50x128xf32, #tpu.memory_space<hbm>> -> memref<1x50x128xf32, #tpu.memory_space<hbm>>
        %dma_wait3A_147 = tpu.memref_squeeze %dma_wait3A_146 : memref<1x50x128xf32, #tpu.memory_space<hbm>> -> memref<50x128xf32, #tpu.memory_space<hbm>>
        tpu.wait_dma2 semaphore(%dma_wait3A_139 : memref<!tpu.dma_semaphore, #tpu.memory_space<semaphore_mem>>) src(%dma_wait3A_147 : memref<50x128xf32, #tpu.memory_space<hbm>>) dst(%dma_wait3A_143 : memref<50x128xf32, #tpu.memory_space<vmem>>)
        %scan3A_148 = arith.constant 6 : i32
        %scan3A_149 = arith.addi %scan3A_66, %scan3A_148 : i32
        %dma_wait3A_150 = arith.constant 0 : i32
        %dma_wait3A_151 = arith.constant 0 : i32
        %dma_wait3A_152 = tpu.memref_slice %arg23[%rem3A_4] : memref<2x!tpu.dma_semaphore, #tpu.memory_space<semaphore_mem>> -> memref<1x!tpu.dma_semaphore, #tpu.memory_space<semaphore_mem>>
        %dma_wait3A_153 = tpu.memref_squeeze %dma_wait3A_152 : memref<1x!tpu.dma_semaphore, #tpu.memory_space<semaphore_mem>> -> memref<!tpu.dma_semaphore, #tpu.memory_space<semaphore_mem>>
        %dma_wait3A_154 = arith.constant 0 : i32
        %dma_wait3A_155 = arith.constant 0 : i32
        %dma_wait3A_156 = tpu.memref_slice %arg22[%rem3A_4, %dma_wait3A_154, %dma_wait3A_151, %dma_wait3A_155] : memref<2x50x256x128xf32, #tpu.memory_space<vmem>> -> memref<1x50x1x128xf32, #tpu.memory_space<vmem>>
        %dma_wait3A_157 = tpu.memref_squeeze %dma_wait3A_156 : memref<1x50x1x128xf32, #tpu.memory_space<vmem>> -> memref<50x128xf32, #tpu.memory_space<vmem>>
        %dma_wait3A_158 = arith.constant 0 : i32
        %dma_wait3A_159 = arith.constant 0 : i32
        %dma_wait3A_160 = tpu.memref_slice %arg3[%dma_wait3A_150, %dma_wait3A_158, %dma_wait3A_159] : memref<4096x50x128xf32, #tpu.memory_space<hbm>> -> memref<1x50x128xf32, #tpu.memory_space<hbm>>
        %dma_wait3A_161 = tpu.memref_squeeze %dma_wait3A_160 : memref<1x50x128xf32, #tpu.memory_space<hbm>> -> memref<50x128xf32, #tpu.memory_space<hbm>>
        tpu.wait_dma2 semaphore(%dma_wait3A_153 : memref<!tpu.dma_semaphore, #tpu.memory_space<semaphore_mem>>) src(%dma_wait3A_161 : memref<50x128xf32, #tpu.memory_space<hbm>>) dst(%dma_wait3A_157 : memref<50x128xf32, #tpu.memory_space<vmem>>)
        %scan3A_162 = arith.constant 7 : i32
        %scan3A_163 = arith.addi %scan3A_66, %scan3A_162 : i32
        %dma_wait3A_164 = arith.constant 0 : i32
        %dma_wait3A_165 = arith.constant 0 : i32
        %dma_wait3A_166 = tpu.memref_slice %arg23[%rem3A_4] : memref<2x!tpu.dma_semaphore, #tpu.memory_space<semaphore_mem>> -> memref<1x!tpu.dma_semaphore, #tpu.memory_space<semaphore_mem>>
        %dma_wait3A_167 = tpu.memref_squeeze %dma_wait3A_166 : memref<1x!tpu.dma_semaphore, #tpu.memory_space<semaphore_mem>> -> memref<!tpu.dma_semaphore, #tpu.memory_space<semaphore_mem>>
        %dma_wait3A_168 = arith.constant 0 : i32
        %dma_wait3A_169 = arith.constant 0 : i32
        %dma_wait3A_170 = tpu.memref_slice %arg22[%rem3A_4, %dma_wait3A_168, %dma_wait3A_165, %dma_wait3A_169] : memref<2x50x256x128xf32, #tpu.memory_space<vmem>> -> memref<1x50x1x128xf32, #tpu.memory_space<vmem>>
        %dma_wait3A_171 = tpu.memref_squeeze %dma_wait3A_170 : memref<1x50x1x128xf32, #tpu.memory_space<vmem>> -> memref<50x128xf32, #tpu.memory_space<vmem>>
        %dma_wait3A_172 = arith.constant 0 : i32
        %dma_wait3A_173 = arith.constant 0 : i32
        %dma_wait3A_174 = tpu.memref_slice %arg3[%dma_wait3A_164, %dma_wait3A_172, %dma_wait3A_173] : memref<4096x50x128xf32, #tpu.memory_space<hbm>> -> memref<1x50x128xf32, #tpu.memory_space<hbm>>
        %dma_wait3A_175 = tpu.memref_squeeze %dma_wait3A_174 : memref<1x50x128xf32, #tpu.memory_space<hbm>> -> memref<50x128xf32, #tpu.memory_space<hbm>>
        tpu.wait_dma2 semaphore(%dma_wait3A_167 : memref<!tpu.dma_semaphore, #tpu.memory_space<semaphore_mem>>) src(%dma_wait3A_175 : memref<50x128xf32, #tpu.memory_space<hbm>>) dst(%dma_wait3A_171 : memref<50x128xf32, #tpu.memory_space<vmem>>)
      }
    } else {
    }
    %iota3A = tpu.iota {dimensions = array<i32: 0>} : vector<256x1xi32>
    %add3A_23 = vector.broadcast %mul3A_0 : i32 to vector<256x1xi32>
    %add3A_24 = arith.addi %add3A_23, %iota3A : vector<256x1xi32>
    %get3A_25 = arith.constant 0 : index
    %get3A_26 = arith.constant 0 : index
    %get3A_27 = vector.load %arg4[%get3A_25, %get3A_26] : memref<256x128xf32, #tpu.memory_space<vmem>>, vector<256x128xf32>
    %get3A_28 = arith.constant 0 : index
    %get3A_29 = arith.constant 0 : index
    %get3A_30 = vector.load %arg17[%get3A_28, %get3A_29] : memref<128x128xf32, #tpu.memory_space<vmem>>, vector<128x128xf32>
    %dot_general3A = arith.constant dense<0.000000e+00> : vector<256x128xf32>
    %dot_general3A_31 = tpu.matmul %get3A_27, %get3A_30, %dot_general3A {dimension_numbers = #tpu.dot_dimension_numbers<[1], [0], [0], [1], [0, 0, 1, 1], [], []>, transpose_lhs_hint = false} : vector<256x128xf32>, vector<128x128xf32>, vector<256x128xf32> -> vector<256x128xf32>
    %get3A_32 = arith.constant 0 : index
    %get3A_33 = arith.constant 0 : index
    %get3A_34 = vector.load %arg18[%get3A_32, %get3A_33] : memref<1x128xf32, #tpu.memory_space<vmem>>, vector<1x128xf32>
    %add3A_35 = vector.broadcast %get3A_34 : vector<1x128xf32> to vector<256x128xf32>
    %add3A_36 = arith.addf %dot_general3A_31, %add3A_35 : vector<256x128xf32>
    %max3A = arith.constant 0.000000e+00 : f32
    %max3A_37 = vector.broadcast %max3A : f32 to vector<256x128xf32>
    %max3A_38 = arith.maximumf %add3A_36, %max3A_37 : vector<256x128xf32>
    %get3A_39 = arith.constant 0 : index
    %get3A_40 = arith.constant 0 : index
    %get3A_41 = vector.load %arg19[%get3A_39, %get3A_40] : memref<128x128xf32, #tpu.memory_space<vmem>>, vector<128x128xf32>
    %dot_general3A_42 = arith.constant dense<0.000000e+00> : vector<256x128xf32>
    %dot_general3A_43 = tpu.matmul %max3A_38, %get3A_41, %dot_general3A_42 {dimension_numbers = #tpu.dot_dimension_numbers<[1], [0], [0], [1], [0, 0, 1, 1], [], []>, transpose_lhs_hint = false} : vector<256x128xf32>, vector<128x128xf32>, vector<256x128xf32> -> vector<256x128xf32>
    %get3A_44 = arith.constant 0 : index
    %get3A_45 = arith.constant 0 : index
    %get3A_46 = vector.load %arg20[%get3A_44, %get3A_45] : memref<1x128xf32, #tpu.memory_space<vmem>>, vector<1x128xf32>
    %add3A_47 = vector.broadcast %get3A_46 : vector<1x128xf32> to vector<256x128xf32>
    %add3A_48 = arith.addf %dot_general3A_43, %add3A_47 : vector<256x128xf32>
    %swap3A = arith.constant 0 : index
    %swap3A_49 = arith.constant 0 : index
    %swap3A_50 = vector.load %arg21[%swap3A, %swap3A_49] : memref<256x128xf32, #tpu.memory_space<vmem>>, vector<256x128xf32>
    tpu.vector_store %arg21[%swap3A, %swap3A_49], %add3A_48 {strides = array<i32>} : memref<256x128xf32, #tpu.memory_space<vmem>>, vector<256x128xf32>,
    %lt3A_51 = arith.cmpi slt, %mul3A_0, %get3A_3 : i32
    %add3A_52 = arith.constant 256 : i32
    %add3A_53 = arith.addi %mul3A_0, %add3A_52 : i32
    %gt3A_54 = arith.cmpi sgt, %add3A_53, %get3A_1 : i32
    %and3A_55 = arith.andi %lt3A_51, %gt3A_54 : i1
    %convert_element_type3A_56 = arith.extui %and3A_55 : i1 to i32
    %cond3A_57 = arith.constant 0 : i32
    %cond3A_58 = arith.cmpi ne, %convert_element_type3A_56, %cond3A_57 : i32
    scf.if %cond3A_58 {
      %broadcast_in_dim3A = arith.constant 0.000000e+00 : f32
      %broadcast_in_dim3A_63 = vector.broadcast %broadcast_in_dim3A : f32 to vector<256x128xf32>
      %get3A_64 = arith.constant 0 : i32
      %get3A_65 = arith.constant 0 : i32
      %get3A_66 = arith.constant 0 : i32
      %get3A_67 = tpu.memref_slice %arg22[%rem3A_4, %get3A_64, %get3A_65, %get3A_66] : memref<2x50x256x128xf32, #tpu.memory_space<vmem>> -> memref<1x50x256x128xf32, #tpu.memory_space<vmem>>
      %get3A_68 = tpu.memref_squeeze %get3A_67 : memref<1x50x256x128xf32, #tpu.memory_space<vmem>> -> memref<50x256x128xf32, #tpu.memory_space<vmem>>
      %get3A_69 = arith.constant 0 : index
      %get3A_70 = arith.constant 0 : index
      %get3A_71 = arith.constant 0 : index
      %get3A_72 = vector.load %get3A_68[%get3A_69, %get3A_70, %get3A_71] : memref<50x256x128xf32, #tpu.memory_space<vmem>>, vector<1x256x128xf32>
      %get3A_73 = vector.shape_cast %get3A_72 : vector<1x256x128xf32> to vector<256x128xf32>
      %add3A_74 = arith.addf %broadcast_in_dim3A_63, %get3A_73 : vector<256x128xf32>
      %get3A_75 = arith.constant 0 : i32
      %get3A_76 = arith.constant 0 : i32
      %get3A_77 = arith.constant 0 : i32
      %get3A_78 = tpu.memref_slice %arg22[%rem3A_4, %get3A_75, %get3A_76, %get3A_77] : memref<2x50x256x128xf32, #tpu.memory_space<vmem>> -> memref<1x50x256x128xf32, #tpu.memory_space<vmem>>
      %get3A_79 = tpu.memref_squeeze %get3A_78 : memref<1x50x256x128xf32, #tpu.memory_space<vmem>> -> memref<50x256x128xf32, #tpu.memory_space<vmem>>
      %get3A_80 = arith.constant 1 : index
      %get3A_81 = arith.constant 0 : index
      %get3A_82 = arith.constant 0 : index
      %get3A_83 = vector.load %get3A_79[%get3A_80, %get3A_81, %get3A_82] : memref<50x256x128xf32, #tpu.memory_space<vmem>>, vector<1x256x128xf32>
      %get3A_84 = vector.shape_cast %get3A_83 : vector<1x256x128xf32> to vector<256x128xf32>
      %add3A_85 = arith.addf %add3A_74, %get3A_84 : vector<256x128xf32>
      %get3A_86 = arith.constant 0 : i32
      %get3A_87 = arith.constant 0 : i32
      %get3A_88 = arith.constant 0 : i32
      %get3A_89 = tpu.memref_slice %arg22[%rem3A_4, %get3A_86, %get3A_87, %get3A_88] : memref<2x50x256x128xf32, #tpu.memory_space<vmem>> -> memref<1x50x256x128xf32, #tpu.memory_space<vmem>>
      %get3A_90 = tpu.memref_squeeze %get3A_89 : memref<1x50x256x128xf32, #tpu.memory_space<vmem>> -> memref<50x256x128xf32, #tpu.memory_space<vmem>>
      %get3A_91 = arith.constant 2 : index
      %get3A_92 = arith.constant 0 : index
      %get3A_93 = arith.constant 0 : index
      %get3A_94 = vector.load %get3A_90[%get3A_91, %get3A_92, %get3A_93] : memref<50x256x128xf32, #tpu.memory_space<vmem>>, vector<1x256x128xf32>
      %get3A_95 = vector.shape_cast %get3A_94 : vector<1x256x128xf32> to vector<256x128xf32>
      %add3A_96 = arith.addf %add3A_85, %get3A_95 : vector<256x128xf32>
      %get3A_97 = arith.constant 0 : i32
      %get3A_98 = arith.constant 0 : i32
      %get3A_99 = arith.constant 0 : i32
      %get3A_100 = tpu.memref_slice %arg22[%rem3A_4, %get3A_97, %get3A_98, %get3A_99] : memref<2x50x256x128xf32, #tpu.memory_space<vmem>> -> memref<1x50x256x128xf32, #tpu.memory_space<vmem>>
      %get3A_101 = tpu.memref_squeeze %get3A_100 : memref<1x50x256x128xf32, #tpu.memory_space<vmem>> -> memref<50x256x128xf32, #tpu.memory_space<vmem>>
      %get3A_102 = arith.constant 3 : index
      %get3A_103 = arith.constant 0 : index
      %get3A_104 = arith.constant 0 : index
      %get3A_105 = vector.load %get3A_101[%get3A_102, %get3A_103, %get3A_104] : memref<50x256x128xf32, #tpu.memory_space<vmem>>, vector<1x256x128xf32>
      %get3A_106 = vector.shape_cast %get3A_105 : vector<1x256x128xf32> to vector<256x128xf32>
      %add3A_107 = arith.addf %add3A_96, %get3A_106 : vector<256x128xf32>
      %get3A_108 = arith.constant 0 : i32
      %get3A_109 = arith.constant 0 : i32
      %get3A_110 = arith.constant 0 : i32
      %get3A_111 = tpu.memref_slice %arg22[%rem3A_4, %get3A_108, %get3A_109, %get3A_110] : memref<2x50x256x128xf32, #tpu.memory_space<vmem>> -> memref<1x50x256x128xf32, #tpu.memory_space<vmem>>
      %get3A_112 = tpu.memref_squeeze %get3A_111 : memref<1x50x256x128xf32, #tpu.memory_space<vmem>> -> memref<50x256x128xf32, #tpu.memory_space<vmem>>
      %get3A_113 = arith.constant 4 : index
      %get3A_114 = arith.constant 0 : index
      %get3A_115 = arith.constant 0 : index
      %get3A_116 = vector.load %get3A_112[%get3A_113, %get3A_114, %get3A_115] : memref<50x256x128xf32, #tpu.memory_space<vmem>>, vector<1x256x128xf32>
      %get3A_117 = vector.shape_cast %get3A_116 : vector<1x256x128xf32> to vector<256x128xf32>
      %add3A_118 = arith.addf %add3A_107, %get3A_117 : vector<256x128xf32>
      %get3A_119 = arith.constant 0 : i32
      %get3A_120 = arith.constant 0 : i32
      %get3A_121 = arith.constant 0 : i32
      %get3A_122 = tpu.memref_slice %arg22[%rem3A_4, %get3A_119, %get3A_120, %get3A_121] : memref<2x50x256x128xf32, #tpu.memory_space<vmem>> -> memref<1x50x256x128xf32, #tpu.memory_space<vmem>>
      %get3A_123 = tpu.memref_squeeze %get3A_122 : memref<1x50x256x128xf32, #tpu.memory_space<vmem>> -> memref<50x256x128xf32, #tpu.memory_space<vmem>>
      %get3A_124 = arith.constant 5 : index
      %get3A_125 = arith.constant 0 : index
      %get3A_126 = arith.constant 0 : index
      %get3A_127 = vector.load %get3A_123[%get3A_124, %get3A_125, %get3A_126] : memref<50x256x128xf32, #tpu.memory_space<vmem>>, vector<1x256x128xf32>
      %get3A_128 = vector.shape_cast %get3A_127 : vector<1x256x128xf32> to vector<256x128xf32>
      %add3A_129 = arith.addf %add3A_118, %get3A_128 : vector<256x128xf32>
      %get3A_130 = arith.constant 0 : i32
      %get3A_131 = arith.constant 0 : i32
      %get3A_132 = arith.constant 0 : i32
      %get3A_133 = tpu.memref_slice %arg22[%rem3A_4, %get3A_130, %get3A_131, %get3A_132] : memref<2x50x256x128xf32, #tpu.memory_space<vmem>> -> memref<1x50x256x128xf32, #tpu.memory_space<vmem>>
      %get3A_134 = tpu.memref_squeeze %get3A_133 : memref<1x50x256x128xf32, #tpu.memory_space<vmem>> -> memref<50x256x128xf32, #tpu.memory_space<vmem>>
      %get3A_135 = arith.constant 6 : index
      %get3A_136 = arith.constant 0 : index
      %get3A_137 = arith.constant 0 : index
      %get3A_138 = vector.load %get3A_134[%get3A_135, %get3A_136, %get3A_137] : memref<50x256x128xf32, #tpu.memory_space<vmem>>, vector<1x256x128xf32>
      %get3A_139 = vector.shape_cast %get3A_138 : vector<1x256x128xf32> to vector<256x128xf32>
      %add3A_140 = arith.addf %add3A_129, %get3A_139 : vector<256x128xf32>
      %get3A_141 = arith.constant 0 : i32
      %get3A_142 = arith.constant 0 : i32
      %get3A_143 = arith.constant 0 : i32
      %get3A_144 = tpu.memref_slice %arg22[%rem3A_4, %get3A_141, %get3A_142, %get3A_143] : memref<2x50x256x128xf32, #tpu.memory_space<vmem>> -> memref<1x50x256x128xf32, #tpu.memory_space<vmem>>
      %get3A_145 = tpu.memref_squeeze %get3A_144 : memref<1x50x256x128xf32, #tpu.memory_space<vmem>> -> memref<50x256x128xf32, #tpu.memory_space<vmem>>
      %get3A_146 = arith.constant 7 : index
      %get3A_147 = arith.constant 0 : index
      %get3A_148 = arith.constant 0 : index
      %get3A_149 = vector.load %get3A_145[%get3A_146, %get3A_147, %get3A_148] : memref<50x256x128xf32, #tpu.memory_space<vmem>>, vector<1x256x128xf32>
      %get3A_150 = vector.shape_cast %get3A_149 : vector<1x256x128xf32> to vector<256x128xf32>
      %add3A_151 = arith.addf %add3A_140, %get3A_150 : vector<256x128xf32>
      %get3A_152 = arith.constant 0 : i32
      %get3A_153 = arith.constant 0 : i32
      %get3A_154 = arith.constant 0 : i32
      %get3A_155 = tpu.memref_slice %arg22[%rem3A_4, %get3A_152, %get3A_153, %get3A_154] : memref<2x50x256x128xf32, #tpu.memory_space<vmem>> -> memref<1x50x256x128xf32, #tpu.memory_space<vmem>>
      %get3A_156 = tpu.memref_squeeze %get3A_155 : memref<1x50x256x128xf32, #tpu.memory_space<vmem>> -> memref<50x256x128xf32, #tpu.memory_space<vmem>>
      %get3A_157 = arith.constant 8 : index
      %get3A_158 = arith.constant 0 : index
      %get3A_159 = arith.constant 0 : index
      %get3A_160 = vector.load %get3A_156[%get3A_157, %get3A_158, %get3A_159] : memref<50x256x128xf32, #tpu.memory_space<vmem>>, vector<1x256x128xf32>
      %get3A_161 = vector.shape_cast %get3A_160 : vector<1x256x128xf32> to vector<256x128xf32>
      %add3A_162 = arith.addf %add3A_151, %get3A_161 : vector<256x128xf32>
      %get3A_163 = arith.constant 0 : i32
      %get3A_164 = arith.constant 0 : i32
      %get3A_165 = arith.constant 0 : i32
      %get3A_166 = tpu.memref_slice %arg22[%rem3A_4, %get3A_163, %get3A_164, %get3A_165] : memref<2x50x256x128xf32, #tpu.memory_space<vmem>> -> memref<1x50x256x128xf32, #tpu.memory_space<vmem>>
      %get3A_167 = tpu.memref_squeeze %get3A_166 : memref<1x50x256x128xf32, #tpu.memory_space<vmem>> -> memref<50x256x128xf32, #tpu.memory_space<vmem>>
      %get3A_168 = arith.constant 9 : index
      %get3A_169 = arith.constant 0 : index
      %get3A_170 = arith.constant 0 : index
      %get3A_171 = vector.load %get3A_167[%get3A_168, %get3A_169, %get3A_170] : memref<50x256x128xf32, #tpu.memory_space<vmem>>, vector<1x256x128xf32>
      %get3A_172 = vector.shape_cast %get3A_171 : vector<1x256x128xf32> to vector<256x128xf32>
      %add3A_173 = arith.addf %add3A_162, %get3A_172 : vector<256x128xf32>
      %get3A_174 = arith.constant 0 : i32
      %get3A_175 = arith.constant 0 : i32
      %get3A_176 = arith.constant 0 : i32
      %get3A_177 = tpu.memref_slice %arg22[%rem3A_4, %get3A_174, %get3A_175, %get3A_176] : memref<2x50x256x128xf32, #tpu.memory_space<vmem>> -> memref<1x50x256x128xf32, #tpu.memory_space<vmem>>
      %get3A_178 = tpu.memref_squeeze %get3A_177 : memref<1x50x256x128xf32, #tpu.memory_space<vmem>> -> memref<50x256x128xf32, #tpu.memory_space<vmem>>
      %get3A_179 = arith.constant 10 : index
      %get3A_180 = arith.constant 0 : index
      %get3A_181 = arith.constant 0 : index
      %get3A_182 = vector.load %get3A_178[%get3A_179, %get3A_180, %get3A_181] : memref<50x256x128xf32, #tpu.memory_space<vmem>>, vector<1x256x128xf32>
      %get3A_183 = vector.shape_cast %get3A_182 : vector<1x256x128xf32> to vector<256x128xf32>
      %add3A_184 = arith.addf %add3A_173, %get3A_183 : vector<256x128xf32>
      %get3A_185 = arith.constant 0 : i32
      %get3A_186 = arith.constant 0 : i32
      %get3A_187 = arith.constant 0 : i32
      %get3A_188 = tpu.memref_slice %arg22[%rem3A_4, %get3A_185, %get3A_186, %get3A_187] : memref<2x50x256x128xf32, #tpu.memory_space<vmem>> -> memref<1x50x256x128xf32, #tpu.memory_space<vmem>>
      %get3A_189 = tpu.memref_squeeze %get3A_188 : memref<1x50x256x128xf32, #tpu.memory_space<vmem>> -> memref<50x256x128xf32, #tpu.memory_space<vmem>>
      %get3A_190 = arith.constant 11 : index
      %get3A_191 = arith.constant 0 : index
      %get3A_192 = arith.constant 0 : index
      %get3A_193 = vector.load %get3A_189[%get3A_190, %get3A_191, %get3A_192] : memref<50x256x128xf32, #tpu.memory_space<vmem>>, vector<1x256x128xf32>
      %get3A_194 = vector.shape_cast %get3A_193 : vector<1x256x128xf32> to vector<256x128xf32>
      %add3A_195 = arith.addf %add3A_184, %get3A_194 : vector<256x128xf32>
      %get3A_196 = arith.constant 0 : i32
      %get3A_197 = arith.constant 0 : i32
      %get3A_198 = arith.constant 0 : i32
      %get3A_199 = tpu.memref_slice %arg22[%rem3A_4, %get3A_196, %get3A_197, %get3A_198] : memref<2x50x256x128xf32, #tpu.memory_space<vmem>> -> memref<1x50x256x128xf32, #tpu.memory_space<vmem>>
      %get3A_200 = tpu.memref_squeeze %get3A_199 : memref<1x50x256x128xf32, #tpu.memory_space<vmem>> -> memref<50x256x128xf32, #tpu.memory_space<vmem>>
      %get3A_201 = arith.constant 12 : index
      %get3A_202 = arith.constant 0 : index
      %get3A_203 = arith.constant 0 : index
      %get3A_204 = vector.load %get3A_200[%get3A_201, %get3A_202, %get3A_203] : memref<50x256x128xf32, #tpu.memory_space<vmem>>, vector<1x256x128xf32>
      %get3A_205 = vector.shape_cast %get3A_204 : vector<1x256x128xf32> to vector<256x128xf32>
      %add3A_206 = arith.addf %add3A_195, %get3A_205 : vector<256x128xf32>
      %get3A_207 = arith.constant 0 : i32
      %get3A_208 = arith.constant 0 : i32
      %get3A_209 = arith.constant 0 : i32
      %get3A_210 = tpu.memref_slice %arg22[%rem3A_4, %get3A_207, %get3A_208, %get3A_209] : memref<2x50x256x128xf32, #tpu.memory_space<vmem>> -> memref<1x50x256x128xf32, #tpu.memory_space<vmem>>
      %get3A_211 = tpu.memref_squeeze %get3A_210 : memref<1x50x256x128xf32, #tpu.memory_space<vmem>> -> memref<50x256x128xf32, #tpu.memory_space<vmem>>
      %get3A_212 = arith.constant 13 : index
      %get3A_213 = arith.constant 0 : index
      %get3A_214 = arith.constant 0 : index
      %get3A_215 = vector.load %get3A_211[%get3A_212, %get3A_213, %get3A_214] : memref<50x256x128xf32, #tpu.memory_space<vmem>>, vector<1x256x128xf32>
      %get3A_216 = vector.shape_cast %get3A_215 : vector<1x256x128xf32> to vector<256x128xf32>
      %add3A_217 = arith.addf %add3A_206, %get3A_216 : vector<256x128xf32>
      %get3A_218 = arith.constant 0 : i32
      %get3A_219 = arith.constant 0 : i32
      %get3A_220 = arith.constant 0 : i32
      %get3A_221 = tpu.memref_slice %arg22[%rem3A_4, %get3A_218, %get3A_219, %get3A_220] : memref<2x50x256x128xf32, #tpu.memory_space<vmem>> -> memref<1x50x256x128xf32, #tpu.memory_space<vmem>>
      %get3A_222 = tpu.memref_squeeze %get3A_221 : memref<1x50x256x128xf32, #tpu.memory_space<vmem>> -> memref<50x256x128xf32, #tpu.memory_space<vmem>>
      %get3A_223 = arith.constant 14 : index
      %get3A_224 = arith.constant 0 : index
      %get3A_225 = arith.constant 0 : index
      %get3A_226 = vector.load %get3A_222[%get3A_223, %get3A_224, %get3A_225] : memref<50x256x128xf32, #tpu.memory_space<vmem>>, vector<1x256x128xf32>
      %get3A_227 = vector.shape_cast %get3A_226 : vector<1x256x128xf32> to vector<256x128xf32>
      %add3A_228 = arith.addf %add3A_217, %get3A_227 : vector<256x128xf32>
      %get3A_229 = arith.constant 0 : i32
      %get3A_230 = arith.constant 0 : i32
      %get3A_231 = arith.constant 0 : i32
      %get3A_232 = tpu.memref_slice %arg22[%rem3A_4, %get3A_229, %get3A_230, %get3A_231] : memref<2x50x256x128xf32, #tpu.memory_space<vmem>> -> memref<1x50x256x128xf32, #tpu.memory_space<vmem>>
      %get3A_233 = tpu.memref_squeeze %get3A_232 : memref<1x50x256x128xf32, #tpu.memory_space<vmem>> -> memref<50x256x128xf32, #tpu.memory_space<vmem>>
      %get3A_234 = arith.constant 15 : index
      %get3A_235 = arith.constant 0 : index
      %get3A_236 = arith.constant 0 : index
      %get3A_237 = vector.load %get3A_233[%get3A_234, %get3A_235, %get3A_236] : memref<50x256x128xf32, #tpu.memory_space<vmem>>, vector<1x256x128xf32>
      %get3A_238 = vector.shape_cast %get3A_237 : vector<1x256x128xf32> to vector<256x128xf32>
      %add3A_239 = arith.addf %add3A_228, %get3A_238 : vector<256x128xf32>
      %get3A_240 = arith.constant 0 : i32
      %get3A_241 = arith.constant 0 : i32
      %get3A_242 = arith.constant 0 : i32
      %get3A_243 = tpu.memref_slice %arg22[%rem3A_4, %get3A_240, %get3A_241, %get3A_242] : memref<2x50x256x128xf32, #tpu.memory_space<vmem>> -> memref<1x50x256x128xf32, #tpu.memory_space<vmem>>
      %get3A_244 = tpu.memref_squeeze %get3A_243 : memref<1x50x256x128xf32, #tpu.memory_space<vmem>> -> memref<50x256x128xf32, #tpu.memory_space<vmem>>
      %get3A_245 = arith.constant 16 : index
      %get3A_246 = arith.constant 0 : index
      %get3A_247 = arith.constant 0 : index
      %get3A_248 = vector.load %get3A_244[%get3A_245, %get3A_246, %get3A_247] : memref<50x256x128xf32, #tpu.memory_space<vmem>>, vector<1x256x128xf32>
      %get3A_249 = vector.shape_cast %get3A_248 : vector<1x256x128xf32> to vector<256x128xf32>
      %add3A_250 = arith.addf %add3A_239, %get3A_249 : vector<256x128xf32>
      %get3A_251 = arith.constant 0 : i32
      %get3A_252 = arith.constant 0 : i32
      %get3A_253 = arith.constant 0 : i32
      %get3A_254 = tpu.memref_slice %arg22[%rem3A_4, %get3A_251, %get3A_252, %get3A_253] : memref<2x50x256x128xf32, #tpu.memory_space<vmem>> -> memref<1x50x256x128xf32, #tpu.memory_space<vmem>>
      %get3A_255 = tpu.memref_squeeze %get3A_254 : memref<1x50x256x128xf32, #tpu.memory_space<vmem>> -> memref<50x256x128xf32, #tpu.memory_space<vmem>>
      %get3A_256 = arith.constant 17 : index
      %get3A_257 = arith.constant 0 : index
      %get3A_258 = arith.constant 0 : index
      %get3A_259 = vector.load %get3A_255[%get3A_256, %get3A_257, %get3A_258] : memref<50x256x128xf32, #tpu.memory_space<vmem>>, vector<1x256x128xf32>
      %get3A_260 = vector.shape_cast %get3A_259 : vector<1x256x128xf32> to vector<256x128xf32>
      %add3A_261 = arith.addf %add3A_250, %get3A_260 : vector<256x128xf32>
      %get3A_262 = arith.constant 0 : i32
      %get3A_263 = arith.constant 0 : i32
      %get3A_264 = arith.constant 0 : i32
      %get3A_265 = tpu.memref_slice %arg22[%rem3A_4, %get3A_262, %get3A_263, %get3A_264] : memref<2x50x256x128xf32, #tpu.memory_space<vmem>> -> memref<1x50x256x128xf32, #tpu.memory_space<vmem>>
      %get3A_266 = tpu.memref_squeeze %get3A_265 : memref<1x50x256x128xf32, #tpu.memory_space<vmem>> -> memref<50x256x128xf32, #tpu.memory_space<vmem>>
      %get3A_267 = arith.constant 18 : index
      %get3A_268 = arith.constant 0 : index
      %get3A_269 = arith.constant 0 : index
      %get3A_270 = vector.load %get3A_266[%get3A_267, %get3A_268, %get3A_269] : memref<50x256x128xf32, #tpu.memory_space<vmem>>, vector<1x256x128xf32>
      %get3A_271 = vector.shape_cast %get3A_270 : vector<1x256x128xf32> to vector<256x128xf32>
      %add3A_272 = arith.addf %add3A_261, %get3A_271 : vector<256x128xf32>
      %get3A_273 = arith.constant 0 : i32
      %get3A_274 = arith.constant 0 : i32
      %get3A_275 = arith.constant 0 : i32
      %get3A_276 = tpu.memref_slice %arg22[%rem3A_4, %get3A_273, %get3A_274, %get3A_275] : memref<2x50x256x128xf32, #tpu.memory_space<vmem>> -> memref<1x50x256x128xf32, #tpu.memory_space<vmem>>
      %get3A_277 = tpu.memref_squeeze %get3A_276 : memref<1x50x256x128xf32, #tpu.memory_space<vmem>> -> memref<50x256x128xf32, #tpu.memory_space<vmem>>
      %get3A_278 = arith.constant 19 : index
      %get3A_279 = arith.constant 0 : index
      %get3A_280 = arith.constant 0 : index
      %get3A_281 = vector.load %get3A_277[%get3A_278, %get3A_279, %get3A_280] : memref<50x256x128xf32, #tpu.memory_space<vmem>>, vector<1x256x128xf32>
      %get3A_282 = vector.shape_cast %get3A_281 : vector<1x256x128xf32> to vector<256x128xf32>
      %add3A_283 = arith.addf %add3A_272, %get3A_282 : vector<256x128xf32>
      %get3A_284 = arith.constant 0 : i32
      %get3A_285 = arith.constant 0 : i32
      %get3A_286 = arith.constant 0 : i32
      %get3A_287 = tpu.memref_slice %arg22[%rem3A_4, %get3A_284, %get3A_285, %get3A_286] : memref<2x50x256x128xf32, #tpu.memory_space<vmem>> -> memref<1x50x256x128xf32, #tpu.memory_space<vmem>>
      %get3A_288 = tpu.memref_squeeze %get3A_287 : memref<1x50x256x128xf32, #tpu.memory_space<vmem>> -> memref<50x256x128xf32, #tpu.memory_space<vmem>>
      %get3A_289 = arith.constant 20 : index
      %get3A_290 = arith.constant 0 : index
      %get3A_291 = arith.constant 0 : index
      %get3A_292 = vector.load %get3A_288[%get3A_289, %get3A_290, %get3A_291] : memref<50x256x128xf32, #tpu.memory_space<vmem>>, vector<1x256x128xf32>
      %get3A_293 = vector.shape_cast %get3A_292 : vector<1x256x128xf32> to vector<256x128xf32>
      %add3A_294 = arith.addf %add3A_283, %get3A_293 : vector<256x128xf32>
      %get3A_295 = arith.constant 0 : i32
      %get3A_296 = arith.constant 0 : i32
      %get3A_297 = arith.constant 0 : i32
      %get3A_298 = tpu.memref_slice %arg22[%rem3A_4, %get3A_295, %get3A_296, %get3A_297] : memref<2x50x256x128xf32, #tpu.memory_space<vmem>> -> memref<1x50x256x128xf32, #tpu.memory_space<vmem>>
      %get3A_299 = tpu.memref_squeeze %get3A_298 : memref<1x50x256x128xf32, #tpu.memory_space<vmem>> -> memref<50x256x128xf32, #tpu.memory_space<vmem>>
      %get3A_300 = arith.constant 21 : index
      %get3A_301 = arith.constant 0 : index
      %get3A_302 = arith.constant 0 : index
      %get3A_303 = vector.load %get3A_299[%get3A_300, %get3A_301, %get3A_302] : memref<50x256x128xf32, #tpu.memory_space<vmem>>, vector<1x256x128xf32>
      %get3A_304 = vector.shape_cast %get3A_303 : vector<1x256x128xf32> to vector<256x128xf32>
      %add3A_305 = arith.addf %add3A_294, %get3A_304 : vector<256x128xf32>
      %get3A_306 = arith.constant 0 : i32
      %get3A_307 = arith.constant 0 : i32
      %get3A_308 = arith.constant 0 : i32
      %get3A_309 = tpu.memref_slice %arg22[%rem3A_4, %get3A_306, %get3A_307, %get3A_308] : memref<2x50x256x128xf32, #tpu.memory_space<vmem>> -> memref<1x50x256x128xf32, #tpu.memory_space<vmem>>
      %get3A_310 = tpu.memref_squeeze %get3A_309 : memref<1x50x256x128xf32, #tpu.memory_space<vmem>> -> memref<50x256x128xf32, #tpu.memory_space<vmem>>
      %get3A_311 = arith.constant 22 : index
      %get3A_312 = arith.constant 0 : index
      %get3A_313 = arith.constant 0 : index
      %get3A_314 = vector.load %get3A_310[%get3A_311, %get3A_312, %get3A_313] : memref<50x256x128xf32, #tpu.memory_space<vmem>>, vector<1x256x128xf32>
      %get3A_315 = vector.shape_cast %get3A_314 : vector<1x256x128xf32> to vector<256x128xf32>
      %add3A_316 = arith.addf %add3A_305, %get3A_315 : vector<256x128xf32>
      %get3A_317 = arith.constant 0 : i32
      %get3A_318 = arith.constant 0 : i32
      %get3A_319 = arith.constant 0 : i32
      %get3A_320 = tpu.memref_slice %arg22[%rem3A_4, %get3A_317, %get3A_318, %get3A_319] : memref<2x50x256x128xf32, #tpu.memory_space<vmem>> -> memref<1x50x256x128xf32, #tpu.memory_space<vmem>>
      %get3A_321 = tpu.memref_squeeze %get3A_320 : memref<1x50x256x128xf32, #tpu.memory_space<vmem>> -> memref<50x256x128xf32, #tpu.memory_space<vmem>>
      %get3A_322 = arith.constant 23 : index
      %get3A_323 = arith.constant 0 : index
      %get3A_324 = arith.constant 0 : index
      %get3A_325 = vector.load %get3A_321[%get3A_322, %get3A_323, %get3A_324] : memref<50x256x128xf32, #tpu.memory_space<vmem>>, vector<1x256x128xf32>
      %get3A_326 = vector.shape_cast %get3A_325 : vector<1x256x128xf32> to vector<256x128xf32>
      %add3A_327 = arith.addf %add3A_316, %get3A_326 : vector<256x128xf32>
      %get3A_328 = arith.constant 0 : i32
      %get3A_329 = arith.constant 0 : i32
      %get3A_330 = arith.constant 0 : i32
      %get3A_331 = tpu.memref_slice %arg22[%rem3A_4, %get3A_328, %get3A_329, %get3A_330] : memref<2x50x256x128xf32, #tpu.memory_space<vmem>> -> memref<1x50x256x128xf32, #tpu.memory_space<vmem>>
      %get3A_332 = tpu.memref_squeeze %get3A_331 : memref<1x50x256x128xf32, #tpu.memory_space<vmem>> -> memref<50x256x128xf32, #tpu.memory_space<vmem>>
      %get3A_333 = arith.constant 24 : index
      %get3A_334 = arith.constant 0 : index
      %get3A_335 = arith.constant 0 : index
      %get3A_336 = vector.load %get3A_332[%get3A_333, %get3A_334, %get3A_335] : memref<50x256x128xf32, #tpu.memory_space<vmem>>, vector<1x256x128xf32>
      %get3A_337 = vector.shape_cast %get3A_336 : vector<1x256x128xf32> to vector<256x128xf32>
      %add3A_338 = arith.addf %add3A_327, %get3A_337 : vector<256x128xf32>
      %get3A_339 = arith.constant 0 : i32
      %get3A_340 = arith.constant 0 : i32
      %get3A_341 = arith.constant 0 : i32
      %get3A_342 = tpu.memref_slice %arg22[%rem3A_4, %get3A_339, %get3A_340, %get3A_341] : memref<2x50x256x128xf32, #tpu.memory_space<vmem>> -> memref<1x50x256x128xf32, #tpu.memory_space<vmem>>
      %get3A_343 = tpu.memref_squeeze %get3A_342 : memref<1x50x256x128xf32, #tpu.memory_space<vmem>> -> memref<50x256x128xf32, #tpu.memory_space<vmem>>
      %get3A_344 = arith.constant 25 : index
      %get3A_345 = arith.constant 0 : index
      %get3A_346 = arith.constant 0 : index
      %get3A_347 = vector.load %get3A_343[%get3A_344, %get3A_345, %get3A_346] : memref<50x256x128xf32, #tpu.memory_space<vmem>>, vector<1x256x128xf32>
      %get3A_348 = vector.shape_cast %get3A_347 : vector<1x256x128xf32> to vector<256x128xf32>
      %add3A_349 = arith.addf %add3A_338, %get3A_348 : vector<256x128xf32>
      %get3A_350 = arith.constant 0 : i32
      %get3A_351 = arith.constant 0 : i32
      %get3A_352 = arith.constant 0 : i32
      %get3A_353 = tpu.memref_slice %arg22[%rem3A_4, %get3A_350, %get3A_351, %get3A_352] : memref<2x50x256x128xf32, #tpu.memory_space<vmem>> -> memref<1x50x256x128xf32, #tpu.memory_space<vmem>>
      %get3A_354 = tpu.memref_squeeze %get3A_353 : memref<1x50x256x128xf32, #tpu.memory_space<vmem>> -> memref<50x256x128xf32, #tpu.memory_space<vmem>>
      %get3A_355 = arith.constant 26 : index
      %get3A_356 = arith.constant 0 : index
      %get3A_357 = arith.constant 0 : index
      %get3A_358 = vector.load %get3A_354[%get3A_355, %get3A_356, %get3A_357] : memref<50x256x128xf32, #tpu.memory_space<vmem>>, vector<1x256x128xf32>
      %get3A_359 = vector.shape_cast %get3A_358 : vector<1x256x128xf32> to vector<256x128xf32>
      %add3A_360 = arith.addf %add3A_349, %get3A_359 : vector<256x128xf32>
      %get3A_361 = arith.constant 0 : i32
      %get3A_362 = arith.constant 0 : i32
      %get3A_363 = arith.constant 0 : i32
      %get3A_364 = tpu.memref_slice %arg22[%rem3A_4, %get3A_361, %get3A_362, %get3A_363] : memref<2x50x256x128xf32, #tpu.memory_space<vmem>> -> memref<1x50x256x128xf32, #tpu.memory_space<vmem>>
      %get3A_365 = tpu.memref_squeeze %get3A_364 : memref<1x50x256x128xf32, #tpu.memory_space<vmem>> -> memref<50x256x128xf32, #tpu.memory_space<vmem>>
      %get3A_366 = arith.constant 27 : index
      %get3A_367 = arith.constant 0 : index
      %get3A_368 = arith.constant 0 : index
      %get3A_369 = vector.load %get3A_365[%get3A_366, %get3A_367, %get3A_368] : memref<50x256x128xf32, #tpu.memory_space<vmem>>, vector<1x256x128xf32>
      %get3A_370 = vector.shape_cast %get3A_369 : vector<1x256x128xf32> to vector<256x128xf32>
      %add3A_371 = arith.addf %add3A_360, %get3A_370 : vector<256x128xf32>
      %get3A_372 = arith.constant 0 : i32
      %get3A_373 = arith.constant 0 : i32
      %get3A_374 = arith.constant 0 : i32
      %get3A_375 = tpu.memref_slice %arg22[%rem3A_4, %get3A_372, %get3A_373, %get3A_374] : memref<2x50x256x128xf32, #tpu.memory_space<vmem>> -> memref<1x50x256x128xf32, #tpu.memory_space<vmem>>
      %get3A_376 = tpu.memref_squeeze %get3A_375 : memref<1x50x256x128xf32, #tpu.memory_space<vmem>> -> memref<50x256x128xf32, #tpu.memory_space<vmem>>
      %get3A_377 = arith.constant 28 : index
      %get3A_378 = arith.constant 0 : index
      %get3A_379 = arith.constant 0 : index
      %get3A_380 = vector.load %get3A_376[%get3A_377, %get3A_378, %get3A_379] : memref<50x256x128xf32, #tpu.memory_space<vmem>>, vector<1x256x128xf32>
      %get3A_381 = vector.shape_cast %get3A_380 : vector<1x256x128xf32> to vector<256x128xf32>
      %add3A_382 = arith.addf %add3A_371, %get3A_381 : vector<256x128xf32>
      %get3A_383 = arith.constant 0 : i32
      %get3A_384 = arith.constant 0 : i32
      %get3A_385 = arith.constant 0 : i32
      %get3A_386 = tpu.memref_slice %arg22[%rem3A_4, %get3A_383, %get3A_384, %get3A_385] : memref<2x50x256x128xf32, #tpu.memory_space<vmem>> -> memref<1x50x256x128xf32, #tpu.memory_space<vmem>>
      %get3A_387 = tpu.memref_squeeze %get3A_386 : memref<1x50x256x128xf32, #tpu.memory_space<vmem>> -> memref<50x256x128xf32, #tpu.memory_space<vmem>>
      %get3A_388 = arith.constant 29 : index
      %get3A_389 = arith.constant 0 : index
      %get3A_390 = arith.constant 0 : index
      %get3A_391 = vector.load %get3A_387[%get3A_388, %get3A_389, %get3A_390] : memref<50x256x128xf32, #tpu.memory_space<vmem>>, vector<1x256x128xf32>
      %get3A_392 = vector.shape_cast %get3A_391 : vector<1x256x128xf32> to vector<256x128xf32>
      %add3A_393 = arith.addf %add3A_382, %get3A_392 : vector<256x128xf32>
      %get3A_394 = arith.constant 0 : i32
      %get3A_395 = arith.constant 0 : i32
      %get3A_396 = arith.constant 0 : i32
      %get3A_397 = tpu.memref_slice %arg22[%rem3A_4, %get3A_394, %get3A_395, %get3A_396] : memref<2x50x256x128xf32, #tpu.memory_space<vmem>> -> memref<1x50x256x128xf32, #tpu.memory_space<vmem>>
      %get3A_398 = tpu.memref_squeeze %get3A_397 : memref<1x50x256x128xf32, #tpu.memory_space<vmem>> -> memref<50x256x128xf32, #tpu.memory_space<vmem>>
      %get3A_399 = arith.constant 30 : index
      %get3A_400 = arith.constant 0 : index
      %get3A_401 = arith.constant 0 : index
      %get3A_402 = vector.load %get3A_398[%get3A_399, %get3A_400, %get3A_401] : memref<50x256x128xf32, #tpu.memory_space<vmem>>, vector<1x256x128xf32>
      %get3A_403 = vector.shape_cast %get3A_402 : vector<1x256x128xf32> to vector<256x128xf32>
      %add3A_404 = arith.addf %add3A_393, %get3A_403 : vector<256x128xf32>
      %get3A_405 = arith.constant 0 : i32
      %get3A_406 = arith.constant 0 : i32
      %get3A_407 = arith.constant 0 : i32
      %get3A_408 = tpu.memref_slice %arg22[%rem3A_4, %get3A_405, %get3A_406, %get3A_407] : memref<2x50x256x128xf32, #tpu.memory_space<vmem>> -> memref<1x50x256x128xf32, #tpu.memory_space<vmem>>
      %get3A_409 = tpu.memref_squeeze %get3A_408 : memref<1x50x256x128xf32, #tpu.memory_space<vmem>> -> memref<50x256x128xf32, #tpu.memory_space<vmem>>
      %get3A_410 = arith.constant 31 : index
      %get3A_411 = arith.constant 0 : index
      %get3A_412 = arith.constant 0 : index
      %get3A_413 = vector.load %get3A_409[%get3A_410, %get3A_411, %get3A_412] : memref<50x256x128xf32, #tpu.memory_space<vmem>>, vector<1x256x128xf32>
      %get3A_414 = vector.shape_cast %get3A_413 : vector<1x256x128xf32> to vector<256x128xf32>
      %add3A_415 = arith.addf %add3A_404, %get3A_414 : vector<256x128xf32>
      %get3A_416 = arith.constant 0 : i32
      %get3A_417 = arith.constant 0 : i32
      %get3A_418 = arith.constant 0 : i32
      %get3A_419 = tpu.memref_slice %arg22[%rem3A_4, %get3A_416, %get3A_417, %get3A_418] : memref<2x50x256x128xf32, #tpu.memory_space<vmem>> -> memref<1x50x256x128xf32, #tpu.memory_space<vmem>>
      %get3A_420 = tpu.memref_squeeze %get3A_419 : memref<1x50x256x128xf32, #tpu.memory_space<vmem>> -> memref<50x256x128xf32, #tpu.memory_space<vmem>>
      %get3A_421 = arith.constant 32 : index
      %get3A_422 = arith.constant 0 : index
      %get3A_423 = arith.constant 0 : index
      %get3A_424 = vector.load %get3A_420[%get3A_421, %get3A_422, %get3A_423] : memref<50x256x128xf32, #tpu.memory_space<vmem>>, vector<1x256x128xf32>
      %get3A_425 = vector.shape_cast %get3A_424 : vector<1x256x128xf32> to vector<256x128xf32>
      %add3A_426 = arith.addf %add3A_415, %get3A_425 : vector<256x128xf32>
      %get3A_427 = arith.constant 0 : i32
      %get3A_428 = arith.constant 0 : i32
      %get3A_429 = arith.constant 0 : i32
      %get3A_430 = tpu.memref_slice %arg22[%rem3A_4, %get3A_427, %get3A_428, %get3A_429] : memref<2x50x256x128xf32, #tpu.memory_space<vmem>> -> memref<1x50x256x128xf32, #tpu.memory_space<vmem>>
      %get3A_431 = tpu.memref_squeeze %get3A_430 : memref<1x50x256x128xf32, #tpu.memory_space<vmem>> -> memref<50x256x128xf32, #tpu.memory_space<vmem>>
      %get3A_432 = arith.constant 33 : index
      %get3A_433 = arith.constant 0 : index
      %get3A_434 = arith.constant 0 : index
      %get3A_435 = vector.load %get3A_431[%get3A_432, %get3A_433, %get3A_434] : memref<50x256x128xf32, #tpu.memory_space<vmem>>, vector<1x256x128xf32>
      %get3A_436 = vector.shape_cast %get3A_435 : vector<1x256x128xf32> to vector<256x128xf32>
      %add3A_437 = arith.addf %add3A_426, %get3A_436 : vector<256x128xf32>
      %get3A_438 = arith.constant 0 : i32
      %get3A_439 = arith.constant 0 : i32
      %get3A_440 = arith.constant 0 : i32
      %get3A_441 = tpu.memref_slice %arg22[%rem3A_4, %get3A_438, %get3A_439, %get3A_440] : memref<2x50x256x128xf32, #tpu.memory_space<vmem>> -> memref<1x50x256x128xf32, #tpu.memory_space<vmem>>
      %get3A_442 = tpu.memref_squeeze %get3A_441 : memref<1x50x256x128xf32, #tpu.memory_space<vmem>> -> memref<50x256x128xf32, #tpu.memory_space<vmem>>
      %get3A_443 = arith.constant 34 : index
      %get3A_444 = arith.constant 0 : index
      %get3A_445 = arith.constant 0 : index
      %get3A_446 = vector.load %get3A_442[%get3A_443, %get3A_444, %get3A_445] : memref<50x256x128xf32, #tpu.memory_space<vmem>>, vector<1x256x128xf32>
      %get3A_447 = vector.shape_cast %get3A_446 : vector<1x256x128xf32> to vector<256x128xf32>
      %add3A_448 = arith.addf %add3A_437, %get3A_447 : vector<256x128xf32>
      %get3A_449 = arith.constant 0 : i32
      %get3A_450 = arith.constant 0 : i32
      %get3A_451 = arith.constant 0 : i32
      %get3A_452 = tpu.memref_slice %arg22[%rem3A_4, %get3A_449, %get3A_450, %get3A_451] : memref<2x50x256x128xf32, #tpu.memory_space<vmem>> -> memref<1x50x256x128xf32, #tpu.memory_space<vmem>>
      %get3A_453 = tpu.memref_squeeze %get3A_452 : memref<1x50x256x128xf32, #tpu.memory_space<vmem>> -> memref<50x256x128xf32, #tpu.memory_space<vmem>>
      %get3A_454 = arith.constant 35 : index
      %get3A_455 = arith.constant 0 : index
      %get3A_456 = arith.constant 0 : index
      %get3A_457 = vector.load %get3A_453[%get3A_454, %get3A_455, %get3A_456] : memref<50x256x128xf32, #tpu.memory_space<vmem>>, vector<1x256x128xf32>
      %get3A_458 = vector.shape_cast %get3A_457 : vector<1x256x128xf32> to vector<256x128xf32>
      %add3A_459 = arith.addf %add3A_448, %get3A_458 : vector<256x128xf32>
      %get3A_460 = arith.constant 0 : i32
      %get3A_461 = arith.constant 0 : i32
      %get3A_462 = arith.constant 0 : i32
      %get3A_463 = tpu.memref_slice %arg22[%rem3A_4, %get3A_460, %get3A_461, %get3A_462] : memref<2x50x256x128xf32, #tpu.memory_space<vmem>> -> memref<1x50x256x128xf32, #tpu.memory_space<vmem>>
      %get3A_464 = tpu.memref_squeeze %get3A_463 : memref<1x50x256x128xf32, #tpu.memory_space<vmem>> -> memref<50x256x128xf32, #tpu.memory_space<vmem>>
      %get3A_465 = arith.constant 36 : index
      %get3A_466 = arith.constant 0 : index
      %get3A_467 = arith.constant 0 : index
      %get3A_468 = vector.load %get3A_464[%get3A_465, %get3A_466, %get3A_467] : memref<50x256x128xf32, #tpu.memory_space<vmem>>, vector<1x256x128xf32>
      %get3A_469 = vector.shape_cast %get3A_468 : vector<1x256x128xf32> to vector<256x128xf32>
      %add3A_470 = arith.addf %add3A_459, %get3A_469 : vector<256x128xf32>
      %get3A_471 = arith.constant 0 : i32
      %get3A_472 = arith.constant 0 : i32
      %get3A_473 = arith.constant 0 : i32
      %get3A_474 = tpu.memref_slice %arg22[%rem3A_4, %get3A_471, %get3A_472, %get3A_473] : memref<2x50x256x128xf32, #tpu.memory_space<vmem>> -> memref<1x50x256x128xf32, #tpu.memory_space<vmem>>
      %get3A_475 = tpu.memref_squeeze %get3A_474 : memref<1x50x256x128xf32, #tpu.memory_space<vmem>> -> memref<50x256x128xf32, #tpu.memory_space<vmem>>
      %get3A_476 = arith.constant 37 : index
      %get3A_477 = arith.constant 0 : index
      %get3A_478 = arith.constant 0 : index
      %get3A_479 = vector.load %get3A_475[%get3A_476, %get3A_477, %get3A_478] : memref<50x256x128xf32, #tpu.memory_space<vmem>>, vector<1x256x128xf32>
      %get3A_480 = vector.shape_cast %get3A_479 : vector<1x256x128xf32> to vector<256x128xf32>
      %add3A_481 = arith.addf %add3A_470, %get3A_480 : vector<256x128xf32>
      %get3A_482 = arith.constant 0 : i32
      %get3A_483 = arith.constant 0 : i32
      %get3A_484 = arith.constant 0 : i32
      %get3A_485 = tpu.memref_slice %arg22[%rem3A_4, %get3A_482, %get3A_483, %get3A_484] : memref<2x50x256x128xf32, #tpu.memory_space<vmem>> -> memref<1x50x256x128xf32, #tpu.memory_space<vmem>>
      %get3A_486 = tpu.memref_squeeze %get3A_485 : memref<1x50x256x128xf32, #tpu.memory_space<vmem>> -> memref<50x256x128xf32, #tpu.memory_space<vmem>>
      %get3A_487 = arith.constant 38 : index
      %get3A_488 = arith.constant 0 : index
      %get3A_489 = arith.constant 0 : index
      %get3A_490 = vector.load %get3A_486[%get3A_487, %get3A_488, %get3A_489] : memref<50x256x128xf32, #tpu.memory_space<vmem>>, vector<1x256x128xf32>
      %get3A_491 = vector.shape_cast %get3A_490 : vector<1x256x128xf32> to vector<256x128xf32>
      %add3A_492 = arith.addf %add3A_481, %get3A_491 : vector<256x128xf32>
      %get3A_493 = arith.constant 0 : i32
      %get3A_494 = arith.constant 0 : i32
      %get3A_495 = arith.constant 0 : i32
      %get3A_496 = tpu.memref_slice %arg22[%rem3A_4, %get3A_493, %get3A_494, %get3A_495] : memref<2x50x256x128xf32, #tpu.memory_space<vmem>> -> memref<1x50x256x128xf32, #tpu.memory_space<vmem>>
      %get3A_497 = tpu.memref_squeeze %get3A_496 : memref<1x50x256x128xf32, #tpu.memory_space<vmem>> -> memref<50x256x128xf32, #tpu.memory_space<vmem>>
      %get3A_498 = arith.constant 39 : index
      %get3A_499 = arith.constant 0 : index
      %get3A_500 = arith.constant 0 : index
      %get3A_501 = vector.load %get3A_497[%get3A_498, %get3A_499, %get3A_500] : memref<50x256x128xf32, #tpu.memory_space<vmem>>, vector<1x256x128xf32>
      %get3A_502 = vector.shape_cast %get3A_501 : vector<1x256x128xf32> to vector<256x128xf32>
      %add3A_503 = arith.addf %add3A_492, %get3A_502 : vector<256x128xf32>
      %get3A_504 = arith.constant 0 : i32
      %get3A_505 = arith.constant 0 : i32
      %get3A_506 = arith.constant 0 : i32
      %get3A_507 = tpu.memref_slice %arg22[%rem3A_4, %get3A_504, %get3A_505, %get3A_506] : memref<2x50x256x128xf32, #tpu.memory_space<vmem>> -> memref<1x50x256x128xf32, #tpu.memory_space<vmem>>
      %get3A_508 = tpu.memref_squeeze %get3A_507 : memref<1x50x256x128xf32, #tpu.memory_space<vmem>> -> memref<50x256x128xf32, #tpu.memory_space<vmem>>
      %get3A_509 = arith.constant 40 : index
      %get3A_510 = arith.constant 0 : index
      %get3A_511 = arith.constant 0 : index
      %get3A_512 = vector.load %get3A_508[%get3A_509, %get3A_510, %get3A_511] : memref<50x256x128xf32, #tpu.memory_space<vmem>>, vector<1x256x128xf32>
      %get3A_513 = vector.shape_cast %get3A_512 : vector<1x256x128xf32> to vector<256x128xf32>
      %add3A_514 = arith.addf %add3A_503, %get3A_513 : vector<256x128xf32>
      %get3A_515 = arith.constant 0 : i32
      %get3A_516 = arith.constant 0 : i32
      %get3A_517 = arith.constant 0 : i32
      %get3A_518 = tpu.memref_slice %arg22[%rem3A_4, %get3A_515, %get3A_516, %get3A_517] : memref<2x50x256x128xf32, #tpu.memory_space<vmem>> -> memref<1x50x256x128xf32, #tpu.memory_space<vmem>>
      %get3A_519 = tpu.memref_squeeze %get3A_518 : memref<1x50x256x128xf32, #tpu.memory_space<vmem>> -> memref<50x256x128xf32, #tpu.memory_space<vmem>>
      %get3A_520 = arith.constant 41 : index
      %get3A_521 = arith.constant 0 : index
      %get3A_522 = arith.constant 0 : index
      %get3A_523 = vector.load %get3A_519[%get3A_520, %get3A_521, %get3A_522] : memref<50x256x128xf32, #tpu.memory_space<vmem>>, vector<1x256x128xf32>
      %get3A_524 = vector.shape_cast %get3A_523 : vector<1x256x128xf32> to vector<256x128xf32>
      %add3A_525 = arith.addf %add3A_514, %get3A_524 : vector<256x128xf32>
      %get3A_526 = arith.constant 0 : i32
      %get3A_527 = arith.constant 0 : i32
      %get3A_528 = arith.constant 0 : i32
      %get3A_529 = tpu.memref_slice %arg22[%rem3A_4, %get3A_526, %get3A_527, %get3A_528] : memref<2x50x256x128xf32, #tpu.memory_space<vmem>> -> memref<1x50x256x128xf32, #tpu.memory_space<vmem>>
      %get3A_530 = tpu.memref_squeeze %get3A_529 : memref<1x50x256x128xf32, #tpu.memory_space<vmem>> -> memref<50x256x128xf32, #tpu.memory_space<vmem>>
      %get3A_531 = arith.constant 42 : index
      %get3A_532 = arith.constant 0 : index
      %get3A_533 = arith.constant 0 : index
      %get3A_534 = vector.load %get3A_530[%get3A_531, %get3A_532, %get3A_533] : memref<50x256x128xf32, #tpu.memory_space<vmem>>, vector<1x256x128xf32>
      %get3A_535 = vector.shape_cast %get3A_534 : vector<1x256x128xf32> to vector<256x128xf32>
      %add3A_536 = arith.addf %add3A_525, %get3A_535 : vector<256x128xf32>
      %get3A_537 = arith.constant 0 : i32
      %get3A_538 = arith.constant 0 : i32
      %get3A_539 = arith.constant 0 : i32
      %get3A_540 = tpu.memref_slice %arg22[%rem3A_4, %get3A_537, %get3A_538, %get3A_539] : memref<2x50x256x128xf32, #tpu.memory_space<vmem>> -> memref<1x50x256x128xf32, #tpu.memory_space<vmem>>
      %get3A_541 = tpu.memref_squeeze %get3A_540 : memref<1x50x256x128xf32, #tpu.memory_space<vmem>> -> memref<50x256x128xf32, #tpu.memory_space<vmem>>
      %get3A_542 = arith.constant 43 : index
      %get3A_543 = arith.constant 0 : index
      %get3A_544 = arith.constant 0 : index
      %get3A_545 = vector.load %get3A_541[%get3A_542, %get3A_543, %get3A_544] : memref<50x256x128xf32, #tpu.memory_space<vmem>>, vector<1x256x128xf32>
      %get3A_546 = vector.shape_cast %get3A_545 : vector<1x256x128xf32> to vector<256x128xf32>
      %add3A_547 = arith.addf %add3A_536, %get3A_546 : vector<256x128xf32>
      %get3A_548 = arith.constant 0 : i32
      %get3A_549 = arith.constant 0 : i32
      %get3A_550 = arith.constant 0 : i32
      %get3A_551 = tpu.memref_slice %arg22[%rem3A_4, %get3A_548, %get3A_549, %get3A_550] : memref<2x50x256x128xf32, #tpu.memory_space<vmem>> -> memref<1x50x256x128xf32, #tpu.memory_space<vmem>>
      %get3A_552 = tpu.memref_squeeze %get3A_551 : memref<1x50x256x128xf32, #tpu.memory_space<vmem>> -> memref<50x256x128xf32, #tpu.memory_space<vmem>>
      %get3A_553 = arith.constant 44 : index
      %get3A_554 = arith.constant 0 : index
      %get3A_555 = arith.constant 0 : index
      %get3A_556 = vector.load %get3A_552[%get3A_553, %get3A_554, %get3A_555] : memref<50x256x128xf32, #tpu.memory_space<vmem>>, vector<1x256x128xf32>
      %get3A_557 = vector.shape_cast %get3A_556 : vector<1x256x128xf32> to vector<256x128xf32>
      %add3A_558 = arith.addf %add3A_547, %get3A_557 : vector<256x128xf32>
      %get3A_559 = arith.constant 0 : i32
      %get3A_560 = arith.constant 0 : i32
      %get3A_561 = arith.constant 0 : i32
      %get3A_562 = tpu.memref_slice %arg22[%rem3A_4, %get3A_559, %get3A_560, %get3A_561] : memref<2x50x256x128xf32, #tpu.memory_space<vmem>> -> memref<1x50x256x128xf32, #tpu.memory_space<vmem>>
      %get3A_563 = tpu.memref_squeeze %get3A_562 : memref<1x50x256x128xf32, #tpu.memory_space<vmem>> -> memref<50x256x128xf32, #tpu.memory_space<vmem>>
      %get3A_564 = arith.constant 45 : index
      %get3A_565 = arith.constant 0 : index
      %get3A_566 = arith.constant 0 : index
      %get3A_567 = vector.load %get3A_563[%get3A_564, %get3A_565, %get3A_566] : memref<50x256x128xf32, #tpu.memory_space<vmem>>, vector<1x256x128xf32>
      %get3A_568 = vector.shape_cast %get3A_567 : vector<1x256x128xf32> to vector<256x128xf32>
      %add3A_569 = arith.addf %add3A_558, %get3A_568 : vector<256x128xf32>
      %get3A_570 = arith.constant 0 : i32
      %get3A_571 = arith.constant 0 : i32
      %get3A_572 = arith.constant 0 : i32
      %get3A_573 = tpu.memref_slice %arg22[%rem3A_4, %get3A_570, %get3A_571, %get3A_572] : memref<2x50x256x128xf32, #tpu.memory_space<vmem>> -> memref<1x50x256x128xf32, #tpu.memory_space<vmem>>
      %get3A_574 = tpu.memref_squeeze %get3A_573 : memref<1x50x256x128xf32, #tpu.memory_space<vmem>> -> memref<50x256x128xf32, #tpu.memory_space<vmem>>
      %get3A_575 = arith.constant 46 : index
      %get3A_576 = arith.constant 0 : index
      %get3A_577 = arith.constant 0 : index
      %get3A_578 = vector.load %get3A_574[%get3A_575, %get3A_576, %get3A_577] : memref<50x256x128xf32, #tpu.memory_space<vmem>>, vector<1x256x128xf32>
      %get3A_579 = vector.shape_cast %get3A_578 : vector<1x256x128xf32> to vector<256x128xf32>
      %add3A_580 = arith.addf %add3A_569, %get3A_579 : vector<256x128xf32>
      %get3A_581 = arith.constant 0 : i32
      %get3A_582 = arith.constant 0 : i32
      %get3A_583 = arith.constant 0 : i32
      %get3A_584 = tpu.memref_slice %arg22[%rem3A_4, %get3A_581, %get3A_582, %get3A_583] : memref<2x50x256x128xf32, #tpu.memory_space<vmem>> -> memref<1x50x256x128xf32, #tpu.memory_space<vmem>>
      %get3A_585 = tpu.memref_squeeze %get3A_584 : memref<1x50x256x128xf32, #tpu.memory_space<vmem>> -> memref<50x256x128xf32, #tpu.memory_space<vmem>>
      %get3A_586 = arith.constant 47 : index
      %get3A_587 = arith.constant 0 : index
      %get3A_588 = arith.constant 0 : index
      %get3A_589 = vector.load %get3A_585[%get3A_586, %get3A_587, %get3A_588] : memref<50x256x128xf32, #tpu.memory_space<vmem>>, vector<1x256x128xf32>
      %get3A_590 = vector.shape_cast %get3A_589 : vector<1x256x128xf32> to vector<256x128xf32>
      %add3A_591 = arith.addf %add3A_580, %get3A_590 : vector<256x128xf32>
      %get3A_592 = arith.constant 0 : i32
      %get3A_593 = arith.constant 0 : i32
      %get3A_594 = arith.constant 0 : i32
      %get3A_595 = tpu.memref_slice %arg22[%rem3A_4, %get3A_592, %get3A_593, %get3A_594] : memref<2x50x256x128xf32, #tpu.memory_space<vmem>> -> memref<1x50x256x128xf32, #tpu.memory_space<vmem>>
      %get3A_596 = tpu.memref_squeeze %get3A_595 : memref<1x50x256x128xf32, #tpu.memory_space<vmem>> -> memref<50x256x128xf32, #tpu.memory_space<vmem>>
      %get3A_597 = arith.constant 48 : index
      %get3A_598 = arith.constant 0 : index
      %get3A_599 = arith.constant 0 : index
      %get3A_600 = vector.load %get3A_596[%get3A_597, %get3A_598, %get3A_599] : memref<50x256x128xf32, #tpu.memory_space<vmem>>, vector<1x256x128xf32>
      %get3A_601 = vector.shape_cast %get3A_600 : vector<1x256x128xf32> to vector<256x128xf32>
      %add3A_602 = arith.addf %add3A_591, %get3A_601 : vector<256x128xf32>
      %get3A_603 = arith.constant 0 : i32
      %get3A_604 = arith.constant 0 : i32
      %get3A_605 = arith.constant 0 : i32
      %get3A_606 = tpu.memref_slice %arg22[%rem3A_4, %get3A_603, %get3A_604, %get3A_605] : memref<2x50x256x128xf32, #tpu.memory_space<vmem>> -> memref<1x50x256x128xf32, #tpu.memory_space<vmem>>
      %get3A_607 = tpu.memref_squeeze %get3A_606 : memref<1x50x256x128xf32, #tpu.memory_space<vmem>> -> memref<50x256x128xf32, #tpu.memory_space<vmem>>
      %get3A_608 = arith.constant 49 : index
      %get3A_609 = arith.constant 0 : index
      %get3A_610 = arith.constant 0 : index
      %get3A_611 = vector.load %get3A_607[%get3A_608, %get3A_609, %get3A_610] : memref<50x256x128xf32, #tpu.memory_space<vmem>>, vector<1x256x128xf32>
      %get3A_612 = vector.shape_cast %get3A_611 : vector<1x256x128xf32> to vector<256x128xf32>
      %add3A_613 = arith.addf %add3A_602, %get3A_612 : vector<256x128xf32>
      %mul3A_614 = arith.constant 2.000000e-02 : f32
      %mul3A_615 = vector.broadcast %mul3A_614 : f32 to vector<256x128xf32>
      %mul3A_616 = arith.mulf %add3A_613, %mul3A_615 : vector<256x128xf32>
      %get3A_617 = arith.constant 0 : index
      %get3A_618 = arith.constant 0 : index
      %get3A_619 = vector.load %arg11[%get3A_617, %get3A_618] : memref<128x128xf32, #tpu.memory_space<vmem>>, vector<128x128xf32>
      %dot_general3A_620 = arith.constant dense<0.000000e+00> : vector<256x128xf32>
      %dot_general3A_621 = tpu.matmul %mul3A_616, %get3A_619, %dot_general3A_620 {dimension_numbers = #tpu.dot_dimension_numbers<[1], [0], [0], [1], [0, 0, 1, 1], [], []>, transpose_lhs_hint = false} : vector<256x128xf32>, vector<128x128xf32>, vector<256x128xf32> -> vector<256x128xf32>
      %get3A_622 = arith.constant 0 : index
      %get3A_623 = arith.constant 0 : index
      %get3A_624 = vector.load %arg12[%get3A_622, %get3A_623] : memref<1x128xf32, #tpu.memory_space<vmem>>, vector<1x128xf32>
      %add3A_625 = vector.broadcast %get3A_624 : vector<1x128xf32> to vector<256x128xf32>
      %add3A_626 = arith.addf %dot_general3A_621, %add3A_625 : vector<256x128xf32>
      %max3A_627 = arith.constant 0.000000e+00 : f32
      %max3A_628 = vector.broadcast %max3A_627 : f32 to vector<256x128xf32>
      %max3A_629 = arith.maximumf %add3A_626, %max3A_628 : vector<256x128xf32>
      %get3A_630 = arith.constant 0 : index
      %get3A_631 = arith.constant 0 : index
      %get3A_632 = vector.load %arg13[%get3A_630, %get3A_631] : memref<128x128xf32, #tpu.memory_space<vmem>>, vector<128x128xf32>
      %dot_general3A_633 = arith.constant dense<0.000000e+00> : vector<256x128xf32>
      %dot_general3A_634 = tpu.matmul %get3A_27, %get3A_632, %dot_general3A_633 {dimension_numbers = #tpu.dot_dimension_numbers<[1], [0], [0], [1], [0, 0, 1, 1], [], []>, transpose_lhs_hint = false} : vector<256x128xf32>, vector<128x128xf32>, vector<256x128xf32> -> vector<256x128xf32>
      %get3A_635 = arith.constant 0 : index
      %get3A_636 = arith.constant 0 : index
      %get3A_637 = vector.load %arg14[%get3A_635, %get3A_636] : memref<1x128xf32, #tpu.memory_space<vmem>>, vector<1x128xf32>
      %add3A_638 = vector.broadcast %get3A_637 : vector<1x128xf32> to vector<256x128xf32>
      %add3A_639 = arith.addf %dot_general3A_634, %add3A_638 : vector<256x128xf32>
      %max3A_640 = arith.constant 0.000000e+00 : f32
      %max3A_641 = vector.broadcast %max3A_640 : f32 to vector<256x128xf32>
      %max3A_642 = arith.maximumf %add3A_639, %max3A_641 : vector<256x128xf32>
      %get3A_643 = arith.constant 0 : index
      %get3A_644 = arith.constant 0 : index
      %get3A_645 = vector.load %arg15[%get3A_643, %get3A_644] : memref<256x128xf32, #tpu.memory_space<vmem>>, vector<256x128xf32>
      %slice3A = vector.extract_strided_slice %get3A_645 {offsets = [0, 0], sizes = [128, 128], strides = [1, 1]} : vector<256x128xf32> to vector<128x128xf32>
      %dot_general3A_646 = arith.constant dense<0.000000e+00> : vector<256x128xf32>
      %dot_general3A_647 = tpu.matmul %max3A_629, %slice3A, %dot_general3A_646 {dimension_numbers = #tpu.dot_dimension_numbers<[1], [0], [0], [1], [0, 0, 1, 1], [], []>, transpose_lhs_hint = false} : vector<256x128xf32>, vector<128x128xf32>, vector<256x128xf32> -> vector<256x128xf32>
      %slice3A_648 = vector.extract_strided_slice %get3A_645 {offsets = [128, 0], sizes = [128, 128], strides = [1, 1]} : vector<256x128xf32> to vector<128x128xf32>
      %dot_general3A_649 = arith.constant dense<0.000000e+00> : vector<256x128xf32>
      %dot_general3A_650 = tpu.matmul %max3A_642, %slice3A_648, %dot_general3A_649 {dimension_numbers = #tpu.dot_dimension_numbers<[1], [0], [0], [1], [0, 0, 1, 1], [], []>, transpose_lhs_hint = false} : vector<256x128xf32>, vector<128x128xf32>, vector<256x128xf32> -> vector<256x128xf32>
      %add3A_651 = arith.addf %dot_general3A_647, %dot_general3A_650 : vector<256x128xf32>
      %get3A_652 = arith.constant 0 : index
      %get3A_653 = arith.constant 0 : index
      %get3A_654 = vector.load %arg16[%get3A_652, %get3A_653] : memref<1x128xf32, #tpu.memory_space<vmem>>, vector<1x128xf32>
      %add3A_655 = vector.broadcast %get3A_654 : vector<1x128xf32> to vector<256x128xf32>
      %add3A_656 = arith.addf %add3A_651, %add3A_655 : vector<256x128xf32>
      %ge3A = vector.broadcast %get3A_1 : i32 to vector<256x1xi32>
      %ge3A_657 = arith.cmpi sge, %add3A_24, %ge3A : vector<256x1xi32>
      %lt3A_658 = vector.broadcast %get3A_3 : i32 to vector<256x1xi32>
      %lt3A_659 = arith.cmpi slt, %add3A_24, %lt3A_658 : vector<256x1xi32>
      %and3A_660 = arith.andi %ge3A_657, %lt3A_659 : vector<256x1xi1>
      %get3A_661 = arith.constant 0 : index
      %get3A_662 = arith.constant 0 : index
      %get3A_663 = vector.load %arg21[%get3A_661, %get3A_662] : memref<256x128xf32, #tpu.memory_space<vmem>>, vector<256x128xf32>
      %broadcast_in_dim3A_664 = vector.shape_cast %and3A_660 : vector<256x1xi1> to vector<256x1xi1>
      %broadcast_in_dim3A_665 = vector.broadcast %broadcast_in_dim3A_664 : vector<256x1xi1> to vector<256x128xi1>
      %select_n3A = arith.select %broadcast_in_dim3A_665, %add3A_656, %get3A_663 : vector<256x128xi1>, vector<256x128xf32>
      %swap3A_666 = arith.constant 0 : index
      %swap3A_667 = arith.constant 0 : index
      %swap3A_668 = vector.load %arg21[%swap3A_666, %swap3A_667] : memref<256x128xf32, #tpu.memory_space<vmem>>, vector<256x128xf32>
      tpu.vector_store %arg21[%swap3A_666, %swap3A_667], %select_n3A {strides = array<i32>} : memref<256x128xf32, #tpu.memory_space<vmem>>, vector<256x128xf32>,
    } else {
    }
    %lt3A_59 = arith.cmpi slt, %mul3A_0, %get3A_1 : i32
    %convert_element_type3A_60 = arith.extui %lt3A_59 : i1 to i32
    %cond3A_61 = arith.constant 0 : i32
    %cond3A_62 = arith.cmpi ne, %convert_element_type3A_60, %cond3A_61 : i32
    scf.if %cond3A_62 {
      %get3A_63 = arith.constant 0 : index
      %get3A_64 = arith.constant 0 : index
      %get3A_65 = vector.load %arg5[%get3A_63, %get3A_64] : memref<128x384xbf16, #tpu.memory_space<vmem>>, vector<128x384xbf16>
      %get3A_66 = arith.constant 0 : index
      %get3A_67 = arith.constant 0 : index
      %get3A_68 = vector.load %arg6[%get3A_66, %get3A_67] : memref<128x384xbf16, #tpu.memory_space<vmem>>, vector<128x384xbf16>
      %get3A_69 = arith.constant 0 : index
      %get3A_70 = arith.constant 0 : index
      %get3A_71 = vector.load %arg7[%get3A_69, %get3A_70] : memref<1x384xf32, #tpu.memory_space<vmem>>, vector<1x384xf32>
      %get3A_72 = arith.constant 0 : index
      %get3A_73 = arith.constant 0 : index
      %get3A_74 = vector.load %arg8[%get3A_72, %get3A_73] : memref<1x384xf32, #tpu.memory_space<vmem>>, vector<1x384xf32>
      %get3A_75 = arith.constant 0 : index
      %get3A_76 = arith.constant 0 : index
      %get3A_77 = vector.load %arg9[%get3A_75, %get3A_76] : memref<128x1xf32, #tpu.memory_space<vmem>>, vector<128x1xf32>
      %get3A_78 = arith.constant 0 : index
      %get3A_79 = arith.constant 0 : index
      %get3A_80 = vector.load %arg10[%get3A_78, %get3A_79] : memref<1x1xf32, #tpu.memory_space<vmem>>, vector<1x1xf32>
      %broadcast_in_dim3A = arith.constant 0.000000e+00 : f32
      %broadcast_in_dim3A_81 = vector.broadcast %broadcast_in_dim3A : f32 to vector<256x128xf32>
      %broadcast_in_dim3A_82 = arith.constant 0.000000e+00 : f32
      %broadcast_in_dim3A_83 = vector.broadcast %broadcast_in_dim3A_82 : f32 to vector<256x1xf32>
      %broadcast_in_dim3A_84 = arith.constant 0.000000e+00 : f32
      %broadcast_in_dim3A_85 = vector.broadcast %broadcast_in_dim3A_84 : f32 to vector<256x128xf32>
      %get3A_86 = arith.constant 0 : i32
      %get3A_87 = arith.constant 0 : i32
      %get3A_88 = arith.constant 0 : i32
      %get3A_89 = tpu.memref_slice %arg22[%rem3A_4, %get3A_86, %get3A_87, %get3A_88] : memref<2x50x256x128xf32, #tpu.memory_space<vmem>> -> memref<1x50x256x128xf32, #tpu.memory_space<vmem>>
      %get3A_90 = tpu.memref_squeeze %get3A_89 : memref<1x50x256x128xf32, #tpu.memory_space<vmem>> -> memref<50x256x128xf32, #tpu.memory_space<vmem>>
      %get3A_91 = arith.constant 0 : index
      %get3A_92 = arith.constant 0 : index
      %get3A_93 = arith.constant 0 : index
      %get3A_94 = vector.load %get3A_90[%get3A_91, %get3A_92, %get3A_93] : memref<50x256x128xf32, #tpu.memory_space<vmem>>, vector<1x256x128xf32>
      %get3A_95 = vector.shape_cast %get3A_94 : vector<1x256x128xf32> to vector<256x128xf32>
      %convert_element_type3A_96 = arith.truncf %get3A_95 : vector<256x128xf32> to vector<256x128xbf16>
      %dot_general3A_97 = arith.constant dense<0.000000e+00> : vector<256x384xf32>
      %dot_general3A_98 = tpu.matmul %convert_element_type3A_96, %get3A_65, %dot_general3A_97 {dimension_numbers = #tpu.dot_dimension_numbers<[1], [0], [0], [1], [0, 0, 1, 1], [], []>, transpose_lhs_hint = false} : vector<256x128xbf16>, vector<128x384xbf16>, vector<256x384xf32> -> vector<256x384xf32>
      %add3A_99 = vector.broadcast %get3A_71 : vector<1x384xf32> to vector<256x384xf32>
      %add3A_100 = arith.addf %dot_general3A_98, %add3A_99 : vector<256x384xf32>
      %convert_element_type3A_101 = arith.truncf %broadcast_in_dim3A_81 : vector<256x128xf32> to vector<256x128xbf16>
      %dot_general3A_102 = arith.constant dense<0.000000e+00> : vector<256x384xf32>
      %dot_general3A_103 = tpu.matmul %convert_element_type3A_101, %get3A_68, %dot_general3A_102 {dimension_numbers = #tpu.dot_dimension_numbers<[1], [0], [0], [1], [0, 0, 1, 1], [], []>, transpose_lhs_hint = false} : vector<256x128xbf16>, vector<128x384xbf16>, vector<256x384xf32> -> vector<256x384xf32>
      %add3A_104 = vector.broadcast %get3A_74 : vector<1x384xf32> to vector<256x384xf32>
      %add3A_105 = arith.addf %dot_general3A_103, %add3A_104 : vector<256x384xf32>
      %slice3A = vector.extract_strided_slice %add3A_100 {offsets = [0, 0], sizes = [256, 128], strides = [1, 1]} : vector<256x384xf32> to vector<256x128xf32>
      %slice3A_106 = vector.extract_strided_slice %add3A_105 {offsets = [0, 0], sizes = [256, 128], strides = [1, 1]} : vector<256x384xf32> to vector<256x128xf32>
      %add3A_107 = arith.addf %slice3A, %slice3A_106 : vector<256x128xf32>
      %logistic3A = arith.negf %add3A_107 : vector<256x128xf32>
      %logistic3A_108 = math.exp %logistic3A : vector<256x128xf32>
      %logistic3A_109 = arith.constant 1.000000e+00 : f32
      %logistic3A_110 = vector.broadcast %logistic3A_109 : f32 to vector<256x128xf32>
      %logistic3A_111 = arith.addf %logistic3A_110, %logistic3A_108 : vector<256x128xf32>
      %logistic3A_112 = arith.divf %logistic3A_110, %logistic3A_111 : vector<256x128xf32>
      %slice3A_113 = vector.extract_strided_slice %add3A_100 {offsets = [0, 128], sizes = [256, 128], strides = [1, 1]} : vector<256x384xf32> to vector<256x128xf32>
      %slice3A_114 = vector.extract_strided_slice %add3A_105 {offsets = [0, 128], sizes = [256, 128], strides = [1, 1]} : vector<256x384xf32> to vector<256x128xf32>
      %add3A_115 = arith.addf %slice3A_113, %slice3A_114 : vector<256x128xf32>
      %logistic3A_116 = arith.negf %add3A_115 : vector<256x128xf32>
      %logistic3A_117 = math.exp %logistic3A_116 : vector<256x128xf32>
      %logistic3A_118 = arith.constant 1.000000e+00 : f32
      %logistic3A_119 = vector.broadcast %logistic3A_118 : f32 to vector<256x128xf32>
      %logistic3A_120 = arith.addf %logistic3A_119, %logistic3A_117 : vector<256x128xf32>
      %logistic3A_121 = arith.divf %logistic3A_119, %logistic3A_120 : vector<256x128xf32>
      %slice3A_122 = vector.extract_strided_slice %add3A_100 {offsets = [0, 256], sizes = [256, 128], strides = [1, 1]} : vector<256x384xf32> to vector<256x128xf32>
      %slice3A_123 = vector.extract_strided_slice %add3A_105 {offsets = [0, 256], sizes = [256, 128], strides = [1, 1]} : vector<256x384xf32> to vector<256x128xf32>
      %mul3A_124 = arith.mulf %logistic3A_112, %slice3A_123 : vector<256x128xf32>
      %add3A_125 = arith.addf %slice3A_122, %mul3A_124 : vector<256x128xf32>
      %tanh3A = math.tanh %add3A_125 : vector<256x128xf32>
      %sub3A = arith.subf %broadcast_in_dim3A_81, %tanh3A : vector<256x128xf32>
      %mul3A_126 = arith.mulf %logistic3A_121, %sub3A : vector<256x128xf32>
      %add3A_127 = arith.addf %tanh3A, %mul3A_126 : vector<256x128xf32>
      %dot_general3A_128 = arith.constant dense<0.000000e+00> : vector<256x1xf32>
      %dot_general3A_129 = tpu.matmul %add3A_127, %get3A_77, %dot_general3A_128 {dimension_numbers = #tpu.dot_dimension_numbers<[1], [0], [0], [1], [0, 0, 1, 1], [], []>, transpose_lhs_hint = false} : vector<256x128xf32>, vector<128x1xf32>, vector<256x1xf32> -> vector<256x1xf32>
      %add3A_130 = vector.broadcast %get3A_80 : vector<1x1xf32> to vector<256x1xf32>
      %add3A_131 = arith.addf %dot_general3A_129, %add3A_130 : vector<256x1xf32>
      %exp3A = math.exp %add3A_131 : vector<256x1xf32>
      %add3A_132 = arith.addf %broadcast_in_dim3A_83, %exp3A : vector<256x1xf32>
      %mul3A_133 = vector.broadcast %exp3A : vector<256x1xf32> to vector<256x128xf32>
      %mul3A_134 = arith.mulf %mul3A_133, %add3A_127 : vector<256x128xf32>
      %add3A_135 = arith.addf %broadcast_in_dim3A_85, %mul3A_134 : vector<256x128xf32>
      %get3A_136 = arith.constant 0 : i32
      %get3A_137 = arith.constant 0 : i32
      %get3A_138 = arith.constant 0 : i32
      %get3A_139 = tpu.memref_slice %arg22[%rem3A_4, %get3A_136, %get3A_137, %get3A_138] : memref<2x50x256x128xf32, #tpu.memory_space<vmem>> -> memref<1x50x256x128xf32, #tpu.memory_space<vmem>>
      %get3A_140 = tpu.memref_squeeze %get3A_139 : memref<1x50x256x128xf32, #tpu.memory_space<vmem>> -> memref<50x256x128xf32, #tpu.memory_space<vmem>>
      %get3A_141 = arith.constant 1 : index
      %get3A_142 = arith.constant 0 : index
      %get3A_143 = arith.constant 0 : index
      %get3A_144 = vector.load %get3A_140[%get3A_141, %get3A_142, %get3A_143] : memref<50x256x128xf32, #tpu.memory_space<vmem>>, vector<1x256x128xf32>
      %get3A_145 = vector.shape_cast %get3A_144 : vector<1x256x128xf32> to vector<256x128xf32>
      %convert_element_type3A_146 = arith.truncf %get3A_145 : vector<256x128xf32> to vector<256x128xbf16>
      %dot_general3A_147 = arith.constant dense<0.000000e+00> : vector<256x384xf32>
      %dot_general3A_148 = tpu.matmul %convert_element_type3A_146, %get3A_65, %dot_general3A_147 {dimension_numbers = #tpu.dot_dimension_numbers<[1], [0], [0], [1], [0, 0, 1, 1], [], []>, transpose_lhs_hint = false} : vector<256x128xbf16>, vector<128x384xbf16>, vector<256x384xf32> -> vector<256x384xf32>
      %add3A_149 = vector.broadcast %get3A_71 : vector<1x384xf32> to vector<256x384xf32>
      %add3A_150 = arith.addf %dot_general3A_148, %add3A_149 : vector<256x384xf32>
      %convert_element_type3A_151 = arith.truncf %add3A_127 : vector<256x128xf32> to vector<256x128xbf16>
      %dot_general3A_152 = arith.constant dense<0.000000e+00> : vector<256x384xf32>
      %dot_general3A_153 = tpu.matmul %convert_element_type3A_151, %get3A_68, %dot_general3A_152 {dimension_numbers = #tpu.dot_dimension_numbers<[1], [0], [0], [1], [0, 0, 1, 1], [], []>, transpose_lhs_hint = false} : vector<256x128xbf16>, vector<128x384xbf16>, vector<256x384xf32> -> vector<256x384xf32>
      %add3A_154 = vector.broadcast %get3A_74 : vector<1x384xf32> to vector<256x384xf32>
      %add3A_155 = arith.addf %dot_general3A_153, %add3A_154 : vector<256x384xf32>
      %slice3A_156 = vector.extract_strided_slice %add3A_150 {offsets = [0, 0], sizes = [256, 128], strides = [1, 1]} : vector<256x384xf32> to vector<256x128xf32>
      %slice3A_157 = vector.extract_strided_slice %add3A_155 {offsets = [0, 0], sizes = [256, 128], strides = [1, 1]} : vector<256x384xf32> to vector<256x128xf32>
      %add3A_158 = arith.addf %slice3A_156, %slice3A_157 : vector<256x128xf32>
      %logistic3A_159 = arith.negf %add3A_158 : vector<256x128xf32>
      %logistic3A_160 = math.exp %logistic3A_159 : vector<256x128xf32>
      %logistic3A_161 = arith.constant 1.000000e+00 : f32
      %logistic3A_162 = vector.broadcast %logistic3A_161 : f32 to vector<256x128xf32>
      %logistic3A_163 = arith.addf %logistic3A_162, %logistic3A_160 : vector<256x128xf32>
      %logistic3A_164 = arith.divf %logistic3A_162, %logistic3A_163 : vector<256x128xf32>
      %slice3A_165 = vector.extract_strided_slice %add3A_150 {offsets = [0, 128], sizes = [256, 128], strides = [1, 1]} : vector<256x384xf32> to vector<256x128xf32>
      %slice3A_166 = vector.extract_strided_slice %add3A_155 {offsets = [0, 128], sizes = [256, 128], strides = [1, 1]} : vector<256x384xf32> to vector<256x128xf32>
      %add3A_167 = arith.addf %slice3A_165, %slice3A_166 : vector<256x128xf32>
      %logistic3A_168 = arith.negf %add3A_167 : vector<256x128xf32>
      %logistic3A_169 = math.exp %logistic3A_168 : vector<256x128xf32>
      %logistic3A_170 = arith.constant 1.000000e+00 : f32
      %logistic3A_171 = vector.broadcast %logistic3A_170 : f32 to vector<256x128xf32>
      %logistic3A_172 = arith.addf %logistic3A_171, %logistic3A_169 : vector<256x128xf32>
      %logistic3A_173 = arith.divf %logistic3A_171, %logistic3A_172 : vector<256x128xf32>
      %slice3A_174 = vector.extract_strided_slice %add3A_150 {offsets = [0, 256], sizes = [256, 128], strides = [1, 1]} : vector<256x384xf32> to vector<256x128xf32>
      %slice3A_175 = vector.extract_strided_slice %add3A_155 {offsets = [0, 256], sizes = [256, 128], strides = [1, 1]} : vector<256x384xf32> to vector<256x128xf32>
      %mul3A_176 = arith.mulf %logistic3A_164, %slice3A_175 : vector<256x128xf32>
      %add3A_177 = arith.addf %slice3A_174, %mul3A_176 : vector<256x128xf32>
      %tanh3A_178 = math.tanh %add3A_177 : vector<256x128xf32>
      %sub3A_179 = arith.subf %add3A_127, %tanh3A_178 : vector<256x128xf32>
      %mul3A_180 = arith.mulf %logistic3A_173, %sub3A_179 : vector<256x128xf32>
      %add3A_181 = arith.addf %tanh3A_178, %mul3A_180 : vector<256x128xf32>
      %dot_general3A_182 = arith.constant dense<0.000000e+00> : vector<256x1xf32>
      %dot_general3A_183 = tpu.matmul %add3A_181, %get3A_77, %dot_general3A_182 {dimension_numbers = #tpu.dot_dimension_numbers<[1], [0], [0], [1], [0, 0, 1, 1], [], []>, transpose_lhs_hint = false} : vector<256x128xf32>, vector<128x1xf32>, vector<256x1xf32> -> vector<256x1xf32>
      %add3A_184 = vector.broadcast %get3A_80 : vector<1x1xf32> to vector<256x1xf32>
      %add3A_185 = arith.addf %dot_general3A_183, %add3A_184 : vector<256x1xf32>
      %exp3A_186 = math.exp %add3A_185 : vector<256x1xf32>
      %add3A_187 = arith.addf %add3A_132, %exp3A_186 : vector<256x1xf32>
      %mul3A_188 = vector.broadcast %exp3A_186 : vector<256x1xf32> to vector<256x128xf32>
      %mul3A_189 = arith.mulf %mul3A_188, %add3A_181 : vector<256x128xf32>
      %add3A_190 = arith.addf %add3A_135, %mul3A_189 : vector<256x128xf32>
      %get3A_191 = arith.constant 0 : i32
      %get3A_192 = arith.constant 0 : i32
      %get3A_193 = arith.constant 0 : i32
      %get3A_194 = tpu.memref_slice %arg22[%rem3A_4, %get3A_191, %get3A_192, %get3A_193] : memref<2x50x256x128xf32, #tpu.memory_space<vmem>> -> memref<1x50x256x128xf32, #tpu.memory_space<vmem>>
      %get3A_195 = tpu.memref_squeeze %get3A_194 : memref<1x50x256x128xf32, #tpu.memory_space<vmem>> -> memref<50x256x128xf32, #tpu.memory_space<vmem>>
      %get3A_196 = arith.constant 2 : index
      %get3A_197 = arith.constant 0 : index
      %get3A_198 = arith.constant 0 : index
      %get3A_199 = vector.load %get3A_195[%get3A_196, %get3A_197, %get3A_198] : memref<50x256x128xf32, #tpu.memory_space<vmem>>, vector<1x256x128xf32>
      %get3A_200 = vector.shape_cast %get3A_199 : vector<1x256x128xf32> to vector<256x128xf32>
      %convert_element_type3A_201 = arith.truncf %get3A_200 : vector<256x128xf32> to vector<256x128xbf16>
      %dot_general3A_202 = arith.constant dense<0.000000e+00> : vector<256x384xf32>
      %dot_general3A_203 = tpu.matmul %convert_element_type3A_201, %get3A_65, %dot_general3A_202 {dimension_numbers = #tpu.dot_dimension_numbers<[1], [0], [0], [1], [0, 0, 1, 1], [], []>, transpose_lhs_hint = false} : vector<256x128xbf16>, vector<128x384xbf16>, vector<256x384xf32> -> vector<256x384xf32>
      %add3A_204 = vector.broadcast %get3A_71 : vector<1x384xf32> to vector<256x384xf32>
      %add3A_205 = arith.addf %dot_general3A_203, %add3A_204 : vector<256x384xf32>
      %convert_element_type3A_206 = arith.truncf %add3A_181 : vector<256x128xf32> to vector<256x128xbf16>
      %dot_general3A_207 = arith.constant dense<0.000000e+00> : vector<256x384xf32>
      %dot_general3A_208 = tpu.matmul %convert_element_type3A_206, %get3A_68, %dot_general3A_207 {dimension_numbers = #tpu.dot_dimension_numbers<[1], [0], [0], [1], [0, 0, 1, 1], [], []>, transpose_lhs_hint = false} : vector<256x128xbf16>, vector<128x384xbf16>, vector<256x384xf32> -> vector<256x384xf32>
      %add3A_209 = vector.broadcast %get3A_74 : vector<1x384xf32> to vector<256x384xf32>
      %add3A_210 = arith.addf %dot_general3A_208, %add3A_209 : vector<256x384xf32>
      %slice3A_211 = vector.extract_strided_slice %add3A_205 {offsets = [0, 0], sizes = [256, 128], strides = [1, 1]} : vector<256x384xf32> to vector<256x128xf32>
      %slice3A_212 = vector.extract_strided_slice %add3A_210 {offsets = [0, 0], sizes = [256, 128], strides = [1, 1]} : vector<256x384xf32> to vector<256x128xf32>
      %add3A_213 = arith.addf %slice3A_211, %slice3A_212 : vector<256x128xf32>
      %logistic3A_214 = arith.negf %add3A_213 : vector<256x128xf32>
      %logistic3A_215 = math.exp %logistic3A_214 : vector<256x128xf32>
      %logistic3A_216 = arith.constant 1.000000e+00 : f32
      %logistic3A_217 = vector.broadcast %logistic3A_216 : f32 to vector<256x128xf32>
      %logistic3A_218 = arith.addf %logistic3A_217, %logistic3A_215 : vector<256x128xf32>
      %logistic3A_219 = arith.divf %logistic3A_217, %logistic3A_218 : vector<256x128xf32>
      %slice3A_220 = vector.extract_strided_slice %add3A_205 {offsets = [0, 128], sizes = [256, 128], strides = [1, 1]} : vector<256x384xf32> to vector<256x128xf32>
      %slice3A_221 = vector.extract_strided_slice %add3A_210 {offsets = [0, 128], sizes = [256, 128], strides = [1, 1]} : vector<256x384xf32> to vector<256x128xf32>
      %add3A_222 = arith.addf %slice3A_220, %slice3A_221 : vector<256x128xf32>
      %logistic3A_223 = arith.negf %add3A_222 : vector<256x128xf32>
      %logistic3A_224 = math.exp %logistic3A_223 : vector<256x128xf32>
      %logistic3A_225 = arith.constant 1.000000e+00 : f32
      %logistic3A_226 = vector.broadcast %logistic3A_225 : f32 to vector<256x128xf32>
      %logistic3A_227 = arith.addf %logistic3A_226, %logistic3A_224 : vector<256x128xf32>
      %logistic3A_228 = arith.divf %logistic3A_226, %logistic3A_227 : vector<256x128xf32>
      %slice3A_229 = vector.extract_strided_slice %add3A_205 {offsets = [0, 256], sizes = [256, 128], strides = [1, 1]} : vector<256x384xf32> to vector<256x128xf32>
      %slice3A_230 = vector.extract_strided_slice %add3A_210 {offsets = [0, 256], sizes = [256, 128], strides = [1, 1]} : vector<256x384xf32> to vector<256x128xf32>
      %mul3A_231 = arith.mulf %logistic3A_219, %slice3A_230 : vector<256x128xf32>
      %add3A_232 = arith.addf %slice3A_229, %mul3A_231 : vector<256x128xf32>
      %tanh3A_233 = math.tanh %add3A_232 : vector<256x128xf32>
      %sub3A_234 = arith.subf %add3A_181, %tanh3A_233 : vector<256x128xf32>
      %mul3A_235 = arith.mulf %logistic3A_228, %sub3A_234 : vector<256x128xf32>
      %add3A_236 = arith.addf %tanh3A_233, %mul3A_235 : vector<256x128xf32>
      %dot_general3A_237 = arith.constant dense<0.000000e+00> : vector<256x1xf32>
      %dot_general3A_238 = tpu.matmul %add3A_236, %get3A_77, %dot_general3A_237 {dimension_numbers = #tpu.dot_dimension_numbers<[1], [0], [0], [1], [0, 0, 1, 1], [], []>, transpose_lhs_hint = false} : vector<256x128xf32>, vector<128x1xf32>, vector<256x1xf32> -> vector<256x1xf32>
      %add3A_239 = vector.broadcast %get3A_80 : vector<1x1xf32> to vector<256x1xf32>
      %add3A_240 = arith.addf %dot_general3A_238, %add3A_239 : vector<256x1xf32>
      %exp3A_241 = math.exp %add3A_240 : vector<256x1xf32>
      %add3A_242 = arith.addf %add3A_187, %exp3A_241 : vector<256x1xf32>
      %mul3A_243 = vector.broadcast %exp3A_241 : vector<256x1xf32> to vector<256x128xf32>
      %mul3A_244 = arith.mulf %mul3A_243, %add3A_236 : vector<256x128xf32>
      %add3A_245 = arith.addf %add3A_190, %mul3A_244 : vector<256x128xf32>
      %get3A_246 = arith.constant 0 : i32
      %get3A_247 = arith.constant 0 : i32
      %get3A_248 = arith.constant 0 : i32
      %get3A_249 = tpu.memref_slice %arg22[%rem3A_4, %get3A_246, %get3A_247, %get3A_248] : memref<2x50x256x128xf32, #tpu.memory_space<vmem>> -> memref<1x50x256x128xf32, #tpu.memory_space<vmem>>
      %get3A_250 = tpu.memref_squeeze %get3A_249 : memref<1x50x256x128xf32, #tpu.memory_space<vmem>> -> memref<50x256x128xf32, #tpu.memory_space<vmem>>
      %get3A_251 = arith.constant 3 : index
      %get3A_252 = arith.constant 0 : index
      %get3A_253 = arith.constant 0 : index
      %get3A_254 = vector.load %get3A_250[%get3A_251, %get3A_252, %get3A_253] : memref<50x256x128xf32, #tpu.memory_space<vmem>>, vector<1x256x128xf32>
      %get3A_255 = vector.shape_cast %get3A_254 : vector<1x256x128xf32> to vector<256x128xf32>
      %convert_element_type3A_256 = arith.truncf %get3A_255 : vector<256x128xf32> to vector<256x128xbf16>
      %dot_general3A_257 = arith.constant dense<0.000000e+00> : vector<256x384xf32>
      %dot_general3A_258 = tpu.matmul %convert_element_type3A_256, %get3A_65, %dot_general3A_257 {dimension_numbers = #tpu.dot_dimension_numbers<[1], [0], [0], [1], [0, 0, 1, 1], [], []>, transpose_lhs_hint = false} : vector<256x128xbf16>, vector<128x384xbf16>, vector<256x384xf32> -> vector<256x384xf32>
      %add3A_259 = vector.broadcast %get3A_71 : vector<1x384xf32> to vector<256x384xf32>
      %add3A_260 = arith.addf %dot_general3A_258, %add3A_259 : vector<256x384xf32>
      %convert_element_type3A_261 = arith.truncf %add3A_236 : vector<256x128xf32> to vector<256x128xbf16>
      %dot_general3A_262 = arith.constant dense<0.000000e+00> : vector<256x384xf32>
      %dot_general3A_263 = tpu.matmul %convert_element_type3A_261, %get3A_68, %dot_general3A_262 {dimension_numbers = #tpu.dot_dimension_numbers<[1], [0], [0], [1], [0, 0, 1, 1], [], []>, transpose_lhs_hint = false} : vector<256x128xbf16>, vector<128x384xbf16>, vector<256x384xf32> -> vector<256x384xf32>
      %add3A_264 = vector.broadcast %get3A_74 : vector<1x384xf32> to vector<256x384xf32>
      %add3A_265 = arith.addf %dot_general3A_263, %add3A_264 : vector<256x384xf32>
      %slice3A_266 = vector.extract_strided_slice %add3A_260 {offsets = [0, 0], sizes = [256, 128], strides = [1, 1]} : vector<256x384xf32> to vector<256x128xf32>
      %slice3A_267 = vector.extract_strided_slice %add3A_265 {offsets = [0, 0], sizes = [256, 128], strides = [1, 1]} : vector<256x384xf32> to vector<256x128xf32>
      %add3A_268 = arith.addf %slice3A_266, %slice3A_267 : vector<256x128xf32>
      %logistic3A_269 = arith.negf %add3A_268 : vector<256x128xf32>
      %logistic3A_270 = math.exp %logistic3A_269 : vector<256x128xf32>
      %logistic3A_271 = arith.constant 1.000000e+00 : f32
      %logistic3A_272 = vector.broadcast %logistic3A_271 : f32 to vector<256x128xf32>
      %logistic3A_273 = arith.addf %logistic3A_272, %logistic3A_270 : vector<256x128xf32>
      %logistic3A_274 = arith.divf %logistic3A_272, %logistic3A_273 : vector<256x128xf32>
      %slice3A_275 = vector.extract_strided_slice %add3A_260 {offsets = [0, 128], sizes = [256, 128], strides = [1, 1]} : vector<256x384xf32> to vector<256x128xf32>
      %slice3A_276 = vector.extract_strided_slice %add3A_265 {offsets = [0, 128], sizes = [256, 128], strides = [1, 1]} : vector<256x384xf32> to vector<256x128xf32>
      %add3A_277 = arith.addf %slice3A_275, %slice3A_276 : vector<256x128xf32>
      %logistic3A_278 = arith.negf %add3A_277 : vector<256x128xf32>
      %logistic3A_279 = math.exp %logistic3A_278 : vector<256x128xf32>
      %logistic3A_280 = arith.constant 1.000000e+00 : f32
      %logistic3A_281 = vector.broadcast %logistic3A_280 : f32 to vector<256x128xf32>
      %logistic3A_282 = arith.addf %logistic3A_281, %logistic3A_279 : vector<256x128xf32>
      %logistic3A_283 = arith.divf %logistic3A_281, %logistic3A_282 : vector<256x128xf32>
      %slice3A_284 = vector.extract_strided_slice %add3A_260 {offsets = [0, 256], sizes = [256, 128], strides = [1, 1]} : vector<256x384xf32> to vector<256x128xf32>
      %slice3A_285 = vector.extract_strided_slice %add3A_265 {offsets = [0, 256], sizes = [256, 128], strides = [1, 1]} : vector<256x384xf32> to vector<256x128xf32>
      %mul3A_286 = arith.mulf %logistic3A_274, %slice3A_285 : vector<256x128xf32>
      %add3A_287 = arith.addf %slice3A_284, %mul3A_286 : vector<256x128xf32>
      %tanh3A_288 = math.tanh %add3A_287 : vector<256x128xf32>
      %sub3A_289 = arith.subf %add3A_236, %tanh3A_288 : vector<256x128xf32>
      %mul3A_290 = arith.mulf %logistic3A_283, %sub3A_289 : vector<256x128xf32>
      %add3A_291 = arith.addf %tanh3A_288, %mul3A_290 : vector<256x128xf32>
      %dot_general3A_292 = arith.constant dense<0.000000e+00> : vector<256x1xf32>
      %dot_general3A_293 = tpu.matmul %add3A_291, %get3A_77, %dot_general3A_292 {dimension_numbers = #tpu.dot_dimension_numbers<[1], [0], [0], [1], [0, 0, 1, 1], [], []>, transpose_lhs_hint = false} : vector<256x128xf32>, vector<128x1xf32>, vector<256x1xf32> -> vector<256x1xf32>
      %add3A_294 = vector.broadcast %get3A_80 : vector<1x1xf32> to vector<256x1xf32>
      %add3A_295 = arith.addf %dot_general3A_293, %add3A_294 : vector<256x1xf32>
      %exp3A_296 = math.exp %add3A_295 : vector<256x1xf32>
      %add3A_297 = arith.addf %add3A_242, %exp3A_296 : vector<256x1xf32>
      %mul3A_298 = vector.broadcast %exp3A_296 : vector<256x1xf32> to vector<256x128xf32>
      %mul3A_299 = arith.mulf %mul3A_298, %add3A_291 : vector<256x128xf32>
      %add3A_300 = arith.addf %add3A_245, %mul3A_299 : vector<256x128xf32>
      %get3A_301 = arith.constant 0 : i32
      %get3A_302 = arith.constant 0 : i32
      %get3A_303 = arith.constant 0 : i32
      %get3A_304 = tpu.memref_slice %arg22[%rem3A_4, %get3A_301, %get3A_302, %get3A_303] : memref<2x50x256x128xf32, #tpu.memory_space<vmem>> -> memref<1x50x256x128xf32, #tpu.memory_space<vmem>>
      %get3A_305 = tpu.memref_squeeze %get3A_304 : memref<1x50x256x128xf32, #tpu.memory_space<vmem>> -> memref<50x256x128xf32, #tpu.memory_space<vmem>>
      %get3A_306 = arith.constant 4 : index
      %get3A_307 = arith.constant 0 : index
      %get3A_308 = arith.constant 0 : index
      %get3A_309 = vector.load %get3A_305[%get3A_306, %get3A_307, %get3A_308] : memref<50x256x128xf32, #tpu.memory_space<vmem>>, vector<1x256x128xf32>
      %get3A_310 = vector.shape_cast %get3A_309 : vector<1x256x128xf32> to vector<256x128xf32>
      %convert_element_type3A_311 = arith.truncf %get3A_310 : vector<256x128xf32> to vector<256x128xbf16>
      %dot_general3A_312 = arith.constant dense<0.000000e+00> : vector<256x384xf32>
      %dot_general3A_313 = tpu.matmul %convert_element_type3A_311, %get3A_65, %dot_general3A_312 {dimension_numbers = #tpu.dot_dimension_numbers<[1], [0], [0], [1], [0, 0, 1, 1], [], []>, transpose_lhs_hint = false} : vector<256x128xbf16>, vector<128x384xbf16>, vector<256x384xf32> -> vector<256x384xf32>
      %add3A_314 = vector.broadcast %get3A_71 : vector<1x384xf32> to vector<256x384xf32>
      %add3A_315 = arith.addf %dot_general3A_313, %add3A_314 : vector<256x384xf32>
      %convert_element_type3A_316 = arith.truncf %add3A_291 : vector<256x128xf32> to vector<256x128xbf16>
      %dot_general3A_317 = arith.constant dense<0.000000e+00> : vector<256x384xf32>
      %dot_general3A_318 = tpu.matmul %convert_element_type3A_316, %get3A_68, %dot_general3A_317 {dimension_numbers = #tpu.dot_dimension_numbers<[1], [0], [0], [1], [0, 0, 1, 1], [], []>, transpose_lhs_hint = false} : vector<256x128xbf16>, vector<128x384xbf16>, vector<256x384xf32> -> vector<256x384xf32>
      %add3A_319 = vector.broadcast %get3A_74 : vector<1x384xf32> to vector<256x384xf32>
      %add3A_320 = arith.addf %dot_general3A_318, %add3A_319 : vector<256x384xf32>
      %slice3A_321 = vector.extract_strided_slice %add3A_315 {offsets = [0, 0], sizes = [256, 128], strides = [1, 1]} : vector<256x384xf32> to vector<256x128xf32>
      %slice3A_322 = vector.extract_strided_slice %add3A_320 {offsets = [0, 0], sizes = [256, 128], strides = [1, 1]} : vector<256x384xf32> to vector<256x128xf32>
      %add3A_323 = arith.addf %slice3A_321, %slice3A_322 : vector<256x128xf32>
      %logistic3A_324 = arith.negf %add3A_323 : vector<256x128xf32>
      %logistic3A_325 = math.exp %logistic3A_324 : vector<256x128xf32>
      %logistic3A_326 = arith.constant 1.000000e+00 : f32
      %logistic3A_327 = vector.broadcast %logistic3A_326 : f32 to vector<256x128xf32>
      %logistic3A_328 = arith.addf %logistic3A_327, %logistic3A_325 : vector<256x128xf32>
      %logistic3A_329 = arith.divf %logistic3A_327, %logistic3A_328 : vector<256x128xf32>
      %slice3A_330 = vector.extract_strided_slice %add3A_315 {offsets = [0, 128], sizes = [256, 128], strides = [1, 1]} : vector<256x384xf32> to vector<256x128xf32>
      %slice3A_331 = vector.extract_strided_slice %add3A_320 {offsets = [0, 128], sizes = [256, 128], strides = [1, 1]} : vector<256x384xf32> to vector<256x128xf32>
      %add3A_332 = arith.addf %slice3A_330, %slice3A_331 : vector<256x128xf32>
      %logistic3A_333 = arith.negf %add3A_332 : vector<256x128xf32>
      %logistic3A_334 = math.exp %logistic3A_333 : vector<256x128xf32>
      %logistic3A_335 = arith.constant 1.000000e+00 : f32
      %logistic3A_336 = vector.broadcast %logistic3A_335 : f32 to vector<256x128xf32>
      %logistic3A_337 = arith.addf %logistic3A_336, %logistic3A_334 : vector<256x128xf32>
      %logistic3A_338 = arith.divf %logistic3A_336, %logistic3A_337 : vector<256x128xf32>
      %slice3A_339 = vector.extract_strided_slice %add3A_315 {offsets = [0, 256], sizes = [256, 128], strides = [1, 1]} : vector<256x384xf32> to vector<256x128xf32>
      %slice3A_340 = vector.extract_strided_slice %add3A_320 {offsets = [0, 256], sizes = [256, 128], strides = [1, 1]} : vector<256x384xf32> to vector<256x128xf32>
      %mul3A_341 = arith.mulf %logistic3A_329, %slice3A_340 : vector<256x128xf32>
      %add3A_342 = arith.addf %slice3A_339, %mul3A_341 : vector<256x128xf32>
      %tanh3A_343 = math.tanh %add3A_342 : vector<256x128xf32>
      %sub3A_344 = arith.subf %add3A_291, %tanh3A_343 : vector<256x128xf32>
      %mul3A_345 = arith.mulf %logistic3A_338, %sub3A_344 : vector<256x128xf32>
      %add3A_346 = arith.addf %tanh3A_343, %mul3A_345 : vector<256x128xf32>
      %dot_general3A_347 = arith.constant dense<0.000000e+00> : vector<256x1xf32>
      %dot_general3A_348 = tpu.matmul %add3A_346, %get3A_77, %dot_general3A_347 {dimension_numbers = #tpu.dot_dimension_numbers<[1], [0], [0], [1], [0, 0, 1, 1], [], []>, transpose_lhs_hint = false} : vector<256x128xf32>, vector<128x1xf32>, vector<256x1xf32> -> vector<256x1xf32>
      %add3A_349 = vector.broadcast %get3A_80 : vector<1x1xf32> to vector<256x1xf32>
      %add3A_350 = arith.addf %dot_general3A_348, %add3A_349 : vector<256x1xf32>
      %exp3A_351 = math.exp %add3A_350 : vector<256x1xf32>
      %add3A_352 = arith.addf %add3A_297, %exp3A_351 : vector<256x1xf32>
      %mul3A_353 = vector.broadcast %exp3A_351 : vector<256x1xf32> to vector<256x128xf32>
      %mul3A_354 = arith.mulf %mul3A_353, %add3A_346 : vector<256x128xf32>
      %add3A_355 = arith.addf %add3A_300, %mul3A_354 : vector<256x128xf32>
      %get3A_356 = arith.constant 0 : i32
      %get3A_357 = arith.constant 0 : i32
      %get3A_358 = arith.constant 0 : i32
      %get3A_359 = tpu.memref_slice %arg22[%rem3A_4, %get3A_356, %get3A_357, %get3A_358] : memref<2x50x256x128xf32, #tpu.memory_space<vmem>> -> memref<1x50x256x128xf32, #tpu.memory_space<vmem>>
      %get3A_360 = tpu.memref_squeeze %get3A_359 : memref<1x50x256x128xf32, #tpu.memory_space<vmem>> -> memref<50x256x128xf32, #tpu.memory_space<vmem>>
      %get3A_361 = arith.constant 5 : index
      %get3A_362 = arith.constant 0 : index
      %get3A_363 = arith.constant 0 : index
      %get3A_364 = vector.load %get3A_360[%get3A_361, %get3A_362, %get3A_363] : memref<50x256x128xf32, #tpu.memory_space<vmem>>, vector<1x256x128xf32>
      %get3A_365 = vector.shape_cast %get3A_364 : vector<1x256x128xf32> to vector<256x128xf32>
      %convert_element_type3A_366 = arith.truncf %get3A_365 : vector<256x128xf32> to vector<256x128xbf16>
      %dot_general3A_367 = arith.constant dense<0.000000e+00> : vector<256x384xf32>
      %dot_general3A_368 = tpu.matmul %convert_element_type3A_366, %get3A_65, %dot_general3A_367 {dimension_numbers = #tpu.dot_dimension_numbers<[1], [0], [0], [1], [0, 0, 1, 1], [], []>, transpose_lhs_hint = false} : vector<256x128xbf16>, vector<128x384xbf16>, vector<256x384xf32> -> vector<256x384xf32>
      %add3A_369 = vector.broadcast %get3A_71 : vector<1x384xf32> to vector<256x384xf32>
      %add3A_370 = arith.addf %dot_general3A_368, %add3A_369 : vector<256x384xf32>
      %convert_element_type3A_371 = arith.truncf %add3A_346 : vector<256x128xf32> to vector<256x128xbf16>
      %dot_general3A_372 = arith.constant dense<0.000000e+00> : vector<256x384xf32>
      %dot_general3A_373 = tpu.matmul %convert_element_type3A_371, %get3A_68, %dot_general3A_372 {dimension_numbers = #tpu.dot_dimension_numbers<[1], [0], [0], [1], [0, 0, 1, 1], [], []>, transpose_lhs_hint = false} : vector<256x128xbf16>, vector<128x384xbf16>, vector<256x384xf32> -> vector<256x384xf32>
      %add3A_374 = vector.broadcast %get3A_74 : vector<1x384xf32> to vector<256x384xf32>
      %add3A_375 = arith.addf %dot_general3A_373, %add3A_374 : vector<256x384xf32>
      %slice3A_376 = vector.extract_strided_slice %add3A_370 {offsets = [0, 0], sizes = [256, 128], strides = [1, 1]} : vector<256x384xf32> to vector<256x128xf32>
      %slice3A_377 = vector.extract_strided_slice %add3A_375 {offsets = [0, 0], sizes = [256, 128], strides = [1, 1]} : vector<256x384xf32> to vector<256x128xf32>
      %add3A_378 = arith.addf %slice3A_376, %slice3A_377 : vector<256x128xf32>
      %logistic3A_379 = arith.negf %add3A_378 : vector<256x128xf32>
      %logistic3A_380 = math.exp %logistic3A_379 : vector<256x128xf32>
      %logistic3A_381 = arith.constant 1.000000e+00 : f32
      %logistic3A_382 = vector.broadcast %logistic3A_381 : f32 to vector<256x128xf32>
      %logistic3A_383 = arith.addf %logistic3A_382, %logistic3A_380 : vector<256x128xf32>
      %logistic3A_384 = arith.divf %logistic3A_382, %logistic3A_383 : vector<256x128xf32>
      %slice3A_385 = vector.extract_strided_slice %add3A_370 {offsets = [0, 128], sizes = [256, 128], strides = [1, 1]} : vector<256x384xf32> to vector<256x128xf32>
      %slice3A_386 = vector.extract_strided_slice %add3A_375 {offsets = [0, 128], sizes = [256, 128], strides = [1, 1]} : vector<256x384xf32> to vector<256x128xf32>
      %add3A_387 = arith.addf %slice3A_385, %slice3A_386 : vector<256x128xf32>
      %logistic3A_388 = arith.negf %add3A_387 : vector<256x128xf32>
      %logistic3A_389 = math.exp %logistic3A_388 : vector<256x128xf32>
      %logistic3A_390 = arith.constant 1.000000e+00 : f32
      %logistic3A_391 = vector.broadcast %logistic3A_390 : f32 to vector<256x128xf32>
      %logistic3A_392 = arith.addf %logistic3A_391, %logistic3A_389 : vector<256x128xf32>
      %logistic3A_393 = arith.divf %logistic3A_391, %logistic3A_392 : vector<256x128xf32>
      %slice3A_394 = vector.extract_strided_slice %add3A_370 {offsets = [0, 256], sizes = [256, 128], strides = [1, 1]} : vector<256x384xf32> to vector<256x128xf32>
      %slice3A_395 = vector.extract_strided_slice %add3A_375 {offsets = [0, 256], sizes = [256, 128], strides = [1, 1]} : vector<256x384xf32> to vector<256x128xf32>
      %mul3A_396 = arith.mulf %logistic3A_384, %slice3A_395 : vector<256x128xf32>
      %add3A_397 = arith.addf %slice3A_394, %mul3A_396 : vector<256x128xf32>
      %tanh3A_398 = math.tanh %add3A_397 : vector<256x128xf32>
      %sub3A_399 = arith.subf %add3A_346, %tanh3A_398 : vector<256x128xf32>
      %mul3A_400 = arith.mulf %logistic3A_393, %sub3A_399 : vector<256x128xf32>
      %add3A_401 = arith.addf %tanh3A_398, %mul3A_400 : vector<256x128xf32>
      %dot_general3A_402 = arith.constant dense<0.000000e+00> : vector<256x1xf32>
      %dot_general3A_403 = tpu.matmul %add3A_401, %get3A_77, %dot_general3A_402 {dimension_numbers = #tpu.dot_dimension_numbers<[1], [0], [0], [1], [0, 0, 1, 1], [], []>, transpose_lhs_hint = false} : vector<256x128xf32>, vector<128x1xf32>, vector<256x1xf32> -> vector<256x1xf32>
      %add3A_404 = vector.broadcast %get3A_80 : vector<1x1xf32> to vector<256x1xf32>
      %add3A_405 = arith.addf %dot_general3A_403, %add3A_404 : vector<256x1xf32>
      %exp3A_406 = math.exp %add3A_405 : vector<256x1xf32>
      %add3A_407 = arith.addf %add3A_352, %exp3A_406 : vector<256x1xf32>
      %mul3A_408 = vector.broadcast %exp3A_406 : vector<256x1xf32> to vector<256x128xf32>
      %mul3A_409 = arith.mulf %mul3A_408, %add3A_401 : vector<256x128xf32>
      %add3A_410 = arith.addf %add3A_355, %mul3A_409 : vector<256x128xf32>
      %get3A_411 = arith.constant 0 : i32
      %get3A_412 = arith.constant 0 : i32
      %get3A_413 = arith.constant 0 : i32
      %get3A_414 = tpu.memref_slice %arg22[%rem3A_4, %get3A_411, %get3A_412, %get3A_413] : memref<2x50x256x128xf32, #tpu.memory_space<vmem>> -> memref<1x50x256x128xf32, #tpu.memory_space<vmem>>
      %get3A_415 = tpu.memref_squeeze %get3A_414 : memref<1x50x256x128xf32, #tpu.memory_space<vmem>> -> memref<50x256x128xf32, #tpu.memory_space<vmem>>
      %get3A_416 = arith.constant 6 : index
      %get3A_417 = arith.constant 0 : index
      %get3A_418 = arith.constant 0 : index
      %get3A_419 = vector.load %get3A_415[%get3A_416, %get3A_417, %get3A_418] : memref<50x256x128xf32, #tpu.memory_space<vmem>>, vector<1x256x128xf32>
      %get3A_420 = vector.shape_cast %get3A_419 : vector<1x256x128xf32> to vector<256x128xf32>
      %convert_element_type3A_421 = arith.truncf %get3A_420 : vector<256x128xf32> to vector<256x128xbf16>
      %dot_general3A_422 = arith.constant dense<0.000000e+00> : vector<256x384xf32>
      %dot_general3A_423 = tpu.matmul %convert_element_type3A_421, %get3A_65, %dot_general3A_422 {dimension_numbers = #tpu.dot_dimension_numbers<[1], [0], [0], [1], [0, 0, 1, 1], [], []>, transpose_lhs_hint = false} : vector<256x128xbf16>, vector<128x384xbf16>, vector<256x384xf32> -> vector<256x384xf32>
      %add3A_424 = vector.broadcast %get3A_71 : vector<1x384xf32> to vector<256x384xf32>
      %add3A_425 = arith.addf %dot_general3A_423, %add3A_424 : vector<256x384xf32>
      %convert_element_type3A_426 = arith.truncf %add3A_401 : vector<256x128xf32> to vector<256x128xbf16>
      %dot_general3A_427 = arith.constant dense<0.000000e+00> : vector<256x384xf32>
      %dot_general3A_428 = tpu.matmul %convert_element_type3A_426, %get3A_68, %dot_general3A_427 {dimension_numbers = #tpu.dot_dimension_numbers<[1], [0], [0], [1], [0, 0, 1, 1], [], []>, transpose_lhs_hint = false} : vector<256x128xbf16>, vector<128x384xbf16>, vector<256x384xf32> -> vector<256x384xf32>
      %add3A_429 = vector.broadcast %get3A_74 : vector<1x384xf32> to vector<256x384xf32>
      %add3A_430 = arith.addf %dot_general3A_428, %add3A_429 : vector<256x384xf32>
      %slice3A_431 = vector.extract_strided_slice %add3A_425 {offsets = [0, 0], sizes = [256, 128], strides = [1, 1]} : vector<256x384xf32> to vector<256x128xf32>
      %slice3A_432 = vector.extract_strided_slice %add3A_430 {offsets = [0, 0], sizes = [256, 128], strides = [1, 1]} : vector<256x384xf32> to vector<256x128xf32>
      %add3A_433 = arith.addf %slice3A_431, %slice3A_432 : vector<256x128xf32>
      %logistic3A_434 = arith.negf %add3A_433 : vector<256x128xf32>
      %logistic3A_435 = math.exp %logistic3A_434 : vector<256x128xf32>
      %logistic3A_436 = arith.constant 1.000000e+00 : f32
      %logistic3A_437 = vector.broadcast %logistic3A_436 : f32 to vector<256x128xf32>
      %logistic3A_438 = arith.addf %logistic3A_437, %logistic3A_435 : vector<256x128xf32>
      %logistic3A_439 = arith.divf %logistic3A_437, %logistic3A_438 : vector<256x128xf32>
      %slice3A_440 = vector.extract_strided_slice %add3A_425 {offsets = [0, 128], sizes = [256, 128], strides = [1, 1]} : vector<256x384xf32> to vector<256x128xf32>
      %slice3A_441 = vector.extract_strided_slice %add3A_430 {offsets = [0, 128], sizes = [256, 128], strides = [1, 1]} : vector<256x384xf32> to vector<256x128xf32>
      %add3A_442 = arith.addf %slice3A_440, %slice3A_441 : vector<256x128xf32>
      %logistic3A_443 = arith.negf %add3A_442 : vector<256x128xf32>
      %logistic3A_444 = math.exp %logistic3A_443 : vector<256x128xf32>
      %logistic3A_445 = arith.constant 1.000000e+00 : f32
      %logistic3A_446 = vector.broadcast %logistic3A_445 : f32 to vector<256x128xf32>
      %logistic3A_447 = arith.addf %logistic3A_446, %logistic3A_444 : vector<256x128xf32>
      %logistic3A_448 = arith.divf %logistic3A_446, %logistic3A_447 : vector<256x128xf32>
      %slice3A_449 = vector.extract_strided_slice %add3A_425 {offsets = [0, 256], sizes = [256, 128], strides = [1, 1]} : vector<256x384xf32> to vector<256x128xf32>
      %slice3A_450 = vector.extract_strided_slice %add3A_430 {offsets = [0, 256], sizes = [256, 128], strides = [1, 1]} : vector<256x384xf32> to vector<256x128xf32>
      %mul3A_451 = arith.mulf %logistic3A_439, %slice3A_450 : vector<256x128xf32>
      %add3A_452 = arith.addf %slice3A_449, %mul3A_451 : vector<256x128xf32>
      %tanh3A_453 = math.tanh %add3A_452 : vector<256x128xf32>
      %sub3A_454 = arith.subf %add3A_401, %tanh3A_453 : vector<256x128xf32>
      %mul3A_455 = arith.mulf %logistic3A_448, %sub3A_454 : vector<256x128xf32>
      %add3A_456 = arith.addf %tanh3A_453, %mul3A_455 : vector<256x128xf32>
      %dot_general3A_457 = arith.constant dense<0.000000e+00> : vector<256x1xf32>
      %dot_general3A_458 = tpu.matmul %add3A_456, %get3A_77, %dot_general3A_457 {dimension_numbers = #tpu.dot_dimension_numbers<[1], [0], [0], [1], [0, 0, 1, 1], [], []>, transpose_lhs_hint = false} : vector<256x128xf32>, vector<128x1xf32>, vector<256x1xf32> -> vector<256x1xf32>
      %add3A_459 = vector.broadcast %get3A_80 : vector<1x1xf32> to vector<256x1xf32>
      %add3A_460 = arith.addf %dot_general3A_458, %add3A_459 : vector<256x1xf32>
      %exp3A_461 = math.exp %add3A_460 : vector<256x1xf32>
      %add3A_462 = arith.addf %add3A_407, %exp3A_461 : vector<256x1xf32>
      %mul3A_463 = vector.broadcast %exp3A_461 : vector<256x1xf32> to vector<256x128xf32>
      %mul3A_464 = arith.mulf %mul3A_463, %add3A_456 : vector<256x128xf32>
      %add3A_465 = arith.addf %add3A_410, %mul3A_464 : vector<256x128xf32>
      %get3A_466 = arith.constant 0 : i32
      %get3A_467 = arith.constant 0 : i32
      %get3A_468 = arith.constant 0 : i32
      %get3A_469 = tpu.memref_slice %arg22[%rem3A_4, %get3A_466, %get3A_467, %get3A_468] : memref<2x50x256x128xf32, #tpu.memory_space<vmem>> -> memref<1x50x256x128xf32, #tpu.memory_space<vmem>>
      %get3A_470 = tpu.memref_squeeze %get3A_469 : memref<1x50x256x128xf32, #tpu.memory_space<vmem>> -> memref<50x256x128xf32, #tpu.memory_space<vmem>>
      %get3A_471 = arith.constant 7 : index
      %get3A_472 = arith.constant 0 : index
      %get3A_473 = arith.constant 0 : index
      %get3A_474 = vector.load %get3A_470[%get3A_471, %get3A_472, %get3A_473] : memref<50x256x128xf32, #tpu.memory_space<vmem>>, vector<1x256x128xf32>
      %get3A_475 = vector.shape_cast %get3A_474 : vector<1x256x128xf32> to vector<256x128xf32>
      %convert_element_type3A_476 = arith.truncf %get3A_475 : vector<256x128xf32> to vector<256x128xbf16>
      %dot_general3A_477 = arith.constant dense<0.000000e+00> : vector<256x384xf32>
      %dot_general3A_478 = tpu.matmul %convert_element_type3A_476, %get3A_65, %dot_general3A_477 {dimension_numbers = #tpu.dot_dimension_numbers<[1], [0], [0], [1], [0, 0, 1, 1], [], []>, transpose_lhs_hint = false} : vector<256x128xbf16>, vector<128x384xbf16>, vector<256x384xf32> -> vector<256x384xf32>
      %add3A_479 = vector.broadcast %get3A_71 : vector<1x384xf32> to vector<256x384xf32>
      %add3A_480 = arith.addf %dot_general3A_478, %add3A_479 : vector<256x384xf32>
      %convert_element_type3A_481 = arith.truncf %add3A_456 : vector<256x128xf32> to vector<256x128xbf16>
      %dot_general3A_482 = arith.constant dense<0.000000e+00> : vector<256x384xf32>
      %dot_general3A_483 = tpu.matmul %convert_element_type3A_481, %get3A_68, %dot_general3A_482 {dimension_numbers = #tpu.dot_dimension_numbers<[1], [0], [0], [1], [0, 0, 1, 1], [], []>, transpose_lhs_hint = false} : vector<256x128xbf16>, vector<128x384xbf16>, vector<256x384xf32> -> vector<256x384xf32>
      %add3A_484 = vector.broadcast %get3A_74 : vector<1x384xf32> to vector<256x384xf32>
      %add3A_485 = arith.addf %dot_general3A_483, %add3A_484 : vector<256x384xf32>
      %slice3A_486 = vector.extract_strided_slice %add3A_480 {offsets = [0, 0], sizes = [256, 128], strides = [1, 1]} : vector<256x384xf32> to vector<256x128xf32>
      %slice3A_487 = vector.extract_strided_slice %add3A_485 {offsets = [0, 0], sizes = [256, 128], strides = [1, 1]} : vector<256x384xf32> to vector<256x128xf32>
      %add3A_488 = arith.addf %slice3A_486, %slice3A_487 : vector<256x128xf32>
      %logistic3A_489 = arith.negf %add3A_488 : vector<256x128xf32>
      %logistic3A_490 = math.exp %logistic3A_489 : vector<256x128xf32>
      %logistic3A_491 = arith.constant 1.000000e+00 : f32
      %logistic3A_492 = vector.broadcast %logistic3A_491 : f32 to vector<256x128xf32>
      %logistic3A_493 = arith.addf %logistic3A_492, %logistic3A_490 : vector<256x128xf32>
      %logistic3A_494 = arith.divf %logistic3A_492, %logistic3A_493 : vector<256x128xf32>
      %slice3A_495 = vector.extract_strided_slice %add3A_480 {offsets = [0, 128], sizes = [256, 128], strides = [1, 1]} : vector<256x384xf32> to vector<256x128xf32>
      %slice3A_496 = vector.extract_strided_slice %add3A_485 {offsets = [0, 128], sizes = [256, 128], strides = [1, 1]} : vector<256x384xf32> to vector<256x128xf32>
      %add3A_497 = arith.addf %slice3A_495, %slice3A_496 : vector<256x128xf32>
      %logistic3A_498 = arith.negf %add3A_497 : vector<256x128xf32>
      %logistic3A_499 = math.exp %logistic3A_498 : vector<256x128xf32>
      %logistic3A_500 = arith.constant 1.000000e+00 : f32
      %logistic3A_501 = vector.broadcast %logistic3A_500 : f32 to vector<256x128xf32>
      %logistic3A_502 = arith.addf %logistic3A_501, %logistic3A_499 : vector<256x128xf32>
      %logistic3A_503 = arith.divf %logistic3A_501, %logistic3A_502 : vector<256x128xf32>
      %slice3A_504 = vector.extract_strided_slice %add3A_480 {offsets = [0, 256], sizes = [256, 128], strides = [1, 1]} : vector<256x384xf32> to vector<256x128xf32>
      %slice3A_505 = vector.extract_strided_slice %add3A_485 {offsets = [0, 256], sizes = [256, 128], strides = [1, 1]} : vector<256x384xf32> to vector<256x128xf32>
      %mul3A_506 = arith.mulf %logistic3A_494, %slice3A_505 : vector<256x128xf32>
      %add3A_507 = arith.addf %slice3A_504, %mul3A_506 : vector<256x128xf32>
      %tanh3A_508 = math.tanh %add3A_507 : vector<256x128xf32>
      %sub3A_509 = arith.subf %add3A_456, %tanh3A_508 : vector<256x128xf32>
      %mul3A_510 = arith.mulf %logistic3A_503, %sub3A_509 : vector<256x128xf32>
      %add3A_511 = arith.addf %tanh3A_508, %mul3A_510 : vector<256x128xf32>
      %dot_general3A_512 = arith.constant dense<0.000000e+00> : vector<256x1xf32>
      %dot_general3A_513 = tpu.matmul %add3A_511, %get3A_77, %dot_general3A_512 {dimension_numbers = #tpu.dot_dimension_numbers<[1], [0], [0], [1], [0, 0, 1, 1], [], []>, transpose_lhs_hint = false} : vector<256x128xf32>, vector<128x1xf32>, vector<256x1xf32> -> vector<256x1xf32>
      %add3A_514 = vector.broadcast %get3A_80 : vector<1x1xf32> to vector<256x1xf32>
      %add3A_515 = arith.addf %dot_general3A_513, %add3A_514 : vector<256x1xf32>
      %exp3A_516 = math.exp %add3A_515 : vector<256x1xf32>
      %add3A_517 = arith.addf %add3A_462, %exp3A_516 : vector<256x1xf32>
      %mul3A_518 = vector.broadcast %exp3A_516 : vector<256x1xf32> to vector<256x128xf32>
      %mul3A_519 = arith.mulf %mul3A_518, %add3A_511 : vector<256x128xf32>
      %add3A_520 = arith.addf %add3A_465, %mul3A_519 : vector<256x128xf32>
      %get3A_521 = arith.constant 0 : i32
      %get3A_522 = arith.constant 0 : i32
      %get3A_523 = arith.constant 0 : i32
      %get3A_524 = tpu.memref_slice %arg22[%rem3A_4, %get3A_521, %get3A_522, %get3A_523] : memref<2x50x256x128xf32, #tpu.memory_space<vmem>> -> memref<1x50x256x128xf32, #tpu.memory_space<vmem>>
      %get3A_525 = tpu.memref_squeeze %get3A_524 : memref<1x50x256x128xf32, #tpu.memory_space<vmem>> -> memref<50x256x128xf32, #tpu.memory_space<vmem>>
      %get3A_526 = arith.constant 8 : index
      %get3A_527 = arith.constant 0 : index
      %get3A_528 = arith.constant 0 : index
      %get3A_529 = vector.load %get3A_525[%get3A_526, %get3A_527, %get3A_528] : memref<50x256x128xf32, #tpu.memory_space<vmem>>, vector<1x256x128xf32>
      %get3A_530 = vector.shape_cast %get3A_529 : vector<1x256x128xf32> to vector<256x128xf32>
      %convert_element_type3A_531 = arith.truncf %get3A_530 : vector<256x128xf32> to vector<256x128xbf16>
      %dot_general3A_532 = arith.constant dense<0.000000e+00> : vector<256x384xf32>
      %dot_general3A_533 = tpu.matmul %convert_element_type3A_531, %get3A_65, %dot_general3A_532 {dimension_numbers = #tpu.dot_dimension_numbers<[1], [0], [0], [1], [0, 0, 1, 1], [], []>, transpose_lhs_hint = false} : vector<256x128xbf16>, vector<128x384xbf16>, vector<256x384xf32> -> vector<256x384xf32>
      %add3A_534 = vector.broadcast %get3A_71 : vector<1x384xf32> to vector<256x384xf32>
      %add3A_535 = arith.addf %dot_general3A_533, %add3A_534 : vector<256x384xf32>
      %convert_element_type3A_536 = arith.truncf %add3A_511 : vector<256x128xf32> to vector<256x128xbf16>
      %dot_general3A_537 = arith.constant dense<0.000000e+00> : vector<256x384xf32>
      %dot_general3A_538 = tpu.matmul %convert_element_type3A_536, %get3A_68, %dot_general3A_537 {dimension_numbers = #tpu.dot_dimension_numbers<[1], [0], [0], [1], [0, 0, 1, 1], [], []>, transpose_lhs_hint = false} : vector<256x128xbf16>, vector<128x384xbf16>, vector<256x384xf32> -> vector<256x384xf32>
      %add3A_539 = vector.broadcast %get3A_74 : vector<1x384xf32> to vector<256x384xf32>
      %add3A_540 = arith.addf %dot_general3A_538, %add3A_539 : vector<256x384xf32>
      %slice3A_541 = vector.extract_strided_slice %add3A_535 {offsets = [0, 0], sizes = [256, 128], strides = [1, 1]} : vector<256x384xf32> to vector<256x128xf32>
      %slice3A_542 = vector.extract_strided_slice %add3A_540 {offsets = [0, 0], sizes = [256, 128], strides = [1, 1]} : vector<256x384xf32> to vector<256x128xf32>
      %add3A_543 = arith.addf %slice3A_541, %slice3A_542 : vector<256x128xf32>
      %logistic3A_544 = arith.negf %add3A_543 : vector<256x128xf32>
      %logistic3A_545 = math.exp %logistic3A_544 : vector<256x128xf32>
      %logistic3A_546 = arith.constant 1.000000e+00 : f32
      %logistic3A_547 = vector.broadcast %logistic3A_546 : f32 to vector<256x128xf32>
      %logistic3A_548 = arith.addf %logistic3A_547, %logistic3A_545 : vector<256x128xf32>
      %logistic3A_549 = arith.divf %logistic3A_547, %logistic3A_548 : vector<256x128xf32>
      %slice3A_550 = vector.extract_strided_slice %add3A_535 {offsets = [0, 128], sizes = [256, 128], strides = [1, 1]} : vector<256x384xf32> to vector<256x128xf32>
      %slice3A_551 = vector.extract_strided_slice %add3A_540 {offsets = [0, 128], sizes = [256, 128], strides = [1, 1]} : vector<256x384xf32> to vector<256x128xf32>
      %add3A_552 = arith.addf %slice3A_550, %slice3A_551 : vector<256x128xf32>
      %logistic3A_553 = arith.negf %add3A_552 : vector<256x128xf32>
      %logistic3A_554 = math.exp %logistic3A_553 : vector<256x128xf32>
      %logistic3A_555 = arith.constant 1.000000e+00 : f32
      %logistic3A_556 = vector.broadcast %logistic3A_555 : f32 to vector<256x128xf32>
      %logistic3A_557 = arith.addf %logistic3A_556, %logistic3A_554 : vector<256x128xf32>
      %logistic3A_558 = arith.divf %logistic3A_556, %logistic3A_557 : vector<256x128xf32>
      %slice3A_559 = vector.extract_strided_slice %add3A_535 {offsets = [0, 256], sizes = [256, 128], strides = [1, 1]} : vector<256x384xf32> to vector<256x128xf32>
      %slice3A_560 = vector.extract_strided_slice %add3A_540 {offsets = [0, 256], sizes = [256, 128], strides = [1, 1]} : vector<256x384xf32> to vector<256x128xf32>
      %mul3A_561 = arith.mulf %logistic3A_549, %slice3A_560 : vector<256x128xf32>
      %add3A_562 = arith.addf %slice3A_559, %mul3A_561 : vector<256x128xf32>
      %tanh3A_563 = math.tanh %add3A_562 : vector<256x128xf32>
      %sub3A_564 = arith.subf %add3A_511, %tanh3A_563 : vector<256x128xf32>
      %mul3A_565 = arith.mulf %logistic3A_558, %sub3A_564 : vector<256x128xf32>
      %add3A_566 = arith.addf %tanh3A_563, %mul3A_565 : vector<256x128xf32>
      %dot_general3A_567 = arith.constant dense<0.000000e+00> : vector<256x1xf32>
      %dot_general3A_568 = tpu.matmul %add3A_566, %get3A_77, %dot_general3A_567 {dimension_numbers = #tpu.dot_dimension_numbers<[1], [0], [0], [1], [0, 0, 1, 1], [], []>, transpose_lhs_hint = false} : vector<256x128xf32>, vector<128x1xf32>, vector<256x1xf32> -> vector<256x1xf32>
      %add3A_569 = vector.broadcast %get3A_80 : vector<1x1xf32> to vector<256x1xf32>
      %add3A_570 = arith.addf %dot_general3A_568, %add3A_569 : vector<256x1xf32>
      %exp3A_571 = math.exp %add3A_570 : vector<256x1xf32>
      %add3A_572 = arith.addf %add3A_517, %exp3A_571 : vector<256x1xf32>
      %mul3A_573 = vector.broadcast %exp3A_571 : vector<256x1xf32> to vector<256x128xf32>
      %mul3A_574 = arith.mulf %mul3A_573, %add3A_566 : vector<256x128xf32>
      %add3A_575 = arith.addf %add3A_520, %mul3A_574 : vector<256x128xf32>
      %get3A_576 = arith.constant 0 : i32
      %get3A_577 = arith.constant 0 : i32
      %get3A_578 = arith.constant 0 : i32
      %get3A_579 = tpu.memref_slice %arg22[%rem3A_4, %get3A_576, %get3A_577, %get3A_578] : memref<2x50x256x128xf32, #tpu.memory_space<vmem>> -> memref<1x50x256x128xf32, #tpu.memory_space<vmem>>
      %get3A_580 = tpu.memref_squeeze %get3A_579 : memref<1x50x256x128xf32, #tpu.memory_space<vmem>> -> memref<50x256x128xf32, #tpu.memory_space<vmem>>
      %get3A_581 = arith.constant 9 : index
      %get3A_582 = arith.constant 0 : index
      %get3A_583 = arith.constant 0 : index
      %get3A_584 = vector.load %get3A_580[%get3A_581, %get3A_582, %get3A_583] : memref<50x256x128xf32, #tpu.memory_space<vmem>>, vector<1x256x128xf32>
      %get3A_585 = vector.shape_cast %get3A_584 : vector<1x256x128xf32> to vector<256x128xf32>
      %convert_element_type3A_586 = arith.truncf %get3A_585 : vector<256x128xf32> to vector<256x128xbf16>
      %dot_general3A_587 = arith.constant dense<0.000000e+00> : vector<256x384xf32>
      %dot_general3A_588 = tpu.matmul %convert_element_type3A_586, %get3A_65, %dot_general3A_587 {dimension_numbers = #tpu.dot_dimension_numbers<[1], [0], [0], [1], [0, 0, 1, 1], [], []>, transpose_lhs_hint = false} : vector<256x128xbf16>, vector<128x384xbf16>, vector<256x384xf32> -> vector<256x384xf32>
      %add3A_589 = vector.broadcast %get3A_71 : vector<1x384xf32> to vector<256x384xf32>
      %add3A_590 = arith.addf %dot_general3A_588, %add3A_589 : vector<256x384xf32>
      %convert_element_type3A_591 = arith.truncf %add3A_566 : vector<256x128xf32> to vector<256x128xbf16>
      %dot_general3A_592 = arith.constant dense<0.000000e+00> : vector<256x384xf32>
      %dot_general3A_593 = tpu.matmul %convert_element_type3A_591, %get3A_68, %dot_general3A_592 {dimension_numbers = #tpu.dot_dimension_numbers<[1], [0], [0], [1], [0, 0, 1, 1], [], []>, transpose_lhs_hint = false} : vector<256x128xbf16>, vector<128x384xbf16>, vector<256x384xf32> -> vector<256x384xf32>
      %add3A_594 = vector.broadcast %get3A_74 : vector<1x384xf32> to vector<256x384xf32>
      %add3A_595 = arith.addf %dot_general3A_593, %add3A_594 : vector<256x384xf32>
      %slice3A_596 = vector.extract_strided_slice %add3A_590 {offsets = [0, 0], sizes = [256, 128], strides = [1, 1]} : vector<256x384xf32> to vector<256x128xf32>
      %slice3A_597 = vector.extract_strided_slice %add3A_595 {offsets = [0, 0], sizes = [256, 128], strides = [1, 1]} : vector<256x384xf32> to vector<256x128xf32>
      %add3A_598 = arith.addf %slice3A_596, %slice3A_597 : vector<256x128xf32>
      %logistic3A_599 = arith.negf %add3A_598 : vector<256x128xf32>
      %logistic3A_600 = math.exp %logistic3A_599 : vector<256x128xf32>
      %logistic3A_601 = arith.constant 1.000000e+00 : f32
      %logistic3A_602 = vector.broadcast %logistic3A_601 : f32 to vector<256x128xf32>
      %logistic3A_603 = arith.addf %logistic3A_602, %logistic3A_600 : vector<256x128xf32>
      %logistic3A_604 = arith.divf %logistic3A_602, %logistic3A_603 : vector<256x128xf32>
      %slice3A_605 = vector.extract_strided_slice %add3A_590 {offsets = [0, 128], sizes = [256, 128], strides = [1, 1]} : vector<256x384xf32> to vector<256x128xf32>
      %slice3A_606 = vector.extract_strided_slice %add3A_595 {offsets = [0, 128], sizes = [256, 128], strides = [1, 1]} : vector<256x384xf32> to vector<256x128xf32>
      %add3A_607 = arith.addf %slice3A_605, %slice3A_606 : vector<256x128xf32>
      %logistic3A_608 = arith.negf %add3A_607 : vector<256x128xf32>
      %logistic3A_609 = math.exp %logistic3A_608 : vector<256x128xf32>
      %logistic3A_610 = arith.constant 1.000000e+00 : f32
      %logistic3A_611 = vector.broadcast %logistic3A_610 : f32 to vector<256x128xf32>
      %logistic3A_612 = arith.addf %logistic3A_611, %logistic3A_609 : vector<256x128xf32>
      %logistic3A_613 = arith.divf %logistic3A_611, %logistic3A_612 : vector<256x128xf32>
      %slice3A_614 = vector.extract_strided_slice %add3A_590 {offsets = [0, 256], sizes = [256, 128], strides = [1, 1]} : vector<256x384xf32> to vector<256x128xf32>
      %slice3A_615 = vector.extract_strided_slice %add3A_595 {offsets = [0, 256], sizes = [256, 128], strides = [1, 1]} : vector<256x384xf32> to vector<256x128xf32>
      %mul3A_616 = arith.mulf %logistic3A_604, %slice3A_615 : vector<256x128xf32>
      %add3A_617 = arith.addf %slice3A_614, %mul3A_616 : vector<256x128xf32>
      %tanh3A_618 = math.tanh %add3A_617 : vector<256x128xf32>
      %sub3A_619 = arith.subf %add3A_566, %tanh3A_618 : vector<256x128xf32>
      %mul3A_620 = arith.mulf %logistic3A_613, %sub3A_619 : vector<256x128xf32>
      %add3A_621 = arith.addf %tanh3A_618, %mul3A_620 : vector<256x128xf32>
      %dot_general3A_622 = arith.constant dense<0.000000e+00> : vector<256x1xf32>
      %dot_general3A_623 = tpu.matmul %add3A_621, %get3A_77, %dot_general3A_622 {dimension_numbers = #tpu.dot_dimension_numbers<[1], [0], [0], [1], [0, 0, 1, 1], [], []>, transpose_lhs_hint = false} : vector<256x128xf32>, vector<128x1xf32>, vector<256x1xf32> -> vector<256x1xf32>
      %add3A_624 = vector.broadcast %get3A_80 : vector<1x1xf32> to vector<256x1xf32>
      %add3A_625 = arith.addf %dot_general3A_623, %add3A_624 : vector<256x1xf32>
      %exp3A_626 = math.exp %add3A_625 : vector<256x1xf32>
      %add3A_627 = arith.addf %add3A_572, %exp3A_626 : vector<256x1xf32>
      %mul3A_628 = vector.broadcast %exp3A_626 : vector<256x1xf32> to vector<256x128xf32>
      %mul3A_629 = arith.mulf %mul3A_628, %add3A_621 : vector<256x128xf32>
      %add3A_630 = arith.addf %add3A_575, %mul3A_629 : vector<256x128xf32>
      %get3A_631 = arith.constant 0 : i32
      %get3A_632 = arith.constant 0 : i32
      %get3A_633 = arith.constant 0 : i32
      %get3A_634 = tpu.memref_slice %arg22[%rem3A_4, %get3A_631, %get3A_632, %get3A_633] : memref<2x50x256x128xf32, #tpu.memory_space<vmem>> -> memref<1x50x256x128xf32, #tpu.memory_space<vmem>>
      %get3A_635 = tpu.memref_squeeze %get3A_634 : memref<1x50x256x128xf32, #tpu.memory_space<vmem>> -> memref<50x256x128xf32, #tpu.memory_space<vmem>>
      %get3A_636 = arith.constant 10 : index
      %get3A_637 = arith.constant 0 : index
      %get3A_638 = arith.constant 0 : index
      %get3A_639 = vector.load %get3A_635[%get3A_636, %get3A_637, %get3A_638] : memref<50x256x128xf32, #tpu.memory_space<vmem>>, vector<1x256x128xf32>
      %get3A_640 = vector.shape_cast %get3A_639 : vector<1x256x128xf32> to vector<256x128xf32>
      %convert_element_type3A_641 = arith.truncf %get3A_640 : vector<256x128xf32> to vector<256x128xbf16>
      %dot_general3A_642 = arith.constant dense<0.000000e+00> : vector<256x384xf32>
      %dot_general3A_643 = tpu.matmul %convert_element_type3A_641, %get3A_65, %dot_general3A_642 {dimension_numbers = #tpu.dot_dimension_numbers<[1], [0], [0], [1], [0, 0, 1, 1], [], []>, transpose_lhs_hint = false} : vector<256x128xbf16>, vector<128x384xbf16>, vector<256x384xf32> -> vector<256x384xf32>
      %add3A_644 = vector.broadcast %get3A_71 : vector<1x384xf32> to vector<256x384xf32>
      %add3A_645 = arith.addf %dot_general3A_643, %add3A_644 : vector<256x384xf32>
      %convert_element_type3A_646 = arith.truncf %add3A_621 : vector<256x128xf32> to vector<256x128xbf16>
      %dot_general3A_647 = arith.constant dense<0.000000e+00> : vector<256x384xf32>
      %dot_general3A_648 = tpu.matmul %convert_element_type3A_646, %get3A_68, %dot_general3A_647 {dimension_numbers = #tpu.dot_dimension_numbers<[1], [0], [0], [1], [0, 0, 1, 1], [], []>, transpose_lhs_hint = false} : vector<256x128xbf16>, vector<128x384xbf16>, vector<256x384xf32> -> vector<256x384xf32>
      %add3A_649 = vector.broadcast %get3A_74 : vector<1x384xf32> to vector<256x384xf32>
      %add3A_650 = arith.addf %dot_general3A_648, %add3A_649 : vector<256x384xf32>
      %slice3A_651 = vector.extract_strided_slice %add3A_645 {offsets = [0, 0], sizes = [256, 128], strides = [1, 1]} : vector<256x384xf32> to vector<256x128xf32>
      %slice3A_652 = vector.extract_strided_slice %add3A_650 {offsets = [0, 0], sizes = [256, 128], strides = [1, 1]} : vector<256x384xf32> to vector<256x128xf32>
      %add3A_653 = arith.addf %slice3A_651, %slice3A_652 : vector<256x128xf32>
      %logistic3A_654 = arith.negf %add3A_653 : vector<256x128xf32>
      %logistic3A_655 = math.exp %logistic3A_654 : vector<256x128xf32>
      %logistic3A_656 = arith.constant 1.000000e+00 : f32
      %logistic3A_657 = vector.broadcast %logistic3A_656 : f32 to vector<256x128xf32>
      %logistic3A_658 = arith.addf %logistic3A_657, %logistic3A_655 : vector<256x128xf32>
      %logistic3A_659 = arith.divf %logistic3A_657, %logistic3A_658 : vector<256x128xf32>
      %slice3A_660 = vector.extract_strided_slice %add3A_645 {offsets = [0, 128], sizes = [256, 128], strides = [1, 1]} : vector<256x384xf32> to vector<256x128xf32>
      %slice3A_661 = vector.extract_strided_slice %add3A_650 {offsets = [0, 128], sizes = [256, 128], strides = [1, 1]} : vector<256x384xf32> to vector<256x128xf32>
      %add3A_662 = arith.addf %slice3A_660, %slice3A_661 : vector<256x128xf32>
      %logistic3A_663 = arith.negf %add3A_662 : vector<256x128xf32>
      %logistic3A_664 = math.exp %logistic3A_663 : vector<256x128xf32>
      %logistic3A_665 = arith.constant 1.000000e+00 : f32
      %logistic3A_666 = vector.broadcast %logistic3A_665 : f32 to vector<256x128xf32>
      %logistic3A_667 = arith.addf %logistic3A_666, %logistic3A_664 : vector<256x128xf32>
      %logistic3A_668 = arith.divf %logistic3A_666, %logistic3A_667 : vector<256x128xf32>
      %slice3A_669 = vector.extract_strided_slice %add3A_645 {offsets = [0, 256], sizes = [256, 128], strides = [1, 1]} : vector<256x384xf32> to vector<256x128xf32>
      %slice3A_670 = vector.extract_strided_slice %add3A_650 {offsets = [0, 256], sizes = [256, 128], strides = [1, 1]} : vector<256x384xf32> to vector<256x128xf32>
      %mul3A_671 = arith.mulf %logistic3A_659, %slice3A_670 : vector<256x128xf32>
      %add3A_672 = arith.addf %slice3A_669, %mul3A_671 : vector<256x128xf32>
      %tanh3A_673 = math.tanh %add3A_672 : vector<256x128xf32>
      %sub3A_674 = arith.subf %add3A_621, %tanh3A_673 : vector<256x128xf32>
      %mul3A_675 = arith.mulf %logistic3A_668, %sub3A_674 : vector<256x128xf32>
      %add3A_676 = arith.addf %tanh3A_673, %mul3A_675 : vector<256x128xf32>
      %dot_general3A_677 = arith.constant dense<0.000000e+00> : vector<256x1xf32>
      %dot_general3A_678 = tpu.matmul %add3A_676, %get3A_77, %dot_general3A_677 {dimension_numbers = #tpu.dot_dimension_numbers<[1], [0], [0], [1], [0, 0, 1, 1], [], []>, transpose_lhs_hint = false} : vector<256x128xf32>, vector<128x1xf32>, vector<256x1xf32> -> vector<256x1xf32>
      %add3A_679 = vector.broadcast %get3A_80 : vector<1x1xf32> to vector<256x1xf32>
      %add3A_680 = arith.addf %dot_general3A_678, %add3A_679 : vector<256x1xf32>
      %exp3A_681 = math.exp %add3A_680 : vector<256x1xf32>
      %add3A_682 = arith.addf %add3A_627, %exp3A_681 : vector<256x1xf32>
      %mul3A_683 = vector.broadcast %exp3A_681 : vector<256x1xf32> to vector<256x128xf32>
      %mul3A_684 = arith.mulf %mul3A_683, %add3A_676 : vector<256x128xf32>
      %add3A_685 = arith.addf %add3A_630, %mul3A_684 : vector<256x128xf32>
      %get3A_686 = arith.constant 0 : i32
      %get3A_687 = arith.constant 0 : i32
      %get3A_688 = arith.constant 0 : i32
      %get3A_689 = tpu.memref_slice %arg22[%rem3A_4, %get3A_686, %get3A_687, %get3A_688] : memref<2x50x256x128xf32, #tpu.memory_space<vmem>> -> memref<1x50x256x128xf32, #tpu.memory_space<vmem>>
      %get3A_690 = tpu.memref_squeeze %get3A_689 : memref<1x50x256x128xf32, #tpu.memory_space<vmem>> -> memref<50x256x128xf32, #tpu.memory_space<vmem>>
      %get3A_691 = arith.constant 11 : index
      %get3A_692 = arith.constant 0 : index
      %get3A_693 = arith.constant 0 : index
      %get3A_694 = vector.load %get3A_690[%get3A_691, %get3A_692, %get3A_693] : memref<50x256x128xf32, #tpu.memory_space<vmem>>, vector<1x256x128xf32>
      %get3A_695 = vector.shape_cast %get3A_694 : vector<1x256x128xf32> to vector<256x128xf32>
      %convert_element_type3A_696 = arith.truncf %get3A_695 : vector<256x128xf32> to vector<256x128xbf16>
      %dot_general3A_697 = arith.constant dense<0.000000e+00> : vector<256x384xf32>
      %dot_general3A_698 = tpu.matmul %convert_element_type3A_696, %get3A_65, %dot_general3A_697 {dimension_numbers = #tpu.dot_dimension_numbers<[1], [0], [0], [1], [0, 0, 1, 1], [], []>, transpose_lhs_hint = false} : vector<256x128xbf16>, vector<128x384xbf16>, vector<256x384xf32> -> vector<256x384xf32>
      %add3A_699 = vector.broadcast %get3A_71 : vector<1x384xf32> to vector<256x384xf32>
      %add3A_700 = arith.addf %dot_general3A_698, %add3A_699 : vector<256x384xf32>
      %convert_element_type3A_701 = arith.truncf %add3A_676 : vector<256x128xf32> to vector<256x128xbf16>
      %dot_general3A_702 = arith.constant dense<0.000000e+00> : vector<256x384xf32>
      %dot_general3A_703 = tpu.matmul %convert_element_type3A_701, %get3A_68, %dot_general3A_702 {dimension_numbers = #tpu.dot_dimension_numbers<[1], [0], [0], [1], [0, 0, 1, 1], [], []>, transpose_lhs_hint = false} : vector<256x128xbf16>, vector<128x384xbf16>, vector<256x384xf32> -> vector<256x384xf32>
      %add3A_704 = vector.broadcast %get3A_74 : vector<1x384xf32> to vector<256x384xf32>
      %add3A_705 = arith.addf %dot_general3A_703, %add3A_704 : vector<256x384xf32>
      %slice3A_706 = vector.extract_strided_slice %add3A_700 {offsets = [0, 0], sizes = [256, 128], strides = [1, 1]} : vector<256x384xf32> to vector<256x128xf32>
      %slice3A_707 = vector.extract_strided_slice %add3A_705 {offsets = [0, 0], sizes = [256, 128], strides = [1, 1]} : vector<256x384xf32> to vector<256x128xf32>
      %add3A_708 = arith.addf %slice3A_706, %slice3A_707 : vector<256x128xf32>
      %logistic3A_709 = arith.negf %add3A_708 : vector<256x128xf32>
      %logistic3A_710 = math.exp %logistic3A_709 : vector<256x128xf32>
      %logistic3A_711 = arith.constant 1.000000e+00 : f32
      %logistic3A_712 = vector.broadcast %logistic3A_711 : f32 to vector<256x128xf32>
      %logistic3A_713 = arith.addf %logistic3A_712, %logistic3A_710 : vector<256x128xf32>
      %logistic3A_714 = arith.divf %logistic3A_712, %logistic3A_713 : vector<256x128xf32>
      %slice3A_715 = vector.extract_strided_slice %add3A_700 {offsets = [0, 128], sizes = [256, 128], strides = [1, 1]} : vector<256x384xf32> to vector<256x128xf32>
      %slice3A_716 = vector.extract_strided_slice %add3A_705 {offsets = [0, 128], sizes = [256, 128], strides = [1, 1]} : vector<256x384xf32> to vector<256x128xf32>
      %add3A_717 = arith.addf %slice3A_715, %slice3A_716 : vector<256x128xf32>
      %logistic3A_718 = arith.negf %add3A_717 : vector<256x128xf32>
      %logistic3A_719 = math.exp %logistic3A_718 : vector<256x128xf32>
      %logistic3A_720 = arith.constant 1.000000e+00 : f32
      %logistic3A_721 = vector.broadcast %logistic3A_720 : f32 to vector<256x128xf32>
      %logistic3A_722 = arith.addf %logistic3A_721, %logistic3A_719 : vector<256x128xf32>
      %logistic3A_723 = arith.divf %logistic3A_721, %logistic3A_722 : vector<256x128xf32>
      %slice3A_724 = vector.extract_strided_slice %add3A_700 {offsets = [0, 256], sizes = [256, 128], strides = [1, 1]} : vector<256x384xf32> to vector<256x128xf32>
      %slice3A_725 = vector.extract_strided_slice %add3A_705 {offsets = [0, 256], sizes = [256, 128], strides = [1, 1]} : vector<256x384xf32> to vector<256x128xf32>
      %mul3A_726 = arith.mulf %logistic3A_714, %slice3A_725 : vector<256x128xf32>
      %add3A_727 = arith.addf %slice3A_724, %mul3A_726 : vector<256x128xf32>
      %tanh3A_728 = math.tanh %add3A_727 : vector<256x128xf32>
      %sub3A_729 = arith.subf %add3A_676, %tanh3A_728 : vector<256x128xf32>
      %mul3A_730 = arith.mulf %logistic3A_723, %sub3A_729 : vector<256x128xf32>
      %add3A_731 = arith.addf %tanh3A_728, %mul3A_730 : vector<256x128xf32>
      %dot_general3A_732 = arith.constant dense<0.000000e+00> : vector<256x1xf32>
      %dot_general3A_733 = tpu.matmul %add3A_731, %get3A_77, %dot_general3A_732 {dimension_numbers = #tpu.dot_dimension_numbers<[1], [0], [0], [1], [0, 0, 1, 1], [], []>, transpose_lhs_hint = false} : vector<256x128xf32>, vector<128x1xf32>, vector<256x1xf32> -> vector<256x1xf32>
      %add3A_734 = vector.broadcast %get3A_80 : vector<1x1xf32> to vector<256x1xf32>
      %add3A_735 = arith.addf %dot_general3A_733, %add3A_734 : vector<256x1xf32>
      %exp3A_736 = math.exp %add3A_735 : vector<256x1xf32>
      %add3A_737 = arith.addf %add3A_682, %exp3A_736 : vector<256x1xf32>
      %mul3A_738 = vector.broadcast %exp3A_736 : vector<256x1xf32> to vector<256x128xf32>
      %mul3A_739 = arith.mulf %mul3A_738, %add3A_731 : vector<256x128xf32>
      %add3A_740 = arith.addf %add3A_685, %mul3A_739 : vector<256x128xf32>
      %get3A_741 = arith.constant 0 : i32
      %get3A_742 = arith.constant 0 : i32
      %get3A_743 = arith.constant 0 : i32
      %get3A_744 = tpu.memref_slice %arg22[%rem3A_4, %get3A_741, %get3A_742, %get3A_743] : memref<2x50x256x128xf32, #tpu.memory_space<vmem>> -> memref<1x50x256x128xf32, #tpu.memory_space<vmem>>
      %get3A_745 = tpu.memref_squeeze %get3A_744 : memref<1x50x256x128xf32, #tpu.memory_space<vmem>> -> memref<50x256x128xf32, #tpu.memory_space<vmem>>
      %get3A_746 = arith.constant 12 : index
      %get3A_747 = arith.constant 0 : index
      %get3A_748 = arith.constant 0 : index
      %get3A_749 = vector.load %get3A_745[%get3A_746, %get3A_747, %get3A_748] : memref<50x256x128xf32, #tpu.memory_space<vmem>>, vector<1x256x128xf32>
      %get3A_750 = vector.shape_cast %get3A_749 : vector<1x256x128xf32> to vector<256x128xf32>
      %convert_element_type3A_751 = arith.truncf %get3A_750 : vector<256x128xf32> to vector<256x128xbf16>
      %dot_general3A_752 = arith.constant dense<0.000000e+00> : vector<256x384xf32>
      %dot_general3A_753 = tpu.matmul %convert_element_type3A_751, %get3A_65, %dot_general3A_752 {dimension_numbers = #tpu.dot_dimension_numbers<[1], [0], [0], [1], [0, 0, 1, 1], [], []>, transpose_lhs_hint = false} : vector<256x128xbf16>, vector<128x384xbf16>, vector<256x384xf32> -> vector<256x384xf32>
      %add3A_754 = vector.broadcast %get3A_71 : vector<1x384xf32> to vector<256x384xf32>
      %add3A_755 = arith.addf %dot_general3A_753, %add3A_754 : vector<256x384xf32>
      %convert_element_type3A_756 = arith.truncf %add3A_731 : vector<256x128xf32> to vector<256x128xbf16>
      %dot_general3A_757 = arith.constant dense<0.000000e+00> : vector<256x384xf32>
      %dot_general3A_758 = tpu.matmul %convert_element_type3A_756, %get3A_68, %dot_general3A_757 {dimension_numbers = #tpu.dot_dimension_numbers<[1], [0], [0], [1], [0, 0, 1, 1], [], []>, transpose_lhs_hint = false} : vector<256x128xbf16>, vector<128x384xbf16>, vector<256x384xf32> -> vector<256x384xf32>
      %add3A_759 = vector.broadcast %get3A_74 : vector<1x384xf32> to vector<256x384xf32>
      %add3A_760 = arith.addf %dot_general3A_758, %add3A_759 : vector<256x384xf32>
      %slice3A_761 = vector.extract_strided_slice %add3A_755 {offsets = [0, 0], sizes = [256, 128], strides = [1, 1]} : vector<256x384xf32> to vector<256x128xf32>
      %slice3A_762 = vector.extract_strided_slice %add3A_760 {offsets = [0, 0], sizes = [256, 128], strides = [1, 1]} : vector<256x384xf32> to vector<256x128xf32>
      %add3A_763 = arith.addf %slice3A_761, %slice3A_762 : vector<256x128xf32>
      %logistic3A_764 = arith.negf %add3A_763 : vector<256x128xf32>
      %logistic3A_765 = math.exp %logistic3A_764 : vector<256x128xf32>
      %logistic3A_766 = arith.constant 1.000000e+00 : f32
      %logistic3A_767 = vector.broadcast %logistic3A_766 : f32 to vector<256x128xf32>
      %logistic3A_768 = arith.addf %logistic3A_767, %logistic3A_765 : vector<256x128xf32>
      %logistic3A_769 = arith.divf %logistic3A_767, %logistic3A_768 : vector<256x128xf32>
      %slice3A_770 = vector.extract_strided_slice %add3A_755 {offsets = [0, 128], sizes = [256, 128], strides = [1, 1]} : vector<256x384xf32> to vector<256x128xf32>
      %slice3A_771 = vector.extract_strided_slice %add3A_760 {offsets = [0, 128], sizes = [256, 128], strides = [1, 1]} : vector<256x384xf32> to vector<256x128xf32>
      %add3A_772 = arith.addf %slice3A_770, %slice3A_771 : vector<256x128xf32>
      %logistic3A_773 = arith.negf %add3A_772 : vector<256x128xf32>
      %logistic3A_774 = math.exp %logistic3A_773 : vector<256x128xf32>
      %logistic3A_775 = arith.constant 1.000000e+00 : f32
      %logistic3A_776 = vector.broadcast %logistic3A_775 : f32 to vector<256x128xf32>
      %logistic3A_777 = arith.addf %logistic3A_776, %logistic3A_774 : vector<256x128xf32>
      %logistic3A_778 = arith.divf %logistic3A_776, %logistic3A_777 : vector<256x128xf32>
      %slice3A_779 = vector.extract_strided_slice %add3A_755 {offsets = [0, 256], sizes = [256, 128], strides = [1, 1]} : vector<256x384xf32> to vector<256x128xf32>
      %slice3A_780 = vector.extract_strided_slice %add3A_760 {offsets = [0, 256], sizes = [256, 128], strides = [1, 1]} : vector<256x384xf32> to vector<256x128xf32>
      %mul3A_781 = arith.mulf %logistic3A_769, %slice3A_780 : vector<256x128xf32>
      %add3A_782 = arith.addf %slice3A_779, %mul3A_781 : vector<256x128xf32>
      %tanh3A_783 = math.tanh %add3A_782 : vector<256x128xf32>
      %sub3A_784 = arith.subf %add3A_731, %tanh3A_783 : vector<256x128xf32>
      %mul3A_785 = arith.mulf %logistic3A_778, %sub3A_784 : vector<256x128xf32>
      %add3A_786 = arith.addf %tanh3A_783, %mul3A_785 : vector<256x128xf32>
      %dot_general3A_787 = arith.constant dense<0.000000e+00> : vector<256x1xf32>
      %dot_general3A_788 = tpu.matmul %add3A_786, %get3A_77, %dot_general3A_787 {dimension_numbers = #tpu.dot_dimension_numbers<[1], [0], [0], [1], [0, 0, 1, 1], [], []>, transpose_lhs_hint = false} : vector<256x128xf32>, vector<128x1xf32>, vector<256x1xf32> -> vector<256x1xf32>
      %add3A_789 = vector.broadcast %get3A_80 : vector<1x1xf32> to vector<256x1xf32>
      %add3A_790 = arith.addf %dot_general3A_788, %add3A_789 : vector<256x1xf32>
      %exp3A_791 = math.exp %add3A_790 : vector<256x1xf32>
      %add3A_792 = arith.addf %add3A_737, %exp3A_791 : vector<256x1xf32>
      %mul3A_793 = vector.broadcast %exp3A_791 : vector<256x1xf32> to vector<256x128xf32>
      %mul3A_794 = arith.mulf %mul3A_793, %add3A_786 : vector<256x128xf32>
      %add3A_795 = arith.addf %add3A_740, %mul3A_794 : vector<256x128xf32>
      %get3A_796 = arith.constant 0 : i32
      %get3A_797 = arith.constant 0 : i32
      %get3A_798 = arith.constant 0 : i32
      %get3A_799 = tpu.memref_slice %arg22[%rem3A_4, %get3A_796, %get3A_797, %get3A_798] : memref<2x50x256x128xf32, #tpu.memory_space<vmem>> -> memref<1x50x256x128xf32, #tpu.memory_space<vmem>>
      %get3A_800 = tpu.memref_squeeze %get3A_799 : memref<1x50x256x128xf32, #tpu.memory_space<vmem>> -> memref<50x256x128xf32, #tpu.memory_space<vmem>>
      %get3A_801 = arith.constant 13 : index
      %get3A_802 = arith.constant 0 : index
      %get3A_803 = arith.constant 0 : index
      %get3A_804 = vector.load %get3A_800[%get3A_801, %get3A_802, %get3A_803] : memref<50x256x128xf32, #tpu.memory_space<vmem>>, vector<1x256x128xf32>
      %get3A_805 = vector.shape_cast %get3A_804 : vector<1x256x128xf32> to vector<256x128xf32>
      %convert_element_type3A_806 = arith.truncf %get3A_805 : vector<256x128xf32> to vector<256x128xbf16>
      %dot_general3A_807 = arith.constant dense<0.000000e+00> : vector<256x384xf32>
      %dot_general3A_808 = tpu.matmul %convert_element_type3A_806, %get3A_65, %dot_general3A_807 {dimension_numbers = #tpu.dot_dimension_numbers<[1], [0], [0], [1], [0, 0, 1, 1], [], []>, transpose_lhs_hint = false} : vector<256x128xbf16>, vector<128x384xbf16>, vector<256x384xf32> -> vector<256x384xf32>
      %add3A_809 = vector.broadcast %get3A_71 : vector<1x384xf32> to vector<256x384xf32>
      %add3A_810 = arith.addf %dot_general3A_808, %add3A_809 : vector<256x384xf32>
      %convert_element_type3A_811 = arith.truncf %add3A_786 : vector<256x128xf32> to vector<256x128xbf16>
      %dot_general3A_812 = arith.constant dense<0.000000e+00> : vector<256x384xf32>
      %dot_general3A_813 = tpu.matmul %convert_element_type3A_811, %get3A_68, %dot_general3A_812 {dimension_numbers = #tpu.dot_dimension_numbers<[1], [0], [0], [1], [0, 0, 1, 1], [], []>, transpose_lhs_hint = false} : vector<256x128xbf16>, vector<128x384xbf16>, vector<256x384xf32> -> vector<256x384xf32>
      %add3A_814 = vector.broadcast %get3A_74 : vector<1x384xf32> to vector<256x384xf32>
      %add3A_815 = arith.addf %dot_general3A_813, %add3A_814 : vector<256x384xf32>
      %slice3A_816 = vector.extract_strided_slice %add3A_810 {offsets = [0, 0], sizes = [256, 128], strides = [1, 1]} : vector<256x384xf32> to vector<256x128xf32>
      %slice3A_817 = vector.extract_strided_slice %add3A_815 {offsets = [0, 0], sizes = [256, 128], strides = [1, 1]} : vector<256x384xf32> to vector<256x128xf32>
      %add3A_818 = arith.addf %slice3A_816, %slice3A_817 : vector<256x128xf32>
      %logistic3A_819 = arith.negf %add3A_818 : vector<256x128xf32>
      %logistic3A_820 = math.exp %logistic3A_819 : vector<256x128xf32>
      %logistic3A_821 = arith.constant 1.000000e+00 : f32
      %logistic3A_822 = vector.broadcast %logistic3A_821 : f32 to vector<256x128xf32>
      %logistic3A_823 = arith.addf %logistic3A_822, %logistic3A_820 : vector<256x128xf32>
      %logistic3A_824 = arith.divf %logistic3A_822, %logistic3A_823 : vector<256x128xf32>
      %slice3A_825 = vector.extract_strided_slice %add3A_810 {offsets = [0, 128], sizes = [256, 128], strides = [1, 1]} : vector<256x384xf32> to vector<256x128xf32>
      %slice3A_826 = vector.extract_strided_slice %add3A_815 {offsets = [0, 128], sizes = [256, 128], strides = [1, 1]} : vector<256x384xf32> to vector<256x128xf32>
      %add3A_827 = arith.addf %slice3A_825, %slice3A_826 : vector<256x128xf32>
      %logistic3A_828 = arith.negf %add3A_827 : vector<256x128xf32>
      %logistic3A_829 = math.exp %logistic3A_828 : vector<256x128xf32>
      %logistic3A_830 = arith.constant 1.000000e+00 : f32
      %logistic3A_831 = vector.broadcast %logistic3A_830 : f32 to vector<256x128xf32>
      %logistic3A_832 = arith.addf %logistic3A_831, %logistic3A_829 : vector<256x128xf32>
      %logistic3A_833 = arith.divf %logistic3A_831, %logistic3A_832 : vector<256x128xf32>
      %slice3A_834 = vector.extract_strided_slice %add3A_810 {offsets = [0, 256], sizes = [256, 128], strides = [1, 1]} : vector<256x384xf32> to vector<256x128xf32>
      %slice3A_835 = vector.extract_strided_slice %add3A_815 {offsets = [0, 256], sizes = [256, 128], strides = [1, 1]} : vector<256x384xf32> to vector<256x128xf32>
      %mul3A_836 = arith.mulf %logistic3A_824, %slice3A_835 : vector<256x128xf32>
      %add3A_837 = arith.addf %slice3A_834, %mul3A_836 : vector<256x128xf32>
      %tanh3A_838 = math.tanh %add3A_837 : vector<256x128xf32>
      %sub3A_839 = arith.subf %add3A_786, %tanh3A_838 : vector<256x128xf32>
      %mul3A_840 = arith.mulf %logistic3A_833, %sub3A_839 : vector<256x128xf32>
      %add3A_841 = arith.addf %tanh3A_838, %mul3A_840 : vector<256x128xf32>
      %dot_general3A_842 = arith.constant dense<0.000000e+00> : vector<256x1xf32>
      %dot_general3A_843 = tpu.matmul %add3A_841, %get3A_77, %dot_general3A_842 {dimension_numbers = #tpu.dot_dimension_numbers<[1], [0], [0], [1], [0, 0, 1, 1], [], []>, transpose_lhs_hint = false} : vector<256x128xf32>, vector<128x1xf32>, vector<256x1xf32> -> vector<256x1xf32>
      %add3A_844 = vector.broadcast %get3A_80 : vector<1x1xf32> to vector<256x1xf32>
      %add3A_845 = arith.addf %dot_general3A_843, %add3A_844 : vector<256x1xf32>
      %exp3A_846 = math.exp %add3A_845 : vector<256x1xf32>
      %add3A_847 = arith.addf %add3A_792, %exp3A_846 : vector<256x1xf32>
      %mul3A_848 = vector.broadcast %exp3A_846 : vector<256x1xf32> to vector<256x128xf32>
      %mul3A_849 = arith.mulf %mul3A_848, %add3A_841 : vector<256x128xf32>
      %add3A_850 = arith.addf %add3A_795, %mul3A_849 : vector<256x128xf32>
      %get3A_851 = arith.constant 0 : i32
      %get3A_852 = arith.constant 0 : i32
      %get3A_853 = arith.constant 0 : i32
      %get3A_854 = tpu.memref_slice %arg22[%rem3A_4, %get3A_851, %get3A_852, %get3A_853] : memref<2x50x256x128xf32, #tpu.memory_space<vmem>> -> memref<1x50x256x128xf32, #tpu.memory_space<vmem>>
      %get3A_855 = tpu.memref_squeeze %get3A_854 : memref<1x50x256x128xf32, #tpu.memory_space<vmem>> -> memref<50x256x128xf32, #tpu.memory_space<vmem>>
      %get3A_856 = arith.constant 14 : index
      %get3A_857 = arith.constant 0 : index
      %get3A_858 = arith.constant 0 : index
      %get3A_859 = vector.load %get3A_855[%get3A_856, %get3A_857, %get3A_858] : memref<50x256x128xf32, #tpu.memory_space<vmem>>, vector<1x256x128xf32>
      %get3A_860 = vector.shape_cast %get3A_859 : vector<1x256x128xf32> to vector<256x128xf32>
      %convert_element_type3A_861 = arith.truncf %get3A_860 : vector<256x128xf32> to vector<256x128xbf16>
      %dot_general3A_862 = arith.constant dense<0.000000e+00> : vector<256x384xf32>
      %dot_general3A_863 = tpu.matmul %convert_element_type3A_861, %get3A_65, %dot_general3A_862 {dimension_numbers = #tpu.dot_dimension_numbers<[1], [0], [0], [1], [0, 0, 1, 1], [], []>, transpose_lhs_hint = false} : vector<256x128xbf16>, vector<128x384xbf16>, vector<256x384xf32> -> vector<256x384xf32>
      %add3A_864 = vector.broadcast %get3A_71 : vector<1x384xf32> to vector<256x384xf32>
      %add3A_865 = arith.addf %dot_general3A_863, %add3A_864 : vector<256x384xf32>
      %convert_element_type3A_866 = arith.truncf %add3A_841 : vector<256x128xf32> to vector<256x128xbf16>
      %dot_general3A_867 = arith.constant dense<0.000000e+00> : vector<256x384xf32>
      %dot_general3A_868 = tpu.matmul %convert_element_type3A_866, %get3A_68, %dot_general3A_867 {dimension_numbers = #tpu.dot_dimension_numbers<[1], [0], [0], [1], [0, 0, 1, 1], [], []>, transpose_lhs_hint = false} : vector<256x128xbf16>, vector<128x384xbf16>, vector<256x384xf32> -> vector<256x384xf32>
      %add3A_869 = vector.broadcast %get3A_74 : vector<1x384xf32> to vector<256x384xf32>
      %add3A_870 = arith.addf %dot_general3A_868, %add3A_869 : vector<256x384xf32>
      %slice3A_871 = vector.extract_strided_slice %add3A_865 {offsets = [0, 0], sizes = [256, 128], strides = [1, 1]} : vector<256x384xf32> to vector<256x128xf32>
      %slice3A_872 = vector.extract_strided_slice %add3A_870 {offsets = [0, 0], sizes = [256, 128], strides = [1, 1]} : vector<256x384xf32> to vector<256x128xf32>
      %add3A_873 = arith.addf %slice3A_871, %slice3A_872 : vector<256x128xf32>
      %logistic3A_874 = arith.negf %add3A_873 : vector<256x128xf32>
      %logistic3A_875 = math.exp %logistic3A_874 : vector<256x128xf32>
      %logistic3A_876 = arith.constant 1.000000e+00 : f32
      %logistic3A_877 = vector.broadcast %logistic3A_876 : f32 to vector<256x128xf32>
      %logistic3A_878 = arith.addf %logistic3A_877, %logistic3A_875 : vector<256x128xf32>
      %logistic3A_879 = arith.divf %logistic3A_877, %logistic3A_878 : vector<256x128xf32>
      %slice3A_880 = vector.extract_strided_slice %add3A_865 {offsets = [0, 128], sizes = [256, 128], strides = [1, 1]} : vector<256x384xf32> to vector<256x128xf32>
      %slice3A_881 = vector.extract_strided_slice %add3A_870 {offsets = [0, 128], sizes = [256, 128], strides = [1, 1]} : vector<256x384xf32> to vector<256x128xf32>
      %add3A_882 = arith.addf %slice3A_880, %slice3A_881 : vector<256x128xf32>
      %logistic3A_883 = arith.negf %add3A_882 : vector<256x128xf32>
      %logistic3A_884 = math.exp %logistic3A_883 : vector<256x128xf32>
      %logistic3A_885 = arith.constant 1.000000e+00 : f32
      %logistic3A_886 = vector.broadcast %logistic3A_885 : f32 to vector<256x128xf32>
      %logistic3A_887 = arith.addf %logistic3A_886, %logistic3A_884 : vector<256x128xf32>
      %logistic3A_888 = arith.divf %logistic3A_886, %logistic3A_887 : vector<256x128xf32>
      %slice3A_889 = vector.extract_strided_slice %add3A_865 {offsets = [0, 256], sizes = [256, 128], strides = [1, 1]} : vector<256x384xf32> to vector<256x128xf32>
      %slice3A_890 = vector.extract_strided_slice %add3A_870 {offsets = [0, 256], sizes = [256, 128], strides = [1, 1]} : vector<256x384xf32> to vector<256x128xf32>
      %mul3A_891 = arith.mulf %logistic3A_879, %slice3A_890 : vector<256x128xf32>
      %add3A_892 = arith.addf %slice3A_889, %mul3A_891 : vector<256x128xf32>
      %tanh3A_893 = math.tanh %add3A_892 : vector<256x128xf32>
      %sub3A_894 = arith.subf %add3A_841, %tanh3A_893 : vector<256x128xf32>
      %mul3A_895 = arith.mulf %logistic3A_888, %sub3A_894 : vector<256x128xf32>
      %add3A_896 = arith.addf %tanh3A_893, %mul3A_895 : vector<256x128xf32>
      %dot_general3A_897 = arith.constant dense<0.000000e+00> : vector<256x1xf32>
      %dot_general3A_898 = tpu.matmul %add3A_896, %get3A_77, %dot_general3A_897 {dimension_numbers = #tpu.dot_dimension_numbers<[1], [0], [0], [1], [0, 0, 1, 1], [], []>, transpose_lhs_hint = false} : vector<256x128xf32>, vector<128x1xf32>, vector<256x1xf32> -> vector<256x1xf32>
      %add3A_899 = vector.broadcast %get3A_80 : vector<1x1xf32> to vector<256x1xf32>
      %add3A_900 = arith.addf %dot_general3A_898, %add3A_899 : vector<256x1xf32>
      %exp3A_901 = math.exp %add3A_900 : vector<256x1xf32>
      %add3A_902 = arith.addf %add3A_847, %exp3A_901 : vector<256x1xf32>
      %mul3A_903 = vector.broadcast %exp3A_901 : vector<256x1xf32> to vector<256x128xf32>
      %mul3A_904 = arith.mulf %mul3A_903, %add3A_896 : vector<256x128xf32>
      %add3A_905 = arith.addf %add3A_850, %mul3A_904 : vector<256x128xf32>
      %get3A_906 = arith.constant 0 : i32
      %get3A_907 = arith.constant 0 : i32
      %get3A_908 = arith.constant 0 : i32
      %get3A_909 = tpu.memref_slice %arg22[%rem3A_4, %get3A_906, %get3A_907, %get3A_908] : memref<2x50x256x128xf32, #tpu.memory_space<vmem>> -> memref<1x50x256x128xf32, #tpu.memory_space<vmem>>
      %get3A_910 = tpu.memref_squeeze %get3A_909 : memref<1x50x256x128xf32, #tpu.memory_space<vmem>> -> memref<50x256x128xf32, #tpu.memory_space<vmem>>
      %get3A_911 = arith.constant 15 : index
      %get3A_912 = arith.constant 0 : index
      %get3A_913 = arith.constant 0 : index
      %get3A_914 = vector.load %get3A_910[%get3A_911, %get3A_912, %get3A_913] : memref<50x256x128xf32, #tpu.memory_space<vmem>>, vector<1x256x128xf32>
      %get3A_915 = vector.shape_cast %get3A_914 : vector<1x256x128xf32> to vector<256x128xf32>
      %convert_element_type3A_916 = arith.truncf %get3A_915 : vector<256x128xf32> to vector<256x128xbf16>
      %dot_general3A_917 = arith.constant dense<0.000000e+00> : vector<256x384xf32>
      %dot_general3A_918 = tpu.matmul %convert_element_type3A_916, %get3A_65, %dot_general3A_917 {dimension_numbers = #tpu.dot_dimension_numbers<[1], [0], [0], [1], [0, 0, 1, 1], [], []>, transpose_lhs_hint = false} : vector<256x128xbf16>, vector<128x384xbf16>, vector<256x384xf32> -> vector<256x384xf32>
      %add3A_919 = vector.broadcast %get3A_71 : vector<1x384xf32> to vector<256x384xf32>
      %add3A_920 = arith.addf %dot_general3A_918, %add3A_919 : vector<256x384xf32>
      %convert_element_type3A_921 = arith.truncf %add3A_896 : vector<256x128xf32> to vector<256x128xbf16>
      %dot_general3A_922 = arith.constant dense<0.000000e+00> : vector<256x384xf32>
      %dot_general3A_923 = tpu.matmul %convert_element_type3A_921, %get3A_68, %dot_general3A_922 {dimension_numbers = #tpu.dot_dimension_numbers<[1], [0], [0], [1], [0, 0, 1, 1], [], []>, transpose_lhs_hint = false} : vector<256x128xbf16>, vector<128x384xbf16>, vector<256x384xf32> -> vector<256x384xf32>
      %add3A_924 = vector.broadcast %get3A_74 : vector<1x384xf32> to vector<256x384xf32>
      %add3A_925 = arith.addf %dot_general3A_923, %add3A_924 : vector<256x384xf32>
      %slice3A_926 = vector.extract_strided_slice %add3A_920 {offsets = [0, 0], sizes = [256, 128], strides = [1, 1]} : vector<256x384xf32> to vector<256x128xf32>
      %slice3A_927 = vector.extract_strided_slice %add3A_925 {offsets = [0, 0], sizes = [256, 128], strides = [1, 1]} : vector<256x384xf32> to vector<256x128xf32>
      %add3A_928 = arith.addf %slice3A_926, %slice3A_927 : vector<256x128xf32>
      %logistic3A_929 = arith.negf %add3A_928 : vector<256x128xf32>
      %logistic3A_930 = math.exp %logistic3A_929 : vector<256x128xf32>
      %logistic3A_931 = arith.constant 1.000000e+00 : f32
      %logistic3A_932 = vector.broadcast %logistic3A_931 : f32 to vector<256x128xf32>
      %logistic3A_933 = arith.addf %logistic3A_932, %logistic3A_930 : vector<256x128xf32>
      %logistic3A_934 = arith.divf %logistic3A_932, %logistic3A_933 : vector<256x128xf32>
      %slice3A_935 = vector.extract_strided_slice %add3A_920 {offsets = [0, 128], sizes = [256, 128], strides = [1, 1]} : vector<256x384xf32> to vector<256x128xf32>
      %slice3A_936 = vector.extract_strided_slice %add3A_925 {offsets = [0, 128], sizes = [256, 128], strides = [1, 1]} : vector<256x384xf32> to vector<256x128xf32>
      %add3A_937 = arith.addf %slice3A_935, %slice3A_936 : vector<256x128xf32>
      %logistic3A_938 = arith.negf %add3A_937 : vector<256x128xf32>
      %logistic3A_939 = math.exp %logistic3A_938 : vector<256x128xf32>
      %logistic3A_940 = arith.constant 1.000000e+00 : f32
      %logistic3A_941 = vector.broadcast %logistic3A_940 : f32 to vector<256x128xf32>
      %logistic3A_942 = arith.addf %logistic3A_941, %logistic3A_939 : vector<256x128xf32>
      %logistic3A_943 = arith.divf %logistic3A_941, %logistic3A_942 : vector<256x128xf32>
      %slice3A_944 = vector.extract_strided_slice %add3A_920 {offsets = [0, 256], sizes = [256, 128], strides = [1, 1]} : vector<256x384xf32> to vector<256x128xf32>
      %slice3A_945 = vector.extract_strided_slice %add3A_925 {offsets = [0, 256], sizes = [256, 128], strides = [1, 1]} : vector<256x384xf32> to vector<256x128xf32>
      %mul3A_946 = arith.mulf %logistic3A_934, %slice3A_945 : vector<256x128xf32>
      %add3A_947 = arith.addf %slice3A_944, %mul3A_946 : vector<256x128xf32>
      %tanh3A_948 = math.tanh %add3A_947 : vector<256x128xf32>
      %sub3A_949 = arith.subf %add3A_896, %tanh3A_948 : vector<256x128xf32>
      %mul3A_950 = arith.mulf %logistic3A_943, %sub3A_949 : vector<256x128xf32>
      %add3A_951 = arith.addf %tanh3A_948, %mul3A_950 : vector<256x128xf32>
      %dot_general3A_952 = arith.constant dense<0.000000e+00> : vector<256x1xf32>
      %dot_general3A_953 = tpu.matmul %add3A_951, %get3A_77, %dot_general3A_952 {dimension_numbers = #tpu.dot_dimension_numbers<[1], [0], [0], [1], [0, 0, 1, 1], [], []>, transpose_lhs_hint = false} : vector<256x128xf32>, vector<128x1xf32>, vector<256x1xf32> -> vector<256x1xf32>
      %add3A_954 = vector.broadcast %get3A_80 : vector<1x1xf32> to vector<256x1xf32>
      %add3A_955 = arith.addf %dot_general3A_953, %add3A_954 : vector<256x1xf32>
      %exp3A_956 = math.exp %add3A_955 : vector<256x1xf32>
      %add3A_957 = arith.addf %add3A_902, %exp3A_956 : vector<256x1xf32>
      %mul3A_958 = vector.broadcast %exp3A_956 : vector<256x1xf32> to vector<256x128xf32>
      %mul3A_959 = arith.mulf %mul3A_958, %add3A_951 : vector<256x128xf32>
      %add3A_960 = arith.addf %add3A_905, %mul3A_959 : vector<256x128xf32>
      %get3A_961 = arith.constant 0 : i32
      %get3A_962 = arith.constant 0 : i32
      %get3A_963 = arith.constant 0 : i32
      %get3A_964 = tpu.memref_slice %arg22[%rem3A_4, %get3A_961, %get3A_962, %get3A_963] : memref<2x50x256x128xf32, #tpu.memory_space<vmem>> -> memref<1x50x256x128xf32, #tpu.memory_space<vmem>>
      %get3A_965 = tpu.memref_squeeze %get3A_964 : memref<1x50x256x128xf32, #tpu.memory_space<vmem>> -> memref<50x256x128xf32, #tpu.memory_space<vmem>>
      %get3A_966 = arith.constant 16 : index
      %get3A_967 = arith.constant 0 : index
      %get3A_968 = arith.constant 0 : index
      %get3A_969 = vector.load %get3A_965[%get3A_966, %get3A_967, %get3A_968] : memref<50x256x128xf32, #tpu.memory_space<vmem>>, vector<1x256x128xf32>
      %get3A_970 = vector.shape_cast %get3A_969 : vector<1x256x128xf32> to vector<256x128xf32>
      %convert_element_type3A_971 = arith.truncf %get3A_970 : vector<256x128xf32> to vector<256x128xbf16>
      %dot_general3A_972 = arith.constant dense<0.000000e+00> : vector<256x384xf32>
      %dot_general3A_973 = tpu.matmul %convert_element_type3A_971, %get3A_65, %dot_general3A_972 {dimension_numbers = #tpu.dot_dimension_numbers<[1], [0], [0], [1], [0, 0, 1, 1], [], []>, transpose_lhs_hint = false} : vector<256x128xbf16>, vector<128x384xbf16>, vector<256x384xf32> -> vector<256x384xf32>
      %add3A_974 = vector.broadcast %get3A_71 : vector<1x384xf32> to vector<256x384xf32>
      %add3A_975 = arith.addf %dot_general3A_973, %add3A_974 : vector<256x384xf32>
      %convert_element_type3A_976 = arith.truncf %add3A_951 : vector<256x128xf32> to vector<256x128xbf16>
      %dot_general3A_977 = arith.constant dense<0.000000e+00> : vector<256x384xf32>
      %dot_general3A_978 = tpu.matmul %convert_element_type3A_976, %get3A_68, %dot_general3A_977 {dimension_numbers = #tpu.dot_dimension_numbers<[1], [0], [0], [1], [0, 0, 1, 1], [], []>, transpose_lhs_hint = false} : vector<256x128xbf16>, vector<128x384xbf16>, vector<256x384xf32> -> vector<256x384xf32>
      %add3A_979 = vector.broadcast %get3A_74 : vector<1x384xf32> to vector<256x384xf32>
      %add3A_980 = arith.addf %dot_general3A_978, %add3A_979 : vector<256x384xf32>
      %slice3A_981 = vector.extract_strided_slice %add3A_975 {offsets = [0, 0], sizes = [256, 128], strides = [1, 1]} : vector<256x384xf32> to vector<256x128xf32>
      %slice3A_982 = vector.extract_strided_slice %add3A_980 {offsets = [0, 0], sizes = [256, 128], strides = [1, 1]} : vector<256x384xf32> to vector<256x128xf32>
      %add3A_983 = arith.addf %slice3A_981, %slice3A_982 : vector<256x128xf32>
      %logistic3A_984 = arith.negf %add3A_983 : vector<256x128xf32>
      %logistic3A_985 = math.exp %logistic3A_984 : vector<256x128xf32>
      %logistic3A_986 = arith.constant 1.000000e+00 : f32
      %logistic3A_987 = vector.broadcast %logistic3A_986 : f32 to vector<256x128xf32>
      %logistic3A_988 = arith.addf %logistic3A_987, %logistic3A_985 : vector<256x128xf32>
      %logistic3A_989 = arith.divf %logistic3A_987, %logistic3A_988 : vector<256x128xf32>
      %slice3A_990 = vector.extract_strided_slice %add3A_975 {offsets = [0, 128], sizes = [256, 128], strides = [1, 1]} : vector<256x384xf32> to vector<256x128xf32>
      %slice3A_991 = vector.extract_strided_slice %add3A_980 {offsets = [0, 128], sizes = [256, 128], strides = [1, 1]} : vector<256x384xf32> to vector<256x128xf32>
      %add3A_992 = arith.addf %slice3A_990, %slice3A_991 : vector<256x128xf32>
      %logistic3A_993 = arith.negf %add3A_992 : vector<256x128xf32>
      %logistic3A_994 = math.exp %logistic3A_993 : vector<256x128xf32>
      %logistic3A_995 = arith.constant 1.000000e+00 : f32
      %logistic3A_996 = vector.broadcast %logistic3A_995 : f32 to vector<256x128xf32>
      %logistic3A_997 = arith.addf %logistic3A_996, %logistic3A_994 : vector<256x128xf32>
      %logistic3A_998 = arith.divf %logistic3A_996, %logistic3A_997 : vector<256x128xf32>
      %slice3A_999 = vector.extract_strided_slice %add3A_975 {offsets = [0, 256], sizes = [256, 128], strides = [1, 1]} : vector<256x384xf32> to vector<256x128xf32>
      %slice3A_1000 = vector.extract_strided_slice %add3A_980 {offsets = [0, 256], sizes = [256, 128], strides = [1, 1]} : vector<256x384xf32> to vector<256x128xf32>
      %mul3A_1001 = arith.mulf %logistic3A_989, %slice3A_1000 : vector<256x128xf32>
      %add3A_1002 = arith.addf %slice3A_999, %mul3A_1001 : vector<256x128xf32>
      %tanh3A_1003 = math.tanh %add3A_1002 : vector<256x128xf32>
      %sub3A_1004 = arith.subf %add3A_951, %tanh3A_1003 : vector<256x128xf32>
      %mul3A_1005 = arith.mulf %logistic3A_998, %sub3A_1004 : vector<256x128xf32>
      %add3A_1006 = arith.addf %tanh3A_1003, %mul3A_1005 : vector<256x128xf32>
      %dot_general3A_1007 = arith.constant dense<0.000000e+00> : vector<256x1xf32>
      %dot_general3A_1008 = tpu.matmul %add3A_1006, %get3A_77, %dot_general3A_1007 {dimension_numbers = #tpu.dot_dimension_numbers<[1], [0], [0], [1], [0, 0, 1, 1], [], []>, transpose_lhs_hint = false} : vector<256x128xf32>, vector<128x1xf32>, vector<256x1xf32> -> vector<256x1xf32>
      %add3A_1009 = vector.broadcast %get3A_80 : vector<1x1xf32> to vector<256x1xf32>
      %add3A_1010 = arith.addf %dot_general3A_1008, %add3A_1009 : vector<256x1xf32>
      %exp3A_1011 = math.exp %add3A_1010 : vector<256x1xf32>
      %add3A_1012 = arith.addf %add3A_957, %exp3A_1011 : vector<256x1xf32>
      %mul3A_1013 = vector.broadcast %exp3A_1011 : vector<256x1xf32> to vector<256x128xf32>
      %mul3A_1014 = arith.mulf %mul3A_1013, %add3A_1006 : vector<256x128xf32>
      %add3A_1015 = arith.addf %add3A_960, %mul3A_1014 : vector<256x128xf32>
      %get3A_1016 = arith.constant 0 : i32
      %get3A_1017 = arith.constant 0 : i32
      %get3A_1018 = arith.constant 0 : i32
      %get3A_1019 = tpu.memref_slice %arg22[%rem3A_4, %get3A_1016, %get3A_1017, %get3A_1018] : memref<2x50x256x128xf32, #tpu.memory_space<vmem>> -> memref<1x50x256x128xf32, #tpu.memory_space<vmem>>
      %get3A_1020 = tpu.memref_squeeze %get3A_1019 : memref<1x50x256x128xf32, #tpu.memory_space<vmem>> -> memref<50x256x128xf32, #tpu.memory_space<vmem>>
      %get3A_1021 = arith.constant 17 : index
      %get3A_1022 = arith.constant 0 : index
      %get3A_1023 = arith.constant 0 : index
      %get3A_1024 = vector.load %get3A_1020[%get3A_1021, %get3A_1022, %get3A_1023] : memref<50x256x128xf32, #tpu.memory_space<vmem>>, vector<1x256x128xf32>
      %get3A_1025 = vector.shape_cast %get3A_1024 : vector<1x256x128xf32> to vector<256x128xf32>
      %convert_element_type3A_1026 = arith.truncf %get3A_1025 : vector<256x128xf32> to vector<256x128xbf16>
      %dot_general3A_1027 = arith.constant dense<0.000000e+00> : vector<256x384xf32>
      %dot_general3A_1028 = tpu.matmul %convert_element_type3A_1026, %get3A_65, %dot_general3A_1027 {dimension_numbers = #tpu.dot_dimension_numbers<[1], [0], [0], [1], [0, 0, 1, 1], [], []>, transpose_lhs_hint = false} : vector<256x128xbf16>, vector<128x384xbf16>, vector<256x384xf32> -> vector<256x384xf32>
      %add3A_1029 = vector.broadcast %get3A_71 : vector<1x384xf32> to vector<256x384xf32>
      %add3A_1030 = arith.addf %dot_general3A_1028, %add3A_1029 : vector<256x384xf32>
      %convert_element_type3A_1031 = arith.truncf %add3A_1006 : vector<256x128xf32> to vector<256x128xbf16>
      %dot_general3A_1032 = arith.constant dense<0.000000e+00> : vector<256x384xf32>
      %dot_general3A_1033 = tpu.matmul %convert_element_type3A_1031, %get3A_68, %dot_general3A_1032 {dimension_numbers = #tpu.dot_dimension_numbers<[1], [0], [0], [1], [0, 0, 1, 1], [], []>, transpose_lhs_hint = false} : vector<256x128xbf16>, vector<128x384xbf16>, vector<256x384xf32> -> vector<256x384xf32>
      %add3A_1034 = vector.broadcast %get3A_74 : vector<1x384xf32> to vector<256x384xf32>
      %add3A_1035 = arith.addf %dot_general3A_1033, %add3A_1034 : vector<256x384xf32>
      %slice3A_1036 = vector.extract_strided_slice %add3A_1030 {offsets = [0, 0], sizes = [256, 128], strides = [1, 1]} : vector<256x384xf32> to vector<256x128xf32>
      %slice3A_1037 = vector.extract_strided_slice %add3A_1035 {offsets = [0, 0], sizes = [256, 128], strides = [1, 1]} : vector<256x384xf32> to vector<256x128xf32>
      %add3A_1038 = arith.addf %slice3A_1036, %slice3A_1037 : vector<256x128xf32>
      %logistic3A_1039 = arith.negf %add3A_1038 : vector<256x128xf32>
      %logistic3A_1040 = math.exp %logistic3A_1039 : vector<256x128xf32>
      %logistic3A_1041 = arith.constant 1.000000e+00 : f32
      %logistic3A_1042 = vector.broadcast %logistic3A_1041 : f32 to vector<256x128xf32>
      %logistic3A_1043 = arith.addf %logistic3A_1042, %logistic3A_1040 : vector<256x128xf32>
      %logistic3A_1044 = arith.divf %logistic3A_1042, %logistic3A_1043 : vector<256x128xf32>
      %slice3A_1045 = vector.extract_strided_slice %add3A_1030 {offsets = [0, 128], sizes = [256, 128], strides = [1, 1]} : vector<256x384xf32> to vector<256x128xf32>
      %slice3A_1046 = vector.extract_strided_slice %add3A_1035 {offsets = [0, 128], sizes = [256, 128], strides = [1, 1]} : vector<256x384xf32> to vector<256x128xf32>
      %add3A_1047 = arith.addf %slice3A_1045, %slice3A_1046 : vector<256x128xf32>
      %logistic3A_1048 = arith.negf %add3A_1047 : vector<256x128xf32>
      %logistic3A_1049 = math.exp %logistic3A_1048 : vector<256x128xf32>
      %logistic3A_1050 = arith.constant 1.000000e+00 : f32
      %logistic3A_1051 = vector.broadcast %logistic3A_1050 : f32 to vector<256x128xf32>
      %logistic3A_1052 = arith.addf %logistic3A_1051, %logistic3A_1049 : vector<256x128xf32>
      %logistic3A_1053 = arith.divf %logistic3A_1051, %logistic3A_1052 : vector<256x128xf32>
      %slice3A_1054 = vector.extract_strided_slice %add3A_1030 {offsets = [0, 256], sizes = [256, 128], strides = [1, 1]} : vector<256x384xf32> to vector<256x128xf32>
      %slice3A_1055 = vector.extract_strided_slice %add3A_1035 {offsets = [0, 256], sizes = [256, 128], strides = [1, 1]} : vector<256x384xf32> to vector<256x128xf32>
      %mul3A_1056 = arith.mulf %logistic3A_1044, %slice3A_1055 : vector<256x128xf32>
      %add3A_1057 = arith.addf %slice3A_1054, %mul3A_1056 : vector<256x128xf32>
      %tanh3A_1058 = math.tanh %add3A_1057 : vector<256x128xf32>
      %sub3A_1059 = arith.subf %add3A_1006, %tanh3A_1058 : vector<256x128xf32>
      %mul3A_1060 = arith.mulf %logistic3A_1053, %sub3A_1059 : vector<256x128xf32>
      %add3A_1061 = arith.addf %tanh3A_1058, %mul3A_1060 : vector<256x128xf32>
      %dot_general3A_1062 = arith.constant dense<0.000000e+00> : vector<256x1xf32>
      %dot_general3A_1063 = tpu.matmul %add3A_1061, %get3A_77, %dot_general3A_1062 {dimension_numbers = #tpu.dot_dimension_numbers<[1], [0], [0], [1], [0, 0, 1, 1], [], []>, transpose_lhs_hint = false} : vector<256x128xf32>, vector<128x1xf32>, vector<256x1xf32> -> vector<256x1xf32>
      %add3A_1064 = vector.broadcast %get3A_80 : vector<1x1xf32> to vector<256x1xf32>
      %add3A_1065 = arith.addf %dot_general3A_1063, %add3A_1064 : vector<256x1xf32>
      %exp3A_1066 = math.exp %add3A_1065 : vector<256x1xf32>
      %add3A_1067 = arith.addf %add3A_1012, %exp3A_1066 : vector<256x1xf32>
      %mul3A_1068 = vector.broadcast %exp3A_1066 : vector<256x1xf32> to vector<256x128xf32>
      %mul3A_1069 = arith.mulf %mul3A_1068, %add3A_1061 : vector<256x128xf32>
      %add3A_1070 = arith.addf %add3A_1015, %mul3A_1069 : vector<256x128xf32>
      %get3A_1071 = arith.constant 0 : i32
      %get3A_1072 = arith.constant 0 : i32
      %get3A_1073 = arith.constant 0 : i32
      %get3A_1074 = tpu.memref_slice %arg22[%rem3A_4, %get3A_1071, %get3A_1072, %get3A_1073] : memref<2x50x256x128xf32, #tpu.memory_space<vmem>> -> memref<1x50x256x128xf32, #tpu.memory_space<vmem>>
      %get3A_1075 = tpu.memref_squeeze %get3A_1074 : memref<1x50x256x128xf32, #tpu.memory_space<vmem>> -> memref<50x256x128xf32, #tpu.memory_space<vmem>>
      %get3A_1076 = arith.constant 18 : index
      %get3A_1077 = arith.constant 0 : index
      %get3A_1078 = arith.constant 0 : index
      %get3A_1079 = vector.load %get3A_1075[%get3A_1076, %get3A_1077, %get3A_1078] : memref<50x256x128xf32, #tpu.memory_space<vmem>>, vector<1x256x128xf32>
      %get3A_1080 = vector.shape_cast %get3A_1079 : vector<1x256x128xf32> to vector<256x128xf32>
      %convert_element_type3A_1081 = arith.truncf %get3A_1080 : vector<256x128xf32> to vector<256x128xbf16>
      %dot_general3A_1082 = arith.constant dense<0.000000e+00> : vector<256x384xf32>
      %dot_general3A_1083 = tpu.matmul %convert_element_type3A_1081, %get3A_65, %dot_general3A_1082 {dimension_numbers = #tpu.dot_dimension_numbers<[1], [0], [0], [1], [0, 0, 1, 1], [], []>, transpose_lhs_hint = false} : vector<256x128xbf16>, vector<128x384xbf16>, vector<256x384xf32> -> vector<256x384xf32>
      %add3A_1084 = vector.broadcast %get3A_71 : vector<1x384xf32> to vector<256x384xf32>
      %add3A_1085 = arith.addf %dot_general3A_1083, %add3A_1084 : vector<256x384xf32>
      %convert_element_type3A_1086 = arith.truncf %add3A_1061 : vector<256x128xf32> to vector<256x128xbf16>
      %dot_general3A_1087 = arith.constant dense<0.000000e+00> : vector<256x384xf32>
      %dot_general3A_1088 = tpu.matmul %convert_element_type3A_1086, %get3A_68, %dot_general3A_1087 {dimension_numbers = #tpu.dot_dimension_numbers<[1], [0], [0], [1], [0, 0, 1, 1], [], []>, transpose_lhs_hint = false} : vector<256x128xbf16>, vector<128x384xbf16>, vector<256x384xf32> -> vector<256x384xf32>
      %add3A_1089 = vector.broadcast %get3A_74 : vector<1x384xf32> to vector<256x384xf32>
      %add3A_1090 = arith.addf %dot_general3A_1088, %add3A_1089 : vector<256x384xf32>
      %slice3A_1091 = vector.extract_strided_slice %add3A_1085 {offsets = [0, 0], sizes = [256, 128], strides = [1, 1]} : vector<256x384xf32> to vector<256x128xf32>
      %slice3A_1092 = vector.extract_strided_slice %add3A_1090 {offsets = [0, 0], sizes = [256, 128], strides = [1, 1]} : vector<256x384xf32> to vector<256x128xf32>
      %add3A_1093 = arith.addf %slice3A_1091, %slice3A_1092 : vector<256x128xf32>
      %logistic3A_1094 = arith.negf %add3A_1093 : vector<256x128xf32>
      %logistic3A_1095 = math.exp %logistic3A_1094 : vector<256x128xf32>
      %logistic3A_1096 = arith.constant 1.000000e+00 : f32
      %logistic3A_1097 = vector.broadcast %logistic3A_1096 : f32 to vector<256x128xf32>
      %logistic3A_1098 = arith.addf %logistic3A_1097, %logistic3A_1095 : vector<256x128xf32>
      %logistic3A_1099 = arith.divf %logistic3A_1097, %logistic3A_1098 : vector<256x128xf32>
      %slice3A_1100 = vector.extract_strided_slice %add3A_1085 {offsets = [0, 128], sizes = [256, 128], strides = [1, 1]} : vector<256x384xf32> to vector<256x128xf32>
      %slice3A_1101 = vector.extract_strided_slice %add3A_1090 {offsets = [0, 128], sizes = [256, 128], strides = [1, 1]} : vector<256x384xf32> to vector<256x128xf32>
      %add3A_1102 = arith.addf %slice3A_1100, %slice3A_1101 : vector<256x128xf32>
      %logistic3A_1103 = arith.negf %add3A_1102 : vector<256x128xf32>
      %logistic3A_1104 = math.exp %logistic3A_1103 : vector<256x128xf32>
      %logistic3A_1105 = arith.constant 1.000000e+00 : f32
      %logistic3A_1106 = vector.broadcast %logistic3A_1105 : f32 to vector<256x128xf32>
      %logistic3A_1107 = arith.addf %logistic3A_1106, %logistic3A_1104 : vector<256x128xf32>
      %logistic3A_1108 = arith.divf %logistic3A_1106, %logistic3A_1107 : vector<256x128xf32>
      %slice3A_1109 = vector.extract_strided_slice %add3A_1085 {offsets = [0, 256], sizes = [256, 128], strides = [1, 1]} : vector<256x384xf32> to vector<256x128xf32>
      %slice3A_1110 = vector.extract_strided_slice %add3A_1090 {offsets = [0, 256], sizes = [256, 128], strides = [1, 1]} : vector<256x384xf32> to vector<256x128xf32>
      %mul3A_1111 = arith.mulf %logistic3A_1099, %slice3A_1110 : vector<256x128xf32>
      %add3A_1112 = arith.addf %slice3A_1109, %mul3A_1111 : vector<256x128xf32>
      %tanh3A_1113 = math.tanh %add3A_1112 : vector<256x128xf32>
      %sub3A_1114 = arith.subf %add3A_1061, %tanh3A_1113 : vector<256x128xf32>
      %mul3A_1115 = arith.mulf %logistic3A_1108, %sub3A_1114 : vector<256x128xf32>
      %add3A_1116 = arith.addf %tanh3A_1113, %mul3A_1115 : vector<256x128xf32>
      %dot_general3A_1117 = arith.constant dense<0.000000e+00> : vector<256x1xf32>
      %dot_general3A_1118 = tpu.matmul %add3A_1116, %get3A_77, %dot_general3A_1117 {dimension_numbers = #tpu.dot_dimension_numbers<[1], [0], [0], [1], [0, 0, 1, 1], [], []>, transpose_lhs_hint = false} : vector<256x128xf32>, vector<128x1xf32>, vector<256x1xf32> -> vector<256x1xf32>
      %add3A_1119 = vector.broadcast %get3A_80 : vector<1x1xf32> to vector<256x1xf32>
      %add3A_1120 = arith.addf %dot_general3A_1118, %add3A_1119 : vector<256x1xf32>
      %exp3A_1121 = math.exp %add3A_1120 : vector<256x1xf32>
      %add3A_1122 = arith.addf %add3A_1067, %exp3A_1121 : vector<256x1xf32>
      %mul3A_1123 = vector.broadcast %exp3A_1121 : vector<256x1xf32> to vector<256x128xf32>
      %mul3A_1124 = arith.mulf %mul3A_1123, %add3A_1116 : vector<256x128xf32>
      %add3A_1125 = arith.addf %add3A_1070, %mul3A_1124 : vector<256x128xf32>
      %get3A_1126 = arith.constant 0 : i32
      %get3A_1127 = arith.constant 0 : i32
      %get3A_1128 = arith.constant 0 : i32
      %get3A_1129 = tpu.memref_slice %arg22[%rem3A_4, %get3A_1126, %get3A_1127, %get3A_1128] : memref<2x50x256x128xf32, #tpu.memory_space<vmem>> -> memref<1x50x256x128xf32, #tpu.memory_space<vmem>>
      %get3A_1130 = tpu.memref_squeeze %get3A_1129 : memref<1x50x256x128xf32, #tpu.memory_space<vmem>> -> memref<50x256x128xf32, #tpu.memory_space<vmem>>
      %get3A_1131 = arith.constant 19 : index
      %get3A_1132 = arith.constant 0 : index
      %get3A_1133 = arith.constant 0 : index
      %get3A_1134 = vector.load %get3A_1130[%get3A_1131, %get3A_1132, %get3A_1133] : memref<50x256x128xf32, #tpu.memory_space<vmem>>, vector<1x256x128xf32>
      %get3A_1135 = vector.shape_cast %get3A_1134 : vector<1x256x128xf32> to vector<256x128xf32>
      %convert_element_type3A_1136 = arith.truncf %get3A_1135 : vector<256x128xf32> to vector<256x128xbf16>
      %dot_general3A_1137 = arith.constant dense<0.000000e+00> : vector<256x384xf32>
      %dot_general3A_1138 = tpu.matmul %convert_element_type3A_1136, %get3A_65, %dot_general3A_1137 {dimension_numbers = #tpu.dot_dimension_numbers<[1], [0], [0], [1], [0, 0, 1, 1], [], []>, transpose_lhs_hint = false} : vector<256x128xbf16>, vector<128x384xbf16>, vector<256x384xf32> -> vector<256x384xf32>
      %add3A_1139 = vector.broadcast %get3A_71 : vector<1x384xf32> to vector<256x384xf32>
      %add3A_1140 = arith.addf %dot_general3A_1138, %add3A_1139 : vector<256x384xf32>
      %convert_element_type3A_1141 = arith.truncf %add3A_1116 : vector<256x128xf32> to vector<256x128xbf16>
      %dot_general3A_1142 = arith.constant dense<0.000000e+00> : vector<256x384xf32>
      %dot_general3A_1143 = tpu.matmul %convert_element_type3A_1141, %get3A_68, %dot_general3A_1142 {dimension_numbers = #tpu.dot_dimension_numbers<[1], [0], [0], [1], [0, 0, 1, 1], [], []>, transpose_lhs_hint = false} : vector<256x128xbf16>, vector<128x384xbf16>, vector<256x384xf32> -> vector<256x384xf32>
      %add3A_1144 = vector.broadcast %get3A_74 : vector<1x384xf32> to vector<256x384xf32>
      %add3A_1145 = arith.addf %dot_general3A_1143, %add3A_1144 : vector<256x384xf32>
      %slice3A_1146 = vector.extract_strided_slice %add3A_1140 {offsets = [0, 0], sizes = [256, 128], strides = [1, 1]} : vector<256x384xf32> to vector<256x128xf32>
      %slice3A_1147 = vector.extract_strided_slice %add3A_1145 {offsets = [0, 0], sizes = [256, 128], strides = [1, 1]} : vector<256x384xf32> to vector<256x128xf32>
      %add3A_1148 = arith.addf %slice3A_1146, %slice3A_1147 : vector<256x128xf32>
      %logistic3A_1149 = arith.negf %add3A_1148 : vector<256x128xf32>
      %logistic3A_1150 = math.exp %logistic3A_1149 : vector<256x128xf32>
      %logistic3A_1151 = arith.constant 1.000000e+00 : f32
      %logistic3A_1152 = vector.broadcast %logistic3A_1151 : f32 to vector<256x128xf32>
      %logistic3A_1153 = arith.addf %logistic3A_1152, %logistic3A_1150 : vector<256x128xf32>
      %logistic3A_1154 = arith.divf %logistic3A_1152, %logistic3A_1153 : vector<256x128xf32>
      %slice3A_1155 = vector.extract_strided_slice %add3A_1140 {offsets = [0, 128], sizes = [256, 128], strides = [1, 1]} : vector<256x384xf32> to vector<256x128xf32>
      %slice3A_1156 = vector.extract_strided_slice %add3A_1145 {offsets = [0, 128], sizes = [256, 128], strides = [1, 1]} : vector<256x384xf32> to vector<256x128xf32>
      %add3A_1157 = arith.addf %slice3A_1155, %slice3A_1156 : vector<256x128xf32>
      %logistic3A_1158 = arith.negf %add3A_1157 : vector<256x128xf32>
      %logistic3A_1159 = math.exp %logistic3A_1158 : vector<256x128xf32>
      %logistic3A_1160 = arith.constant 1.000000e+00 : f32
      %logistic3A_1161 = vector.broadcast %logistic3A_1160 : f32 to vector<256x128xf32>
      %logistic3A_1162 = arith.addf %logistic3A_1161, %logistic3A_1159 : vector<256x128xf32>
      %logistic3A_1163 = arith.divf %logistic3A_1161, %logistic3A_1162 : vector<256x128xf32>
      %slice3A_1164 = vector.extract_strided_slice %add3A_1140 {offsets = [0, 256], sizes = [256, 128], strides = [1, 1]} : vector<256x384xf32> to vector<256x128xf32>
      %slice3A_1165 = vector.extract_strided_slice %add3A_1145 {offsets = [0, 256], sizes = [256, 128], strides = [1, 1]} : vector<256x384xf32> to vector<256x128xf32>
      %mul3A_1166 = arith.mulf %logistic3A_1154, %slice3A_1165 : vector<256x128xf32>
      %add3A_1167 = arith.addf %slice3A_1164, %mul3A_1166 : vector<256x128xf32>
      %tanh3A_1168 = math.tanh %add3A_1167 : vector<256x128xf32>
      %sub3A_1169 = arith.subf %add3A_1116, %tanh3A_1168 : vector<256x128xf32>
      %mul3A_1170 = arith.mulf %logistic3A_1163, %sub3A_1169 : vector<256x128xf32>
      %add3A_1171 = arith.addf %tanh3A_1168, %mul3A_1170 : vector<256x128xf32>
      %dot_general3A_1172 = arith.constant dense<0.000000e+00> : vector<256x1xf32>
      %dot_general3A_1173 = tpu.matmul %add3A_1171, %get3A_77, %dot_general3A_1172 {dimension_numbers = #tpu.dot_dimension_numbers<[1], [0], [0], [1], [0, 0, 1, 1], [], []>, transpose_lhs_hint = false} : vector<256x128xf32>, vector<128x1xf32>, vector<256x1xf32> -> vector<256x1xf32>
      %add3A_1174 = vector.broadcast %get3A_80 : vector<1x1xf32> to vector<256x1xf32>
      %add3A_1175 = arith.addf %dot_general3A_1173, %add3A_1174 : vector<256x1xf32>
      %exp3A_1176 = math.exp %add3A_1175 : vector<256x1xf32>
      %add3A_1177 = arith.addf %add3A_1122, %exp3A_1176 : vector<256x1xf32>
      %mul3A_1178 = vector.broadcast %exp3A_1176 : vector<256x1xf32> to vector<256x128xf32>
      %mul3A_1179 = arith.mulf %mul3A_1178, %add3A_1171 : vector<256x128xf32>
      %add3A_1180 = arith.addf %add3A_1125, %mul3A_1179 : vector<256x128xf32>
      %get3A_1181 = arith.constant 0 : i32
      %get3A_1182 = arith.constant 0 : i32
      %get3A_1183 = arith.constant 0 : i32
      %get3A_1184 = tpu.memref_slice %arg22[%rem3A_4, %get3A_1181, %get3A_1182, %get3A_1183] : memref<2x50x256x128xf32, #tpu.memory_space<vmem>> -> memref<1x50x256x128xf32, #tpu.memory_space<vmem>>
      %get3A_1185 = tpu.memref_squeeze %get3A_1184 : memref<1x50x256x128xf32, #tpu.memory_space<vmem>> -> memref<50x256x128xf32, #tpu.memory_space<vmem>>
      %get3A_1186 = arith.constant 20 : index
      %get3A_1187 = arith.constant 0 : index
      %get3A_1188 = arith.constant 0 : index
      %get3A_1189 = vector.load %get3A_1185[%get3A_1186, %get3A_1187, %get3A_1188] : memref<50x256x128xf32, #tpu.memory_space<vmem>>, vector<1x256x128xf32>
      %get3A_1190 = vector.shape_cast %get3A_1189 : vector<1x256x128xf32> to vector<256x128xf32>
      %convert_element_type3A_1191 = arith.truncf %get3A_1190 : vector<256x128xf32> to vector<256x128xbf16>
      %dot_general3A_1192 = arith.constant dense<0.000000e+00> : vector<256x384xf32>
      %dot_general3A_1193 = tpu.matmul %convert_element_type3A_1191, %get3A_65, %dot_general3A_1192 {dimension_numbers = #tpu.dot_dimension_numbers<[1], [0], [0], [1], [0, 0, 1, 1], [], []>, transpose_lhs_hint = false} : vector<256x128xbf16>, vector<128x384xbf16>, vector<256x384xf32> -> vector<256x384xf32>
      %add3A_1194 = vector.broadcast %get3A_71 : vector<1x384xf32> to vector<256x384xf32>
      %add3A_1195 = arith.addf %dot_general3A_1193, %add3A_1194 : vector<256x384xf32>
      %convert_element_type3A_1196 = arith.truncf %add3A_1171 : vector<256x128xf32> to vector<256x128xbf16>
      %dot_general3A_1197 = arith.constant dense<0.000000e+00> : vector<256x384xf32>
      %dot_general3A_1198 = tpu.matmul %convert_element_type3A_1196, %get3A_68, %dot_general3A_1197 {dimension_numbers = #tpu.dot_dimension_numbers<[1], [0], [0], [1], [0, 0, 1, 1], [], []>, transpose_lhs_hint = false} : vector<256x128xbf16>, vector<128x384xbf16>, vector<256x384xf32> -> vector<256x384xf32>
      %add3A_1199 = vector.broadcast %get3A_74 : vector<1x384xf32> to vector<256x384xf32>
      %add3A_1200 = arith.addf %dot_general3A_1198, %add3A_1199 : vector<256x384xf32>
      %slice3A_1201 = vector.extract_strided_slice %add3A_1195 {offsets = [0, 0], sizes = [256, 128], strides = [1, 1]} : vector<256x384xf32> to vector<256x128xf32>
      %slice3A_1202 = vector.extract_strided_slice %add3A_1200 {offsets = [0, 0], sizes = [256, 128], strides = [1, 1]} : vector<256x384xf32> to vector<256x128xf32>
      %add3A_1203 = arith.addf %slice3A_1201, %slice3A_1202 : vector<256x128xf32>
      %logistic3A_1204 = arith.negf %add3A_1203 : vector<256x128xf32>
      %logistic3A_1205 = math.exp %logistic3A_1204 : vector<256x128xf32>
      %logistic3A_1206 = arith.constant 1.000000e+00 : f32
      %logistic3A_1207 = vector.broadcast %logistic3A_1206 : f32 to vector<256x128xf32>
      %logistic3A_1208 = arith.addf %logistic3A_1207, %logistic3A_1205 : vector<256x128xf32>
      %logistic3A_1209 = arith.divf %logistic3A_1207, %logistic3A_1208 : vector<256x128xf32>
      %slice3A_1210 = vector.extract_strided_slice %add3A_1195 {offsets = [0, 128], sizes = [256, 128], strides = [1, 1]} : vector<256x384xf32> to vector<256x128xf32>
      %slice3A_1211 = vector.extract_strided_slice %add3A_1200 {offsets = [0, 128], sizes = [256, 128], strides = [1, 1]} : vector<256x384xf32> to vector<256x128xf32>
      %add3A_1212 = arith.addf %slice3A_1210, %slice3A_1211 : vector<256x128xf32>
      %logistic3A_1213 = arith.negf %add3A_1212 : vector<256x128xf32>
      %logistic3A_1214 = math.exp %logistic3A_1213 : vector<256x128xf32>
      %logistic3A_1215 = arith.constant 1.000000e+00 : f32
      %logistic3A_1216 = vector.broadcast %logistic3A_1215 : f32 to vector<256x128xf32>
      %logistic3A_1217 = arith.addf %logistic3A_1216, %logistic3A_1214 : vector<256x128xf32>
      %logistic3A_1218 = arith.divf %logistic3A_1216, %logistic3A_1217 : vector<256x128xf32>
      %slice3A_1219 = vector.extract_strided_slice %add3A_1195 {offsets = [0, 256], sizes = [256, 128], strides = [1, 1]} : vector<256x384xf32> to vector<256x128xf32>
      %slice3A_1220 = vector.extract_strided_slice %add3A_1200 {offsets = [0, 256], sizes = [256, 128], strides = [1, 1]} : vector<256x384xf32> to vector<256x128xf32>
      %mul3A_1221 = arith.mulf %logistic3A_1209, %slice3A_1220 : vector<256x128xf32>
      %add3A_1222 = arith.addf %slice3A_1219, %mul3A_1221 : vector<256x128xf32>
      %tanh3A_1223 = math.tanh %add3A_1222 : vector<256x128xf32>
      %sub3A_1224 = arith.subf %add3A_1171, %tanh3A_1223 : vector<256x128xf32>
      %mul3A_1225 = arith.mulf %logistic3A_1218, %sub3A_1224 : vector<256x128xf32>
      %add3A_1226 = arith.addf %tanh3A_1223, %mul3A_1225 : vector<256x128xf32>
      %dot_general3A_1227 = arith.constant dense<0.000000e+00> : vector<256x1xf32>
      %dot_general3A_1228 = tpu.matmul %add3A_1226, %get3A_77, %dot_general3A_1227 {dimension_numbers = #tpu.dot_dimension_numbers<[1], [0], [0], [1], [0, 0, 1, 1], [], []>, transpose_lhs_hint = false} : vector<256x128xf32>, vector<128x1xf32>, vector<256x1xf32> -> vector<256x1xf32>
      %add3A_1229 = vector.broadcast %get3A_80 : vector<1x1xf32> to vector<256x1xf32>
      %add3A_1230 = arith.addf %dot_general3A_1228, %add3A_1229 : vector<256x1xf32>
      %exp3A_1231 = math.exp %add3A_1230 : vector<256x1xf32>
      %add3A_1232 = arith.addf %add3A_1177, %exp3A_1231 : vector<256x1xf32>
      %mul3A_1233 = vector.broadcast %exp3A_1231 : vector<256x1xf32> to vector<256x128xf32>
      %mul3A_1234 = arith.mulf %mul3A_1233, %add3A_1226 : vector<256x128xf32>
      %add3A_1235 = arith.addf %add3A_1180, %mul3A_1234 : vector<256x128xf32>
      %get3A_1236 = arith.constant 0 : i32
      %get3A_1237 = arith.constant 0 : i32
      %get3A_1238 = arith.constant 0 : i32
      %get3A_1239 = tpu.memref_slice %arg22[%rem3A_4, %get3A_1236, %get3A_1237, %get3A_1238] : memref<2x50x256x128xf32, #tpu.memory_space<vmem>> -> memref<1x50x256x128xf32, #tpu.memory_space<vmem>>
      %get3A_1240 = tpu.memref_squeeze %get3A_1239 : memref<1x50x256x128xf32, #tpu.memory_space<vmem>> -> memref<50x256x128xf32, #tpu.memory_space<vmem>>
      %get3A_1241 = arith.constant 21 : index
      %get3A_1242 = arith.constant 0 : index
      %get3A_1243 = arith.constant 0 : index
      %get3A_1244 = vector.load %get3A_1240[%get3A_1241, %get3A_1242, %get3A_1243] : memref<50x256x128xf32, #tpu.memory_space<vmem>>, vector<1x256x128xf32>
      %get3A_1245 = vector.shape_cast %get3A_1244 : vector<1x256x128xf32> to vector<256x128xf32>
      %convert_element_type3A_1246 = arith.truncf %get3A_1245 : vector<256x128xf32> to vector<256x128xbf16>
      %dot_general3A_1247 = arith.constant dense<0.000000e+00> : vector<256x384xf32>
      %dot_general3A_1248 = tpu.matmul %convert_element_type3A_1246, %get3A_65, %dot_general3A_1247 {dimension_numbers = #tpu.dot_dimension_numbers<[1], [0], [0], [1], [0, 0, 1, 1], [], []>, transpose_lhs_hint = false} : vector<256x128xbf16>, vector<128x384xbf16>, vector<256x384xf32> -> vector<256x384xf32>
      %add3A_1249 = vector.broadcast %get3A_71 : vector<1x384xf32> to vector<256x384xf32>
      %add3A_1250 = arith.addf %dot_general3A_1248, %add3A_1249 : vector<256x384xf32>
      %convert_element_type3A_1251 = arith.truncf %add3A_1226 : vector<256x128xf32> to vector<256x128xbf16>
      %dot_general3A_1252 = arith.constant dense<0.000000e+00> : vector<256x384xf32>
      %dot_general3A_1253 = tpu.matmul %convert_element_type3A_1251, %get3A_68, %dot_general3A_1252 {dimension_numbers = #tpu.dot_dimension_numbers<[1], [0], [0], [1], [0, 0, 1, 1], [], []>, transpose_lhs_hint = false} : vector<256x128xbf16>, vector<128x384xbf16>, vector<256x384xf32> -> vector<256x384xf32>
      %add3A_1254 = vector.broadcast %get3A_74 : vector<1x384xf32> to vector<256x384xf32>
      %add3A_1255 = arith.addf %dot_general3A_1253, %add3A_1254 : vector<256x384xf32>
      %slice3A_1256 = vector.extract_strided_slice %add3A_1250 {offsets = [0, 0], sizes = [256, 128], strides = [1, 1]} : vector<256x384xf32> to vector<256x128xf32>
      %slice3A_1257 = vector.extract_strided_slice %add3A_1255 {offsets = [0, 0], sizes = [256, 128], strides = [1, 1]} : vector<256x384xf32> to vector<256x128xf32>
      %add3A_1258 = arith.addf %slice3A_1256, %slice3A_1257 : vector<256x128xf32>
      %logistic3A_1259 = arith.negf %add3A_1258 : vector<256x128xf32>
      %logistic3A_1260 = math.exp %logistic3A_1259 : vector<256x128xf32>
      %logistic3A_1261 = arith.constant 1.000000e+00 : f32
      %logistic3A_1262 = vector.broadcast %logistic3A_1261 : f32 to vector<256x128xf32>
      %logistic3A_1263 = arith.addf %logistic3A_1262, %logistic3A_1260 : vector<256x128xf32>
      %logistic3A_1264 = arith.divf %logistic3A_1262, %logistic3A_1263 : vector<256x128xf32>
      %slice3A_1265 = vector.extract_strided_slice %add3A_1250 {offsets = [0, 128], sizes = [256, 128], strides = [1, 1]} : vector<256x384xf32> to vector<256x128xf32>
      %slice3A_1266 = vector.extract_strided_slice %add3A_1255 {offsets = [0, 128], sizes = [256, 128], strides = [1, 1]} : vector<256x384xf32> to vector<256x128xf32>
      %add3A_1267 = arith.addf %slice3A_1265, %slice3A_1266 : vector<256x128xf32>
      %logistic3A_1268 = arith.negf %add3A_1267 : vector<256x128xf32>
      %logistic3A_1269 = math.exp %logistic3A_1268 : vector<256x128xf32>
      %logistic3A_1270 = arith.constant 1.000000e+00 : f32
      %logistic3A_1271 = vector.broadcast %logistic3A_1270 : f32 to vector<256x128xf32>
      %logistic3A_1272 = arith.addf %logistic3A_1271, %logistic3A_1269 : vector<256x128xf32>
      %logistic3A_1273 = arith.divf %logistic3A_1271, %logistic3A_1272 : vector<256x128xf32>
      %slice3A_1274 = vector.extract_strided_slice %add3A_1250 {offsets = [0, 256], sizes = [256, 128], strides = [1, 1]} : vector<256x384xf32> to vector<256x128xf32>
      %slice3A_1275 = vector.extract_strided_slice %add3A_1255 {offsets = [0, 256], sizes = [256, 128], strides = [1, 1]} : vector<256x384xf32> to vector<256x128xf32>
      %mul3A_1276 = arith.mulf %logistic3A_1264, %slice3A_1275 : vector<256x128xf32>
      %add3A_1277 = arith.addf %slice3A_1274, %mul3A_1276 : vector<256x128xf32>
      %tanh3A_1278 = math.tanh %add3A_1277 : vector<256x128xf32>
      %sub3A_1279 = arith.subf %add3A_1226, %tanh3A_1278 : vector<256x128xf32>
      %mul3A_1280 = arith.mulf %logistic3A_1273, %sub3A_1279 : vector<256x128xf32>
      %add3A_1281 = arith.addf %tanh3A_1278, %mul3A_1280 : vector<256x128xf32>
      %dot_general3A_1282 = arith.constant dense<0.000000e+00> : vector<256x1xf32>
      %dot_general3A_1283 = tpu.matmul %add3A_1281, %get3A_77, %dot_general3A_1282 {dimension_numbers = #tpu.dot_dimension_numbers<[1], [0], [0], [1], [0, 0, 1, 1], [], []>, transpose_lhs_hint = false} : vector<256x128xf32>, vector<128x1xf32>, vector<256x1xf32> -> vector<256x1xf32>
      %add3A_1284 = vector.broadcast %get3A_80 : vector<1x1xf32> to vector<256x1xf32>
      %add3A_1285 = arith.addf %dot_general3A_1283, %add3A_1284 : vector<256x1xf32>
      %exp3A_1286 = math.exp %add3A_1285 : vector<256x1xf32>
      %add3A_1287 = arith.addf %add3A_1232, %exp3A_1286 : vector<256x1xf32>
      %mul3A_1288 = vector.broadcast %exp3A_1286 : vector<256x1xf32> to vector<256x128xf32>
      %mul3A_1289 = arith.mulf %mul3A_1288, %add3A_1281 : vector<256x128xf32>
      %add3A_1290 = arith.addf %add3A_1235, %mul3A_1289 : vector<256x128xf32>
      %get3A_1291 = arith.constant 0 : i32
      %get3A_1292 = arith.constant 0 : i32
      %get3A_1293 = arith.constant 0 : i32
      %get3A_1294 = tpu.memref_slice %arg22[%rem3A_4, %get3A_1291, %get3A_1292, %get3A_1293] : memref<2x50x256x128xf32, #tpu.memory_space<vmem>> -> memref<1x50x256x128xf32, #tpu.memory_space<vmem>>
      %get3A_1295 = tpu.memref_squeeze %get3A_1294 : memref<1x50x256x128xf32, #tpu.memory_space<vmem>> -> memref<50x256x128xf32, #tpu.memory_space<vmem>>
      %get3A_1296 = arith.constant 22 : index
      %get3A_1297 = arith.constant 0 : index
      %get3A_1298 = arith.constant 0 : index
      %get3A_1299 = vector.load %get3A_1295[%get3A_1296, %get3A_1297, %get3A_1298] : memref<50x256x128xf32, #tpu.memory_space<vmem>>, vector<1x256x128xf32>
      %get3A_1300 = vector.shape_cast %get3A_1299 : vector<1x256x128xf32> to vector<256x128xf32>
      %convert_element_type3A_1301 = arith.truncf %get3A_1300 : vector<256x128xf32> to vector<256x128xbf16>
      %dot_general3A_1302 = arith.constant dense<0.000000e+00> : vector<256x384xf32>
      %dot_general3A_1303 = tpu.matmul %convert_element_type3A_1301, %get3A_65, %dot_general3A_1302 {dimension_numbers = #tpu.dot_dimension_numbers<[1], [0], [0], [1], [0, 0, 1, 1], [], []>, transpose_lhs_hint = false} : vector<256x128xbf16>, vector<128x384xbf16>, vector<256x384xf32> -> vector<256x384xf32>
      %add3A_1304 = vector.broadcast %get3A_71 : vector<1x384xf32> to vector<256x384xf32>
      %add3A_1305 = arith.addf %dot_general3A_1303, %add3A_1304 : vector<256x384xf32>
      %convert_element_type3A_1306 = arith.truncf %add3A_1281 : vector<256x128xf32> to vector<256x128xbf16>
      %dot_general3A_1307 = arith.constant dense<0.000000e+00> : vector<256x384xf32>
      %dot_general3A_1308 = tpu.matmul %convert_element_type3A_1306, %get3A_68, %dot_general3A_1307 {dimension_numbers = #tpu.dot_dimension_numbers<[1], [0], [0], [1], [0, 0, 1, 1], [], []>, transpose_lhs_hint = false} : vector<256x128xbf16>, vector<128x384xbf16>, vector<256x384xf32> -> vector<256x384xf32>
      %add3A_1309 = vector.broadcast %get3A_74 : vector<1x384xf32> to vector<256x384xf32>
      %add3A_1310 = arith.addf %dot_general3A_1308, %add3A_1309 : vector<256x384xf32>
      %slice3A_1311 = vector.extract_strided_slice %add3A_1305 {offsets = [0, 0], sizes = [256, 128], strides = [1, 1]} : vector<256x384xf32> to vector<256x128xf32>
      %slice3A_1312 = vector.extract_strided_slice %add3A_1310 {offsets = [0, 0], sizes = [256, 128], strides = [1, 1]} : vector<256x384xf32> to vector<256x128xf32>
      %add3A_1313 = arith.addf %slice3A_1311, %slice3A_1312 : vector<256x128xf32>
      %logistic3A_1314 = arith.negf %add3A_1313 : vector<256x128xf32>
      %logistic3A_1315 = math.exp %logistic3A_1314 : vector<256x128xf32>
      %logistic3A_1316 = arith.constant 1.000000e+00 : f32
      %logistic3A_1317 = vector.broadcast %logistic3A_1316 : f32 to vector<256x128xf32>
      %logistic3A_1318 = arith.addf %logistic3A_1317, %logistic3A_1315 : vector<256x128xf32>
      %logistic3A_1319 = arith.divf %logistic3A_1317, %logistic3A_1318 : vector<256x128xf32>
      %slice3A_1320 = vector.extract_strided_slice %add3A_1305 {offsets = [0, 128], sizes = [256, 128], strides = [1, 1]} : vector<256x384xf32> to vector<256x128xf32>
      %slice3A_1321 = vector.extract_strided_slice %add3A_1310 {offsets = [0, 128], sizes = [256, 128], strides = [1, 1]} : vector<256x384xf32> to vector<256x128xf32>
      %add3A_1322 = arith.addf %slice3A_1320, %slice3A_1321 : vector<256x128xf32>
      %logistic3A_1323 = arith.negf %add3A_1322 : vector<256x128xf32>
      %logistic3A_1324 = math.exp %logistic3A_1323 : vector<256x128xf32>
      %logistic3A_1325 = arith.constant 1.000000e+00 : f32
      %logistic3A_1326 = vector.broadcast %logistic3A_1325 : f32 to vector<256x128xf32>
      %logistic3A_1327 = arith.addf %logistic3A_1326, %logistic3A_1324 : vector<256x128xf32>
      %logistic3A_1328 = arith.divf %logistic3A_1326, %logistic3A_1327 : vector<256x128xf32>
      %slice3A_1329 = vector.extract_strided_slice %add3A_1305 {offsets = [0, 256], sizes = [256, 128], strides = [1, 1]} : vector<256x384xf32> to vector<256x128xf32>
      %slice3A_1330 = vector.extract_strided_slice %add3A_1310 {offsets = [0, 256], sizes = [256, 128], strides = [1, 1]} : vector<256x384xf32> to vector<256x128xf32>
      %mul3A_1331 = arith.mulf %logistic3A_1319, %slice3A_1330 : vector<256x128xf32>
      %add3A_1332 = arith.addf %slice3A_1329, %mul3A_1331 : vector<256x128xf32>
      %tanh3A_1333 = math.tanh %add3A_1332 : vector<256x128xf32>
      %sub3A_1334 = arith.subf %add3A_1281, %tanh3A_1333 : vector<256x128xf32>
      %mul3A_1335 = arith.mulf %logistic3A_1328, %sub3A_1334 : vector<256x128xf32>
      %add3A_1336 = arith.addf %tanh3A_1333, %mul3A_1335 : vector<256x128xf32>
      %dot_general3A_1337 = arith.constant dense<0.000000e+00> : vector<256x1xf32>
      %dot_general3A_1338 = tpu.matmul %add3A_1336, %get3A_77, %dot_general3A_1337 {dimension_numbers = #tpu.dot_dimension_numbers<[1], [0], [0], [1], [0, 0, 1, 1], [], []>, transpose_lhs_hint = false} : vector<256x128xf32>, vector<128x1xf32>, vector<256x1xf32> -> vector<256x1xf32>
      %add3A_1339 = vector.broadcast %get3A_80 : vector<1x1xf32> to vector<256x1xf32>
      %add3A_1340 = arith.addf %dot_general3A_1338, %add3A_1339 : vector<256x1xf32>
      %exp3A_1341 = math.exp %add3A_1340 : vector<256x1xf32>
      %add3A_1342 = arith.addf %add3A_1287, %exp3A_1341 : vector<256x1xf32>
      %mul3A_1343 = vector.broadcast %exp3A_1341 : vector<256x1xf32> to vector<256x128xf32>
      %mul3A_1344 = arith.mulf %mul3A_1343, %add3A_1336 : vector<256x128xf32>
      %add3A_1345 = arith.addf %add3A_1290, %mul3A_1344 : vector<256x128xf32>
      %get3A_1346 = arith.constant 0 : i32
      %get3A_1347 = arith.constant 0 : i32
      %get3A_1348 = arith.constant 0 : i32
      %get3A_1349 = tpu.memref_slice %arg22[%rem3A_4, %get3A_1346, %get3A_1347, %get3A_1348] : memref<2x50x256x128xf32, #tpu.memory_space<vmem>> -> memref<1x50x256x128xf32, #tpu.memory_space<vmem>>
      %get3A_1350 = tpu.memref_squeeze %get3A_1349 : memref<1x50x256x128xf32, #tpu.memory_space<vmem>> -> memref<50x256x128xf32, #tpu.memory_space<vmem>>
      %get3A_1351 = arith.constant 23 : index
      %get3A_1352 = arith.constant 0 : index
      %get3A_1353 = arith.constant 0 : index
      %get3A_1354 = vector.load %get3A_1350[%get3A_1351, %get3A_1352, %get3A_1353] : memref<50x256x128xf32, #tpu.memory_space<vmem>>, vector<1x256x128xf32>
      %get3A_1355 = vector.shape_cast %get3A_1354 : vector<1x256x128xf32> to vector<256x128xf32>
      %convert_element_type3A_1356 = arith.truncf %get3A_1355 : vector<256x128xf32> to vector<256x128xbf16>
      %dot_general3A_1357 = arith.constant dense<0.000000e+00> : vector<256x384xf32>
      %dot_general3A_1358 = tpu.matmul %convert_element_type3A_1356, %get3A_65, %dot_general3A_1357 {dimension_numbers = #tpu.dot_dimension_numbers<[1], [0], [0], [1], [0, 0, 1, 1], [], []>, transpose_lhs_hint = false} : vector<256x128xbf16>, vector<128x384xbf16>, vector<256x384xf32> -> vector<256x384xf32>
      %add3A_1359 = vector.broadcast %get3A_71 : vector<1x384xf32> to vector<256x384xf32>
      %add3A_1360 = arith.addf %dot_general3A_1358, %add3A_1359 : vector<256x384xf32>
      %convert_element_type3A_1361 = arith.truncf %add3A_1336 : vector<256x128xf32> to vector<256x128xbf16>
      %dot_general3A_1362 = arith.constant dense<0.000000e+00> : vector<256x384xf32>
      %dot_general3A_1363 = tpu.matmul %convert_element_type3A_1361, %get3A_68, %dot_general3A_1362 {dimension_numbers = #tpu.dot_dimension_numbers<[1], [0], [0], [1], [0, 0, 1, 1], [], []>, transpose_lhs_hint = false} : vector<256x128xbf16>, vector<128x384xbf16>, vector<256x384xf32> -> vector<256x384xf32>
      %add3A_1364 = vector.broadcast %get3A_74 : vector<1x384xf32> to vector<256x384xf32>
      %add3A_1365 = arith.addf %dot_general3A_1363, %add3A_1364 : vector<256x384xf32>
      %slice3A_1366 = vector.extract_strided_slice %add3A_1360 {offsets = [0, 0], sizes = [256, 128], strides = [1, 1]} : vector<256x384xf32> to vector<256x128xf32>
      %slice3A_1367 = vector.extract_strided_slice %add3A_1365 {offsets = [0, 0], sizes = [256, 128], strides = [1, 1]} : vector<256x384xf32> to vector<256x128xf32>
      %add3A_1368 = arith.addf %slice3A_1366, %slice3A_1367 : vector<256x128xf32>
      %logistic3A_1369 = arith.negf %add3A_1368 : vector<256x128xf32>
      %logistic3A_1370 = math.exp %logistic3A_1369 : vector<256x128xf32>
      %logistic3A_1371 = arith.constant 1.000000e+00 : f32
      %logistic3A_1372 = vector.broadcast %logistic3A_1371 : f32 to vector<256x128xf32>
      %logistic3A_1373 = arith.addf %logistic3A_1372, %logistic3A_1370 : vector<256x128xf32>
      %logistic3A_1374 = arith.divf %logistic3A_1372, %logistic3A_1373 : vector<256x128xf32>
      %slice3A_1375 = vector.extract_strided_slice %add3A_1360 {offsets = [0, 128], sizes = [256, 128], strides = [1, 1]} : vector<256x384xf32> to vector<256x128xf32>
      %slice3A_1376 = vector.extract_strided_slice %add3A_1365 {offsets = [0, 128], sizes = [256, 128], strides = [1, 1]} : vector<256x384xf32> to vector<256x128xf32>
      %add3A_1377 = arith.addf %slice3A_1375, %slice3A_1376 : vector<256x128xf32>
      %logistic3A_1378 = arith.negf %add3A_1377 : vector<256x128xf32>
      %logistic3A_1379 = math.exp %logistic3A_1378 : vector<256x128xf32>
      %logistic3A_1380 = arith.constant 1.000000e+00 : f32
      %logistic3A_1381 = vector.broadcast %logistic3A_1380 : f32 to vector<256x128xf32>
      %logistic3A_1382 = arith.addf %logistic3A_1381, %logistic3A_1379 : vector<256x128xf32>
      %logistic3A_1383 = arith.divf %logistic3A_1381, %logistic3A_1382 : vector<256x128xf32>
      %slice3A_1384 = vector.extract_strided_slice %add3A_1360 {offsets = [0, 256], sizes = [256, 128], strides = [1, 1]} : vector<256x384xf32> to vector<256x128xf32>
      %slice3A_1385 = vector.extract_strided_slice %add3A_1365 {offsets = [0, 256], sizes = [256, 128], strides = [1, 1]} : vector<256x384xf32> to vector<256x128xf32>
      %mul3A_1386 = arith.mulf %logistic3A_1374, %slice3A_1385 : vector<256x128xf32>
      %add3A_1387 = arith.addf %slice3A_1384, %mul3A_1386 : vector<256x128xf32>
      %tanh3A_1388 = math.tanh %add3A_1387 : vector<256x128xf32>
      %sub3A_1389 = arith.subf %add3A_1336, %tanh3A_1388 : vector<256x128xf32>
      %mul3A_1390 = arith.mulf %logistic3A_1383, %sub3A_1389 : vector<256x128xf32>
      %add3A_1391 = arith.addf %tanh3A_1388, %mul3A_1390 : vector<256x128xf32>
      %dot_general3A_1392 = arith.constant dense<0.000000e+00> : vector<256x1xf32>
      %dot_general3A_1393 = tpu.matmul %add3A_1391, %get3A_77, %dot_general3A_1392 {dimension_numbers = #tpu.dot_dimension_numbers<[1], [0], [0], [1], [0, 0, 1, 1], [], []>, transpose_lhs_hint = false} : vector<256x128xf32>, vector<128x1xf32>, vector<256x1xf32> -> vector<256x1xf32>
      %add3A_1394 = vector.broadcast %get3A_80 : vector<1x1xf32> to vector<256x1xf32>
      %add3A_1395 = arith.addf %dot_general3A_1393, %add3A_1394 : vector<256x1xf32>
      %exp3A_1396 = math.exp %add3A_1395 : vector<256x1xf32>
      %add3A_1397 = arith.addf %add3A_1342, %exp3A_1396 : vector<256x1xf32>
      %mul3A_1398 = vector.broadcast %exp3A_1396 : vector<256x1xf32> to vector<256x128xf32>
      %mul3A_1399 = arith.mulf %mul3A_1398, %add3A_1391 : vector<256x128xf32>
      %add3A_1400 = arith.addf %add3A_1345, %mul3A_1399 : vector<256x128xf32>
      %get3A_1401 = arith.constant 0 : i32
      %get3A_1402 = arith.constant 0 : i32
      %get3A_1403 = arith.constant 0 : i32
      %get3A_1404 = tpu.memref_slice %arg22[%rem3A_4, %get3A_1401, %get3A_1402, %get3A_1403] : memref<2x50x256x128xf32, #tpu.memory_space<vmem>> -> memref<1x50x256x128xf32, #tpu.memory_space<vmem>>
      %get3A_1405 = tpu.memref_squeeze %get3A_1404 : memref<1x50x256x128xf32, #tpu.memory_space<vmem>> -> memref<50x256x128xf32, #tpu.memory_space<vmem>>
      %get3A_1406 = arith.constant 24 : index
      %get3A_1407 = arith.constant 0 : index
      %get3A_1408 = arith.constant 0 : index
      %get3A_1409 = vector.load %get3A_1405[%get3A_1406, %get3A_1407, %get3A_1408] : memref<50x256x128xf32, #tpu.memory_space<vmem>>, vector<1x256x128xf32>
      %get3A_1410 = vector.shape_cast %get3A_1409 : vector<1x256x128xf32> to vector<256x128xf32>
      %convert_element_type3A_1411 = arith.truncf %get3A_1410 : vector<256x128xf32> to vector<256x128xbf16>
      %dot_general3A_1412 = arith.constant dense<0.000000e+00> : vector<256x384xf32>
      %dot_general3A_1413 = tpu.matmul %convert_element_type3A_1411, %get3A_65, %dot_general3A_1412 {dimension_numbers = #tpu.dot_dimension_numbers<[1], [0], [0], [1], [0, 0, 1, 1], [], []>, transpose_lhs_hint = false} : vector<256x128xbf16>, vector<128x384xbf16>, vector<256x384xf32> -> vector<256x384xf32>
      %add3A_1414 = vector.broadcast %get3A_71 : vector<1x384xf32> to vector<256x384xf32>
      %add3A_1415 = arith.addf %dot_general3A_1413, %add3A_1414 : vector<256x384xf32>
      %convert_element_type3A_1416 = arith.truncf %add3A_1391 : vector<256x128xf32> to vector<256x128xbf16>
      %dot_general3A_1417 = arith.constant dense<0.000000e+00> : vector<256x384xf32>
      %dot_general3A_1418 = tpu.matmul %convert_element_type3A_1416, %get3A_68, %dot_general3A_1417 {dimension_numbers = #tpu.dot_dimension_numbers<[1], [0], [0], [1], [0, 0, 1, 1], [], []>, transpose_lhs_hint = false} : vector<256x128xbf16>, vector<128x384xbf16>, vector<256x384xf32> -> vector<256x384xf32>
      %add3A_1419 = vector.broadcast %get3A_74 : vector<1x384xf32> to vector<256x384xf32>
      %add3A_1420 = arith.addf %dot_general3A_1418, %add3A_1419 : vector<256x384xf32>
      %slice3A_1421 = vector.extract_strided_slice %add3A_1415 {offsets = [0, 0], sizes = [256, 128], strides = [1, 1]} : vector<256x384xf32> to vector<256x128xf32>
      %slice3A_1422 = vector.extract_strided_slice %add3A_1420 {offsets = [0, 0], sizes = [256, 128], strides = [1, 1]} : vector<256x384xf32> to vector<256x128xf32>
      %add3A_1423 = arith.addf %slice3A_1421, %slice3A_1422 : vector<256x128xf32>
      %logistic3A_1424 = arith.negf %add3A_1423 : vector<256x128xf32>
      %logistic3A_1425 = math.exp %logistic3A_1424 : vector<256x128xf32>
      %logistic3A_1426 = arith.constant 1.000000e+00 : f32
      %logistic3A_1427 = vector.broadcast %logistic3A_1426 : f32 to vector<256x128xf32>
      %logistic3A_1428 = arith.addf %logistic3A_1427, %logistic3A_1425 : vector<256x128xf32>
      %logistic3A_1429 = arith.divf %logistic3A_1427, %logistic3A_1428 : vector<256x128xf32>
      %slice3A_1430 = vector.extract_strided_slice %add3A_1415 {offsets = [0, 128], sizes = [256, 128], strides = [1, 1]} : vector<256x384xf32> to vector<256x128xf32>
      %slice3A_1431 = vector.extract_strided_slice %add3A_1420 {offsets = [0, 128], sizes = [256, 128], strides = [1, 1]} : vector<256x384xf32> to vector<256x128xf32>
      %add3A_1432 = arith.addf %slice3A_1430, %slice3A_1431 : vector<256x128xf32>
      %logistic3A_1433 = arith.negf %add3A_1432 : vector<256x128xf32>
      %logistic3A_1434 = math.exp %logistic3A_1433 : vector<256x128xf32>
      %logistic3A_1435 = arith.constant 1.000000e+00 : f32
      %logistic3A_1436 = vector.broadcast %logistic3A_1435 : f32 to vector<256x128xf32>
      %logistic3A_1437 = arith.addf %logistic3A_1436, %logistic3A_1434 : vector<256x128xf32>
      %logistic3A_1438 = arith.divf %logistic3A_1436, %logistic3A_1437 : vector<256x128xf32>
      %slice3A_1439 = vector.extract_strided_slice %add3A_1415 {offsets = [0, 256], sizes = [256, 128], strides = [1, 1]} : vector<256x384xf32> to vector<256x128xf32>
      %slice3A_1440 = vector.extract_strided_slice %add3A_1420 {offsets = [0, 256], sizes = [256, 128], strides = [1, 1]} : vector<256x384xf32> to vector<256x128xf32>
      %mul3A_1441 = arith.mulf %logistic3A_1429, %slice3A_1440 : vector<256x128xf32>
      %add3A_1442 = arith.addf %slice3A_1439, %mul3A_1441 : vector<256x128xf32>
      %tanh3A_1443 = math.tanh %add3A_1442 : vector<256x128xf32>
      %sub3A_1444 = arith.subf %add3A_1391, %tanh3A_1443 : vector<256x128xf32>
      %mul3A_1445 = arith.mulf %logistic3A_1438, %sub3A_1444 : vector<256x128xf32>
      %add3A_1446 = arith.addf %tanh3A_1443, %mul3A_1445 : vector<256x128xf32>
      %dot_general3A_1447 = arith.constant dense<0.000000e+00> : vector<256x1xf32>
      %dot_general3A_1448 = tpu.matmul %add3A_1446, %get3A_77, %dot_general3A_1447 {dimension_numbers = #tpu.dot_dimension_numbers<[1], [0], [0], [1], [0, 0, 1, 1], [], []>, transpose_lhs_hint = false} : vector<256x128xf32>, vector<128x1xf32>, vector<256x1xf32> -> vector<256x1xf32>
      %add3A_1449 = vector.broadcast %get3A_80 : vector<1x1xf32> to vector<256x1xf32>
      %add3A_1450 = arith.addf %dot_general3A_1448, %add3A_1449 : vector<256x1xf32>
      %exp3A_1451 = math.exp %add3A_1450 : vector<256x1xf32>
      %add3A_1452 = arith.addf %add3A_1397, %exp3A_1451 : vector<256x1xf32>
      %mul3A_1453 = vector.broadcast %exp3A_1451 : vector<256x1xf32> to vector<256x128xf32>
      %mul3A_1454 = arith.mulf %mul3A_1453, %add3A_1446 : vector<256x128xf32>
      %add3A_1455 = arith.addf %add3A_1400, %mul3A_1454 : vector<256x128xf32>
      %get3A_1456 = arith.constant 0 : i32
      %get3A_1457 = arith.constant 0 : i32
      %get3A_1458 = arith.constant 0 : i32
      %get3A_1459 = tpu.memref_slice %arg22[%rem3A_4, %get3A_1456, %get3A_1457, %get3A_1458] : memref<2x50x256x128xf32, #tpu.memory_space<vmem>> -> memref<1x50x256x128xf32, #tpu.memory_space<vmem>>
      %get3A_1460 = tpu.memref_squeeze %get3A_1459 : memref<1x50x256x128xf32, #tpu.memory_space<vmem>> -> memref<50x256x128xf32, #tpu.memory_space<vmem>>
      %get3A_1461 = arith.constant 25 : index
      %get3A_1462 = arith.constant 0 : index
      %get3A_1463 = arith.constant 0 : index
      %get3A_1464 = vector.load %get3A_1460[%get3A_1461, %get3A_1462, %get3A_1463] : memref<50x256x128xf32, #tpu.memory_space<vmem>>, vector<1x256x128xf32>
      %get3A_1465 = vector.shape_cast %get3A_1464 : vector<1x256x128xf32> to vector<256x128xf32>
      %convert_element_type3A_1466 = arith.truncf %get3A_1465 : vector<256x128xf32> to vector<256x128xbf16>
      %dot_general3A_1467 = arith.constant dense<0.000000e+00> : vector<256x384xf32>
      %dot_general3A_1468 = tpu.matmul %convert_element_type3A_1466, %get3A_65, %dot_general3A_1467 {dimension_numbers = #tpu.dot_dimension_numbers<[1], [0], [0], [1], [0, 0, 1, 1], [], []>, transpose_lhs_hint = false} : vector<256x128xbf16>, vector<128x384xbf16>, vector<256x384xf32> -> vector<256x384xf32>
      %add3A_1469 = vector.broadcast %get3A_71 : vector<1x384xf32> to vector<256x384xf32>
      %add3A_1470 = arith.addf %dot_general3A_1468, %add3A_1469 : vector<256x384xf32>
      %convert_element_type3A_1471 = arith.truncf %add3A_1446 : vector<256x128xf32> to vector<256x128xbf16>
      %dot_general3A_1472 = arith.constant dense<0.000000e+00> : vector<256x384xf32>
      %dot_general3A_1473 = tpu.matmul %convert_element_type3A_1471, %get3A_68, %dot_general3A_1472 {dimension_numbers = #tpu.dot_dimension_numbers<[1], [0], [0], [1], [0, 0, 1, 1], [], []>, transpose_lhs_hint = false} : vector<256x128xbf16>, vector<128x384xbf16>, vector<256x384xf32> -> vector<256x384xf32>
      %add3A_1474 = vector.broadcast %get3A_74 : vector<1x384xf32> to vector<256x384xf32>
      %add3A_1475 = arith.addf %dot_general3A_1473, %add3A_1474 : vector<256x384xf32>
      %slice3A_1476 = vector.extract_strided_slice %add3A_1470 {offsets = [0, 0], sizes = [256, 128], strides = [1, 1]} : vector<256x384xf32> to vector<256x128xf32>
      %slice3A_1477 = vector.extract_strided_slice %add3A_1475 {offsets = [0, 0], sizes = [256, 128], strides = [1, 1]} : vector<256x384xf32> to vector<256x128xf32>
      %add3A_1478 = arith.addf %slice3A_1476, %slice3A_1477 : vector<256x128xf32>
      %logistic3A_1479 = arith.negf %add3A_1478 : vector<256x128xf32>
      %logistic3A_1480 = math.exp %logistic3A_1479 : vector<256x128xf32>
      %logistic3A_1481 = arith.constant 1.000000e+00 : f32
      %logistic3A_1482 = vector.broadcast %logistic3A_1481 : f32 to vector<256x128xf32>
      %logistic3A_1483 = arith.addf %logistic3A_1482, %logistic3A_1480 : vector<256x128xf32>
      %logistic3A_1484 = arith.divf %logistic3A_1482, %logistic3A_1483 : vector<256x128xf32>
      %slice3A_1485 = vector.extract_strided_slice %add3A_1470 {offsets = [0, 128], sizes = [256, 128], strides = [1, 1]} : vector<256x384xf32> to vector<256x128xf32>
      %slice3A_1486 = vector.extract_strided_slice %add3A_1475 {offsets = [0, 128], sizes = [256, 128], strides = [1, 1]} : vector<256x384xf32> to vector<256x128xf32>
      %add3A_1487 = arith.addf %slice3A_1485, %slice3A_1486 : vector<256x128xf32>
      %logistic3A_1488 = arith.negf %add3A_1487 : vector<256x128xf32>
      %logistic3A_1489 = math.exp %logistic3A_1488 : vector<256x128xf32>
      %logistic3A_1490 = arith.constant 1.000000e+00 : f32
      %logistic3A_1491 = vector.broadcast %logistic3A_1490 : f32 to vector<256x128xf32>
      %logistic3A_1492 = arith.addf %logistic3A_1491, %logistic3A_1489 : vector<256x128xf32>
      %logistic3A_1493 = arith.divf %logistic3A_1491, %logistic3A_1492 : vector<256x128xf32>
      %slice3A_1494 = vector.extract_strided_slice %add3A_1470 {offsets = [0, 256], sizes = [256, 128], strides = [1, 1]} : vector<256x384xf32> to vector<256x128xf32>
      %slice3A_1495 = vector.extract_strided_slice %add3A_1475 {offsets = [0, 256], sizes = [256, 128], strides = [1, 1]} : vector<256x384xf32> to vector<256x128xf32>
      %mul3A_1496 = arith.mulf %logistic3A_1484, %slice3A_1495 : vector<256x128xf32>
      %add3A_1497 = arith.addf %slice3A_1494, %mul3A_1496 : vector<256x128xf32>
      %tanh3A_1498 = math.tanh %add3A_1497 : vector<256x128xf32>
      %sub3A_1499 = arith.subf %add3A_1446, %tanh3A_1498 : vector<256x128xf32>
      %mul3A_1500 = arith.mulf %logistic3A_1493, %sub3A_1499 : vector<256x128xf32>
      %add3A_1501 = arith.addf %tanh3A_1498, %mul3A_1500 : vector<256x128xf32>
      %dot_general3A_1502 = arith.constant dense<0.000000e+00> : vector<256x1xf32>
      %dot_general3A_1503 = tpu.matmul %add3A_1501, %get3A_77, %dot_general3A_1502 {dimension_numbers = #tpu.dot_dimension_numbers<[1], [0], [0], [1], [0, 0, 1, 1], [], []>, transpose_lhs_hint = false} : vector<256x128xf32>, vector<128x1xf32>, vector<256x1xf32> -> vector<256x1xf32>
      %add3A_1504 = vector.broadcast %get3A_80 : vector<1x1xf32> to vector<256x1xf32>
      %add3A_1505 = arith.addf %dot_general3A_1503, %add3A_1504 : vector<256x1xf32>
      %exp3A_1506 = math.exp %add3A_1505 : vector<256x1xf32>
      %add3A_1507 = arith.addf %add3A_1452, %exp3A_1506 : vector<256x1xf32>
      %mul3A_1508 = vector.broadcast %exp3A_1506 : vector<256x1xf32> to vector<256x128xf32>
      %mul3A_1509 = arith.mulf %mul3A_1508, %add3A_1501 : vector<256x128xf32>
      %add3A_1510 = arith.addf %add3A_1455, %mul3A_1509 : vector<256x128xf32>
      %get3A_1511 = arith.constant 0 : i32
      %get3A_1512 = arith.constant 0 : i32
      %get3A_1513 = arith.constant 0 : i32
      %get3A_1514 = tpu.memref_slice %arg22[%rem3A_4, %get3A_1511, %get3A_1512, %get3A_1513] : memref<2x50x256x128xf32, #tpu.memory_space<vmem>> -> memref<1x50x256x128xf32, #tpu.memory_space<vmem>>
      %get3A_1515 = tpu.memref_squeeze %get3A_1514 : memref<1x50x256x128xf32, #tpu.memory_space<vmem>> -> memref<50x256x128xf32, #tpu.memory_space<vmem>>
      %get3A_1516 = arith.constant 26 : index
      %get3A_1517 = arith.constant 0 : index
      %get3A_1518 = arith.constant 0 : index
      %get3A_1519 = vector.load %get3A_1515[%get3A_1516, %get3A_1517, %get3A_1518] : memref<50x256x128xf32, #tpu.memory_space<vmem>>, vector<1x256x128xf32>
      %get3A_1520 = vector.shape_cast %get3A_1519 : vector<1x256x128xf32> to vector<256x128xf32>
      %convert_element_type3A_1521 = arith.truncf %get3A_1520 : vector<256x128xf32> to vector<256x128xbf16>
      %dot_general3A_1522 = arith.constant dense<0.000000e+00> : vector<256x384xf32>
      %dot_general3A_1523 = tpu.matmul %convert_element_type3A_1521, %get3A_65, %dot_general3A_1522 {dimension_numbers = #tpu.dot_dimension_numbers<[1], [0], [0], [1], [0, 0, 1, 1], [], []>, transpose_lhs_hint = false} : vector<256x128xbf16>, vector<128x384xbf16>, vector<256x384xf32> -> vector<256x384xf32>
      %add3A_1524 = vector.broadcast %get3A_71 : vector<1x384xf32> to vector<256x384xf32>
      %add3A_1525 = arith.addf %dot_general3A_1523, %add3A_1524 : vector<256x384xf32>
      %convert_element_type3A_1526 = arith.truncf %add3A_1501 : vector<256x128xf32> to vector<256x128xbf16>
      %dot_general3A_1527 = arith.constant dense<0.000000e+00> : vector<256x384xf32>
      %dot_general3A_1528 = tpu.matmul %convert_element_type3A_1526, %get3A_68, %dot_general3A_1527 {dimension_numbers = #tpu.dot_dimension_numbers<[1], [0], [0], [1], [0, 0, 1, 1], [], []>, transpose_lhs_hint = false} : vector<256x128xbf16>, vector<128x384xbf16>, vector<256x384xf32> -> vector<256x384xf32>
      %add3A_1529 = vector.broadcast %get3A_74 : vector<1x384xf32> to vector<256x384xf32>
      %add3A_1530 = arith.addf %dot_general3A_1528, %add3A_1529 : vector<256x384xf32>
      %slice3A_1531 = vector.extract_strided_slice %add3A_1525 {offsets = [0, 0], sizes = [256, 128], strides = [1, 1]} : vector<256x384xf32> to vector<256x128xf32>
      %slice3A_1532 = vector.extract_strided_slice %add3A_1530 {offsets = [0, 0], sizes = [256, 128], strides = [1, 1]} : vector<256x384xf32> to vector<256x128xf32>
      %add3A_1533 = arith.addf %slice3A_1531, %slice3A_1532 : vector<256x128xf32>
      %logistic3A_1534 = arith.negf %add3A_1533 : vector<256x128xf32>
      %logistic3A_1535 = math.exp %logistic3A_1534 : vector<256x128xf32>
      %logistic3A_1536 = arith.constant 1.000000e+00 : f32
      %logistic3A_1537 = vector.broadcast %logistic3A_1536 : f32 to vector<256x128xf32>
      %logistic3A_1538 = arith.addf %logistic3A_1537, %logistic3A_1535 : vector<256x128xf32>
      %logistic3A_1539 = arith.divf %logistic3A_1537, %logistic3A_1538 : vector<256x128xf32>
      %slice3A_1540 = vector.extract_strided_slice %add3A_1525 {offsets = [0, 128], sizes = [256, 128], strides = [1, 1]} : vector<256x384xf32> to vector<256x128xf32>
      %slice3A_1541 = vector.extract_strided_slice %add3A_1530 {offsets = [0, 128], sizes = [256, 128], strides = [1, 1]} : vector<256x384xf32> to vector<256x128xf32>
      %add3A_1542 = arith.addf %slice3A_1540, %slice3A_1541 : vector<256x128xf32>
      %logistic3A_1543 = arith.negf %add3A_1542 : vector<256x128xf32>
      %logistic3A_1544 = math.exp %logistic3A_1543 : vector<256x128xf32>
      %logistic3A_1545 = arith.constant 1.000000e+00 : f32
      %logistic3A_1546 = vector.broadcast %logistic3A_1545 : f32 to vector<256x128xf32>
      %logistic3A_1547 = arith.addf %logistic3A_1546, %logistic3A_1544 : vector<256x128xf32>
      %logistic3A_1548 = arith.divf %logistic3A_1546, %logistic3A_1547 : vector<256x128xf32>
      %slice3A_1549 = vector.extract_strided_slice %add3A_1525 {offsets = [0, 256], sizes = [256, 128], strides = [1, 1]} : vector<256x384xf32> to vector<256x128xf32>
      %slice3A_1550 = vector.extract_strided_slice %add3A_1530 {offsets = [0, 256], sizes = [256, 128], strides = [1, 1]} : vector<256x384xf32> to vector<256x128xf32>
      %mul3A_1551 = arith.mulf %logistic3A_1539, %slice3A_1550 : vector<256x128xf32>
      %add3A_1552 = arith.addf %slice3A_1549, %mul3A_1551 : vector<256x128xf32>
      %tanh3A_1553 = math.tanh %add3A_1552 : vector<256x128xf32>
      %sub3A_1554 = arith.subf %add3A_1501, %tanh3A_1553 : vector<256x128xf32>
      %mul3A_1555 = arith.mulf %logistic3A_1548, %sub3A_1554 : vector<256x128xf32>
      %add3A_1556 = arith.addf %tanh3A_1553, %mul3A_1555 : vector<256x128xf32>
      %dot_general3A_1557 = arith.constant dense<0.000000e+00> : vector<256x1xf32>
      %dot_general3A_1558 = tpu.matmul %add3A_1556, %get3A_77, %dot_general3A_1557 {dimension_numbers = #tpu.dot_dimension_numbers<[1], [0], [0], [1], [0, 0, 1, 1], [], []>, transpose_lhs_hint = false} : vector<256x128xf32>, vector<128x1xf32>, vector<256x1xf32> -> vector<256x1xf32>
      %add3A_1559 = vector.broadcast %get3A_80 : vector<1x1xf32> to vector<256x1xf32>
      %add3A_1560 = arith.addf %dot_general3A_1558, %add3A_1559 : vector<256x1xf32>
      %exp3A_1561 = math.exp %add3A_1560 : vector<256x1xf32>
      %add3A_1562 = arith.addf %add3A_1507, %exp3A_1561 : vector<256x1xf32>
      %mul3A_1563 = vector.broadcast %exp3A_1561 : vector<256x1xf32> to vector<256x128xf32>
      %mul3A_1564 = arith.mulf %mul3A_1563, %add3A_1556 : vector<256x128xf32>
      %add3A_1565 = arith.addf %add3A_1510, %mul3A_1564 : vector<256x128xf32>
      %get3A_1566 = arith.constant 0 : i32
      %get3A_1567 = arith.constant 0 : i32
      %get3A_1568 = arith.constant 0 : i32
      %get3A_1569 = tpu.memref_slice %arg22[%rem3A_4, %get3A_1566, %get3A_1567, %get3A_1568] : memref<2x50x256x128xf32, #tpu.memory_space<vmem>> -> memref<1x50x256x128xf32, #tpu.memory_space<vmem>>
      %get3A_1570 = tpu.memref_squeeze %get3A_1569 : memref<1x50x256x128xf32, #tpu.memory_space<vmem>> -> memref<50x256x128xf32, #tpu.memory_space<vmem>>
      %get3A_1571 = arith.constant 27 : index
      %get3A_1572 = arith.constant 0 : index
      %get3A_1573 = arith.constant 0 : index
      %get3A_1574 = vector.load %get3A_1570[%get3A_1571, %get3A_1572, %get3A_1573] : memref<50x256x128xf32, #tpu.memory_space<vmem>>, vector<1x256x128xf32>
      %get3A_1575 = vector.shape_cast %get3A_1574 : vector<1x256x128xf32> to vector<256x128xf32>
      %convert_element_type3A_1576 = arith.truncf %get3A_1575 : vector<256x128xf32> to vector<256x128xbf16>
      %dot_general3A_1577 = arith.constant dense<0.000000e+00> : vector<256x384xf32>
      %dot_general3A_1578 = tpu.matmul %convert_element_type3A_1576, %get3A_65, %dot_general3A_1577 {dimension_numbers = #tpu.dot_dimension_numbers<[1], [0], [0], [1], [0, 0, 1, 1], [], []>, transpose_lhs_hint = false} : vector<256x128xbf16>, vector<128x384xbf16>, vector<256x384xf32> -> vector<256x384xf32>
      %add3A_1579 = vector.broadcast %get3A_71 : vector<1x384xf32> to vector<256x384xf32>
      %add3A_1580 = arith.addf %dot_general3A_1578, %add3A_1579 : vector<256x384xf32>
      %convert_element_type3A_1581 = arith.truncf %add3A_1556 : vector<256x128xf32> to vector<256x128xbf16>
      %dot_general3A_1582 = arith.constant dense<0.000000e+00> : vector<256x384xf32>
      %dot_general3A_1583 = tpu.matmul %convert_element_type3A_1581, %get3A_68, %dot_general3A_1582 {dimension_numbers = #tpu.dot_dimension_numbers<[1], [0], [0], [1], [0, 0, 1, 1], [], []>, transpose_lhs_hint = false} : vector<256x128xbf16>, vector<128x384xbf16>, vector<256x384xf32> -> vector<256x384xf32>
      %add3A_1584 = vector.broadcast %get3A_74 : vector<1x384xf32> to vector<256x384xf32>
      %add3A_1585 = arith.addf %dot_general3A_1583, %add3A_1584 : vector<256x384xf32>
      %slice3A_1586 = vector.extract_strided_slice %add3A_1580 {offsets = [0, 0], sizes = [256, 128], strides = [1, 1]} : vector<256x384xf32> to vector<256x128xf32>
      %slice3A_1587 = vector.extract_strided_slice %add3A_1585 {offsets = [0, 0], sizes = [256, 128], strides = [1, 1]} : vector<256x384xf32> to vector<256x128xf32>
      %add3A_1588 = arith.addf %slice3A_1586, %slice3A_1587 : vector<256x128xf32>
      %logistic3A_1589 = arith.negf %add3A_1588 : vector<256x128xf32>
      %logistic3A_1590 = math.exp %logistic3A_1589 : vector<256x128xf32>
      %logistic3A_1591 = arith.constant 1.000000e+00 : f32
      %logistic3A_1592 = vector.broadcast %logistic3A_1591 : f32 to vector<256x128xf32>
      %logistic3A_1593 = arith.addf %logistic3A_1592, %logistic3A_1590 : vector<256x128xf32>
      %logistic3A_1594 = arith.divf %logistic3A_1592, %logistic3A_1593 : vector<256x128xf32>
      %slice3A_1595 = vector.extract_strided_slice %add3A_1580 {offsets = [0, 128], sizes = [256, 128], strides = [1, 1]} : vector<256x384xf32> to vector<256x128xf32>
      %slice3A_1596 = vector.extract_strided_slice %add3A_1585 {offsets = [0, 128], sizes = [256, 128], strides = [1, 1]} : vector<256x384xf32> to vector<256x128xf32>
      %add3A_1597 = arith.addf %slice3A_1595, %slice3A_1596 : vector<256x128xf32>
      %logistic3A_1598 = arith.negf %add3A_1597 : vector<256x128xf32>
      %logistic3A_1599 = math.exp %logistic3A_1598 : vector<256x128xf32>
      %logistic3A_1600 = arith.constant 1.000000e+00 : f32
      %logistic3A_1601 = vector.broadcast %logistic3A_1600 : f32 to vector<256x128xf32>
      %logistic3A_1602 = arith.addf %logistic3A_1601, %logistic3A_1599 : vector<256x128xf32>
      %logistic3A_1603 = arith.divf %logistic3A_1601, %logistic3A_1602 : vector<256x128xf32>
      %slice3A_1604 = vector.extract_strided_slice %add3A_1580 {offsets = [0, 256], sizes = [256, 128], strides = [1, 1]} : vector<256x384xf32> to vector<256x128xf32>
      %slice3A_1605 = vector.extract_strided_slice %add3A_1585 {offsets = [0, 256], sizes = [256, 128], strides = [1, 1]} : vector<256x384xf32> to vector<256x128xf32>
      %mul3A_1606 = arith.mulf %logistic3A_1594, %slice3A_1605 : vector<256x128xf32>
      %add3A_1607 = arith.addf %slice3A_1604, %mul3A_1606 : vector<256x128xf32>
      %tanh3A_1608 = math.tanh %add3A_1607 : vector<256x128xf32>
      %sub3A_1609 = arith.subf %add3A_1556, %tanh3A_1608 : vector<256x128xf32>
      %mul3A_1610 = arith.mulf %logistic3A_1603, %sub3A_1609 : vector<256x128xf32>
      %add3A_1611 = arith.addf %tanh3A_1608, %mul3A_1610 : vector<256x128xf32>
      %dot_general3A_1612 = arith.constant dense<0.000000e+00> : vector<256x1xf32>
      %dot_general3A_1613 = tpu.matmul %add3A_1611, %get3A_77, %dot_general3A_1612 {dimension_numbers = #tpu.dot_dimension_numbers<[1], [0], [0], [1], [0, 0, 1, 1], [], []>, transpose_lhs_hint = false} : vector<256x128xf32>, vector<128x1xf32>, vector<256x1xf32> -> vector<256x1xf32>
      %add3A_1614 = vector.broadcast %get3A_80 : vector<1x1xf32> to vector<256x1xf32>
      %add3A_1615 = arith.addf %dot_general3A_1613, %add3A_1614 : vector<256x1xf32>
      %exp3A_1616 = math.exp %add3A_1615 : vector<256x1xf32>
      %add3A_1617 = arith.addf %add3A_1562, %exp3A_1616 : vector<256x1xf32>
      %mul3A_1618 = vector.broadcast %exp3A_1616 : vector<256x1xf32> to vector<256x128xf32>
      %mul3A_1619 = arith.mulf %mul3A_1618, %add3A_1611 : vector<256x128xf32>
      %add3A_1620 = arith.addf %add3A_1565, %mul3A_1619 : vector<256x128xf32>
      %get3A_1621 = arith.constant 0 : i32
      %get3A_1622 = arith.constant 0 : i32
      %get3A_1623 = arith.constant 0 : i32
      %get3A_1624 = tpu.memref_slice %arg22[%rem3A_4, %get3A_1621, %get3A_1622, %get3A_1623] : memref<2x50x256x128xf32, #tpu.memory_space<vmem>> -> memref<1x50x256x128xf32, #tpu.memory_space<vmem>>
      %get3A_1625 = tpu.memref_squeeze %get3A_1624 : memref<1x50x256x128xf32, #tpu.memory_space<vmem>> -> memref<50x256x128xf32, #tpu.memory_space<vmem>>
      %get3A_1626 = arith.constant 28 : index
      %get3A_1627 = arith.constant 0 : index
      %get3A_1628 = arith.constant 0 : index
      %get3A_1629 = vector.load %get3A_1625[%get3A_1626, %get3A_1627, %get3A_1628] : memref<50x256x128xf32, #tpu.memory_space<vmem>>, vector<1x256x128xf32>
      %get3A_1630 = vector.shape_cast %get3A_1629 : vector<1x256x128xf32> to vector<256x128xf32>
      %convert_element_type3A_1631 = arith.truncf %get3A_1630 : vector<256x128xf32> to vector<256x128xbf16>
      %dot_general3A_1632 = arith.constant dense<0.000000e+00> : vector<256x384xf32>
      %dot_general3A_1633 = tpu.matmul %convert_element_type3A_1631, %get3A_65, %dot_general3A_1632 {dimension_numbers = #tpu.dot_dimension_numbers<[1], [0], [0], [1], [0, 0, 1, 1], [], []>, transpose_lhs_hint = false} : vector<256x128xbf16>, vector<128x384xbf16>, vector<256x384xf32> -> vector<256x384xf32>
      %add3A_1634 = vector.broadcast %get3A_71 : vector<1x384xf32> to vector<256x384xf32>
      %add3A_1635 = arith.addf %dot_general3A_1633, %add3A_1634 : vector<256x384xf32>
      %convert_element_type3A_1636 = arith.truncf %add3A_1611 : vector<256x128xf32> to vector<256x128xbf16>
      %dot_general3A_1637 = arith.constant dense<0.000000e+00> : vector<256x384xf32>
      %dot_general3A_1638 = tpu.matmul %convert_element_type3A_1636, %get3A_68, %dot_general3A_1637 {dimension_numbers = #tpu.dot_dimension_numbers<[1], [0], [0], [1], [0, 0, 1, 1], [], []>, transpose_lhs_hint = false} : vector<256x128xbf16>, vector<128x384xbf16>, vector<256x384xf32> -> vector<256x384xf32>
      %add3A_1639 = vector.broadcast %get3A_74 : vector<1x384xf32> to vector<256x384xf32>
      %add3A_1640 = arith.addf %dot_general3A_1638, %add3A_1639 : vector<256x384xf32>
      %slice3A_1641 = vector.extract_strided_slice %add3A_1635 {offsets = [0, 0], sizes = [256, 128], strides = [1, 1]} : vector<256x384xf32> to vector<256x128xf32>
      %slice3A_1642 = vector.extract_strided_slice %add3A_1640 {offsets = [0, 0], sizes = [256, 128], strides = [1, 1]} : vector<256x384xf32> to vector<256x128xf32>
      %add3A_1643 = arith.addf %slice3A_1641, %slice3A_1642 : vector<256x128xf32>
      %logistic3A_1644 = arith.negf %add3A_1643 : vector<256x128xf32>
      %logistic3A_1645 = math.exp %logistic3A_1644 : vector<256x128xf32>
      %logistic3A_1646 = arith.constant 1.000000e+00 : f32
      %logistic3A_1647 = vector.broadcast %logistic3A_1646 : f32 to vector<256x128xf32>
      %logistic3A_1648 = arith.addf %logistic3A_1647, %logistic3A_1645 : vector<256x128xf32>
      %logistic3A_1649 = arith.divf %logistic3A_1647, %logistic3A_1648 : vector<256x128xf32>
      %slice3A_1650 = vector.extract_strided_slice %add3A_1635 {offsets = [0, 128], sizes = [256, 128], strides = [1, 1]} : vector<256x384xf32> to vector<256x128xf32>
      %slice3A_1651 = vector.extract_strided_slice %add3A_1640 {offsets = [0, 128], sizes = [256, 128], strides = [1, 1]} : vector<256x384xf32> to vector<256x128xf32>
      %add3A_1652 = arith.addf %slice3A_1650, %slice3A_1651 : vector<256x128xf32>
      %logistic3A_1653 = arith.negf %add3A_1652 : vector<256x128xf32>
      %logistic3A_1654 = math.exp %logistic3A_1653 : vector<256x128xf32>
      %logistic3A_1655 = arith.constant 1.000000e+00 : f32
      %logistic3A_1656 = vector.broadcast %logistic3A_1655 : f32 to vector<256x128xf32>
      %logistic3A_1657 = arith.addf %logistic3A_1656, %logistic3A_1654 : vector<256x128xf32>
      %logistic3A_1658 = arith.divf %logistic3A_1656, %logistic3A_1657 : vector<256x128xf32>
      %slice3A_1659 = vector.extract_strided_slice %add3A_1635 {offsets = [0, 256], sizes = [256, 128], strides = [1, 1]} : vector<256x384xf32> to vector<256x128xf32>
      %slice3A_1660 = vector.extract_strided_slice %add3A_1640 {offsets = [0, 256], sizes = [256, 128], strides = [1, 1]} : vector<256x384xf32> to vector<256x128xf32>
      %mul3A_1661 = arith.mulf %logistic3A_1649, %slice3A_1660 : vector<256x128xf32>
      %add3A_1662 = arith.addf %slice3A_1659, %mul3A_1661 : vector<256x128xf32>
      %tanh3A_1663 = math.tanh %add3A_1662 : vector<256x128xf32>
      %sub3A_1664 = arith.subf %add3A_1611, %tanh3A_1663 : vector<256x128xf32>
      %mul3A_1665 = arith.mulf %logistic3A_1658, %sub3A_1664 : vector<256x128xf32>
      %add3A_1666 = arith.addf %tanh3A_1663, %mul3A_1665 : vector<256x128xf32>
      %dot_general3A_1667 = arith.constant dense<0.000000e+00> : vector<256x1xf32>
      %dot_general3A_1668 = tpu.matmul %add3A_1666, %get3A_77, %dot_general3A_1667 {dimension_numbers = #tpu.dot_dimension_numbers<[1], [0], [0], [1], [0, 0, 1, 1], [], []>, transpose_lhs_hint = false} : vector<256x128xf32>, vector<128x1xf32>, vector<256x1xf32> -> vector<256x1xf32>
      %add3A_1669 = vector.broadcast %get3A_80 : vector<1x1xf32> to vector<256x1xf32>
      %add3A_1670 = arith.addf %dot_general3A_1668, %add3A_1669 : vector<256x1xf32>
      %exp3A_1671 = math.exp %add3A_1670 : vector<256x1xf32>
      %add3A_1672 = arith.addf %add3A_1617, %exp3A_1671 : vector<256x1xf32>
      %mul3A_1673 = vector.broadcast %exp3A_1671 : vector<256x1xf32> to vector<256x128xf32>
      %mul3A_1674 = arith.mulf %mul3A_1673, %add3A_1666 : vector<256x128xf32>
      %add3A_1675 = arith.addf %add3A_1620, %mul3A_1674 : vector<256x128xf32>
      %get3A_1676 = arith.constant 0 : i32
      %get3A_1677 = arith.constant 0 : i32
      %get3A_1678 = arith.constant 0 : i32
      %get3A_1679 = tpu.memref_slice %arg22[%rem3A_4, %get3A_1676, %get3A_1677, %get3A_1678] : memref<2x50x256x128xf32, #tpu.memory_space<vmem>> -> memref<1x50x256x128xf32, #tpu.memory_space<vmem>>
      %get3A_1680 = tpu.memref_squeeze %get3A_1679 : memref<1x50x256x128xf32, #tpu.memory_space<vmem>> -> memref<50x256x128xf32, #tpu.memory_space<vmem>>
      %get3A_1681 = arith.constant 29 : index
      %get3A_1682 = arith.constant 0 : index
      %get3A_1683 = arith.constant 0 : index
      %get3A_1684 = vector.load %get3A_1680[%get3A_1681, %get3A_1682, %get3A_1683] : memref<50x256x128xf32, #tpu.memory_space<vmem>>, vector<1x256x128xf32>
      %get3A_1685 = vector.shape_cast %get3A_1684 : vector<1x256x128xf32> to vector<256x128xf32>
      %convert_element_type3A_1686 = arith.truncf %get3A_1685 : vector<256x128xf32> to vector<256x128xbf16>
      %dot_general3A_1687 = arith.constant dense<0.000000e+00> : vector<256x384xf32>
      %dot_general3A_1688 = tpu.matmul %convert_element_type3A_1686, %get3A_65, %dot_general3A_1687 {dimension_numbers = #tpu.dot_dimension_numbers<[1], [0], [0], [1], [0, 0, 1, 1], [], []>, transpose_lhs_hint = false} : vector<256x128xbf16>, vector<128x384xbf16>, vector<256x384xf32> -> vector<256x384xf32>
      %add3A_1689 = vector.broadcast %get3A_71 : vector<1x384xf32> to vector<256x384xf32>
      %add3A_1690 = arith.addf %dot_general3A_1688, %add3A_1689 : vector<256x384xf32>
      %convert_element_type3A_1691 = arith.truncf %add3A_1666 : vector<256x128xf32> to vector<256x128xbf16>
      %dot_general3A_1692 = arith.constant dense<0.000000e+00> : vector<256x384xf32>
      %dot_general3A_1693 = tpu.matmul %convert_element_type3A_1691, %get3A_68, %dot_general3A_1692 {dimension_numbers = #tpu.dot_dimension_numbers<[1], [0], [0], [1], [0, 0, 1, 1], [], []>, transpose_lhs_hint = false} : vector<256x128xbf16>, vector<128x384xbf16>, vector<256x384xf32> -> vector<256x384xf32>
      %add3A_1694 = vector.broadcast %get3A_74 : vector<1x384xf32> to vector<256x384xf32>
      %add3A_1695 = arith.addf %dot_general3A_1693, %add3A_1694 : vector<256x384xf32>
      %slice3A_1696 = vector.extract_strided_slice %add3A_1690 {offsets = [0, 0], sizes = [256, 128], strides = [1, 1]} : vector<256x384xf32> to vector<256x128xf32>
      %slice3A_1697 = vector.extract_strided_slice %add3A_1695 {offsets = [0, 0], sizes = [256, 128], strides = [1, 1]} : vector<256x384xf32> to vector<256x128xf32>
      %add3A_1698 = arith.addf %slice3A_1696, %slice3A_1697 : vector<256x128xf32>
      %logistic3A_1699 = arith.negf %add3A_1698 : vector<256x128xf32>
      %logistic3A_1700 = math.exp %logistic3A_1699 : vector<256x128xf32>
      %logistic3A_1701 = arith.constant 1.000000e+00 : f32
      %logistic3A_1702 = vector.broadcast %logistic3A_1701 : f32 to vector<256x128xf32>
      %logistic3A_1703 = arith.addf %logistic3A_1702, %logistic3A_1700 : vector<256x128xf32>
      %logistic3A_1704 = arith.divf %logistic3A_1702, %logistic3A_1703 : vector<256x128xf32>
      %slice3A_1705 = vector.extract_strided_slice %add3A_1690 {offsets = [0, 128], sizes = [256, 128], strides = [1, 1]} : vector<256x384xf32> to vector<256x128xf32>
      %slice3A_1706 = vector.extract_strided_slice %add3A_1695 {offsets = [0, 128], sizes = [256, 128], strides = [1, 1]} : vector<256x384xf32> to vector<256x128xf32>
      %add3A_1707 = arith.addf %slice3A_1705, %slice3A_1706 : vector<256x128xf32>
      %logistic3A_1708 = arith.negf %add3A_1707 : vector<256x128xf32>
      %logistic3A_1709 = math.exp %logistic3A_1708 : vector<256x128xf32>
      %logistic3A_1710 = arith.constant 1.000000e+00 : f32
      %logistic3A_1711 = vector.broadcast %logistic3A_1710 : f32 to vector<256x128xf32>
      %logistic3A_1712 = arith.addf %logistic3A_1711, %logistic3A_1709 : vector<256x128xf32>
      %logistic3A_1713 = arith.divf %logistic3A_1711, %logistic3A_1712 : vector<256x128xf32>
      %slice3A_1714 = vector.extract_strided_slice %add3A_1690 {offsets = [0, 256], sizes = [256, 128], strides = [1, 1]} : vector<256x384xf32> to vector<256x128xf32>
      %slice3A_1715 = vector.extract_strided_slice %add3A_1695 {offsets = [0, 256], sizes = [256, 128], strides = [1, 1]} : vector<256x384xf32> to vector<256x128xf32>
      %mul3A_1716 = arith.mulf %logistic3A_1704, %slice3A_1715 : vector<256x128xf32>
      %add3A_1717 = arith.addf %slice3A_1714, %mul3A_1716 : vector<256x128xf32>
      %tanh3A_1718 = math.tanh %add3A_1717 : vector<256x128xf32>
      %sub3A_1719 = arith.subf %add3A_1666, %tanh3A_1718 : vector<256x128xf32>
      %mul3A_1720 = arith.mulf %logistic3A_1713, %sub3A_1719 : vector<256x128xf32>
      %add3A_1721 = arith.addf %tanh3A_1718, %mul3A_1720 : vector<256x128xf32>
      %dot_general3A_1722 = arith.constant dense<0.000000e+00> : vector<256x1xf32>
      %dot_general3A_1723 = tpu.matmul %add3A_1721, %get3A_77, %dot_general3A_1722 {dimension_numbers = #tpu.dot_dimension_numbers<[1], [0], [0], [1], [0, 0, 1, 1], [], []>, transpose_lhs_hint = false} : vector<256x128xf32>, vector<128x1xf32>, vector<256x1xf32> -> vector<256x1xf32>
      %add3A_1724 = vector.broadcast %get3A_80 : vector<1x1xf32> to vector<256x1xf32>
      %add3A_1725 = arith.addf %dot_general3A_1723, %add3A_1724 : vector<256x1xf32>
      %exp3A_1726 = math.exp %add3A_1725 : vector<256x1xf32>
      %add3A_1727 = arith.addf %add3A_1672, %exp3A_1726 : vector<256x1xf32>
      %mul3A_1728 = vector.broadcast %exp3A_1726 : vector<256x1xf32> to vector<256x128xf32>
      %mul3A_1729 = arith.mulf %mul3A_1728, %add3A_1721 : vector<256x128xf32>
      %add3A_1730 = arith.addf %add3A_1675, %mul3A_1729 : vector<256x128xf32>
      %get3A_1731 = arith.constant 0 : i32
      %get3A_1732 = arith.constant 0 : i32
      %get3A_1733 = arith.constant 0 : i32
      %get3A_1734 = tpu.memref_slice %arg22[%rem3A_4, %get3A_1731, %get3A_1732, %get3A_1733] : memref<2x50x256x128xf32, #tpu.memory_space<vmem>> -> memref<1x50x256x128xf32, #tpu.memory_space<vmem>>
      %get3A_1735 = tpu.memref_squeeze %get3A_1734 : memref<1x50x256x128xf32, #tpu.memory_space<vmem>> -> memref<50x256x128xf32, #tpu.memory_space<vmem>>
      %get3A_1736 = arith.constant 30 : index
      %get3A_1737 = arith.constant 0 : index
      %get3A_1738 = arith.constant 0 : index
      %get3A_1739 = vector.load %get3A_1735[%get3A_1736, %get3A_1737, %get3A_1738] : memref<50x256x128xf32, #tpu.memory_space<vmem>>, vector<1x256x128xf32>
      %get3A_1740 = vector.shape_cast %get3A_1739 : vector<1x256x128xf32> to vector<256x128xf32>
      %convert_element_type3A_1741 = arith.truncf %get3A_1740 : vector<256x128xf32> to vector<256x128xbf16>
      %dot_general3A_1742 = arith.constant dense<0.000000e+00> : vector<256x384xf32>
      %dot_general3A_1743 = tpu.matmul %convert_element_type3A_1741, %get3A_65, %dot_general3A_1742 {dimension_numbers = #tpu.dot_dimension_numbers<[1], [0], [0], [1], [0, 0, 1, 1], [], []>, transpose_lhs_hint = false} : vector<256x128xbf16>, vector<128x384xbf16>, vector<256x384xf32> -> vector<256x384xf32>
      %add3A_1744 = vector.broadcast %get3A_71 : vector<1x384xf32> to vector<256x384xf32>
      %add3A_1745 = arith.addf %dot_general3A_1743, %add3A_1744 : vector<256x384xf32>
      %convert_element_type3A_1746 = arith.truncf %add3A_1721 : vector<256x128xf32> to vector<256x128xbf16>
      %dot_general3A_1747 = arith.constant dense<0.000000e+00> : vector<256x384xf32>
      %dot_general3A_1748 = tpu.matmul %convert_element_type3A_1746, %get3A_68, %dot_general3A_1747 {dimension_numbers = #tpu.dot_dimension_numbers<[1], [0], [0], [1], [0, 0, 1, 1], [], []>, transpose_lhs_hint = false} : vector<256x128xbf16>, vector<128x384xbf16>, vector<256x384xf32> -> vector<256x384xf32>
      %add3A_1749 = vector.broadcast %get3A_74 : vector<1x384xf32> to vector<256x384xf32>
      %add3A_1750 = arith.addf %dot_general3A_1748, %add3A_1749 : vector<256x384xf32>
      %slice3A_1751 = vector.extract_strided_slice %add3A_1745 {offsets = [0, 0], sizes = [256, 128], strides = [1, 1]} : vector<256x384xf32> to vector<256x128xf32>
      %slice3A_1752 = vector.extract_strided_slice %add3A_1750 {offsets = [0, 0], sizes = [256, 128], strides = [1, 1]} : vector<256x384xf32> to vector<256x128xf32>
      %add3A_1753 = arith.addf %slice3A_1751, %slice3A_1752 : vector<256x128xf32>
      %logistic3A_1754 = arith.negf %add3A_1753 : vector<256x128xf32>
      %logistic3A_1755 = math.exp %logistic3A_1754 : vector<256x128xf32>
      %logistic3A_1756 = arith.constant 1.000000e+00 : f32
      %logistic3A_1757 = vector.broadcast %logistic3A_1756 : f32 to vector<256x128xf32>
      %logistic3A_1758 = arith.addf %logistic3A_1757, %logistic3A_1755 : vector<256x128xf32>
      %logistic3A_1759 = arith.divf %logistic3A_1757, %logistic3A_1758 : vector<256x128xf32>
      %slice3A_1760 = vector.extract_strided_slice %add3A_1745 {offsets = [0, 128], sizes = [256, 128], strides = [1, 1]} : vector<256x384xf32> to vector<256x128xf32>
      %slice3A_1761 = vector.extract_strided_slice %add3A_1750 {offsets = [0, 128], sizes = [256, 128], strides = [1, 1]} : vector<256x384xf32> to vector<256x128xf32>
      %add3A_1762 = arith.addf %slice3A_1760, %slice3A_1761 : vector<256x128xf32>
      %logistic3A_1763 = arith.negf %add3A_1762 : vector<256x128xf32>
      %logistic3A_1764 = math.exp %logistic3A_1763 : vector<256x128xf32>
      %logistic3A_1765 = arith.constant 1.000000e+00 : f32
      %logistic3A_1766 = vector.broadcast %logistic3A_1765 : f32 to vector<256x128xf32>
      %logistic3A_1767 = arith.addf %logistic3A_1766, %logistic3A_1764 : vector<256x128xf32>
      %logistic3A_1768 = arith.divf %logistic3A_1766, %logistic3A_1767 : vector<256x128xf32>
      %slice3A_1769 = vector.extract_strided_slice %add3A_1745 {offsets = [0, 256], sizes = [256, 128], strides = [1, 1]} : vector<256x384xf32> to vector<256x128xf32>
      %slice3A_1770 = vector.extract_strided_slice %add3A_1750 {offsets = [0, 256], sizes = [256, 128], strides = [1, 1]} : vector<256x384xf32> to vector<256x128xf32>
      %mul3A_1771 = arith.mulf %logistic3A_1759, %slice3A_1770 : vector<256x128xf32>
      %add3A_1772 = arith.addf %slice3A_1769, %mul3A_1771 : vector<256x128xf32>
      %tanh3A_1773 = math.tanh %add3A_1772 : vector<256x128xf32>
      %sub3A_1774 = arith.subf %add3A_1721, %tanh3A_1773 : vector<256x128xf32>
      %mul3A_1775 = arith.mulf %logistic3A_1768, %sub3A_1774 : vector<256x128xf32>
      %add3A_1776 = arith.addf %tanh3A_1773, %mul3A_1775 : vector<256x128xf32>
      %dot_general3A_1777 = arith.constant dense<0.000000e+00> : vector<256x1xf32>
      %dot_general3A_1778 = tpu.matmul %add3A_1776, %get3A_77, %dot_general3A_1777 {dimension_numbers = #tpu.dot_dimension_numbers<[1], [0], [0], [1], [0, 0, 1, 1], [], []>, transpose_lhs_hint = false} : vector<256x128xf32>, vector<128x1xf32>, vector<256x1xf32> -> vector<256x1xf32>
      %add3A_1779 = vector.broadcast %get3A_80 : vector<1x1xf32> to vector<256x1xf32>
      %add3A_1780 = arith.addf %dot_general3A_1778, %add3A_1779 : vector<256x1xf32>
      %exp3A_1781 = math.exp %add3A_1780 : vector<256x1xf32>
      %add3A_1782 = arith.addf %add3A_1727, %exp3A_1781 : vector<256x1xf32>
      %mul3A_1783 = vector.broadcast %exp3A_1781 : vector<256x1xf32> to vector<256x128xf32>
      %mul3A_1784 = arith.mulf %mul3A_1783, %add3A_1776 : vector<256x128xf32>
      %add3A_1785 = arith.addf %add3A_1730, %mul3A_1784 : vector<256x128xf32>
      %get3A_1786 = arith.constant 0 : i32
      %get3A_1787 = arith.constant 0 : i32
      %get3A_1788 = arith.constant 0 : i32
      %get3A_1789 = tpu.memref_slice %arg22[%rem3A_4, %get3A_1786, %get3A_1787, %get3A_1788] : memref<2x50x256x128xf32, #tpu.memory_space<vmem>> -> memref<1x50x256x128xf32, #tpu.memory_space<vmem>>
      %get3A_1790 = tpu.memref_squeeze %get3A_1789 : memref<1x50x256x128xf32, #tpu.memory_space<vmem>> -> memref<50x256x128xf32, #tpu.memory_space<vmem>>
      %get3A_1791 = arith.constant 31 : index
      %get3A_1792 = arith.constant 0 : index
      %get3A_1793 = arith.constant 0 : index
      %get3A_1794 = vector.load %get3A_1790[%get3A_1791, %get3A_1792, %get3A_1793] : memref<50x256x128xf32, #tpu.memory_space<vmem>>, vector<1x256x128xf32>
      %get3A_1795 = vector.shape_cast %get3A_1794 : vector<1x256x128xf32> to vector<256x128xf32>
      %convert_element_type3A_1796 = arith.truncf %get3A_1795 : vector<256x128xf32> to vector<256x128xbf16>
      %dot_general3A_1797 = arith.constant dense<0.000000e+00> : vector<256x384xf32>
      %dot_general3A_1798 = tpu.matmul %convert_element_type3A_1796, %get3A_65, %dot_general3A_1797 {dimension_numbers = #tpu.dot_dimension_numbers<[1], [0], [0], [1], [0, 0, 1, 1], [], []>, transpose_lhs_hint = false} : vector<256x128xbf16>, vector<128x384xbf16>, vector<256x384xf32> -> vector<256x384xf32>
      %add3A_1799 = vector.broadcast %get3A_71 : vector<1x384xf32> to vector<256x384xf32>
      %add3A_1800 = arith.addf %dot_general3A_1798, %add3A_1799 : vector<256x384xf32>
      %convert_element_type3A_1801 = arith.truncf %add3A_1776 : vector<256x128xf32> to vector<256x128xbf16>
      %dot_general3A_1802 = arith.constant dense<0.000000e+00> : vector<256x384xf32>
      %dot_general3A_1803 = tpu.matmul %convert_element_type3A_1801, %get3A_68, %dot_general3A_1802 {dimension_numbers = #tpu.dot_dimension_numbers<[1], [0], [0], [1], [0, 0, 1, 1], [], []>, transpose_lhs_hint = false} : vector<256x128xbf16>, vector<128x384xbf16>, vector<256x384xf32> -> vector<256x384xf32>
      %add3A_1804 = vector.broadcast %get3A_74 : vector<1x384xf32> to vector<256x384xf32>
      %add3A_1805 = arith.addf %dot_general3A_1803, %add3A_1804 : vector<256x384xf32>
      %slice3A_1806 = vector.extract_strided_slice %add3A_1800 {offsets = [0, 0], sizes = [256, 128], strides = [1, 1]} : vector<256x384xf32> to vector<256x128xf32>
      %slice3A_1807 = vector.extract_strided_slice %add3A_1805 {offsets = [0, 0], sizes = [256, 128], strides = [1, 1]} : vector<256x384xf32> to vector<256x128xf32>
      %add3A_1808 = arith.addf %slice3A_1806, %slice3A_1807 : vector<256x128xf32>
      %logistic3A_1809 = arith.negf %add3A_1808 : vector<256x128xf32>
      %logistic3A_1810 = math.exp %logistic3A_1809 : vector<256x128xf32>
      %logistic3A_1811 = arith.constant 1.000000e+00 : f32
      %logistic3A_1812 = vector.broadcast %logistic3A_1811 : f32 to vector<256x128xf32>
      %logistic3A_1813 = arith.addf %logistic3A_1812, %logistic3A_1810 : vector<256x128xf32>
      %logistic3A_1814 = arith.divf %logistic3A_1812, %logistic3A_1813 : vector<256x128xf32>
      %slice3A_1815 = vector.extract_strided_slice %add3A_1800 {offsets = [0, 128], sizes = [256, 128], strides = [1, 1]} : vector<256x384xf32> to vector<256x128xf32>
      %slice3A_1816 = vector.extract_strided_slice %add3A_1805 {offsets = [0, 128], sizes = [256, 128], strides = [1, 1]} : vector<256x384xf32> to vector<256x128xf32>
      %add3A_1817 = arith.addf %slice3A_1815, %slice3A_1816 : vector<256x128xf32>
      %logistic3A_1818 = arith.negf %add3A_1817 : vector<256x128xf32>
      %logistic3A_1819 = math.exp %logistic3A_1818 : vector<256x128xf32>
      %logistic3A_1820 = arith.constant 1.000000e+00 : f32
      %logistic3A_1821 = vector.broadcast %logistic3A_1820 : f32 to vector<256x128xf32>
      %logistic3A_1822 = arith.addf %logistic3A_1821, %logistic3A_1819 : vector<256x128xf32>
      %logistic3A_1823 = arith.divf %logistic3A_1821, %logistic3A_1822 : vector<256x128xf32>
      %slice3A_1824 = vector.extract_strided_slice %add3A_1800 {offsets = [0, 256], sizes = [256, 128], strides = [1, 1]} : vector<256x384xf32> to vector<256x128xf32>
      %slice3A_1825 = vector.extract_strided_slice %add3A_1805 {offsets = [0, 256], sizes = [256, 128], strides = [1, 1]} : vector<256x384xf32> to vector<256x128xf32>
      %mul3A_1826 = arith.mulf %logistic3A_1814, %slice3A_1825 : vector<256x128xf32>
      %add3A_1827 = arith.addf %slice3A_1824, %mul3A_1826 : vector<256x128xf32>
      %tanh3A_1828 = math.tanh %add3A_1827 : vector<256x128xf32>
      %sub3A_1829 = arith.subf %add3A_1776, %tanh3A_1828 : vector<256x128xf32>
      %mul3A_1830 = arith.mulf %logistic3A_1823, %sub3A_1829 : vector<256x128xf32>
      %add3A_1831 = arith.addf %tanh3A_1828, %mul3A_1830 : vector<256x128xf32>
      %dot_general3A_1832 = arith.constant dense<0.000000e+00> : vector<256x1xf32>
      %dot_general3A_1833 = tpu.matmul %add3A_1831, %get3A_77, %dot_general3A_1832 {dimension_numbers = #tpu.dot_dimension_numbers<[1], [0], [0], [1], [0, 0, 1, 1], [], []>, transpose_lhs_hint = false} : vector<256x128xf32>, vector<128x1xf32>, vector<256x1xf32> -> vector<256x1xf32>
      %add3A_1834 = vector.broadcast %get3A_80 : vector<1x1xf32> to vector<256x1xf32>
      %add3A_1835 = arith.addf %dot_general3A_1833, %add3A_1834 : vector<256x1xf32>
      %exp3A_1836 = math.exp %add3A_1835 : vector<256x1xf32>
      %add3A_1837 = arith.addf %add3A_1782, %exp3A_1836 : vector<256x1xf32>
      %mul3A_1838 = vector.broadcast %exp3A_1836 : vector<256x1xf32> to vector<256x128xf32>
      %mul3A_1839 = arith.mulf %mul3A_1838, %add3A_1831 : vector<256x128xf32>
      %add3A_1840 = arith.addf %add3A_1785, %mul3A_1839 : vector<256x128xf32>
      %get3A_1841 = arith.constant 0 : i32
      %get3A_1842 = arith.constant 0 : i32
      %get3A_1843 = arith.constant 0 : i32
      %get3A_1844 = tpu.memref_slice %arg22[%rem3A_4, %get3A_1841, %get3A_1842, %get3A_1843] : memref<2x50x256x128xf32, #tpu.memory_space<vmem>> -> memref<1x50x256x128xf32, #tpu.memory_space<vmem>>
      %get3A_1845 = tpu.memref_squeeze %get3A_1844 : memref<1x50x256x128xf32, #tpu.memory_space<vmem>> -> memref<50x256x128xf32, #tpu.memory_space<vmem>>
      %get3A_1846 = arith.constant 32 : index
      %get3A_1847 = arith.constant 0 : index
      %get3A_1848 = arith.constant 0 : index
      %get3A_1849 = vector.load %get3A_1845[%get3A_1846, %get3A_1847, %get3A_1848] : memref<50x256x128xf32, #tpu.memory_space<vmem>>, vector<1x256x128xf32>
      %get3A_1850 = vector.shape_cast %get3A_1849 : vector<1x256x128xf32> to vector<256x128xf32>
      %convert_element_type3A_1851 = arith.truncf %get3A_1850 : vector<256x128xf32> to vector<256x128xbf16>
      %dot_general3A_1852 = arith.constant dense<0.000000e+00> : vector<256x384xf32>
      %dot_general3A_1853 = tpu.matmul %convert_element_type3A_1851, %get3A_65, %dot_general3A_1852 {dimension_numbers = #tpu.dot_dimension_numbers<[1], [0], [0], [1], [0, 0, 1, 1], [], []>, transpose_lhs_hint = false} : vector<256x128xbf16>, vector<128x384xbf16>, vector<256x384xf32> -> vector<256x384xf32>
      %add3A_1854 = vector.broadcast %get3A_71 : vector<1x384xf32> to vector<256x384xf32>
      %add3A_1855 = arith.addf %dot_general3A_1853, %add3A_1854 : vector<256x384xf32>
      %convert_element_type3A_1856 = arith.truncf %add3A_1831 : vector<256x128xf32> to vector<256x128xbf16>
      %dot_general3A_1857 = arith.constant dense<0.000000e+00> : vector<256x384xf32>
      %dot_general3A_1858 = tpu.matmul %convert_element_type3A_1856, %get3A_68, %dot_general3A_1857 {dimension_numbers = #tpu.dot_dimension_numbers<[1], [0], [0], [1], [0, 0, 1, 1], [], []>, transpose_lhs_hint = false} : vector<256x128xbf16>, vector<128x384xbf16>, vector<256x384xf32> -> vector<256x384xf32>
      %add3A_1859 = vector.broadcast %get3A_74 : vector<1x384xf32> to vector<256x384xf32>
      %add3A_1860 = arith.addf %dot_general3A_1858, %add3A_1859 : vector<256x384xf32>
      %slice3A_1861 = vector.extract_strided_slice %add3A_1855 {offsets = [0, 0], sizes = [256, 128], strides = [1, 1]} : vector<256x384xf32> to vector<256x128xf32>
      %slice3A_1862 = vector.extract_strided_slice %add3A_1860 {offsets = [0, 0], sizes = [256, 128], strides = [1, 1]} : vector<256x384xf32> to vector<256x128xf32>
      %add3A_1863 = arith.addf %slice3A_1861, %slice3A_1862 : vector<256x128xf32>
      %logistic3A_1864 = arith.negf %add3A_1863 : vector<256x128xf32>
      %logistic3A_1865 = math.exp %logistic3A_1864 : vector<256x128xf32>
      %logistic3A_1866 = arith.constant 1.000000e+00 : f32
      %logistic3A_1867 = vector.broadcast %logistic3A_1866 : f32 to vector<256x128xf32>
      %logistic3A_1868 = arith.addf %logistic3A_1867, %logistic3A_1865 : vector<256x128xf32>
      %logistic3A_1869 = arith.divf %logistic3A_1867, %logistic3A_1868 : vector<256x128xf32>
      %slice3A_1870 = vector.extract_strided_slice %add3A_1855 {offsets = [0, 128], sizes = [256, 128], strides = [1, 1]} : vector<256x384xf32> to vector<256x128xf32>
      %slice3A_1871 = vector.extract_strided_slice %add3A_1860 {offsets = [0, 128], sizes = [256, 128], strides = [1, 1]} : vector<256x384xf32> to vector<256x128xf32>
      %add3A_1872 = arith.addf %slice3A_1870, %slice3A_1871 : vector<256x128xf32>
      %logistic3A_1873 = arith.negf %add3A_1872 : vector<256x128xf32>
      %logistic3A_1874 = math.exp %logistic3A_1873 : vector<256x128xf32>
      %logistic3A_1875 = arith.constant 1.000000e+00 : f32
      %logistic3A_1876 = vector.broadcast %logistic3A_1875 : f32 to vector<256x128xf32>
      %logistic3A_1877 = arith.addf %logistic3A_1876, %logistic3A_1874 : vector<256x128xf32>
      %logistic3A_1878 = arith.divf %logistic3A_1876, %logistic3A_1877 : vector<256x128xf32>
      %slice3A_1879 = vector.extract_strided_slice %add3A_1855 {offsets = [0, 256], sizes = [256, 128], strides = [1, 1]} : vector<256x384xf32> to vector<256x128xf32>
      %slice3A_1880 = vector.extract_strided_slice %add3A_1860 {offsets = [0, 256], sizes = [256, 128], strides = [1, 1]} : vector<256x384xf32> to vector<256x128xf32>
      %mul3A_1881 = arith.mulf %logistic3A_1869, %slice3A_1880 : vector<256x128xf32>
      %add3A_1882 = arith.addf %slice3A_1879, %mul3A_1881 : vector<256x128xf32>
      %tanh3A_1883 = math.tanh %add3A_1882 : vector<256x128xf32>
      %sub3A_1884 = arith.subf %add3A_1831, %tanh3A_1883 : vector<256x128xf32>
      %mul3A_1885 = arith.mulf %logistic3A_1878, %sub3A_1884 : vector<256x128xf32>
      %add3A_1886 = arith.addf %tanh3A_1883, %mul3A_1885 : vector<256x128xf32>
      %dot_general3A_1887 = arith.constant dense<0.000000e+00> : vector<256x1xf32>
      %dot_general3A_1888 = tpu.matmul %add3A_1886, %get3A_77, %dot_general3A_1887 {dimension_numbers = #tpu.dot_dimension_numbers<[1], [0], [0], [1], [0, 0, 1, 1], [], []>, transpose_lhs_hint = false} : vector<256x128xf32>, vector<128x1xf32>, vector<256x1xf32> -> vector<256x1xf32>
      %add3A_1889 = vector.broadcast %get3A_80 : vector<1x1xf32> to vector<256x1xf32>
      %add3A_1890 = arith.addf %dot_general3A_1888, %add3A_1889 : vector<256x1xf32>
      %exp3A_1891 = math.exp %add3A_1890 : vector<256x1xf32>
      %add3A_1892 = arith.addf %add3A_1837, %exp3A_1891 : vector<256x1xf32>
      %mul3A_1893 = vector.broadcast %exp3A_1891 : vector<256x1xf32> to vector<256x128xf32>
      %mul3A_1894 = arith.mulf %mul3A_1893, %add3A_1886 : vector<256x128xf32>
      %add3A_1895 = arith.addf %add3A_1840, %mul3A_1894 : vector<256x128xf32>
      %get3A_1896 = arith.constant 0 : i32
      %get3A_1897 = arith.constant 0 : i32
      %get3A_1898 = arith.constant 0 : i32
      %get3A_1899 = tpu.memref_slice %arg22[%rem3A_4, %get3A_1896, %get3A_1897, %get3A_1898] : memref<2x50x256x128xf32, #tpu.memory_space<vmem>> -> memref<1x50x256x128xf32, #tpu.memory_space<vmem>>
      %get3A_1900 = tpu.memref_squeeze %get3A_1899 : memref<1x50x256x128xf32, #tpu.memory_space<vmem>> -> memref<50x256x128xf32, #tpu.memory_space<vmem>>
      %get3A_1901 = arith.constant 33 : index
      %get3A_1902 = arith.constant 0 : index
      %get3A_1903 = arith.constant 0 : index
      %get3A_1904 = vector.load %get3A_1900[%get3A_1901, %get3A_1902, %get3A_1903] : memref<50x256x128xf32, #tpu.memory_space<vmem>>, vector<1x256x128xf32>
      %get3A_1905 = vector.shape_cast %get3A_1904 : vector<1x256x128xf32> to vector<256x128xf32>
      %convert_element_type3A_1906 = arith.truncf %get3A_1905 : vector<256x128xf32> to vector<256x128xbf16>
      %dot_general3A_1907 = arith.constant dense<0.000000e+00> : vector<256x384xf32>
      %dot_general3A_1908 = tpu.matmul %convert_element_type3A_1906, %get3A_65, %dot_general3A_1907 {dimension_numbers = #tpu.dot_dimension_numbers<[1], [0], [0], [1], [0, 0, 1, 1], [], []>, transpose_lhs_hint = false} : vector<256x128xbf16>, vector<128x384xbf16>, vector<256x384xf32> -> vector<256x384xf32>
      %add3A_1909 = vector.broadcast %get3A_71 : vector<1x384xf32> to vector<256x384xf32>
      %add3A_1910 = arith.addf %dot_general3A_1908, %add3A_1909 : vector<256x384xf32>
      %convert_element_type3A_1911 = arith.truncf %add3A_1886 : vector<256x128xf32> to vector<256x128xbf16>
      %dot_general3A_1912 = arith.constant dense<0.000000e+00> : vector<256x384xf32>
      %dot_general3A_1913 = tpu.matmul %convert_element_type3A_1911, %get3A_68, %dot_general3A_1912 {dimension_numbers = #tpu.dot_dimension_numbers<[1], [0], [0], [1], [0, 0, 1, 1], [], []>, transpose_lhs_hint = false} : vector<256x128xbf16>, vector<128x384xbf16>, vector<256x384xf32> -> vector<256x384xf32>
      %add3A_1914 = vector.broadcast %get3A_74 : vector<1x384xf32> to vector<256x384xf32>
      %add3A_1915 = arith.addf %dot_general3A_1913, %add3A_1914 : vector<256x384xf32>
      %slice3A_1916 = vector.extract_strided_slice %add3A_1910 {offsets = [0, 0], sizes = [256, 128], strides = [1, 1]} : vector<256x384xf32> to vector<256x128xf32>
      %slice3A_1917 = vector.extract_strided_slice %add3A_1915 {offsets = [0, 0], sizes = [256, 128], strides = [1, 1]} : vector<256x384xf32> to vector<256x128xf32>
      %add3A_1918 = arith.addf %slice3A_1916, %slice3A_1917 : vector<256x128xf32>
      %logistic3A_1919 = arith.negf %add3A_1918 : vector<256x128xf32>
      %logistic3A_1920 = math.exp %logistic3A_1919 : vector<256x128xf32>
      %logistic3A_1921 = arith.constant 1.000000e+00 : f32
      %logistic3A_1922 = vector.broadcast %logistic3A_1921 : f32 to vector<256x128xf32>
      %logistic3A_1923 = arith.addf %logistic3A_1922, %logistic3A_1920 : vector<256x128xf32>
      %logistic3A_1924 = arith.divf %logistic3A_1922, %logistic3A_1923 : vector<256x128xf32>
      %slice3A_1925 = vector.extract_strided_slice %add3A_1910 {offsets = [0, 128], sizes = [256, 128], strides = [1, 1]} : vector<256x384xf32> to vector<256x128xf32>
      %slice3A_1926 = vector.extract_strided_slice %add3A_1915 {offsets = [0, 128], sizes = [256, 128], strides = [1, 1]} : vector<256x384xf32> to vector<256x128xf32>
      %add3A_1927 = arith.addf %slice3A_1925, %slice3A_1926 : vector<256x128xf32>
      %logistic3A_1928 = arith.negf %add3A_1927 : vector<256x128xf32>
      %logistic3A_1929 = math.exp %logistic3A_1928 : vector<256x128xf32>
      %logistic3A_1930 = arith.constant 1.000000e+00 : f32
      %logistic3A_1931 = vector.broadcast %logistic3A_1930 : f32 to vector<256x128xf32>
      %logistic3A_1932 = arith.addf %logistic3A_1931, %logistic3A_1929 : vector<256x128xf32>
      %logistic3A_1933 = arith.divf %logistic3A_1931, %logistic3A_1932 : vector<256x128xf32>
      %slice3A_1934 = vector.extract_strided_slice %add3A_1910 {offsets = [0, 256], sizes = [256, 128], strides = [1, 1]} : vector<256x384xf32> to vector<256x128xf32>
      %slice3A_1935 = vector.extract_strided_slice %add3A_1915 {offsets = [0, 256], sizes = [256, 128], strides = [1, 1]} : vector<256x384xf32> to vector<256x128xf32>
      %mul3A_1936 = arith.mulf %logistic3A_1924, %slice3A_1935 : vector<256x128xf32>
      %add3A_1937 = arith.addf %slice3A_1934, %mul3A_1936 : vector<256x128xf32>
      %tanh3A_1938 = math.tanh %add3A_1937 : vector<256x128xf32>
      %sub3A_1939 = arith.subf %add3A_1886, %tanh3A_1938 : vector<256x128xf32>
      %mul3A_1940 = arith.mulf %logistic3A_1933, %sub3A_1939 : vector<256x128xf32>
      %add3A_1941 = arith.addf %tanh3A_1938, %mul3A_1940 : vector<256x128xf32>
      %dot_general3A_1942 = arith.constant dense<0.000000e+00> : vector<256x1xf32>
      %dot_general3A_1943 = tpu.matmul %add3A_1941, %get3A_77, %dot_general3A_1942 {dimension_numbers = #tpu.dot_dimension_numbers<[1], [0], [0], [1], [0, 0, 1, 1], [], []>, transpose_lhs_hint = false} : vector<256x128xf32>, vector<128x1xf32>, vector<256x1xf32> -> vector<256x1xf32>
      %add3A_1944 = vector.broadcast %get3A_80 : vector<1x1xf32> to vector<256x1xf32>
      %add3A_1945 = arith.addf %dot_general3A_1943, %add3A_1944 : vector<256x1xf32>
      %exp3A_1946 = math.exp %add3A_1945 : vector<256x1xf32>
      %add3A_1947 = arith.addf %add3A_1892, %exp3A_1946 : vector<256x1xf32>
      %mul3A_1948 = vector.broadcast %exp3A_1946 : vector<256x1xf32> to vector<256x128xf32>
      %mul3A_1949 = arith.mulf %mul3A_1948, %add3A_1941 : vector<256x128xf32>
      %add3A_1950 = arith.addf %add3A_1895, %mul3A_1949 : vector<256x128xf32>
      %get3A_1951 = arith.constant 0 : i32
      %get3A_1952 = arith.constant 0 : i32
      %get3A_1953 = arith.constant 0 : i32
      %get3A_1954 = tpu.memref_slice %arg22[%rem3A_4, %get3A_1951, %get3A_1952, %get3A_1953] : memref<2x50x256x128xf32, #tpu.memory_space<vmem>> -> memref<1x50x256x128xf32, #tpu.memory_space<vmem>>
      %get3A_1955 = tpu.memref_squeeze %get3A_1954 : memref<1x50x256x128xf32, #tpu.memory_space<vmem>> -> memref<50x256x128xf32, #tpu.memory_space<vmem>>
      %get3A_1956 = arith.constant 34 : index
      %get3A_1957 = arith.constant 0 : index
      %get3A_1958 = arith.constant 0 : index
      %get3A_1959 = vector.load %get3A_1955[%get3A_1956, %get3A_1957, %get3A_1958] : memref<50x256x128xf32, #tpu.memory_space<vmem>>, vector<1x256x128xf32>
      %get3A_1960 = vector.shape_cast %get3A_1959 : vector<1x256x128xf32> to vector<256x128xf32>
      %convert_element_type3A_1961 = arith.truncf %get3A_1960 : vector<256x128xf32> to vector<256x128xbf16>
      %dot_general3A_1962 = arith.constant dense<0.000000e+00> : vector<256x384xf32>
      %dot_general3A_1963 = tpu.matmul %convert_element_type3A_1961, %get3A_65, %dot_general3A_1962 {dimension_numbers = #tpu.dot_dimension_numbers<[1], [0], [0], [1], [0, 0, 1, 1], [], []>, transpose_lhs_hint = false} : vector<256x128xbf16>, vector<128x384xbf16>, vector<256x384xf32> -> vector<256x384xf32>
      %add3A_1964 = vector.broadcast %get3A_71 : vector<1x384xf32> to vector<256x384xf32>
      %add3A_1965 = arith.addf %dot_general3A_1963, %add3A_1964 : vector<256x384xf32>
      %convert_element_type3A_1966 = arith.truncf %add3A_1941 : vector<256x128xf32> to vector<256x128xbf16>
      %dot_general3A_1967 = arith.constant dense<0.000000e+00> : vector<256x384xf32>
      %dot_general3A_1968 = tpu.matmul %convert_element_type3A_1966, %get3A_68, %dot_general3A_1967 {dimension_numbers = #tpu.dot_dimension_numbers<[1], [0], [0], [1], [0, 0, 1, 1], [], []>, transpose_lhs_hint = false} : vector<256x128xbf16>, vector<128x384xbf16>, vector<256x384xf32> -> vector<256x384xf32>
      %add3A_1969 = vector.broadcast %get3A_74 : vector<1x384xf32> to vector<256x384xf32>
      %add3A_1970 = arith.addf %dot_general3A_1968, %add3A_1969 : vector<256x384xf32>
      %slice3A_1971 = vector.extract_strided_slice %add3A_1965 {offsets = [0, 0], sizes = [256, 128], strides = [1, 1]} : vector<256x384xf32> to vector<256x128xf32>
      %slice3A_1972 = vector.extract_strided_slice %add3A_1970 {offsets = [0, 0], sizes = [256, 128], strides = [1, 1]} : vector<256x384xf32> to vector<256x128xf32>
      %add3A_1973 = arith.addf %slice3A_1971, %slice3A_1972 : vector<256x128xf32>
      %logistic3A_1974 = arith.negf %add3A_1973 : vector<256x128xf32>
      %logistic3A_1975 = math.exp %logistic3A_1974 : vector<256x128xf32>
      %logistic3A_1976 = arith.constant 1.000000e+00 : f32
      %logistic3A_1977 = vector.broadcast %logistic3A_1976 : f32 to vector<256x128xf32>
      %logistic3A_1978 = arith.addf %logistic3A_1977, %logistic3A_1975 : vector<256x128xf32>
      %logistic3A_1979 = arith.divf %logistic3A_1977, %logistic3A_1978 : vector<256x128xf32>
      %slice3A_1980 = vector.extract_strided_slice %add3A_1965 {offsets = [0, 128], sizes = [256, 128], strides = [1, 1]} : vector<256x384xf32> to vector<256x128xf32>
      %slice3A_1981 = vector.extract_strided_slice %add3A_1970 {offsets = [0, 128], sizes = [256, 128], strides = [1, 1]} : vector<256x384xf32> to vector<256x128xf32>
      %add3A_1982 = arith.addf %slice3A_1980, %slice3A_1981 : vector<256x128xf32>
      %logistic3A_1983 = arith.negf %add3A_1982 : vector<256x128xf32>
      %logistic3A_1984 = math.exp %logistic3A_1983 : vector<256x128xf32>
      %logistic3A_1985 = arith.constant 1.000000e+00 : f32
      %logistic3A_1986 = vector.broadcast %logistic3A_1985 : f32 to vector<256x128xf32>
      %logistic3A_1987 = arith.addf %logistic3A_1986, %logistic3A_1984 : vector<256x128xf32>
      %logistic3A_1988 = arith.divf %logistic3A_1986, %logistic3A_1987 : vector<256x128xf32>
      %slice3A_1989 = vector.extract_strided_slice %add3A_1965 {offsets = [0, 256], sizes = [256, 128], strides = [1, 1]} : vector<256x384xf32> to vector<256x128xf32>
      %slice3A_1990 = vector.extract_strided_slice %add3A_1970 {offsets = [0, 256], sizes = [256, 128], strides = [1, 1]} : vector<256x384xf32> to vector<256x128xf32>
      %mul3A_1991 = arith.mulf %logistic3A_1979, %slice3A_1990 : vector<256x128xf32>
      %add3A_1992 = arith.addf %slice3A_1989, %mul3A_1991 : vector<256x128xf32>
      %tanh3A_1993 = math.tanh %add3A_1992 : vector<256x128xf32>
      %sub3A_1994 = arith.subf %add3A_1941, %tanh3A_1993 : vector<256x128xf32>
      %mul3A_1995 = arith.mulf %logistic3A_1988, %sub3A_1994 : vector<256x128xf32>
      %add3A_1996 = arith.addf %tanh3A_1993, %mul3A_1995 : vector<256x128xf32>
      %dot_general3A_1997 = arith.constant dense<0.000000e+00> : vector<256x1xf32>
      %dot_general3A_1998 = tpu.matmul %add3A_1996, %get3A_77, %dot_general3A_1997 {dimension_numbers = #tpu.dot_dimension_numbers<[1], [0], [0], [1], [0, 0, 1, 1], [], []>, transpose_lhs_hint = false} : vector<256x128xf32>, vector<128x1xf32>, vector<256x1xf32> -> vector<256x1xf32>
      %add3A_1999 = vector.broadcast %get3A_80 : vector<1x1xf32> to vector<256x1xf32>
      %add3A_2000 = arith.addf %dot_general3A_1998, %add3A_1999 : vector<256x1xf32>
      %exp3A_2001 = math.exp %add3A_2000 : vector<256x1xf32>
      %add3A_2002 = arith.addf %add3A_1947, %exp3A_2001 : vector<256x1xf32>
      %mul3A_2003 = vector.broadcast %exp3A_2001 : vector<256x1xf32> to vector<256x128xf32>
      %mul3A_2004 = arith.mulf %mul3A_2003, %add3A_1996 : vector<256x128xf32>
      %add3A_2005 = arith.addf %add3A_1950, %mul3A_2004 : vector<256x128xf32>
      %get3A_2006 = arith.constant 0 : i32
      %get3A_2007 = arith.constant 0 : i32
      %get3A_2008 = arith.constant 0 : i32
      %get3A_2009 = tpu.memref_slice %arg22[%rem3A_4, %get3A_2006, %get3A_2007, %get3A_2008] : memref<2x50x256x128xf32, #tpu.memory_space<vmem>> -> memref<1x50x256x128xf32, #tpu.memory_space<vmem>>
      %get3A_2010 = tpu.memref_squeeze %get3A_2009 : memref<1x50x256x128xf32, #tpu.memory_space<vmem>> -> memref<50x256x128xf32, #tpu.memory_space<vmem>>
      %get3A_2011 = arith.constant 35 : index
      %get3A_2012 = arith.constant 0 : index
      %get3A_2013 = arith.constant 0 : index
      %get3A_2014 = vector.load %get3A_2010[%get3A_2011, %get3A_2012, %get3A_2013] : memref<50x256x128xf32, #tpu.memory_space<vmem>>, vector<1x256x128xf32>
      %get3A_2015 = vector.shape_cast %get3A_2014 : vector<1x256x128xf32> to vector<256x128xf32>
      %convert_element_type3A_2016 = arith.truncf %get3A_2015 : vector<256x128xf32> to vector<256x128xbf16>
      %dot_general3A_2017 = arith.constant dense<0.000000e+00> : vector<256x384xf32>
      %dot_general3A_2018 = tpu.matmul %convert_element_type3A_2016, %get3A_65, %dot_general3A_2017 {dimension_numbers = #tpu.dot_dimension_numbers<[1], [0], [0], [1], [0, 0, 1, 1], [], []>, transpose_lhs_hint = false} : vector<256x128xbf16>, vector<128x384xbf16>, vector<256x384xf32> -> vector<256x384xf32>
      %add3A_2019 = vector.broadcast %get3A_71 : vector<1x384xf32> to vector<256x384xf32>
      %add3A_2020 = arith.addf %dot_general3A_2018, %add3A_2019 : vector<256x384xf32>
      %convert_element_type3A_2021 = arith.truncf %add3A_1996 : vector<256x128xf32> to vector<256x128xbf16>
      %dot_general3A_2022 = arith.constant dense<0.000000e+00> : vector<256x384xf32>
      %dot_general3A_2023 = tpu.matmul %convert_element_type3A_2021, %get3A_68, %dot_general3A_2022 {dimension_numbers = #tpu.dot_dimension_numbers<[1], [0], [0], [1], [0, 0, 1, 1], [], []>, transpose_lhs_hint = false} : vector<256x128xbf16>, vector<128x384xbf16>, vector<256x384xf32> -> vector<256x384xf32>
      %add3A_2024 = vector.broadcast %get3A_74 : vector<1x384xf32> to vector<256x384xf32>
      %add3A_2025 = arith.addf %dot_general3A_2023, %add3A_2024 : vector<256x384xf32>
      %slice3A_2026 = vector.extract_strided_slice %add3A_2020 {offsets = [0, 0], sizes = [256, 128], strides = [1, 1]} : vector<256x384xf32> to vector<256x128xf32>
      %slice3A_2027 = vector.extract_strided_slice %add3A_2025 {offsets = [0, 0], sizes = [256, 128], strides = [1, 1]} : vector<256x384xf32> to vector<256x128xf32>
      %add3A_2028 = arith.addf %slice3A_2026, %slice3A_2027 : vector<256x128xf32>
      %logistic3A_2029 = arith.negf %add3A_2028 : vector<256x128xf32>
      %logistic3A_2030 = math.exp %logistic3A_2029 : vector<256x128xf32>
      %logistic3A_2031 = arith.constant 1.000000e+00 : f32
      %logistic3A_2032 = vector.broadcast %logistic3A_2031 : f32 to vector<256x128xf32>
      %logistic3A_2033 = arith.addf %logistic3A_2032, %logistic3A_2030 : vector<256x128xf32>
      %logistic3A_2034 = arith.divf %logistic3A_2032, %logistic3A_2033 : vector<256x128xf32>
      %slice3A_2035 = vector.extract_strided_slice %add3A_2020 {offsets = [0, 128], sizes = [256, 128], strides = [1, 1]} : vector<256x384xf32> to vector<256x128xf32>
      %slice3A_2036 = vector.extract_strided_slice %add3A_2025 {offsets = [0, 128], sizes = [256, 128], strides = [1, 1]} : vector<256x384xf32> to vector<256x128xf32>
      %add3A_2037 = arith.addf %slice3A_2035, %slice3A_2036 : vector<256x128xf32>
      %logistic3A_2038 = arith.negf %add3A_2037 : vector<256x128xf32>
      %logistic3A_2039 = math.exp %logistic3A_2038 : vector<256x128xf32>
      %logistic3A_2040 = arith.constant 1.000000e+00 : f32
      %logistic3A_2041 = vector.broadcast %logistic3A_2040 : f32 to vector<256x128xf32>
      %logistic3A_2042 = arith.addf %logistic3A_2041, %logistic3A_2039 : vector<256x128xf32>
      %logistic3A_2043 = arith.divf %logistic3A_2041, %logistic3A_2042 : vector<256x128xf32>
      %slice3A_2044 = vector.extract_strided_slice %add3A_2020 {offsets = [0, 256], sizes = [256, 128], strides = [1, 1]} : vector<256x384xf32> to vector<256x128xf32>
      %slice3A_2045 = vector.extract_strided_slice %add3A_2025 {offsets = [0, 256], sizes = [256, 128], strides = [1, 1]} : vector<256x384xf32> to vector<256x128xf32>
      %mul3A_2046 = arith.mulf %logistic3A_2034, %slice3A_2045 : vector<256x128xf32>
      %add3A_2047 = arith.addf %slice3A_2044, %mul3A_2046 : vector<256x128xf32>
      %tanh3A_2048 = math.tanh %add3A_2047 : vector<256x128xf32>
      %sub3A_2049 = arith.subf %add3A_1996, %tanh3A_2048 : vector<256x128xf32>
      %mul3A_2050 = arith.mulf %logistic3A_2043, %sub3A_2049 : vector<256x128xf32>
      %add3A_2051 = arith.addf %tanh3A_2048, %mul3A_2050 : vector<256x128xf32>
      %dot_general3A_2052 = arith.constant dense<0.000000e+00> : vector<256x1xf32>
      %dot_general3A_2053 = tpu.matmul %add3A_2051, %get3A_77, %dot_general3A_2052 {dimension_numbers = #tpu.dot_dimension_numbers<[1], [0], [0], [1], [0, 0, 1, 1], [], []>, transpose_lhs_hint = false} : vector<256x128xf32>, vector<128x1xf32>, vector<256x1xf32> -> vector<256x1xf32>
      %add3A_2054 = vector.broadcast %get3A_80 : vector<1x1xf32> to vector<256x1xf32>
      %add3A_2055 = arith.addf %dot_general3A_2053, %add3A_2054 : vector<256x1xf32>
      %exp3A_2056 = math.exp %add3A_2055 : vector<256x1xf32>
      %add3A_2057 = arith.addf %add3A_2002, %exp3A_2056 : vector<256x1xf32>
      %mul3A_2058 = vector.broadcast %exp3A_2056 : vector<256x1xf32> to vector<256x128xf32>
      %mul3A_2059 = arith.mulf %mul3A_2058, %add3A_2051 : vector<256x128xf32>
      %add3A_2060 = arith.addf %add3A_2005, %mul3A_2059 : vector<256x128xf32>
      %get3A_2061 = arith.constant 0 : i32
      %get3A_2062 = arith.constant 0 : i32
      %get3A_2063 = arith.constant 0 : i32
      %get3A_2064 = tpu.memref_slice %arg22[%rem3A_4, %get3A_2061, %get3A_2062, %get3A_2063] : memref<2x50x256x128xf32, #tpu.memory_space<vmem>> -> memref<1x50x256x128xf32, #tpu.memory_space<vmem>>
      %get3A_2065 = tpu.memref_squeeze %get3A_2064 : memref<1x50x256x128xf32, #tpu.memory_space<vmem>> -> memref<50x256x128xf32, #tpu.memory_space<vmem>>
      %get3A_2066 = arith.constant 36 : index
      %get3A_2067 = arith.constant 0 : index
      %get3A_2068 = arith.constant 0 : index
      %get3A_2069 = vector.load %get3A_2065[%get3A_2066, %get3A_2067, %get3A_2068] : memref<50x256x128xf32, #tpu.memory_space<vmem>>, vector<1x256x128xf32>
      %get3A_2070 = vector.shape_cast %get3A_2069 : vector<1x256x128xf32> to vector<256x128xf32>
      %convert_element_type3A_2071 = arith.truncf %get3A_2070 : vector<256x128xf32> to vector<256x128xbf16>
      %dot_general3A_2072 = arith.constant dense<0.000000e+00> : vector<256x384xf32>
      %dot_general3A_2073 = tpu.matmul %convert_element_type3A_2071, %get3A_65, %dot_general3A_2072 {dimension_numbers = #tpu.dot_dimension_numbers<[1], [0], [0], [1], [0, 0, 1, 1], [], []>, transpose_lhs_hint = false} : vector<256x128xbf16>, vector<128x384xbf16>, vector<256x384xf32> -> vector<256x384xf32>
      %add3A_2074 = vector.broadcast %get3A_71 : vector<1x384xf32> to vector<256x384xf32>
      %add3A_2075 = arith.addf %dot_general3A_2073, %add3A_2074 : vector<256x384xf32>
      %convert_element_type3A_2076 = arith.truncf %add3A_2051 : vector<256x128xf32> to vector<256x128xbf16>
      %dot_general3A_2077 = arith.constant dense<0.000000e+00> : vector<256x384xf32>
      %dot_general3A_2078 = tpu.matmul %convert_element_type3A_2076, %get3A_68, %dot_general3A_2077 {dimension_numbers = #tpu.dot_dimension_numbers<[1], [0], [0], [1], [0, 0, 1, 1], [], []>, transpose_lhs_hint = false} : vector<256x128xbf16>, vector<128x384xbf16>, vector<256x384xf32> -> vector<256x384xf32>
      %add3A_2079 = vector.broadcast %get3A_74 : vector<1x384xf32> to vector<256x384xf32>
      %add3A_2080 = arith.addf %dot_general3A_2078, %add3A_2079 : vector<256x384xf32>
      %slice3A_2081 = vector.extract_strided_slice %add3A_2075 {offsets = [0, 0], sizes = [256, 128], strides = [1, 1]} : vector<256x384xf32> to vector<256x128xf32>
      %slice3A_2082 = vector.extract_strided_slice %add3A_2080 {offsets = [0, 0], sizes = [256, 128], strides = [1, 1]} : vector<256x384xf32> to vector<256x128xf32>
      %add3A_2083 = arith.addf %slice3A_2081, %slice3A_2082 : vector<256x128xf32>
      %logistic3A_2084 = arith.negf %add3A_2083 : vector<256x128xf32>
      %logistic3A_2085 = math.exp %logistic3A_2084 : vector<256x128xf32>
      %logistic3A_2086 = arith.constant 1.000000e+00 : f32
      %logistic3A_2087 = vector.broadcast %logistic3A_2086 : f32 to vector<256x128xf32>
      %logistic3A_2088 = arith.addf %logistic3A_2087, %logistic3A_2085 : vector<256x128xf32>
      %logistic3A_2089 = arith.divf %logistic3A_2087, %logistic3A_2088 : vector<256x128xf32>
      %slice3A_2090 = vector.extract_strided_slice %add3A_2075 {offsets = [0, 128], sizes = [256, 128], strides = [1, 1]} : vector<256x384xf32> to vector<256x128xf32>
      %slice3A_2091 = vector.extract_strided_slice %add3A_2080 {offsets = [0, 128], sizes = [256, 128], strides = [1, 1]} : vector<256x384xf32> to vector<256x128xf32>
      %add3A_2092 = arith.addf %slice3A_2090, %slice3A_2091 : vector<256x128xf32>
      %logistic3A_2093 = arith.negf %add3A_2092 : vector<256x128xf32>
      %logistic3A_2094 = math.exp %logistic3A_2093 : vector<256x128xf32>
      %logistic3A_2095 = arith.constant 1.000000e+00 : f32
      %logistic3A_2096 = vector.broadcast %logistic3A_2095 : f32 to vector<256x128xf32>
      %logistic3A_2097 = arith.addf %logistic3A_2096, %logistic3A_2094 : vector<256x128xf32>
      %logistic3A_2098 = arith.divf %logistic3A_2096, %logistic3A_2097 : vector<256x128xf32>
      %slice3A_2099 = vector.extract_strided_slice %add3A_2075 {offsets = [0, 256], sizes = [256, 128], strides = [1, 1]} : vector<256x384xf32> to vector<256x128xf32>
      %slice3A_2100 = vector.extract_strided_slice %add3A_2080 {offsets = [0, 256], sizes = [256, 128], strides = [1, 1]} : vector<256x384xf32> to vector<256x128xf32>
      %mul3A_2101 = arith.mulf %logistic3A_2089, %slice3A_2100 : vector<256x128xf32>
      %add3A_2102 = arith.addf %slice3A_2099, %mul3A_2101 : vector<256x128xf32>
      %tanh3A_2103 = math.tanh %add3A_2102 : vector<256x128xf32>
      %sub3A_2104 = arith.subf %add3A_2051, %tanh3A_2103 : vector<256x128xf32>
      %mul3A_2105 = arith.mulf %logistic3A_2098, %sub3A_2104 : vector<256x128xf32>
      %add3A_2106 = arith.addf %tanh3A_2103, %mul3A_2105 : vector<256x128xf32>
      %dot_general3A_2107 = arith.constant dense<0.000000e+00> : vector<256x1xf32>
      %dot_general3A_2108 = tpu.matmul %add3A_2106, %get3A_77, %dot_general3A_2107 {dimension_numbers = #tpu.dot_dimension_numbers<[1], [0], [0], [1], [0, 0, 1, 1], [], []>, transpose_lhs_hint = false} : vector<256x128xf32>, vector<128x1xf32>, vector<256x1xf32> -> vector<256x1xf32>
      %add3A_2109 = vector.broadcast %get3A_80 : vector<1x1xf32> to vector<256x1xf32>
      %add3A_2110 = arith.addf %dot_general3A_2108, %add3A_2109 : vector<256x1xf32>
      %exp3A_2111 = math.exp %add3A_2110 : vector<256x1xf32>
      %add3A_2112 = arith.addf %add3A_2057, %exp3A_2111 : vector<256x1xf32>
      %mul3A_2113 = vector.broadcast %exp3A_2111 : vector<256x1xf32> to vector<256x128xf32>
      %mul3A_2114 = arith.mulf %mul3A_2113, %add3A_2106 : vector<256x128xf32>
      %add3A_2115 = arith.addf %add3A_2060, %mul3A_2114 : vector<256x128xf32>
      %get3A_2116 = arith.constant 0 : i32
      %get3A_2117 = arith.constant 0 : i32
      %get3A_2118 = arith.constant 0 : i32
      %get3A_2119 = tpu.memref_slice %arg22[%rem3A_4, %get3A_2116, %get3A_2117, %get3A_2118] : memref<2x50x256x128xf32, #tpu.memory_space<vmem>> -> memref<1x50x256x128xf32, #tpu.memory_space<vmem>>
      %get3A_2120 = tpu.memref_squeeze %get3A_2119 : memref<1x50x256x128xf32, #tpu.memory_space<vmem>> -> memref<50x256x128xf32, #tpu.memory_space<vmem>>
      %get3A_2121 = arith.constant 37 : index
      %get3A_2122 = arith.constant 0 : index
      %get3A_2123 = arith.constant 0 : index
      %get3A_2124 = vector.load %get3A_2120[%get3A_2121, %get3A_2122, %get3A_2123] : memref<50x256x128xf32, #tpu.memory_space<vmem>>, vector<1x256x128xf32>
      %get3A_2125 = vector.shape_cast %get3A_2124 : vector<1x256x128xf32> to vector<256x128xf32>
      %convert_element_type3A_2126 = arith.truncf %get3A_2125 : vector<256x128xf32> to vector<256x128xbf16>
      %dot_general3A_2127 = arith.constant dense<0.000000e+00> : vector<256x384xf32>
      %dot_general3A_2128 = tpu.matmul %convert_element_type3A_2126, %get3A_65, %dot_general3A_2127 {dimension_numbers = #tpu.dot_dimension_numbers<[1], [0], [0], [1], [0, 0, 1, 1], [], []>, transpose_lhs_hint = false} : vector<256x128xbf16>, vector<128x384xbf16>, vector<256x384xf32> -> vector<256x384xf32>
      %add3A_2129 = vector.broadcast %get3A_71 : vector<1x384xf32> to vector<256x384xf32>
      %add3A_2130 = arith.addf %dot_general3A_2128, %add3A_2129 : vector<256x384xf32>
      %convert_element_type3A_2131 = arith.truncf %add3A_2106 : vector<256x128xf32> to vector<256x128xbf16>
      %dot_general3A_2132 = arith.constant dense<0.000000e+00> : vector<256x384xf32>
      %dot_general3A_2133 = tpu.matmul %convert_element_type3A_2131, %get3A_68, %dot_general3A_2132 {dimension_numbers = #tpu.dot_dimension_numbers<[1], [0], [0], [1], [0, 0, 1, 1], [], []>, transpose_lhs_hint = false} : vector<256x128xbf16>, vector<128x384xbf16>, vector<256x384xf32> -> vector<256x384xf32>
      %add3A_2134 = vector.broadcast %get3A_74 : vector<1x384xf32> to vector<256x384xf32>
      %add3A_2135 = arith.addf %dot_general3A_2133, %add3A_2134 : vector<256x384xf32>
      %slice3A_2136 = vector.extract_strided_slice %add3A_2130 {offsets = [0, 0], sizes = [256, 128], strides = [1, 1]} : vector<256x384xf32> to vector<256x128xf32>
      %slice3A_2137 = vector.extract_strided_slice %add3A_2135 {offsets = [0, 0], sizes = [256, 128], strides = [1, 1]} : vector<256x384xf32> to vector<256x128xf32>
      %add3A_2138 = arith.addf %slice3A_2136, %slice3A_2137 : vector<256x128xf32>
      %logistic3A_2139 = arith.negf %add3A_2138 : vector<256x128xf32>
      %logistic3A_2140 = math.exp %logistic3A_2139 : vector<256x128xf32>
      %logistic3A_2141 = arith.constant 1.000000e+00 : f32
      %logistic3A_2142 = vector.broadcast %logistic3A_2141 : f32 to vector<256x128xf32>
      %logistic3A_2143 = arith.addf %logistic3A_2142, %logistic3A_2140 : vector<256x128xf32>
      %logistic3A_2144 = arith.divf %logistic3A_2142, %logistic3A_2143 : vector<256x128xf32>
      %slice3A_2145 = vector.extract_strided_slice %add3A_2130 {offsets = [0, 128], sizes = [256, 128], strides = [1, 1]} : vector<256x384xf32> to vector<256x128xf32>
      %slice3A_2146 = vector.extract_strided_slice %add3A_2135 {offsets = [0, 128], sizes = [256, 128], strides = [1, 1]} : vector<256x384xf32> to vector<256x128xf32>
      %add3A_2147 = arith.addf %slice3A_2145, %slice3A_2146 : vector<256x128xf32>
      %logistic3A_2148 = arith.negf %add3A_2147 : vector<256x128xf32>
      %logistic3A_2149 = math.exp %logistic3A_2148 : vector<256x128xf32>
      %logistic3A_2150 = arith.constant 1.000000e+00 : f32
      %logistic3A_2151 = vector.broadcast %logistic3A_2150 : f32 to vector<256x128xf32>
      %logistic3A_2152 = arith.addf %logistic3A_2151, %logistic3A_2149 : vector<256x128xf32>
      %logistic3A_2153 = arith.divf %logistic3A_2151, %logistic3A_2152 : vector<256x128xf32>
      %slice3A_2154 = vector.extract_strided_slice %add3A_2130 {offsets = [0, 256], sizes = [256, 128], strides = [1, 1]} : vector<256x384xf32> to vector<256x128xf32>
      %slice3A_2155 = vector.extract_strided_slice %add3A_2135 {offsets = [0, 256], sizes = [256, 128], strides = [1, 1]} : vector<256x384xf32> to vector<256x128xf32>
      %mul3A_2156 = arith.mulf %logistic3A_2144, %slice3A_2155 : vector<256x128xf32>
      %add3A_2157 = arith.addf %slice3A_2154, %mul3A_2156 : vector<256x128xf32>
      %tanh3A_2158 = math.tanh %add3A_2157 : vector<256x128xf32>
      %sub3A_2159 = arith.subf %add3A_2106, %tanh3A_2158 : vector<256x128xf32>
      %mul3A_2160 = arith.mulf %logistic3A_2153, %sub3A_2159 : vector<256x128xf32>
      %add3A_2161 = arith.addf %tanh3A_2158, %mul3A_2160 : vector<256x128xf32>
      %dot_general3A_2162 = arith.constant dense<0.000000e+00> : vector<256x1xf32>
      %dot_general3A_2163 = tpu.matmul %add3A_2161, %get3A_77, %dot_general3A_2162 {dimension_numbers = #tpu.dot_dimension_numbers<[1], [0], [0], [1], [0, 0, 1, 1], [], []>, transpose_lhs_hint = false} : vector<256x128xf32>, vector<128x1xf32>, vector<256x1xf32> -> vector<256x1xf32>
      %add3A_2164 = vector.broadcast %get3A_80 : vector<1x1xf32> to vector<256x1xf32>
      %add3A_2165 = arith.addf %dot_general3A_2163, %add3A_2164 : vector<256x1xf32>
      %exp3A_2166 = math.exp %add3A_2165 : vector<256x1xf32>
      %add3A_2167 = arith.addf %add3A_2112, %exp3A_2166 : vector<256x1xf32>
      %mul3A_2168 = vector.broadcast %exp3A_2166 : vector<256x1xf32> to vector<256x128xf32>
      %mul3A_2169 = arith.mulf %mul3A_2168, %add3A_2161 : vector<256x128xf32>
      %add3A_2170 = arith.addf %add3A_2115, %mul3A_2169 : vector<256x128xf32>
      %get3A_2171 = arith.constant 0 : i32
      %get3A_2172 = arith.constant 0 : i32
      %get3A_2173 = arith.constant 0 : i32
      %get3A_2174 = tpu.memref_slice %arg22[%rem3A_4, %get3A_2171, %get3A_2172, %get3A_2173] : memref<2x50x256x128xf32, #tpu.memory_space<vmem>> -> memref<1x50x256x128xf32, #tpu.memory_space<vmem>>
      %get3A_2175 = tpu.memref_squeeze %get3A_2174 : memref<1x50x256x128xf32, #tpu.memory_space<vmem>> -> memref<50x256x128xf32, #tpu.memory_space<vmem>>
      %get3A_2176 = arith.constant 38 : index
      %get3A_2177 = arith.constant 0 : index
      %get3A_2178 = arith.constant 0 : index
      %get3A_2179 = vector.load %get3A_2175[%get3A_2176, %get3A_2177, %get3A_2178] : memref<50x256x128xf32, #tpu.memory_space<vmem>>, vector<1x256x128xf32>
      %get3A_2180 = vector.shape_cast %get3A_2179 : vector<1x256x128xf32> to vector<256x128xf32>
      %convert_element_type3A_2181 = arith.truncf %get3A_2180 : vector<256x128xf32> to vector<256x128xbf16>
      %dot_general3A_2182 = arith.constant dense<0.000000e+00> : vector<256x384xf32>
      %dot_general3A_2183 = tpu.matmul %convert_element_type3A_2181, %get3A_65, %dot_general3A_2182 {dimension_numbers = #tpu.dot_dimension_numbers<[1], [0], [0], [1], [0, 0, 1, 1], [], []>, transpose_lhs_hint = false} : vector<256x128xbf16>, vector<128x384xbf16>, vector<256x384xf32> -> vector<256x384xf32>
      %add3A_2184 = vector.broadcast %get3A_71 : vector<1x384xf32> to vector<256x384xf32>
      %add3A_2185 = arith.addf %dot_general3A_2183, %add3A_2184 : vector<256x384xf32>
      %convert_element_type3A_2186 = arith.truncf %add3A_2161 : vector<256x128xf32> to vector<256x128xbf16>
      %dot_general3A_2187 = arith.constant dense<0.000000e+00> : vector<256x384xf32>
      %dot_general3A_2188 = tpu.matmul %convert_element_type3A_2186, %get3A_68, %dot_general3A_2187 {dimension_numbers = #tpu.dot_dimension_numbers<[1], [0], [0], [1], [0, 0, 1, 1], [], []>, transpose_lhs_hint = false} : vector<256x128xbf16>, vector<128x384xbf16>, vector<256x384xf32> -> vector<256x384xf32>
      %add3A_2189 = vector.broadcast %get3A_74 : vector<1x384xf32> to vector<256x384xf32>
      %add3A_2190 = arith.addf %dot_general3A_2188, %add3A_2189 : vector<256x384xf32>
      %slice3A_2191 = vector.extract_strided_slice %add3A_2185 {offsets = [0, 0], sizes = [256, 128], strides = [1, 1]} : vector<256x384xf32> to vector<256x128xf32>
      %slice3A_2192 = vector.extract_strided_slice %add3A_2190 {offsets = [0, 0], sizes = [256, 128], strides = [1, 1]} : vector<256x384xf32> to vector<256x128xf32>
      %add3A_2193 = arith.addf %slice3A_2191, %slice3A_2192 : vector<256x128xf32>
      %logistic3A_2194 = arith.negf %add3A_2193 : vector<256x128xf32>
      %logistic3A_2195 = math.exp %logistic3A_2194 : vector<256x128xf32>
      %logistic3A_2196 = arith.constant 1.000000e+00 : f32
      %logistic3A_2197 = vector.broadcast %logistic3A_2196 : f32 to vector<256x128xf32>
      %logistic3A_2198 = arith.addf %logistic3A_2197, %logistic3A_2195 : vector<256x128xf32>
      %logistic3A_2199 = arith.divf %logistic3A_2197, %logistic3A_2198 : vector<256x128xf32>
      %slice3A_2200 = vector.extract_strided_slice %add3A_2185 {offsets = [0, 128], sizes = [256, 128], strides = [1, 1]} : vector<256x384xf32> to vector<256x128xf32>
      %slice3A_2201 = vector.extract_strided_slice %add3A_2190 {offsets = [0, 128], sizes = [256, 128], strides = [1, 1]} : vector<256x384xf32> to vector<256x128xf32>
      %add3A_2202 = arith.addf %slice3A_2200, %slice3A_2201 : vector<256x128xf32>
      %logistic3A_2203 = arith.negf %add3A_2202 : vector<256x128xf32>
      %logistic3A_2204 = math.exp %logistic3A_2203 : vector<256x128xf32>
      %logistic3A_2205 = arith.constant 1.000000e+00 : f32
      %logistic3A_2206 = vector.broadcast %logistic3A_2205 : f32 to vector<256x128xf32>
      %logistic3A_2207 = arith.addf %logistic3A_2206, %logistic3A_2204 : vector<256x128xf32>
      %logistic3A_2208 = arith.divf %logistic3A_2206, %logistic3A_2207 : vector<256x128xf32>
      %slice3A_2209 = vector.extract_strided_slice %add3A_2185 {offsets = [0, 256], sizes = [256, 128], strides = [1, 1]} : vector<256x384xf32> to vector<256x128xf32>
      %slice3A_2210 = vector.extract_strided_slice %add3A_2190 {offsets = [0, 256], sizes = [256, 128], strides = [1, 1]} : vector<256x384xf32> to vector<256x128xf32>
      %mul3A_2211 = arith.mulf %logistic3A_2199, %slice3A_2210 : vector<256x128xf32>
      %add3A_2212 = arith.addf %slice3A_2209, %mul3A_2211 : vector<256x128xf32>
      %tanh3A_2213 = math.tanh %add3A_2212 : vector<256x128xf32>
      %sub3A_2214 = arith.subf %add3A_2161, %tanh3A_2213 : vector<256x128xf32>
      %mul3A_2215 = arith.mulf %logistic3A_2208, %sub3A_2214 : vector<256x128xf32>
      %add3A_2216 = arith.addf %tanh3A_2213, %mul3A_2215 : vector<256x128xf32>
      %dot_general3A_2217 = arith.constant dense<0.000000e+00> : vector<256x1xf32>
      %dot_general3A_2218 = tpu.matmul %add3A_2216, %get3A_77, %dot_general3A_2217 {dimension_numbers = #tpu.dot_dimension_numbers<[1], [0], [0], [1], [0, 0, 1, 1], [], []>, transpose_lhs_hint = false} : vector<256x128xf32>, vector<128x1xf32>, vector<256x1xf32> -> vector<256x1xf32>
      %add3A_2219 = vector.broadcast %get3A_80 : vector<1x1xf32> to vector<256x1xf32>
      %add3A_2220 = arith.addf %dot_general3A_2218, %add3A_2219 : vector<256x1xf32>
      %exp3A_2221 = math.exp %add3A_2220 : vector<256x1xf32>
      %add3A_2222 = arith.addf %add3A_2167, %exp3A_2221 : vector<256x1xf32>
      %mul3A_2223 = vector.broadcast %exp3A_2221 : vector<256x1xf32> to vector<256x128xf32>
      %mul3A_2224 = arith.mulf %mul3A_2223, %add3A_2216 : vector<256x128xf32>
      %add3A_2225 = arith.addf %add3A_2170, %mul3A_2224 : vector<256x128xf32>
      %get3A_2226 = arith.constant 0 : i32
      %get3A_2227 = arith.constant 0 : i32
      %get3A_2228 = arith.constant 0 : i32
      %get3A_2229 = tpu.memref_slice %arg22[%rem3A_4, %get3A_2226, %get3A_2227, %get3A_2228] : memref<2x50x256x128xf32, #tpu.memory_space<vmem>> -> memref<1x50x256x128xf32, #tpu.memory_space<vmem>>
      %get3A_2230 = tpu.memref_squeeze %get3A_2229 : memref<1x50x256x128xf32, #tpu.memory_space<vmem>> -> memref<50x256x128xf32, #tpu.memory_space<vmem>>
      %get3A_2231 = arith.constant 39 : index
      %get3A_2232 = arith.constant 0 : index
      %get3A_2233 = arith.constant 0 : index
      %get3A_2234 = vector.load %get3A_2230[%get3A_2231, %get3A_2232, %get3A_2233] : memref<50x256x128xf32, #tpu.memory_space<vmem>>, vector<1x256x128xf32>
      %get3A_2235 = vector.shape_cast %get3A_2234 : vector<1x256x128xf32> to vector<256x128xf32>
      %convert_element_type3A_2236 = arith.truncf %get3A_2235 : vector<256x128xf32> to vector<256x128xbf16>
      %dot_general3A_2237 = arith.constant dense<0.000000e+00> : vector<256x384xf32>
      %dot_general3A_2238 = tpu.matmul %convert_element_type3A_2236, %get3A_65, %dot_general3A_2237 {dimension_numbers = #tpu.dot_dimension_numbers<[1], [0], [0], [1], [0, 0, 1, 1], [], []>, transpose_lhs_hint = false} : vector<256x128xbf16>, vector<128x384xbf16>, vector<256x384xf32> -> vector<256x384xf32>
      %add3A_2239 = vector.broadcast %get3A_71 : vector<1x384xf32> to vector<256x384xf32>
      %add3A_2240 = arith.addf %dot_general3A_2238, %add3A_2239 : vector<256x384xf32>
      %convert_element_type3A_2241 = arith.truncf %add3A_2216 : vector<256x128xf32> to vector<256x128xbf16>
      %dot_general3A_2242 = arith.constant dense<0.000000e+00> : vector<256x384xf32>
      %dot_general3A_2243 = tpu.matmul %convert_element_type3A_2241, %get3A_68, %dot_general3A_2242 {dimension_numbers = #tpu.dot_dimension_numbers<[1], [0], [0], [1], [0, 0, 1, 1], [], []>, transpose_lhs_hint = false} : vector<256x128xbf16>, vector<128x384xbf16>, vector<256x384xf32> -> vector<256x384xf32>
      %add3A_2244 = vector.broadcast %get3A_74 : vector<1x384xf32> to vector<256x384xf32>
      %add3A_2245 = arith.addf %dot_general3A_2243, %add3A_2244 : vector<256x384xf32>
      %slice3A_2246 = vector.extract_strided_slice %add3A_2240 {offsets = [0, 0], sizes = [256, 128], strides = [1, 1]} : vector<256x384xf32> to vector<256x128xf32>
      %slice3A_2247 = vector.extract_strided_slice %add3A_2245 {offsets = [0, 0], sizes = [256, 128], strides = [1, 1]} : vector<256x384xf32> to vector<256x128xf32>
      %add3A_2248 = arith.addf %slice3A_2246, %slice3A_2247 : vector<256x128xf32>
      %logistic3A_2249 = arith.negf %add3A_2248 : vector<256x128xf32>
      %logistic3A_2250 = math.exp %logistic3A_2249 : vector<256x128xf32>
      %logistic3A_2251 = arith.constant 1.000000e+00 : f32
      %logistic3A_2252 = vector.broadcast %logistic3A_2251 : f32 to vector<256x128xf32>
      %logistic3A_2253 = arith.addf %logistic3A_2252, %logistic3A_2250 : vector<256x128xf32>
      %logistic3A_2254 = arith.divf %logistic3A_2252, %logistic3A_2253 : vector<256x128xf32>
      %slice3A_2255 = vector.extract_strided_slice %add3A_2240 {offsets = [0, 128], sizes = [256, 128], strides = [1, 1]} : vector<256x384xf32> to vector<256x128xf32>
      %slice3A_2256 = vector.extract_strided_slice %add3A_2245 {offsets = [0, 128], sizes = [256, 128], strides = [1, 1]} : vector<256x384xf32> to vector<256x128xf32>
      %add3A_2257 = arith.addf %slice3A_2255, %slice3A_2256 : vector<256x128xf32>
      %logistic3A_2258 = arith.negf %add3A_2257 : vector<256x128xf32>
      %logistic3A_2259 = math.exp %logistic3A_2258 : vector<256x128xf32>
      %logistic3A_2260 = arith.constant 1.000000e+00 : f32
      %logistic3A_2261 = vector.broadcast %logistic3A_2260 : f32 to vector<256x128xf32>
      %logistic3A_2262 = arith.addf %logistic3A_2261, %logistic3A_2259 : vector<256x128xf32>
      %logistic3A_2263 = arith.divf %logistic3A_2261, %logistic3A_2262 : vector<256x128xf32>
      %slice3A_2264 = vector.extract_strided_slice %add3A_2240 {offsets = [0, 256], sizes = [256, 128], strides = [1, 1]} : vector<256x384xf32> to vector<256x128xf32>
      %slice3A_2265 = vector.extract_strided_slice %add3A_2245 {offsets = [0, 256], sizes = [256, 128], strides = [1, 1]} : vector<256x384xf32> to vector<256x128xf32>
      %mul3A_2266 = arith.mulf %logistic3A_2254, %slice3A_2265 : vector<256x128xf32>
      %add3A_2267 = arith.addf %slice3A_2264, %mul3A_2266 : vector<256x128xf32>
      %tanh3A_2268 = math.tanh %add3A_2267 : vector<256x128xf32>
      %sub3A_2269 = arith.subf %add3A_2216, %tanh3A_2268 : vector<256x128xf32>
      %mul3A_2270 = arith.mulf %logistic3A_2263, %sub3A_2269 : vector<256x128xf32>
      %add3A_2271 = arith.addf %tanh3A_2268, %mul3A_2270 : vector<256x128xf32>
      %dot_general3A_2272 = arith.constant dense<0.000000e+00> : vector<256x1xf32>
      %dot_general3A_2273 = tpu.matmul %add3A_2271, %get3A_77, %dot_general3A_2272 {dimension_numbers = #tpu.dot_dimension_numbers<[1], [0], [0], [1], [0, 0, 1, 1], [], []>, transpose_lhs_hint = false} : vector<256x128xf32>, vector<128x1xf32>, vector<256x1xf32> -> vector<256x1xf32>
      %add3A_2274 = vector.broadcast %get3A_80 : vector<1x1xf32> to vector<256x1xf32>
      %add3A_2275 = arith.addf %dot_general3A_2273, %add3A_2274 : vector<256x1xf32>
      %exp3A_2276 = math.exp %add3A_2275 : vector<256x1xf32>
      %add3A_2277 = arith.addf %add3A_2222, %exp3A_2276 : vector<256x1xf32>
      %mul3A_2278 = vector.broadcast %exp3A_2276 : vector<256x1xf32> to vector<256x128xf32>
      %mul3A_2279 = arith.mulf %mul3A_2278, %add3A_2271 : vector<256x128xf32>
      %add3A_2280 = arith.addf %add3A_2225, %mul3A_2279 : vector<256x128xf32>
      %get3A_2281 = arith.constant 0 : i32
      %get3A_2282 = arith.constant 0 : i32
      %get3A_2283 = arith.constant 0 : i32
      %get3A_2284 = tpu.memref_slice %arg22[%rem3A_4, %get3A_2281, %get3A_2282, %get3A_2283] : memref<2x50x256x128xf32, #tpu.memory_space<vmem>> -> memref<1x50x256x128xf32, #tpu.memory_space<vmem>>
      %get3A_2285 = tpu.memref_squeeze %get3A_2284 : memref<1x50x256x128xf32, #tpu.memory_space<vmem>> -> memref<50x256x128xf32, #tpu.memory_space<vmem>>
      %get3A_2286 = arith.constant 40 : index
      %get3A_2287 = arith.constant 0 : index
      %get3A_2288 = arith.constant 0 : index
      %get3A_2289 = vector.load %get3A_2285[%get3A_2286, %get3A_2287, %get3A_2288] : memref<50x256x128xf32, #tpu.memory_space<vmem>>, vector<1x256x128xf32>
      %get3A_2290 = vector.shape_cast %get3A_2289 : vector<1x256x128xf32> to vector<256x128xf32>
      %convert_element_type3A_2291 = arith.truncf %get3A_2290 : vector<256x128xf32> to vector<256x128xbf16>
      %dot_general3A_2292 = arith.constant dense<0.000000e+00> : vector<256x384xf32>
      %dot_general3A_2293 = tpu.matmul %convert_element_type3A_2291, %get3A_65, %dot_general3A_2292 {dimension_numbers = #tpu.dot_dimension_numbers<[1], [0], [0], [1], [0, 0, 1, 1], [], []>, transpose_lhs_hint = false} : vector<256x128xbf16>, vector<128x384xbf16>, vector<256x384xf32> -> vector<256x384xf32>
      %add3A_2294 = vector.broadcast %get3A_71 : vector<1x384xf32> to vector<256x384xf32>
      %add3A_2295 = arith.addf %dot_general3A_2293, %add3A_2294 : vector<256x384xf32>
      %convert_element_type3A_2296 = arith.truncf %add3A_2271 : vector<256x128xf32> to vector<256x128xbf16>
      %dot_general3A_2297 = arith.constant dense<0.000000e+00> : vector<256x384xf32>
      %dot_general3A_2298 = tpu.matmul %convert_element_type3A_2296, %get3A_68, %dot_general3A_2297 {dimension_numbers = #tpu.dot_dimension_numbers<[1], [0], [0], [1], [0, 0, 1, 1], [], []>, transpose_lhs_hint = false} : vector<256x128xbf16>, vector<128x384xbf16>, vector<256x384xf32> -> vector<256x384xf32>
      %add3A_2299 = vector.broadcast %get3A_74 : vector<1x384xf32> to vector<256x384xf32>
      %add3A_2300 = arith.addf %dot_general3A_2298, %add3A_2299 : vector<256x384xf32>
      %slice3A_2301 = vector.extract_strided_slice %add3A_2295 {offsets = [0, 0], sizes = [256, 128], strides = [1, 1]} : vector<256x384xf32> to vector<256x128xf32>
      %slice3A_2302 = vector.extract_strided_slice %add3A_2300 {offsets = [0, 0], sizes = [256, 128], strides = [1, 1]} : vector<256x384xf32> to vector<256x128xf32>
      %add3A_2303 = arith.addf %slice3A_2301, %slice3A_2302 : vector<256x128xf32>
      %logistic3A_2304 = arith.negf %add3A_2303 : vector<256x128xf32>
      %logistic3A_2305 = math.exp %logistic3A_2304 : vector<256x128xf32>
      %logistic3A_2306 = arith.constant 1.000000e+00 : f32
      %logistic3A_2307 = vector.broadcast %logistic3A_2306 : f32 to vector<256x128xf32>
      %logistic3A_2308 = arith.addf %logistic3A_2307, %logistic3A_2305 : vector<256x128xf32>
      %logistic3A_2309 = arith.divf %logistic3A_2307, %logistic3A_2308 : vector<256x128xf32>
      %slice3A_2310 = vector.extract_strided_slice %add3A_2295 {offsets = [0, 128], sizes = [256, 128], strides = [1, 1]} : vector<256x384xf32> to vector<256x128xf32>
      %slice3A_2311 = vector.extract_strided_slice %add3A_2300 {offsets = [0, 128], sizes = [256, 128], strides = [1, 1]} : vector<256x384xf32> to vector<256x128xf32>
      %add3A_2312 = arith.addf %slice3A_2310, %slice3A_2311 : vector<256x128xf32>
      %logistic3A_2313 = arith.negf %add3A_2312 : vector<256x128xf32>
      %logistic3A_2314 = math.exp %logistic3A_2313 : vector<256x128xf32>
      %logistic3A_2315 = arith.constant 1.000000e+00 : f32
      %logistic3A_2316 = vector.broadcast %logistic3A_2315 : f32 to vector<256x128xf32>
      %logistic3A_2317 = arith.addf %logistic3A_2316, %logistic3A_2314 : vector<256x128xf32>
      %logistic3A_2318 = arith.divf %logistic3A_2316, %logistic3A_2317 : vector<256x128xf32>
      %slice3A_2319 = vector.extract_strided_slice %add3A_2295 {offsets = [0, 256], sizes = [256, 128], strides = [1, 1]} : vector<256x384xf32> to vector<256x128xf32>
      %slice3A_2320 = vector.extract_strided_slice %add3A_2300 {offsets = [0, 256], sizes = [256, 128], strides = [1, 1]} : vector<256x384xf32> to vector<256x128xf32>
      %mul3A_2321 = arith.mulf %logistic3A_2309, %slice3A_2320 : vector<256x128xf32>
      %add3A_2322 = arith.addf %slice3A_2319, %mul3A_2321 : vector<256x128xf32>
      %tanh3A_2323 = math.tanh %add3A_2322 : vector<256x128xf32>
      %sub3A_2324 = arith.subf %add3A_2271, %tanh3A_2323 : vector<256x128xf32>
      %mul3A_2325 = arith.mulf %logistic3A_2318, %sub3A_2324 : vector<256x128xf32>
      %add3A_2326 = arith.addf %tanh3A_2323, %mul3A_2325 : vector<256x128xf32>
      %dot_general3A_2327 = arith.constant dense<0.000000e+00> : vector<256x1xf32>
      %dot_general3A_2328 = tpu.matmul %add3A_2326, %get3A_77, %dot_general3A_2327 {dimension_numbers = #tpu.dot_dimension_numbers<[1], [0], [0], [1], [0, 0, 1, 1], [], []>, transpose_lhs_hint = false} : vector<256x128xf32>, vector<128x1xf32>, vector<256x1xf32> -> vector<256x1xf32>
      %add3A_2329 = vector.broadcast %get3A_80 : vector<1x1xf32> to vector<256x1xf32>
      %add3A_2330 = arith.addf %dot_general3A_2328, %add3A_2329 : vector<256x1xf32>
      %exp3A_2331 = math.exp %add3A_2330 : vector<256x1xf32>
      %add3A_2332 = arith.addf %add3A_2277, %exp3A_2331 : vector<256x1xf32>
      %mul3A_2333 = vector.broadcast %exp3A_2331 : vector<256x1xf32> to vector<256x128xf32>
      %mul3A_2334 = arith.mulf %mul3A_2333, %add3A_2326 : vector<256x128xf32>
      %add3A_2335 = arith.addf %add3A_2280, %mul3A_2334 : vector<256x128xf32>
      %get3A_2336 = arith.constant 0 : i32
      %get3A_2337 = arith.constant 0 : i32
      %get3A_2338 = arith.constant 0 : i32
      %get3A_2339 = tpu.memref_slice %arg22[%rem3A_4, %get3A_2336, %get3A_2337, %get3A_2338] : memref<2x50x256x128xf32, #tpu.memory_space<vmem>> -> memref<1x50x256x128xf32, #tpu.memory_space<vmem>>
      %get3A_2340 = tpu.memref_squeeze %get3A_2339 : memref<1x50x256x128xf32, #tpu.memory_space<vmem>> -> memref<50x256x128xf32, #tpu.memory_space<vmem>>
      %get3A_2341 = arith.constant 41 : index
      %get3A_2342 = arith.constant 0 : index
      %get3A_2343 = arith.constant 0 : index
      %get3A_2344 = vector.load %get3A_2340[%get3A_2341, %get3A_2342, %get3A_2343] : memref<50x256x128xf32, #tpu.memory_space<vmem>>, vector<1x256x128xf32>
      %get3A_2345 = vector.shape_cast %get3A_2344 : vector<1x256x128xf32> to vector<256x128xf32>
      %convert_element_type3A_2346 = arith.truncf %get3A_2345 : vector<256x128xf32> to vector<256x128xbf16>
      %dot_general3A_2347 = arith.constant dense<0.000000e+00> : vector<256x384xf32>
      %dot_general3A_2348 = tpu.matmul %convert_element_type3A_2346, %get3A_65, %dot_general3A_2347 {dimension_numbers = #tpu.dot_dimension_numbers<[1], [0], [0], [1], [0, 0, 1, 1], [], []>, transpose_lhs_hint = false} : vector<256x128xbf16>, vector<128x384xbf16>, vector<256x384xf32> -> vector<256x384xf32>
      %add3A_2349 = vector.broadcast %get3A_71 : vector<1x384xf32> to vector<256x384xf32>
      %add3A_2350 = arith.addf %dot_general3A_2348, %add3A_2349 : vector<256x384xf32>
      %convert_element_type3A_2351 = arith.truncf %add3A_2326 : vector<256x128xf32> to vector<256x128xbf16>
      %dot_general3A_2352 = arith.constant dense<0.000000e+00> : vector<256x384xf32>
      %dot_general3A_2353 = tpu.matmul %convert_element_type3A_2351, %get3A_68, %dot_general3A_2352 {dimension_numbers = #tpu.dot_dimension_numbers<[1], [0], [0], [1], [0, 0, 1, 1], [], []>, transpose_lhs_hint = false} : vector<256x128xbf16>, vector<128x384xbf16>, vector<256x384xf32> -> vector<256x384xf32>
      %add3A_2354 = vector.broadcast %get3A_74 : vector<1x384xf32> to vector<256x384xf32>
      %add3A_2355 = arith.addf %dot_general3A_2353, %add3A_2354 : vector<256x384xf32>
      %slice3A_2356 = vector.extract_strided_slice %add3A_2350 {offsets = [0, 0], sizes = [256, 128], strides = [1, 1]} : vector<256x384xf32> to vector<256x128xf32>
      %slice3A_2357 = vector.extract_strided_slice %add3A_2355 {offsets = [0, 0], sizes = [256, 128], strides = [1, 1]} : vector<256x384xf32> to vector<256x128xf32>
      %add3A_2358 = arith.addf %slice3A_2356, %slice3A_2357 : vector<256x128xf32>
      %logistic3A_2359 = arith.negf %add3A_2358 : vector<256x128xf32>
      %logistic3A_2360 = math.exp %logistic3A_2359 : vector<256x128xf32>
      %logistic3A_2361 = arith.constant 1.000000e+00 : f32
      %logistic3A_2362 = vector.broadcast %logistic3A_2361 : f32 to vector<256x128xf32>
      %logistic3A_2363 = arith.addf %logistic3A_2362, %logistic3A_2360 : vector<256x128xf32>
      %logistic3A_2364 = arith.divf %logistic3A_2362, %logistic3A_2363 : vector<256x128xf32>
      %slice3A_2365 = vector.extract_strided_slice %add3A_2350 {offsets = [0, 128], sizes = [256, 128], strides = [1, 1]} : vector<256x384xf32> to vector<256x128xf32>
      %slice3A_2366 = vector.extract_strided_slice %add3A_2355 {offsets = [0, 128], sizes = [256, 128], strides = [1, 1]} : vector<256x384xf32> to vector<256x128xf32>
      %add3A_2367 = arith.addf %slice3A_2365, %slice3A_2366 : vector<256x128xf32>
      %logistic3A_2368 = arith.negf %add3A_2367 : vector<256x128xf32>
      %logistic3A_2369 = math.exp %logistic3A_2368 : vector<256x128xf32>
      %logistic3A_2370 = arith.constant 1.000000e+00 : f32
      %logistic3A_2371 = vector.broadcast %logistic3A_2370 : f32 to vector<256x128xf32>
      %logistic3A_2372 = arith.addf %logistic3A_2371, %logistic3A_2369 : vector<256x128xf32>
      %logistic3A_2373 = arith.divf %logistic3A_2371, %logistic3A_2372 : vector<256x128xf32>
      %slice3A_2374 = vector.extract_strided_slice %add3A_2350 {offsets = [0, 256], sizes = [256, 128], strides = [1, 1]} : vector<256x384xf32> to vector<256x128xf32>
      %slice3A_2375 = vector.extract_strided_slice %add3A_2355 {offsets = [0, 256], sizes = [256, 128], strides = [1, 1]} : vector<256x384xf32> to vector<256x128xf32>
      %mul3A_2376 = arith.mulf %logistic3A_2364, %slice3A_2375 : vector<256x128xf32>
      %add3A_2377 = arith.addf %slice3A_2374, %mul3A_2376 : vector<256x128xf32>
      %tanh3A_2378 = math.tanh %add3A_2377 : vector<256x128xf32>
      %sub3A_2379 = arith.subf %add3A_2326, %tanh3A_2378 : vector<256x128xf32>
      %mul3A_2380 = arith.mulf %logistic3A_2373, %sub3A_2379 : vector<256x128xf32>
      %add3A_2381 = arith.addf %tanh3A_2378, %mul3A_2380 : vector<256x128xf32>
      %dot_general3A_2382 = arith.constant dense<0.000000e+00> : vector<256x1xf32>
      %dot_general3A_2383 = tpu.matmul %add3A_2381, %get3A_77, %dot_general3A_2382 {dimension_numbers = #tpu.dot_dimension_numbers<[1], [0], [0], [1], [0, 0, 1, 1], [], []>, transpose_lhs_hint = false} : vector<256x128xf32>, vector<128x1xf32>, vector<256x1xf32> -> vector<256x1xf32>
      %add3A_2384 = vector.broadcast %get3A_80 : vector<1x1xf32> to vector<256x1xf32>
      %add3A_2385 = arith.addf %dot_general3A_2383, %add3A_2384 : vector<256x1xf32>
      %exp3A_2386 = math.exp %add3A_2385 : vector<256x1xf32>
      %add3A_2387 = arith.addf %add3A_2332, %exp3A_2386 : vector<256x1xf32>
      %mul3A_2388 = vector.broadcast %exp3A_2386 : vector<256x1xf32> to vector<256x128xf32>
      %mul3A_2389 = arith.mulf %mul3A_2388, %add3A_2381 : vector<256x128xf32>
      %add3A_2390 = arith.addf %add3A_2335, %mul3A_2389 : vector<256x128xf32>
      %get3A_2391 = arith.constant 0 : i32
      %get3A_2392 = arith.constant 0 : i32
      %get3A_2393 = arith.constant 0 : i32
      %get3A_2394 = tpu.memref_slice %arg22[%rem3A_4, %get3A_2391, %get3A_2392, %get3A_2393] : memref<2x50x256x128xf32, #tpu.memory_space<vmem>> -> memref<1x50x256x128xf32, #tpu.memory_space<vmem>>
      %get3A_2395 = tpu.memref_squeeze %get3A_2394 : memref<1x50x256x128xf32, #tpu.memory_space<vmem>> -> memref<50x256x128xf32, #tpu.memory_space<vmem>>
      %get3A_2396 = arith.constant 42 : index
      %get3A_2397 = arith.constant 0 : index
      %get3A_2398 = arith.constant 0 : index
      %get3A_2399 = vector.load %get3A_2395[%get3A_2396, %get3A_2397, %get3A_2398] : memref<50x256x128xf32, #tpu.memory_space<vmem>>, vector<1x256x128xf32>
      %get3A_2400 = vector.shape_cast %get3A_2399 : vector<1x256x128xf32> to vector<256x128xf32>
      %convert_element_type3A_2401 = arith.truncf %get3A_2400 : vector<256x128xf32> to vector<256x128xbf16>
      %dot_general3A_2402 = arith.constant dense<0.000000e+00> : vector<256x384xf32>
      %dot_general3A_2403 = tpu.matmul %convert_element_type3A_2401, %get3A_65, %dot_general3A_2402 {dimension_numbers = #tpu.dot_dimension_numbers<[1], [0], [0], [1], [0, 0, 1, 1], [], []>, transpose_lhs_hint = false} : vector<256x128xbf16>, vector<128x384xbf16>, vector<256x384xf32> -> vector<256x384xf32>
      %add3A_2404 = vector.broadcast %get3A_71 : vector<1x384xf32> to vector<256x384xf32>
      %add3A_2405 = arith.addf %dot_general3A_2403, %add3A_2404 : vector<256x384xf32>
      %convert_element_type3A_2406 = arith.truncf %add3A_2381 : vector<256x128xf32> to vector<256x128xbf16>
      %dot_general3A_2407 = arith.constant dense<0.000000e+00> : vector<256x384xf32>
      %dot_general3A_2408 = tpu.matmul %convert_element_type3A_2406, %get3A_68, %dot_general3A_2407 {dimension_numbers = #tpu.dot_dimension_numbers<[1], [0], [0], [1], [0, 0, 1, 1], [], []>, transpose_lhs_hint = false} : vector<256x128xbf16>, vector<128x384xbf16>, vector<256x384xf32> -> vector<256x384xf32>
      %add3A_2409 = vector.broadcast %get3A_74 : vector<1x384xf32> to vector<256x384xf32>
      %add3A_2410 = arith.addf %dot_general3A_2408, %add3A_2409 : vector<256x384xf32>
      %slice3A_2411 = vector.extract_strided_slice %add3A_2405 {offsets = [0, 0], sizes = [256, 128], strides = [1, 1]} : vector<256x384xf32> to vector<256x128xf32>
      %slice3A_2412 = vector.extract_strided_slice %add3A_2410 {offsets = [0, 0], sizes = [256, 128], strides = [1, 1]} : vector<256x384xf32> to vector<256x128xf32>
      %add3A_2413 = arith.addf %slice3A_2411, %slice3A_2412 : vector<256x128xf32>
      %logistic3A_2414 = arith.negf %add3A_2413 : vector<256x128xf32>
      %logistic3A_2415 = math.exp %logistic3A_2414 : vector<256x128xf32>
      %logistic3A_2416 = arith.constant 1.000000e+00 : f32
      %logistic3A_2417 = vector.broadcast %logistic3A_2416 : f32 to vector<256x128xf32>
      %logistic3A_2418 = arith.addf %logistic3A_2417, %logistic3A_2415 : vector<256x128xf32>
      %logistic3A_2419 = arith.divf %logistic3A_2417, %logistic3A_2418 : vector<256x128xf32>
      %slice3A_2420 = vector.extract_strided_slice %add3A_2405 {offsets = [0, 128], sizes = [256, 128], strides = [1, 1]} : vector<256x384xf32> to vector<256x128xf32>
      %slice3A_2421 = vector.extract_strided_slice %add3A_2410 {offsets = [0, 128], sizes = [256, 128], strides = [1, 1]} : vector<256x384xf32> to vector<256x128xf32>
      %add3A_2422 = arith.addf %slice3A_2420, %slice3A_2421 : vector<256x128xf32>
      %logistic3A_2423 = arith.negf %add3A_2422 : vector<256x128xf32>
      %logistic3A_2424 = math.exp %logistic3A_2423 : vector<256x128xf32>
      %logistic3A_2425 = arith.constant 1.000000e+00 : f32
      %logistic3A_2426 = vector.broadcast %logistic3A_2425 : f32 to vector<256x128xf32>
      %logistic3A_2427 = arith.addf %logistic3A_2426, %logistic3A_2424 : vector<256x128xf32>
      %logistic3A_2428 = arith.divf %logistic3A_2426, %logistic3A_2427 : vector<256x128xf32>
      %slice3A_2429 = vector.extract_strided_slice %add3A_2405 {offsets = [0, 256], sizes = [256, 128], strides = [1, 1]} : vector<256x384xf32> to vector<256x128xf32>
      %slice3A_2430 = vector.extract_strided_slice %add3A_2410 {offsets = [0, 256], sizes = [256, 128], strides = [1, 1]} : vector<256x384xf32> to vector<256x128xf32>
      %mul3A_2431 = arith.mulf %logistic3A_2419, %slice3A_2430 : vector<256x128xf32>
      %add3A_2432 = arith.addf %slice3A_2429, %mul3A_2431 : vector<256x128xf32>
      %tanh3A_2433 = math.tanh %add3A_2432 : vector<256x128xf32>
      %sub3A_2434 = arith.subf %add3A_2381, %tanh3A_2433 : vector<256x128xf32>
      %mul3A_2435 = arith.mulf %logistic3A_2428, %sub3A_2434 : vector<256x128xf32>
      %add3A_2436 = arith.addf %tanh3A_2433, %mul3A_2435 : vector<256x128xf32>
      %dot_general3A_2437 = arith.constant dense<0.000000e+00> : vector<256x1xf32>
      %dot_general3A_2438 = tpu.matmul %add3A_2436, %get3A_77, %dot_general3A_2437 {dimension_numbers = #tpu.dot_dimension_numbers<[1], [0], [0], [1], [0, 0, 1, 1], [], []>, transpose_lhs_hint = false} : vector<256x128xf32>, vector<128x1xf32>, vector<256x1xf32> -> vector<256x1xf32>
      %add3A_2439 = vector.broadcast %get3A_80 : vector<1x1xf32> to vector<256x1xf32>
      %add3A_2440 = arith.addf %dot_general3A_2438, %add3A_2439 : vector<256x1xf32>
      %exp3A_2441 = math.exp %add3A_2440 : vector<256x1xf32>
      %add3A_2442 = arith.addf %add3A_2387, %exp3A_2441 : vector<256x1xf32>
      %mul3A_2443 = vector.broadcast %exp3A_2441 : vector<256x1xf32> to vector<256x128xf32>
      %mul3A_2444 = arith.mulf %mul3A_2443, %add3A_2436 : vector<256x128xf32>
      %add3A_2445 = arith.addf %add3A_2390, %mul3A_2444 : vector<256x128xf32>
      %get3A_2446 = arith.constant 0 : i32
      %get3A_2447 = arith.constant 0 : i32
      %get3A_2448 = arith.constant 0 : i32
      %get3A_2449 = tpu.memref_slice %arg22[%rem3A_4, %get3A_2446, %get3A_2447, %get3A_2448] : memref<2x50x256x128xf32, #tpu.memory_space<vmem>> -> memref<1x50x256x128xf32, #tpu.memory_space<vmem>>
      %get3A_2450 = tpu.memref_squeeze %get3A_2449 : memref<1x50x256x128xf32, #tpu.memory_space<vmem>> -> memref<50x256x128xf32, #tpu.memory_space<vmem>>
      %get3A_2451 = arith.constant 43 : index
      %get3A_2452 = arith.constant 0 : index
      %get3A_2453 = arith.constant 0 : index
      %get3A_2454 = vector.load %get3A_2450[%get3A_2451, %get3A_2452, %get3A_2453] : memref<50x256x128xf32, #tpu.memory_space<vmem>>, vector<1x256x128xf32>
      %get3A_2455 = vector.shape_cast %get3A_2454 : vector<1x256x128xf32> to vector<256x128xf32>
      %convert_element_type3A_2456 = arith.truncf %get3A_2455 : vector<256x128xf32> to vector<256x128xbf16>
      %dot_general3A_2457 = arith.constant dense<0.000000e+00> : vector<256x384xf32>
      %dot_general3A_2458 = tpu.matmul %convert_element_type3A_2456, %get3A_65, %dot_general3A_2457 {dimension_numbers = #tpu.dot_dimension_numbers<[1], [0], [0], [1], [0, 0, 1, 1], [], []>, transpose_lhs_hint = false} : vector<256x128xbf16>, vector<128x384xbf16>, vector<256x384xf32> -> vector<256x384xf32>
      %add3A_2459 = vector.broadcast %get3A_71 : vector<1x384xf32> to vector<256x384xf32>
      %add3A_2460 = arith.addf %dot_general3A_2458, %add3A_2459 : vector<256x384xf32>
      %convert_element_type3A_2461 = arith.truncf %add3A_2436 : vector<256x128xf32> to vector<256x128xbf16>
      %dot_general3A_2462 = arith.constant dense<0.000000e+00> : vector<256x384xf32>
      %dot_general3A_2463 = tpu.matmul %convert_element_type3A_2461, %get3A_68, %dot_general3A_2462 {dimension_numbers = #tpu.dot_dimension_numbers<[1], [0], [0], [1], [0, 0, 1, 1], [], []>, transpose_lhs_hint = false} : vector<256x128xbf16>, vector<128x384xbf16>, vector<256x384xf32> -> vector<256x384xf32>
      %add3A_2464 = vector.broadcast %get3A_74 : vector<1x384xf32> to vector<256x384xf32>
      %add3A_2465 = arith.addf %dot_general3A_2463, %add3A_2464 : vector<256x384xf32>
      %slice3A_2466 = vector.extract_strided_slice %add3A_2460 {offsets = [0, 0], sizes = [256, 128], strides = [1, 1]} : vector<256x384xf32> to vector<256x128xf32>
      %slice3A_2467 = vector.extract_strided_slice %add3A_2465 {offsets = [0, 0], sizes = [256, 128], strides = [1, 1]} : vector<256x384xf32> to vector<256x128xf32>
      %add3A_2468 = arith.addf %slice3A_2466, %slice3A_2467 : vector<256x128xf32>
      %logistic3A_2469 = arith.negf %add3A_2468 : vector<256x128xf32>
      %logistic3A_2470 = math.exp %logistic3A_2469 : vector<256x128xf32>
      %logistic3A_2471 = arith.constant 1.000000e+00 : f32
      %logistic3A_2472 = vector.broadcast %logistic3A_2471 : f32 to vector<256x128xf32>
      %logistic3A_2473 = arith.addf %logistic3A_2472, %logistic3A_2470 : vector<256x128xf32>
      %logistic3A_2474 = arith.divf %logistic3A_2472, %logistic3A_2473 : vector<256x128xf32>
      %slice3A_2475 = vector.extract_strided_slice %add3A_2460 {offsets = [0, 128], sizes = [256, 128], strides = [1, 1]} : vector<256x384xf32> to vector<256x128xf32>
      %slice3A_2476 = vector.extract_strided_slice %add3A_2465 {offsets = [0, 128], sizes = [256, 128], strides = [1, 1]} : vector<256x384xf32> to vector<256x128xf32>
      %add3A_2477 = arith.addf %slice3A_2475, %slice3A_2476 : vector<256x128xf32>
      %logistic3A_2478 = arith.negf %add3A_2477 : vector<256x128xf32>
      %logistic3A_2479 = math.exp %logistic3A_2478 : vector<256x128xf32>
      %logistic3A_2480 = arith.constant 1.000000e+00 : f32
      %logistic3A_2481 = vector.broadcast %logistic3A_2480 : f32 to vector<256x128xf32>
      %logistic3A_2482 = arith.addf %logistic3A_2481, %logistic3A_2479 : vector<256x128xf32>
      %logistic3A_2483 = arith.divf %logistic3A_2481, %logistic3A_2482 : vector<256x128xf32>
      %slice3A_2484 = vector.extract_strided_slice %add3A_2460 {offsets = [0, 256], sizes = [256, 128], strides = [1, 1]} : vector<256x384xf32> to vector<256x128xf32>
      %slice3A_2485 = vector.extract_strided_slice %add3A_2465 {offsets = [0, 256], sizes = [256, 128], strides = [1, 1]} : vector<256x384xf32> to vector<256x128xf32>
      %mul3A_2486 = arith.mulf %logistic3A_2474, %slice3A_2485 : vector<256x128xf32>
      %add3A_2487 = arith.addf %slice3A_2484, %mul3A_2486 : vector<256x128xf32>
      %tanh3A_2488 = math.tanh %add3A_2487 : vector<256x128xf32>
      %sub3A_2489 = arith.subf %add3A_2436, %tanh3A_2488 : vector<256x128xf32>
      %mul3A_2490 = arith.mulf %logistic3A_2483, %sub3A_2489 : vector<256x128xf32>
      %add3A_2491 = arith.addf %tanh3A_2488, %mul3A_2490 : vector<256x128xf32>
      %dot_general3A_2492 = arith.constant dense<0.000000e+00> : vector<256x1xf32>
      %dot_general3A_2493 = tpu.matmul %add3A_2491, %get3A_77, %dot_general3A_2492 {dimension_numbers = #tpu.dot_dimension_numbers<[1], [0], [0], [1], [0, 0, 1, 1], [], []>, transpose_lhs_hint = false} : vector<256x128xf32>, vector<128x1xf32>, vector<256x1xf32> -> vector<256x1xf32>
      %add3A_2494 = vector.broadcast %get3A_80 : vector<1x1xf32> to vector<256x1xf32>
      %add3A_2495 = arith.addf %dot_general3A_2493, %add3A_2494 : vector<256x1xf32>
      %exp3A_2496 = math.exp %add3A_2495 : vector<256x1xf32>
      %add3A_2497 = arith.addf %add3A_2442, %exp3A_2496 : vector<256x1xf32>
      %mul3A_2498 = vector.broadcast %exp3A_2496 : vector<256x1xf32> to vector<256x128xf32>
      %mul3A_2499 = arith.mulf %mul3A_2498, %add3A_2491 : vector<256x128xf32>
      %add3A_2500 = arith.addf %add3A_2445, %mul3A_2499 : vector<256x128xf32>
      %get3A_2501 = arith.constant 0 : i32
      %get3A_2502 = arith.constant 0 : i32
      %get3A_2503 = arith.constant 0 : i32
      %get3A_2504 = tpu.memref_slice %arg22[%rem3A_4, %get3A_2501, %get3A_2502, %get3A_2503] : memref<2x50x256x128xf32, #tpu.memory_space<vmem>> -> memref<1x50x256x128xf32, #tpu.memory_space<vmem>>
      %get3A_2505 = tpu.memref_squeeze %get3A_2504 : memref<1x50x256x128xf32, #tpu.memory_space<vmem>> -> memref<50x256x128xf32, #tpu.memory_space<vmem>>
      %get3A_2506 = arith.constant 44 : index
      %get3A_2507 = arith.constant 0 : index
      %get3A_2508 = arith.constant 0 : index
      %get3A_2509 = vector.load %get3A_2505[%get3A_2506, %get3A_2507, %get3A_2508] : memref<50x256x128xf32, #tpu.memory_space<vmem>>, vector<1x256x128xf32>
      %get3A_2510 = vector.shape_cast %get3A_2509 : vector<1x256x128xf32> to vector<256x128xf32>
      %convert_element_type3A_2511 = arith.truncf %get3A_2510 : vector<256x128xf32> to vector<256x128xbf16>
      %dot_general3A_2512 = arith.constant dense<0.000000e+00> : vector<256x384xf32>
      %dot_general3A_2513 = tpu.matmul %convert_element_type3A_2511, %get3A_65, %dot_general3A_2512 {dimension_numbers = #tpu.dot_dimension_numbers<[1], [0], [0], [1], [0, 0, 1, 1], [], []>, transpose_lhs_hint = false} : vector<256x128xbf16>, vector<128x384xbf16>, vector<256x384xf32> -> vector<256x384xf32>
      %add3A_2514 = vector.broadcast %get3A_71 : vector<1x384xf32> to vector<256x384xf32>
      %add3A_2515 = arith.addf %dot_general3A_2513, %add3A_2514 : vector<256x384xf32>
      %convert_element_type3A_2516 = arith.truncf %add3A_2491 : vector<256x128xf32> to vector<256x128xbf16>
      %dot_general3A_2517 = arith.constant dense<0.000000e+00> : vector<256x384xf32>
      %dot_general3A_2518 = tpu.matmul %convert_element_type3A_2516, %get3A_68, %dot_general3A_2517 {dimension_numbers = #tpu.dot_dimension_numbers<[1], [0], [0], [1], [0, 0, 1, 1], [], []>, transpose_lhs_hint = false} : vector<256x128xbf16>, vector<128x384xbf16>, vector<256x384xf32> -> vector<256x384xf32>
      %add3A_2519 = vector.broadcast %get3A_74 : vector<1x384xf32> to vector<256x384xf32>
      %add3A_2520 = arith.addf %dot_general3A_2518, %add3A_2519 : vector<256x384xf32>
      %slice3A_2521 = vector.extract_strided_slice %add3A_2515 {offsets = [0, 0], sizes = [256, 128], strides = [1, 1]} : vector<256x384xf32> to vector<256x128xf32>
      %slice3A_2522 = vector.extract_strided_slice %add3A_2520 {offsets = [0, 0], sizes = [256, 128], strides = [1, 1]} : vector<256x384xf32> to vector<256x128xf32>
      %add3A_2523 = arith.addf %slice3A_2521, %slice3A_2522 : vector<256x128xf32>
      %logistic3A_2524 = arith.negf %add3A_2523 : vector<256x128xf32>
      %logistic3A_2525 = math.exp %logistic3A_2524 : vector<256x128xf32>
      %logistic3A_2526 = arith.constant 1.000000e+00 : f32
      %logistic3A_2527 = vector.broadcast %logistic3A_2526 : f32 to vector<256x128xf32>
      %logistic3A_2528 = arith.addf %logistic3A_2527, %logistic3A_2525 : vector<256x128xf32>
      %logistic3A_2529 = arith.divf %logistic3A_2527, %logistic3A_2528 : vector<256x128xf32>
      %slice3A_2530 = vector.extract_strided_slice %add3A_2515 {offsets = [0, 128], sizes = [256, 128], strides = [1, 1]} : vector<256x384xf32> to vector<256x128xf32>
      %slice3A_2531 = vector.extract_strided_slice %add3A_2520 {offsets = [0, 128], sizes = [256, 128], strides = [1, 1]} : vector<256x384xf32> to vector<256x128xf32>
      %add3A_2532 = arith.addf %slice3A_2530, %slice3A_2531 : vector<256x128xf32>
      %logistic3A_2533 = arith.negf %add3A_2532 : vector<256x128xf32>
      %logistic3A_2534 = math.exp %logistic3A_2533 : vector<256x128xf32>
      %logistic3A_2535 = arith.constant 1.000000e+00 : f32
      %logistic3A_2536 = vector.broadcast %logistic3A_2535 : f32 to vector<256x128xf32>
      %logistic3A_2537 = arith.addf %logistic3A_2536, %logistic3A_2534 : vector<256x128xf32>
      %logistic3A_2538 = arith.divf %logistic3A_2536, %logistic3A_2537 : vector<256x128xf32>
      %slice3A_2539 = vector.extract_strided_slice %add3A_2515 {offsets = [0, 256], sizes = [256, 128], strides = [1, 1]} : vector<256x384xf32> to vector<256x128xf32>
      %slice3A_2540 = vector.extract_strided_slice %add3A_2520 {offsets = [0, 256], sizes = [256, 128], strides = [1, 1]} : vector<256x384xf32> to vector<256x128xf32>
      %mul3A_2541 = arith.mulf %logistic3A_2529, %slice3A_2540 : vector<256x128xf32>
      %add3A_2542 = arith.addf %slice3A_2539, %mul3A_2541 : vector<256x128xf32>
      %tanh3A_2543 = math.tanh %add3A_2542 : vector<256x128xf32>
      %sub3A_2544 = arith.subf %add3A_2491, %tanh3A_2543 : vector<256x128xf32>
      %mul3A_2545 = arith.mulf %logistic3A_2538, %sub3A_2544 : vector<256x128xf32>
      %add3A_2546 = arith.addf %tanh3A_2543, %mul3A_2545 : vector<256x128xf32>
      %dot_general3A_2547 = arith.constant dense<0.000000e+00> : vector<256x1xf32>
      %dot_general3A_2548 = tpu.matmul %add3A_2546, %get3A_77, %dot_general3A_2547 {dimension_numbers = #tpu.dot_dimension_numbers<[1], [0], [0], [1], [0, 0, 1, 1], [], []>, transpose_lhs_hint = false} : vector<256x128xf32>, vector<128x1xf32>, vector<256x1xf32> -> vector<256x1xf32>
      %add3A_2549 = vector.broadcast %get3A_80 : vector<1x1xf32> to vector<256x1xf32>
      %add3A_2550 = arith.addf %dot_general3A_2548, %add3A_2549 : vector<256x1xf32>
      %exp3A_2551 = math.exp %add3A_2550 : vector<256x1xf32>
      %add3A_2552 = arith.addf %add3A_2497, %exp3A_2551 : vector<256x1xf32>
      %mul3A_2553 = vector.broadcast %exp3A_2551 : vector<256x1xf32> to vector<256x128xf32>
      %mul3A_2554 = arith.mulf %mul3A_2553, %add3A_2546 : vector<256x128xf32>
      %add3A_2555 = arith.addf %add3A_2500, %mul3A_2554 : vector<256x128xf32>
      %get3A_2556 = arith.constant 0 : i32
      %get3A_2557 = arith.constant 0 : i32
      %get3A_2558 = arith.constant 0 : i32
      %get3A_2559 = tpu.memref_slice %arg22[%rem3A_4, %get3A_2556, %get3A_2557, %get3A_2558] : memref<2x50x256x128xf32, #tpu.memory_space<vmem>> -> memref<1x50x256x128xf32, #tpu.memory_space<vmem>>
      %get3A_2560 = tpu.memref_squeeze %get3A_2559 : memref<1x50x256x128xf32, #tpu.memory_space<vmem>> -> memref<50x256x128xf32, #tpu.memory_space<vmem>>
      %get3A_2561 = arith.constant 45 : index
      %get3A_2562 = arith.constant 0 : index
      %get3A_2563 = arith.constant 0 : index
      %get3A_2564 = vector.load %get3A_2560[%get3A_2561, %get3A_2562, %get3A_2563] : memref<50x256x128xf32, #tpu.memory_space<vmem>>, vector<1x256x128xf32>
      %get3A_2565 = vector.shape_cast %get3A_2564 : vector<1x256x128xf32> to vector<256x128xf32>
      %convert_element_type3A_2566 = arith.truncf %get3A_2565 : vector<256x128xf32> to vector<256x128xbf16>
      %dot_general3A_2567 = arith.constant dense<0.000000e+00> : vector<256x384xf32>
      %dot_general3A_2568 = tpu.matmul %convert_element_type3A_2566, %get3A_65, %dot_general3A_2567 {dimension_numbers = #tpu.dot_dimension_numbers<[1], [0], [0], [1], [0, 0, 1, 1], [], []>, transpose_lhs_hint = false} : vector<256x128xbf16>, vector<128x384xbf16>, vector<256x384xf32> -> vector<256x384xf32>
      %add3A_2569 = vector.broadcast %get3A_71 : vector<1x384xf32> to vector<256x384xf32>
      %add3A_2570 = arith.addf %dot_general3A_2568, %add3A_2569 : vector<256x384xf32>
      %convert_element_type3A_2571 = arith.truncf %add3A_2546 : vector<256x128xf32> to vector<256x128xbf16>
      %dot_general3A_2572 = arith.constant dense<0.000000e+00> : vector<256x384xf32>
      %dot_general3A_2573 = tpu.matmul %convert_element_type3A_2571, %get3A_68, %dot_general3A_2572 {dimension_numbers = #tpu.dot_dimension_numbers<[1], [0], [0], [1], [0, 0, 1, 1], [], []>, transpose_lhs_hint = false} : vector<256x128xbf16>, vector<128x384xbf16>, vector<256x384xf32> -> vector<256x384xf32>
      %add3A_2574 = vector.broadcast %get3A_74 : vector<1x384xf32> to vector<256x384xf32>
      %add3A_2575 = arith.addf %dot_general3A_2573, %add3A_2574 : vector<256x384xf32>
      %slice3A_2576 = vector.extract_strided_slice %add3A_2570 {offsets = [0, 0], sizes = [256, 128], strides = [1, 1]} : vector<256x384xf32> to vector<256x128xf32>
      %slice3A_2577 = vector.extract_strided_slice %add3A_2575 {offsets = [0, 0], sizes = [256, 128], strides = [1, 1]} : vector<256x384xf32> to vector<256x128xf32>
      %add3A_2578 = arith.addf %slice3A_2576, %slice3A_2577 : vector<256x128xf32>
      %logistic3A_2579 = arith.negf %add3A_2578 : vector<256x128xf32>
      %logistic3A_2580 = math.exp %logistic3A_2579 : vector<256x128xf32>
      %logistic3A_2581 = arith.constant 1.000000e+00 : f32
      %logistic3A_2582 = vector.broadcast %logistic3A_2581 : f32 to vector<256x128xf32>
      %logistic3A_2583 = arith.addf %logistic3A_2582, %logistic3A_2580 : vector<256x128xf32>
      %logistic3A_2584 = arith.divf %logistic3A_2582, %logistic3A_2583 : vector<256x128xf32>
      %slice3A_2585 = vector.extract_strided_slice %add3A_2570 {offsets = [0, 128], sizes = [256, 128], strides = [1, 1]} : vector<256x384xf32> to vector<256x128xf32>
      %slice3A_2586 = vector.extract_strided_slice %add3A_2575 {offsets = [0, 128], sizes = [256, 128], strides = [1, 1]} : vector<256x384xf32> to vector<256x128xf32>
      %add3A_2587 = arith.addf %slice3A_2585, %slice3A_2586 : vector<256x128xf32>
      %logistic3A_2588 = arith.negf %add3A_2587 : vector<256x128xf32>
      %logistic3A_2589 = math.exp %logistic3A_2588 : vector<256x128xf32>
      %logistic3A_2590 = arith.constant 1.000000e+00 : f32
      %logistic3A_2591 = vector.broadcast %logistic3A_2590 : f32 to vector<256x128xf32>
      %logistic3A_2592 = arith.addf %logistic3A_2591, %logistic3A_2589 : vector<256x128xf32>
      %logistic3A_2593 = arith.divf %logistic3A_2591, %logistic3A_2592 : vector<256x128xf32>
      %slice3A_2594 = vector.extract_strided_slice %add3A_2570 {offsets = [0, 256], sizes = [256, 128], strides = [1, 1]} : vector<256x384xf32> to vector<256x128xf32>
      %slice3A_2595 = vector.extract_strided_slice %add3A_2575 {offsets = [0, 256], sizes = [256, 128], strides = [1, 1]} : vector<256x384xf32> to vector<256x128xf32>
      %mul3A_2596 = arith.mulf %logistic3A_2584, %slice3A_2595 : vector<256x128xf32>
      %add3A_2597 = arith.addf %slice3A_2594, %mul3A_2596 : vector<256x128xf32>
      %tanh3A_2598 = math.tanh %add3A_2597 : vector<256x128xf32>
      %sub3A_2599 = arith.subf %add3A_2546, %tanh3A_2598 : vector<256x128xf32>
      %mul3A_2600 = arith.mulf %logistic3A_2593, %sub3A_2599 : vector<256x128xf32>
      %add3A_2601 = arith.addf %tanh3A_2598, %mul3A_2600 : vector<256x128xf32>
      %dot_general3A_2602 = arith.constant dense<0.000000e+00> : vector<256x1xf32>
      %dot_general3A_2603 = tpu.matmul %add3A_2601, %get3A_77, %dot_general3A_2602 {dimension_numbers = #tpu.dot_dimension_numbers<[1], [0], [0], [1], [0, 0, 1, 1], [], []>, transpose_lhs_hint = false} : vector<256x128xf32>, vector<128x1xf32>, vector<256x1xf32> -> vector<256x1xf32>
      %add3A_2604 = vector.broadcast %get3A_80 : vector<1x1xf32> to vector<256x1xf32>
      %add3A_2605 = arith.addf %dot_general3A_2603, %add3A_2604 : vector<256x1xf32>
      %exp3A_2606 = math.exp %add3A_2605 : vector<256x1xf32>
      %add3A_2607 = arith.addf %add3A_2552, %exp3A_2606 : vector<256x1xf32>
      %mul3A_2608 = vector.broadcast %exp3A_2606 : vector<256x1xf32> to vector<256x128xf32>
      %mul3A_2609 = arith.mulf %mul3A_2608, %add3A_2601 : vector<256x128xf32>
      %add3A_2610 = arith.addf %add3A_2555, %mul3A_2609 : vector<256x128xf32>
      %get3A_2611 = arith.constant 0 : i32
      %get3A_2612 = arith.constant 0 : i32
      %get3A_2613 = arith.constant 0 : i32
      %get3A_2614 = tpu.memref_slice %arg22[%rem3A_4, %get3A_2611, %get3A_2612, %get3A_2613] : memref<2x50x256x128xf32, #tpu.memory_space<vmem>> -> memref<1x50x256x128xf32, #tpu.memory_space<vmem>>
      %get3A_2615 = tpu.memref_squeeze %get3A_2614 : memref<1x50x256x128xf32, #tpu.memory_space<vmem>> -> memref<50x256x128xf32, #tpu.memory_space<vmem>>
      %get3A_2616 = arith.constant 46 : index
      %get3A_2617 = arith.constant 0 : index
      %get3A_2618 = arith.constant 0 : index
      %get3A_2619 = vector.load %get3A_2615[%get3A_2616, %get3A_2617, %get3A_2618] : memref<50x256x128xf32, #tpu.memory_space<vmem>>, vector<1x256x128xf32>
      %get3A_2620 = vector.shape_cast %get3A_2619 : vector<1x256x128xf32> to vector<256x128xf32>
      %convert_element_type3A_2621 = arith.truncf %get3A_2620 : vector<256x128xf32> to vector<256x128xbf16>
      %dot_general3A_2622 = arith.constant dense<0.000000e+00> : vector<256x384xf32>
      %dot_general3A_2623 = tpu.matmul %convert_element_type3A_2621, %get3A_65, %dot_general3A_2622 {dimension_numbers = #tpu.dot_dimension_numbers<[1], [0], [0], [1], [0, 0, 1, 1], [], []>, transpose_lhs_hint = false} : vector<256x128xbf16>, vector<128x384xbf16>, vector<256x384xf32> -> vector<256x384xf32>
      %add3A_2624 = vector.broadcast %get3A_71 : vector<1x384xf32> to vector<256x384xf32>
      %add3A_2625 = arith.addf %dot_general3A_2623, %add3A_2624 : vector<256x384xf32>
      %convert_element_type3A_2626 = arith.truncf %add3A_2601 : vector<256x128xf32> to vector<256x128xbf16>
      %dot_general3A_2627 = arith.constant dense<0.000000e+00> : vector<256x384xf32>
      %dot_general3A_2628 = tpu.matmul %convert_element_type3A_2626, %get3A_68, %dot_general3A_2627 {dimension_numbers = #tpu.dot_dimension_numbers<[1], [0], [0], [1], [0, 0, 1, 1], [], []>, transpose_lhs_hint = false} : vector<256x128xbf16>, vector<128x384xbf16>, vector<256x384xf32> -> vector<256x384xf32>
      %add3A_2629 = vector.broadcast %get3A_74 : vector<1x384xf32> to vector<256x384xf32>
      %add3A_2630 = arith.addf %dot_general3A_2628, %add3A_2629 : vector<256x384xf32>
      %slice3A_2631 = vector.extract_strided_slice %add3A_2625 {offsets = [0, 0], sizes = [256, 128], strides = [1, 1]} : vector<256x384xf32> to vector<256x128xf32>
      %slice3A_2632 = vector.extract_strided_slice %add3A_2630 {offsets = [0, 0], sizes = [256, 128], strides = [1, 1]} : vector<256x384xf32> to vector<256x128xf32>
      %add3A_2633 = arith.addf %slice3A_2631, %slice3A_2632 : vector<256x128xf32>
      %logistic3A_2634 = arith.negf %add3A_2633 : vector<256x128xf32>
      %logistic3A_2635 = math.exp %logistic3A_2634 : vector<256x128xf32>
      %logistic3A_2636 = arith.constant 1.000000e+00 : f32
      %logistic3A_2637 = vector.broadcast %logistic3A_2636 : f32 to vector<256x128xf32>
      %logistic3A_2638 = arith.addf %logistic3A_2637, %logistic3A_2635 : vector<256x128xf32>
      %logistic3A_2639 = arith.divf %logistic3A_2637, %logistic3A_2638 : vector<256x128xf32>
      %slice3A_2640 = vector.extract_strided_slice %add3A_2625 {offsets = [0, 128], sizes = [256, 128], strides = [1, 1]} : vector<256x384xf32> to vector<256x128xf32>
      %slice3A_2641 = vector.extract_strided_slice %add3A_2630 {offsets = [0, 128], sizes = [256, 128], strides = [1, 1]} : vector<256x384xf32> to vector<256x128xf32>
      %add3A_2642 = arith.addf %slice3A_2640, %slice3A_2641 : vector<256x128xf32>
      %logistic3A_2643 = arith.negf %add3A_2642 : vector<256x128xf32>
      %logistic3A_2644 = math.exp %logistic3A_2643 : vector<256x128xf32>
      %logistic3A_2645 = arith.constant 1.000000e+00 : f32
      %logistic3A_2646 = vector.broadcast %logistic3A_2645 : f32 to vector<256x128xf32>
      %logistic3A_2647 = arith.addf %logistic3A_2646, %logistic3A_2644 : vector<256x128xf32>
      %logistic3A_2648 = arith.divf %logistic3A_2646, %logistic3A_2647 : vector<256x128xf32>
      %slice3A_2649 = vector.extract_strided_slice %add3A_2625 {offsets = [0, 256], sizes = [256, 128], strides = [1, 1]} : vector<256x384xf32> to vector<256x128xf32>
      %slice3A_2650 = vector.extract_strided_slice %add3A_2630 {offsets = [0, 256], sizes = [256, 128], strides = [1, 1]} : vector<256x384xf32> to vector<256x128xf32>
      %mul3A_2651 = arith.mulf %logistic3A_2639, %slice3A_2650 : vector<256x128xf32>
      %add3A_2652 = arith.addf %slice3A_2649, %mul3A_2651 : vector<256x128xf32>
      %tanh3A_2653 = math.tanh %add3A_2652 : vector<256x128xf32>
      %sub3A_2654 = arith.subf %add3A_2601, %tanh3A_2653 : vector<256x128xf32>
      %mul3A_2655 = arith.mulf %logistic3A_2648, %sub3A_2654 : vector<256x128xf32>
      %add3A_2656 = arith.addf %tanh3A_2653, %mul3A_2655 : vector<256x128xf32>
      %dot_general3A_2657 = arith.constant dense<0.000000e+00> : vector<256x1xf32>
      %dot_general3A_2658 = tpu.matmul %add3A_2656, %get3A_77, %dot_general3A_2657 {dimension_numbers = #tpu.dot_dimension_numbers<[1], [0], [0], [1], [0, 0, 1, 1], [], []>, transpose_lhs_hint = false} : vector<256x128xf32>, vector<128x1xf32>, vector<256x1xf32> -> vector<256x1xf32>
      %add3A_2659 = vector.broadcast %get3A_80 : vector<1x1xf32> to vector<256x1xf32>
      %add3A_2660 = arith.addf %dot_general3A_2658, %add3A_2659 : vector<256x1xf32>
      %exp3A_2661 = math.exp %add3A_2660 : vector<256x1xf32>
      %add3A_2662 = arith.addf %add3A_2607, %exp3A_2661 : vector<256x1xf32>
      %mul3A_2663 = vector.broadcast %exp3A_2661 : vector<256x1xf32> to vector<256x128xf32>
      %mul3A_2664 = arith.mulf %mul3A_2663, %add3A_2656 : vector<256x128xf32>
      %add3A_2665 = arith.addf %add3A_2610, %mul3A_2664 : vector<256x128xf32>
      %get3A_2666 = arith.constant 0 : i32
      %get3A_2667 = arith.constant 0 : i32
      %get3A_2668 = arith.constant 0 : i32
      %get3A_2669 = tpu.memref_slice %arg22[%rem3A_4, %get3A_2666, %get3A_2667, %get3A_2668] : memref<2x50x256x128xf32, #tpu.memory_space<vmem>> -> memref<1x50x256x128xf32, #tpu.memory_space<vmem>>
      %get3A_2670 = tpu.memref_squeeze %get3A_2669 : memref<1x50x256x128xf32, #tpu.memory_space<vmem>> -> memref<50x256x128xf32, #tpu.memory_space<vmem>>
      %get3A_2671 = arith.constant 47 : index
      %get3A_2672 = arith.constant 0 : index
      %get3A_2673 = arith.constant 0 : index
      %get3A_2674 = vector.load %get3A_2670[%get3A_2671, %get3A_2672, %get3A_2673] : memref<50x256x128xf32, #tpu.memory_space<vmem>>, vector<1x256x128xf32>
      %get3A_2675 = vector.shape_cast %get3A_2674 : vector<1x256x128xf32> to vector<256x128xf32>
      %convert_element_type3A_2676 = arith.truncf %get3A_2675 : vector<256x128xf32> to vector<256x128xbf16>
      %dot_general3A_2677 = arith.constant dense<0.000000e+00> : vector<256x384xf32>
      %dot_general3A_2678 = tpu.matmul %convert_element_type3A_2676, %get3A_65, %dot_general3A_2677 {dimension_numbers = #tpu.dot_dimension_numbers<[1], [0], [0], [1], [0, 0, 1, 1], [], []>, transpose_lhs_hint = false} : vector<256x128xbf16>, vector<128x384xbf16>, vector<256x384xf32> -> vector<256x384xf32>
      %add3A_2679 = vector.broadcast %get3A_71 : vector<1x384xf32> to vector<256x384xf32>
      %add3A_2680 = arith.addf %dot_general3A_2678, %add3A_2679 : vector<256x384xf32>
      %convert_element_type3A_2681 = arith.truncf %add3A_2656 : vector<256x128xf32> to vector<256x128xbf16>
      %dot_general3A_2682 = arith.constant dense<0.000000e+00> : vector<256x384xf32>
      %dot_general3A_2683 = tpu.matmul %convert_element_type3A_2681, %get3A_68, %dot_general3A_2682 {dimension_numbers = #tpu.dot_dimension_numbers<[1], [0], [0], [1], [0, 0, 1, 1], [], []>, transpose_lhs_hint = false} : vector<256x128xbf16>, vector<128x384xbf16>, vector<256x384xf32> -> vector<256x384xf32>
      %add3A_2684 = vector.broadcast %get3A_74 : vector<1x384xf32> to vector<256x384xf32>
      %add3A_2685 = arith.addf %dot_general3A_2683, %add3A_2684 : vector<256x384xf32>
      %slice3A_2686 = vector.extract_strided_slice %add3A_2680 {offsets = [0, 0], sizes = [256, 128], strides = [1, 1]} : vector<256x384xf32> to vector<256x128xf32>
      %slice3A_2687 = vector.extract_strided_slice %add3A_2685 {offsets = [0, 0], sizes = [256, 128], strides = [1, 1]} : vector<256x384xf32> to vector<256x128xf32>
      %add3A_2688 = arith.addf %slice3A_2686, %slice3A_2687 : vector<256x128xf32>
      %logistic3A_2689 = arith.negf %add3A_2688 : vector<256x128xf32>
      %logistic3A_2690 = math.exp %logistic3A_2689 : vector<256x128xf32>
      %logistic3A_2691 = arith.constant 1.000000e+00 : f32
      %logistic3A_2692 = vector.broadcast %logistic3A_2691 : f32 to vector<256x128xf32>
      %logistic3A_2693 = arith.addf %logistic3A_2692, %logistic3A_2690 : vector<256x128xf32>
      %logistic3A_2694 = arith.divf %logistic3A_2692, %logistic3A_2693 : vector<256x128xf32>
      %slice3A_2695 = vector.extract_strided_slice %add3A_2680 {offsets = [0, 128], sizes = [256, 128], strides = [1, 1]} : vector<256x384xf32> to vector<256x128xf32>
      %slice3A_2696 = vector.extract_strided_slice %add3A_2685 {offsets = [0, 128], sizes = [256, 128], strides = [1, 1]} : vector<256x384xf32> to vector<256x128xf32>
      %add3A_2697 = arith.addf %slice3A_2695, %slice3A_2696 : vector<256x128xf32>
      %logistic3A_2698 = arith.negf %add3A_2697 : vector<256x128xf32>
      %logistic3A_2699 = math.exp %logistic3A_2698 : vector<256x128xf32>
      %logistic3A_2700 = arith.constant 1.000000e+00 : f32
      %logistic3A_2701 = vector.broadcast %logistic3A_2700 : f32 to vector<256x128xf32>
      %logistic3A_2702 = arith.addf %logistic3A_2701, %logistic3A_2699 : vector<256x128xf32>
      %logistic3A_2703 = arith.divf %logistic3A_2701, %logistic3A_2702 : vector<256x128xf32>
      %slice3A_2704 = vector.extract_strided_slice %add3A_2680 {offsets = [0, 256], sizes = [256, 128], strides = [1, 1]} : vector<256x384xf32> to vector<256x128xf32>
      %slice3A_2705 = vector.extract_strided_slice %add3A_2685 {offsets = [0, 256], sizes = [256, 128], strides = [1, 1]} : vector<256x384xf32> to vector<256x128xf32>
      %mul3A_2706 = arith.mulf %logistic3A_2694, %slice3A_2705 : vector<256x128xf32>
      %add3A_2707 = arith.addf %slice3A_2704, %mul3A_2706 : vector<256x128xf32>
      %tanh3A_2708 = math.tanh %add3A_2707 : vector<256x128xf32>
      %sub3A_2709 = arith.subf %add3A_2656, %tanh3A_2708 : vector<256x128xf32>
      %mul3A_2710 = arith.mulf %logistic3A_2703, %sub3A_2709 : vector<256x128xf32>
      %add3A_2711 = arith.addf %tanh3A_2708, %mul3A_2710 : vector<256x128xf32>
      %dot_general3A_2712 = arith.constant dense<0.000000e+00> : vector<256x1xf32>
      %dot_general3A_2713 = tpu.matmul %add3A_2711, %get3A_77, %dot_general3A_2712 {dimension_numbers = #tpu.dot_dimension_numbers<[1], [0], [0], [1], [0, 0, 1, 1], [], []>, transpose_lhs_hint = false} : vector<256x128xf32>, vector<128x1xf32>, vector<256x1xf32> -> vector<256x1xf32>
      %add3A_2714 = vector.broadcast %get3A_80 : vector<1x1xf32> to vector<256x1xf32>
      %add3A_2715 = arith.addf %dot_general3A_2713, %add3A_2714 : vector<256x1xf32>
      %exp3A_2716 = math.exp %add3A_2715 : vector<256x1xf32>
      %add3A_2717 = arith.addf %add3A_2662, %exp3A_2716 : vector<256x1xf32>
      %mul3A_2718 = vector.broadcast %exp3A_2716 : vector<256x1xf32> to vector<256x128xf32>
      %mul3A_2719 = arith.mulf %mul3A_2718, %add3A_2711 : vector<256x128xf32>
      %add3A_2720 = arith.addf %add3A_2665, %mul3A_2719 : vector<256x128xf32>
      %get3A_2721 = arith.constant 0 : i32
      %get3A_2722 = arith.constant 0 : i32
      %get3A_2723 = arith.constant 0 : i32
      %get3A_2724 = tpu.memref_slice %arg22[%rem3A_4, %get3A_2721, %get3A_2722, %get3A_2723] : memref<2x50x256x128xf32, #tpu.memory_space<vmem>> -> memref<1x50x256x128xf32, #tpu.memory_space<vmem>>
      %get3A_2725 = tpu.memref_squeeze %get3A_2724 : memref<1x50x256x128xf32, #tpu.memory_space<vmem>> -> memref<50x256x128xf32, #tpu.memory_space<vmem>>
      %get3A_2726 = arith.constant 48 : index
      %get3A_2727 = arith.constant 0 : index
      %get3A_2728 = arith.constant 0 : index
      %get3A_2729 = vector.load %get3A_2725[%get3A_2726, %get3A_2727, %get3A_2728] : memref<50x256x128xf32, #tpu.memory_space<vmem>>, vector<1x256x128xf32>
      %get3A_2730 = vector.shape_cast %get3A_2729 : vector<1x256x128xf32> to vector<256x128xf32>
      %convert_element_type3A_2731 = arith.truncf %get3A_2730 : vector<256x128xf32> to vector<256x128xbf16>
      %dot_general3A_2732 = arith.constant dense<0.000000e+00> : vector<256x384xf32>
      %dot_general3A_2733 = tpu.matmul %convert_element_type3A_2731, %get3A_65, %dot_general3A_2732 {dimension_numbers = #tpu.dot_dimension_numbers<[1], [0], [0], [1], [0, 0, 1, 1], [], []>, transpose_lhs_hint = false} : vector<256x128xbf16>, vector<128x384xbf16>, vector<256x384xf32> -> vector<256x384xf32>
      %add3A_2734 = vector.broadcast %get3A_71 : vector<1x384xf32> to vector<256x384xf32>
      %add3A_2735 = arith.addf %dot_general3A_2733, %add3A_2734 : vector<256x384xf32>
      %convert_element_type3A_2736 = arith.truncf %add3A_2711 : vector<256x128xf32> to vector<256x128xbf16>
      %dot_general3A_2737 = arith.constant dense<0.000000e+00> : vector<256x384xf32>
      %dot_general3A_2738 = tpu.matmul %convert_element_type3A_2736, %get3A_68, %dot_general3A_2737 {dimension_numbers = #tpu.dot_dimension_numbers<[1], [0], [0], [1], [0, 0, 1, 1], [], []>, transpose_lhs_hint = false} : vector<256x128xbf16>, vector<128x384xbf16>, vector<256x384xf32> -> vector<256x384xf32>
      %add3A_2739 = vector.broadcast %get3A_74 : vector<1x384xf32> to vector<256x384xf32>
      %add3A_2740 = arith.addf %dot_general3A_2738, %add3A_2739 : vector<256x384xf32>
      %slice3A_2741 = vector.extract_strided_slice %add3A_2735 {offsets = [0, 0], sizes = [256, 128], strides = [1, 1]} : vector<256x384xf32> to vector<256x128xf32>
      %slice3A_2742 = vector.extract_strided_slice %add3A_2740 {offsets = [0, 0], sizes = [256, 128], strides = [1, 1]} : vector<256x384xf32> to vector<256x128xf32>
      %add3A_2743 = arith.addf %slice3A_2741, %slice3A_2742 : vector<256x128xf32>
      %logistic3A_2744 = arith.negf %add3A_2743 : vector<256x128xf32>
      %logistic3A_2745 = math.exp %logistic3A_2744 : vector<256x128xf32>
      %logistic3A_2746 = arith.constant 1.000000e+00 : f32
      %logistic3A_2747 = vector.broadcast %logistic3A_2746 : f32 to vector<256x128xf32>
      %logistic3A_2748 = arith.addf %logistic3A_2747, %logistic3A_2745 : vector<256x128xf32>
      %logistic3A_2749 = arith.divf %logistic3A_2747, %logistic3A_2748 : vector<256x128xf32>
      %slice3A_2750 = vector.extract_strided_slice %add3A_2735 {offsets = [0, 128], sizes = [256, 128], strides = [1, 1]} : vector<256x384xf32> to vector<256x128xf32>
      %slice3A_2751 = vector.extract_strided_slice %add3A_2740 {offsets = [0, 128], sizes = [256, 128], strides = [1, 1]} : vector<256x384xf32> to vector<256x128xf32>
      %add3A_2752 = arith.addf %slice3A_2750, %slice3A_2751 : vector<256x128xf32>
      %logistic3A_2753 = arith.negf %add3A_2752 : vector<256x128xf32>
      %logistic3A_2754 = math.exp %logistic3A_2753 : vector<256x128xf32>
      %logistic3A_2755 = arith.constant 1.000000e+00 : f32
      %logistic3A_2756 = vector.broadcast %logistic3A_2755 : f32 to vector<256x128xf32>
      %logistic3A_2757 = arith.addf %logistic3A_2756, %logistic3A_2754 : vector<256x128xf32>
      %logistic3A_2758 = arith.divf %logistic3A_2756, %logistic3A_2757 : vector<256x128xf32>
      %slice3A_2759 = vector.extract_strided_slice %add3A_2735 {offsets = [0, 256], sizes = [256, 128], strides = [1, 1]} : vector<256x384xf32> to vector<256x128xf32>
      %slice3A_2760 = vector.extract_strided_slice %add3A_2740 {offsets = [0, 256], sizes = [256, 128], strides = [1, 1]} : vector<256x384xf32> to vector<256x128xf32>
      %mul3A_2761 = arith.mulf %logistic3A_2749, %slice3A_2760 : vector<256x128xf32>
      %add3A_2762 = arith.addf %slice3A_2759, %mul3A_2761 : vector<256x128xf32>
      %tanh3A_2763 = math.tanh %add3A_2762 : vector<256x128xf32>
      %sub3A_2764 = arith.subf %add3A_2711, %tanh3A_2763 : vector<256x128xf32>
      %mul3A_2765 = arith.mulf %logistic3A_2758, %sub3A_2764 : vector<256x128xf32>
      %add3A_2766 = arith.addf %tanh3A_2763, %mul3A_2765 : vector<256x128xf32>
      %dot_general3A_2767 = arith.constant dense<0.000000e+00> : vector<256x1xf32>
      %dot_general3A_2768 = tpu.matmul %add3A_2766, %get3A_77, %dot_general3A_2767 {dimension_numbers = #tpu.dot_dimension_numbers<[1], [0], [0], [1], [0, 0, 1, 1], [], []>, transpose_lhs_hint = false} : vector<256x128xf32>, vector<128x1xf32>, vector<256x1xf32> -> vector<256x1xf32>
      %add3A_2769 = vector.broadcast %get3A_80 : vector<1x1xf32> to vector<256x1xf32>
      %add3A_2770 = arith.addf %dot_general3A_2768, %add3A_2769 : vector<256x1xf32>
      %exp3A_2771 = math.exp %add3A_2770 : vector<256x1xf32>
      %add3A_2772 = arith.addf %add3A_2717, %exp3A_2771 : vector<256x1xf32>
      %mul3A_2773 = vector.broadcast %exp3A_2771 : vector<256x1xf32> to vector<256x128xf32>
      %mul3A_2774 = arith.mulf %mul3A_2773, %add3A_2766 : vector<256x128xf32>
      %add3A_2775 = arith.addf %add3A_2720, %mul3A_2774 : vector<256x128xf32>
      %get3A_2776 = arith.constant 0 : i32
      %get3A_2777 = arith.constant 0 : i32
      %get3A_2778 = arith.constant 0 : i32
      %get3A_2779 = tpu.memref_slice %arg22[%rem3A_4, %get3A_2776, %get3A_2777, %get3A_2778] : memref<2x50x256x128xf32, #tpu.memory_space<vmem>> -> memref<1x50x256x128xf32, #tpu.memory_space<vmem>>
      %get3A_2780 = tpu.memref_squeeze %get3A_2779 : memref<1x50x256x128xf32, #tpu.memory_space<vmem>> -> memref<50x256x128xf32, #tpu.memory_space<vmem>>
      %get3A_2781 = arith.constant 49 : index
      %get3A_2782 = arith.constant 0 : index
      %get3A_2783 = arith.constant 0 : index
      %get3A_2784 = vector.load %get3A_2780[%get3A_2781, %get3A_2782, %get3A_2783] : memref<50x256x128xf32, #tpu.memory_space<vmem>>, vector<1x256x128xf32>
      %get3A_2785 = vector.shape_cast %get3A_2784 : vector<1x256x128xf32> to vector<256x128xf32>
      %convert_element_type3A_2786 = arith.truncf %get3A_2785 : vector<256x128xf32> to vector<256x128xbf16>
      %dot_general3A_2787 = arith.constant dense<0.000000e+00> : vector<256x384xf32>
      %dot_general3A_2788 = tpu.matmul %convert_element_type3A_2786, %get3A_65, %dot_general3A_2787 {dimension_numbers = #tpu.dot_dimension_numbers<[1], [0], [0], [1], [0, 0, 1, 1], [], []>, transpose_lhs_hint = false} : vector<256x128xbf16>, vector<128x384xbf16>, vector<256x384xf32> -> vector<256x384xf32>
      %add3A_2789 = vector.broadcast %get3A_71 : vector<1x384xf32> to vector<256x384xf32>
      %add3A_2790 = arith.addf %dot_general3A_2788, %add3A_2789 : vector<256x384xf32>
      %convert_element_type3A_2791 = arith.truncf %add3A_2766 : vector<256x128xf32> to vector<256x128xbf16>
      %dot_general3A_2792 = arith.constant dense<0.000000e+00> : vector<256x384xf32>
      %dot_general3A_2793 = tpu.matmul %convert_element_type3A_2791, %get3A_68, %dot_general3A_2792 {dimension_numbers = #tpu.dot_dimension_numbers<[1], [0], [0], [1], [0, 0, 1, 1], [], []>, transpose_lhs_hint = false} : vector<256x128xbf16>, vector<128x384xbf16>, vector<256x384xf32> -> vector<256x384xf32>
      %add3A_2794 = vector.broadcast %get3A_74 : vector<1x384xf32> to vector<256x384xf32>
      %add3A_2795 = arith.addf %dot_general3A_2793, %add3A_2794 : vector<256x384xf32>
      %slice3A_2796 = vector.extract_strided_slice %add3A_2790 {offsets = [0, 0], sizes = [256, 128], strides = [1, 1]} : vector<256x384xf32> to vector<256x128xf32>
      %slice3A_2797 = vector.extract_strided_slice %add3A_2795 {offsets = [0, 0], sizes = [256, 128], strides = [1, 1]} : vector<256x384xf32> to vector<256x128xf32>
      %add3A_2798 = arith.addf %slice3A_2796, %slice3A_2797 : vector<256x128xf32>
      %logistic3A_2799 = arith.negf %add3A_2798 : vector<256x128xf32>
      %logistic3A_2800 = math.exp %logistic3A_2799 : vector<256x128xf32>
      %logistic3A_2801 = arith.constant 1.000000e+00 : f32
      %logistic3A_2802 = vector.broadcast %logistic3A_2801 : f32 to vector<256x128xf32>
      %logistic3A_2803 = arith.addf %logistic3A_2802, %logistic3A_2800 : vector<256x128xf32>
      %logistic3A_2804 = arith.divf %logistic3A_2802, %logistic3A_2803 : vector<256x128xf32>
      %slice3A_2805 = vector.extract_strided_slice %add3A_2790 {offsets = [0, 128], sizes = [256, 128], strides = [1, 1]} : vector<256x384xf32> to vector<256x128xf32>
      %slice3A_2806 = vector.extract_strided_slice %add3A_2795 {offsets = [0, 128], sizes = [256, 128], strides = [1, 1]} : vector<256x384xf32> to vector<256x128xf32>
      %add3A_2807 = arith.addf %slice3A_2805, %slice3A_2806 : vector<256x128xf32>
      %logistic3A_2808 = arith.negf %add3A_2807 : vector<256x128xf32>
      %logistic3A_2809 = math.exp %logistic3A_2808 : vector<256x128xf32>
      %logistic3A_2810 = arith.constant 1.000000e+00 : f32
      %logistic3A_2811 = vector.broadcast %logistic3A_2810 : f32 to vector<256x128xf32>
      %logistic3A_2812 = arith.addf %logistic3A_2811, %logistic3A_2809 : vector<256x128xf32>
      %logistic3A_2813 = arith.divf %logistic3A_2811, %logistic3A_2812 : vector<256x128xf32>
      %slice3A_2814 = vector.extract_strided_slice %add3A_2790 {offsets = [0, 256], sizes = [256, 128], strides = [1, 1]} : vector<256x384xf32> to vector<256x128xf32>
      %slice3A_2815 = vector.extract_strided_slice %add3A_2795 {offsets = [0, 256], sizes = [256, 128], strides = [1, 1]} : vector<256x384xf32> to vector<256x128xf32>
      %mul3A_2816 = arith.mulf %logistic3A_2804, %slice3A_2815 : vector<256x128xf32>
      %add3A_2817 = arith.addf %slice3A_2814, %mul3A_2816 : vector<256x128xf32>
      %tanh3A_2818 = math.tanh %add3A_2817 : vector<256x128xf32>
      %sub3A_2819 = arith.subf %add3A_2766, %tanh3A_2818 : vector<256x128xf32>
      %mul3A_2820 = arith.mulf %logistic3A_2813, %sub3A_2819 : vector<256x128xf32>
      %add3A_2821 = arith.addf %tanh3A_2818, %mul3A_2820 : vector<256x128xf32>
      %dot_general3A_2822 = arith.constant dense<0.000000e+00> : vector<256x1xf32>
      %dot_general3A_2823 = tpu.matmul %add3A_2821, %get3A_77, %dot_general3A_2822 {dimension_numbers = #tpu.dot_dimension_numbers<[1], [0], [0], [1], [0, 0, 1, 1], [], []>, transpose_lhs_hint = false} : vector<256x128xf32>, vector<128x1xf32>, vector<256x1xf32> -> vector<256x1xf32>
      %add3A_2824 = vector.broadcast %get3A_80 : vector<1x1xf32> to vector<256x1xf32>
      %add3A_2825 = arith.addf %dot_general3A_2823, %add3A_2824 : vector<256x1xf32>
      %exp3A_2826 = math.exp %add3A_2825 : vector<256x1xf32>
      %add3A_2827 = arith.addf %add3A_2772, %exp3A_2826 : vector<256x1xf32>
      %mul3A_2828 = vector.broadcast %exp3A_2826 : vector<256x1xf32> to vector<256x128xf32>
      %mul3A_2829 = arith.mulf %mul3A_2828, %add3A_2821 : vector<256x128xf32>
      %add3A_2830 = arith.addf %add3A_2775, %mul3A_2829 : vector<256x128xf32>
      %div3A = vector.broadcast %add3A_2827 : vector<256x1xf32> to vector<256x128xf32>
      %div3A_2831 = arith.divf %add3A_2830, %div3A : vector<256x128xf32>
      %lt3A_2832 = vector.broadcast %get3A_1 : i32 to vector<256x1xi32>
      %lt3A_2833 = arith.cmpi slt, %add3A_24, %lt3A_2832 : vector<256x1xi32>
      %get3A_2834 = arith.constant 0 : index
      %get3A_2835 = arith.constant 0 : index
      %get3A_2836 = vector.load %arg21[%get3A_2834, %get3A_2835] : memref<256x128xf32, #tpu.memory_space<vmem>>, vector<256x128xf32>
      %broadcast_in_dim3A_2837 = vector.shape_cast %lt3A_2833 : vector<256x1xi1> to vector<256x1xi1>
      %broadcast_in_dim3A_2838 = vector.broadcast %broadcast_in_dim3A_2837 : vector<256x1xi1> to vector<256x128xi1>
      %select_n3A = arith.select %broadcast_in_dim3A_2838, %div3A_2831, %get3A_2836 : vector<256x128xi1>, vector<256x128xf32>
      %swap3A_2839 = arith.constant 0 : index
      %swap3A_2840 = arith.constant 0 : index
      %swap3A_2841 = vector.load %arg21[%swap3A_2839, %swap3A_2840] : memref<256x128xf32, #tpu.memory_space<vmem>>, vector<256x128xf32>
      tpu.vector_store %arg21[%swap3A_2839, %swap3A_2840], %select_n3A {strides = array<i32>} : memref<256x128xf32, #tpu.memory_space<vmem>>, vector<256x128xf32>,
    } else {
    }
    return
  }
  func.func @transform_1(%arg0: i32, %arg1: memref<4096xi32, #tpu.memory_space<smem>>, %arg2: memref<16xi32, #tpu.memory_space<smem>>) -> (i32, i32) {
    %c0_i32 = arith.constant 0 : i32
    %c0_i32_0 = arith.constant 0 : i32
    return %arg0, %c0_i32 : i32, i32
  }
  func.func @transform_2(%arg0: i32, %arg1: memref<4096xi32, #tpu.memory_space<smem>>, %arg2: memref<16xi32, #tpu.memory_space<smem>>) -> (i32, i32) {
    %c0_i32 = arith.constant 0 : i32
    %c0_i32_0 = arith.constant 0 : i32
    %c0_i32_1 = arith.constant 0 : i32
    return %c0_i32, %c0_i32_0 : i32, i32
  }
  func.func @transform_3(%arg0: i32, %arg1: memref<4096xi32, #tpu.memory_space<smem>>, %arg2: memref<16xi32, #tpu.memory_space<smem>>) -> (i32, i32) {
    %c0_i32 = arith.constant 0 : i32
    %c0_i32_0 = arith.constant 0 : i32
    %c0_i32_1 = arith.constant 0 : i32
    return %c0_i32, %c0_i32_0 : i32, i32
  }
  func.func @transform_4(%arg0: i32, %arg1: memref<4096xi32, #tpu.memory_space<smem>>, %arg2: memref<16xi32, #tpu.memory_space<smem>>) -> (i32, i32) {
    %c0_i32 = arith.constant 0 : i32
    %c0_i32_0 = arith.constant 0 : i32
    %c0_i32_1 = arith.constant 0 : i32
    return %c0_i32, %c0_i32_0 : i32, i32
  }
  func.func @transform_5(%arg0: i32, %arg1: memref<4096xi32, #tpu.memory_space<smem>>, %arg2: memref<16xi32, #tpu.memory_space<smem>>) -> (i32, i32) {
    %c0_i32 = arith.constant 0 : i32
    %c0_i32_0 = arith.constant 0 : i32
    %c0_i32_1 = arith.constant 0 : i32
    return %c0_i32, %c0_i32_0 : i32, i32
  }
  func.func @transform_6(%arg0: i32, %arg1: memref<4096xi32, #tpu.memory_space<smem>>, %arg2: memref<16xi32, #tpu.memory_space<smem>>) -> (i32, i32) {
    %c0_i32 = arith.constant 0 : i32
    %c0_i32_0 = arith.constant 0 : i32
    %c0_i32_1 = arith.constant 0 : i32
    return %c0_i32, %c0_i32_0 : i32, i32
  }
  func.func @transform_7(%arg0: i32, %arg1: memref<4096xi32, #tpu.memory_space<smem>>, %arg2: memref<16xi32, #tpu.memory_space<smem>>) -> (i32, i32) {
    %c0_i32 = arith.constant 0 : i32
    %c0_i32_0 = arith.constant 0 : i32
    %c0_i32_1 = arith.constant 0 : i32
    return %c0_i32, %c0_i32_0 : i32, i32
  }
  func.func @transform_8(%arg0: i32, %arg1: memref<4096xi32, #tpu.memory_space<smem>>, %arg2: memref<16xi32, #tpu.memory_space<smem>>) -> (i32, i32) {
    %c0_i32 = arith.constant 0 : i32
    %c0_i32_0 = arith.constant 0 : i32
    %c0_i32_1 = arith.constant 0 : i32
    return %c0_i32, %c0_i32_0 : i32, i32
  }
  func.func @transform_9(%arg0: i32, %arg1: memref<4096xi32, #tpu.memory_space<smem>>, %arg2: memref<16xi32, #tpu.memory_space<smem>>) -> (i32, i32) {
    %c0_i32 = arith.constant 0 : i32
    %c0_i32_0 = arith.constant 0 : i32
    %c0_i32_1 = arith.constant 0 : i32
    return %c0_i32, %c0_i32_0 : i32, i32
  }
  func.func @transform_10(%arg0: i32, %arg1: memref<4096xi32, #tpu.memory_space<smem>>, %arg2: memref<16xi32, #tpu.memory_space<smem>>) -> (i32, i32) {
    %c0_i32 = arith.constant 0 : i32
    %c0_i32_0 = arith.constant 0 : i32
    %c0_i32_1 = arith.constant 0 : i32
    return %c0_i32, %c0_i32_0 : i32, i32
  }
  func.func @transform_11(%arg0: i32, %arg1: memref<4096xi32, #tpu.memory_space<smem>>, %arg2: memref<16xi32, #tpu.memory_space<smem>>) -> (i32, i32) {
    %c0_i32 = arith.constant 0 : i32
    %c0_i32_0 = arith.constant 0 : i32
    %c0_i32_1 = arith.constant 0 : i32
    return %c0_i32, %c0_i32_0 : i32, i32
  }
  func.func @transform_12(%arg0: i32, %arg1: memref<4096xi32, #tpu.memory_space<smem>>, %arg2: memref<16xi32, #tpu.memory_space<smem>>) -> (i32, i32) {
    %c0_i32 = arith.constant 0 : i32
    %c0_i32_0 = arith.constant 0 : i32
    %c0_i32_1 = arith.constant 0 : i32
    return %c0_i32, %c0_i32_0 : i32, i32
  }
  func.func @transform_13(%arg0: i32, %arg1: memref<4096xi32, #tpu.memory_space<smem>>, %arg2: memref<16xi32, #tpu.memory_space<smem>>) -> (i32, i32) {
    %c0_i32 = arith.constant 0 : i32
    %c0_i32_0 = arith.constant 0 : i32
    %c0_i32_1 = arith.constant 0 : i32
    return %c0_i32, %c0_i32_0 : i32, i32
  }
  func.func @transform_14(%arg0: i32, %arg1: memref<4096xi32, #tpu.memory_space<smem>>, %arg2: memref<16xi32, #tpu.memory_space<smem>>) -> (i32, i32) {
    %c0_i32 = arith.constant 0 : i32
    %c0_i32_0 = arith.constant 0 : i32
    %c0_i32_1 = arith.constant 0 : i32
    return %c0_i32, %c0_i32_0 : i32, i32
  }
  func.func @transform_15(%arg0: i32, %arg1: memref<4096xi32, #tpu.memory_space<smem>>, %arg2: memref<16xi32, #tpu.memory_space<smem>>) -> (i32, i32) {
    %c0_i32 = arith.constant 0 : i32
    %c0_i32_0 = arith.constant 0 : i32
    %c0_i32_1 = arith.constant 0 : i32
    return %c0_i32, %c0_i32_0 : i32, i32
  }
  func.func @transform_16(%arg0: i32, %arg1: memref<4096xi32, #tpu.memory_space<smem>>, %arg2: memref<16xi32, #tpu.memory_space<smem>>) -> (i32, i32) {
    %c0_i32 = arith.constant 0 : i32
    %c0_i32_0 = arith.constant 0 : i32
    %c0_i32_1 = arith.constant 0 : i32
    return %c0_i32, %c0_i32_0 : i32, i32
  }
  func.func @transform_17(%arg0: i32, %arg1: memref<4096xi32, #tpu.memory_space<smem>>, %arg2: memref<16xi32, #tpu.memory_space<smem>>) -> (i32, i32) {
    %c0_i32 = arith.constant 0 : i32
    %c0_i32_0 = arith.constant 0 : i32
    %c0_i32_1 = arith.constant 0 : i32
    return %c0_i32, %c0_i32_0 : i32, i32
  }
  func.func @transform_18(%arg0: i32, %arg1: memref<4096xi32, #tpu.memory_space<smem>>, %arg2: memref<16xi32, #tpu.memory_space<smem>>) -> (i32, i32) {
    %c0_i32 = arith.constant 0 : i32
    %c0_i32_0 = arith.constant 0 : i32
    return %arg0, %c0_i32 : i32, i32
  }
}

</mosaic_0001>

<sc_bundles>
// kernel: kernel.5.cloned.1.call-start
scs
__scs_entry_jumppad:
0x0: {  	(pc) =	sbr.rel $0x88, $3  }
0x1: {  	(tag) =	ssettag $0x0;
	lr =	simm.s32 $0x1  }
0x2: {  	[smem:$0x3F8E] =	sst lr;
	_ =	strace $0xD0000000  }
0x3: {  	_ = 	snop  }
0x4: {  	_ = 	snop  }
0x5: {  	_ = 	snop  }
0x6: {  	_ = 	snop  }
0x7: {  	_ = 	snop  }
__scs_overlays_trampoline_lowered:
0x8: {  	[smem:$0x3F9D] =	sst s0  }
0x9: {  	[smem:$0x3F9E] =	sst s1  }
0xa: {  	[smem:$0x3F9F] =	sst s2  }
0xb: {  	[smem:$0x3FA0] =	sst s3  }
0xc: {  	[smem:$0x3FA1] =	sst s4  }
0xd: {  	[smem:$0x3FA2] =	sst s5  }
0xe: {  	[smem:$0x3FA3] =	sst s6  }
0xf: {  	[smem:$0x3FA4] =	sst s7  }
0x10: {  	[smem:$0x3FA5] =	sst s8  }
0x11: {  	[smem:$0x3FA6] =	sst s9;
	s0 =	simm.s32 @!p0 $0x0  }
0x12: {  	s1 =	sld [smem:$0x3F8C];
	s0 =	simm.s32 @p0 $0x1  }
0x13: {  	[smem:$0x3FA7] =	sst s0;
	s0 =	simm.s32 @!p1 $0x0  }
0x14: {  	s2 =	sld [smem:$0x3F8B];
	s0 =	simm.s32 @p1 $0x1  }
0x15: {  	[smem:$0x3FA8] =	sst s0;
	s0 =	simm.s32 @!p2 $0x0  }
0x16: {  	s3 =	sld [smem:$0x3FDB];
	s0 =	simm.s32 @p2 $0x1  }
0x17: {  	s4 =	simm.s32 $0x1BF5;
	[smem:$0x3FAA] =	sst s0  }
0x18: {  	s0 =	sld [smem:$0x3F8D];
	_ =	swait.ge [sflag:s4], $0x0  }
0x19: {  	s7 =	sld [smem:$0x3F8E]  }
0x1a: {  	s8 =	sadd.s32 $0xFFFFE003, lr  }
0x1b: {  	s9 =	sadd.s32 $0xFFFFFEF7, lr;
	s5 =	simm.s32 $0xFFFFFFFF;
	p2 =	slt.u32 s8, $0xFFFFF086  }
0x1c: {  	p1 =	slt.u32 s9, $0xF7A;
	s5 =	simm.s32 @!p2 $0x0  }
0x1d: {  	s5 =	simm.s32 @p1 $0x1;
	p0 =	seq.s32 s7, s2  }
0x1e: {  	s7 =	smul.u32 @!p0 $0xF7A, s2;
	p2 =	seq.s32 @!p0 s5, $0x0  }
0x1f: {  	s9 =	smul.u32 $0xF7A, s1;
	s8 =	simm.s32 @!p0 $0x1BF5;
	p2 =	por !p2, p0  }
0x20: {  	[sflag:s8] =	ssyncset.s32 @!p0 $0xFFFFF086;
	s6 =	sadd.s32 @!p0 s3, s7;
	s7 =	simm.s32 @!p0 $0x108  }
0x21: {  	s3 =	sadd.s32 s3, s9;
	s6 =	sadd.s32 @!p0 $0x88, s6;
	s7 =	simm.s32 @p2 $0x1082  }
0x22: {  	[simem:s7], [sflag:s8] =	dma.local @!p0 [hbm:s6], $0xF7A  }
0x23: {  	s9 =	sor.u32 $0xD0000000, s2;
	s6 =	simm.s32 $0x108;
	_ =	swait.ge @!p0 [sflag:s8], $0x0  }
0x24: {  	s3 =	sadd.s32 $0x88, s3;
	s6 =	simm.s32 @!p1 $0x1082;
	[sflag:s4] =	ssyncset.s32 $0xFFFFF086  }
0x25: {  	[simem:s6], [sflag:s4] =	dma.local [hbm:s3], $0xF7A  }
0x26: {  	[smem:$0x3F8E] =	sst s1;
	(tag) =	ssettag s2;
	_ =	strace s9  }
0x27: {  	s1 =	sld [smem:$0x3F9E]  }
0x28: {  	s2 =	sld [smem:$0x3F9F]  }
0x29: {  	s4 =	sld [smem:$0x3FA1]  }
0x2a: {  	p0 =	seq.s32 s5, $0x0;
	s5 =	sld [smem:$0x3FA2]  }
0x2b: {  	s6 =	sld [smem:$0x3FA3]  }
0x2c: {  	s7 =	sld [smem:$0x3FA4]  }
0x2d: {  	s3 =	simm.s32 $0x108;
	s8 =	sld [smem:$0x3FA5]  }
0x2e: {  	s3 =	simm.s32 @!p0 $0x1082;
	s9 =	sld [smem:$0x3FA6]  }
0x2f: {  	lr =	sadd.s32 s0, s3;
	s0 =	sld [smem:$0x3F9D]  }
0x30: {  	s3 =	sld [smem:$0x3FA0]  }
0x31: {  	[smem:$0x3FA9] =	sst s10  }
0x32: {  	s10 =	sld [smem:$0x3FA7];
	_ =	sdelay $0x3  }
0x33: {  	p0 =	seq.s32 s10, $0x1;
	s10 =	sld [smem:$0x3FA9];
	_ =	sdelay $0x3  }
0x34: {  	[smem:$0x3FA9] =	sst s10  }
0x35: {  	s10 =	sld [smem:$0x3FA8];
	_ =	sdelay $0x3  }
0x36: {  	p1 =	seq.s32 s10, $0x1;
	s10 =	sld [smem:$0x3FA9];
	_ =	sdelay $0x3  }
0x37: {  	[smem:$0x3FA9] =	sst s10  }
0x38: {  	s10 =	sld [smem:$0x3FAA]  }
0x39: {  	_ = 	snop;
	(pc) =	sbr.ind lr, $3  }
0x3a: {  	_ = 	snop  }
0x3b: {  	_ = 	snop  }
0x3c: {  	p2 =	seq.s32 s10, $0x1;
	s10 =	sld [smem:$0x3FA9]  }
0x3d: {  	_ =	shalt  }
0x3e: {  	_ =	shalt  }
0x3f: {  	_ =	shalt  }
0x40: {  	_ =	shalt  }
0x41: {  	_ =	shalt  }
0x42: {  	_ =	shalt  }
0x43: {  	_ =	shalt  }
0x44: {  	_ =	shalt  }
0x45: {  	_ =	shalt  }
0x46: {  	_ =	shalt  }
0x47: {  	_ =	shalt  }
0x48: {  	_ =	shalt  }
0x49: {  	_ =	shalt  }
0x4a: {  	_ =	shalt  }
0x4b: {  	_ =	shalt  }
0x4c: {  	_ =	shalt  }
0x4d: {  	_ =	shalt  }
0x4e: {  	_ =	shalt  }
0x4f: {  	_ =	shalt  }
0x50: {  	_ =	shalt  }
0x51: {  	_ =	shalt  }
0x52: {  	_ =	shalt  }
0x53: {  	_ =	shalt  }
0x54: {  	_ =	shalt  }
0x55: {  	_ =	shalt  }
0x56: {  	_ =	shalt  }
0x57: {  	_ =	shalt  }
0x58: {  	_ =	shalt  }
0x59: {  	_ =	shalt  }
0x5a: {  	_ =	shalt  }
0x5b: {  	_ =	shalt  }
0x5c: {  	_ =	shalt  }
0x5d: {  	_ =	shalt  }
0x5e: {  	_ =	shalt  }
0x5f: {  	_ =	shalt  }
0x60: {  	_ =	shalt  }
0x61: {  	_ =	shalt  }
0x62: {  	_ =	shalt  }
0x63: {  	_ =	shalt  }
0x64: {  	_ =	shalt  }
0x65: {  	_ =	shalt  }
0x66: {  	_ =	shalt  }
0x67: {  	_ =	shalt  }
0x68: {  	_ =	shalt  }
0x69: {  	_ =	shalt  }
0x6a: {  	_ =	shalt  }
0x6b: {  	_ =	shalt  }
0x6c: {  	_ =	shalt  }
0x6d: {  	_ =	shalt  }
0x6e: {  	_ =	shalt  }
0x6f: {  	_ =	shalt  }
0x70: {  	_ =	shalt  }
0x71: {  	_ =	shalt  }
0x72: {  	_ =	shalt  }
0x73: {  	_ =	shalt  }
0x74: {  	_ =	shalt  }
0x75: {  	_ =	shalt  }
0x76: {  	_ =	shalt  }
0x77: {  	_ =	shalt  }
0x78: {  	_ =	shalt  }
0x79: {  	_ =	shalt  }
0x7a: {  	_ =	shalt  }
0x7b: {  	_ =	shalt  }
0x7c: {  	_ =	shalt  }
0x7d: {  	_ =	shalt  }
0x7e: {  	_ =	shalt  }
0x7f: {  	_ =	shalt  }
0x80: {  	_ =	shalt  }
0x81: {  	_ =	shalt  }
0x82: {  	_ =	shalt  }
0x83: {  	_ =	shalt  }
0x84: {  	_ =	shalt  }
0x85: {  	_ =	shalt  }
0x86: {  	_ =	shalt  }
0x87: {  	_ =	shalt  }
.Lfunc_end0:
.L_simem_size_0:
called_computation_lowered:
.L_overlay_start_0:
0x88: {  	s2 =	sld [smem:$0x3FD9]  }
0x89: {  	s3 =	sld [smem:$0x3FFE];
	_ =	sdelay $0x1  }
0x8a: {  	s1 =	srdreg.scid  }
0x8b: {  	s0 =	sand.u32 $0x1, s1  }
0x8c: {  	s17 =	sshll.u32 s0, $0xA;
	s2 =	sadd.s32 s3, s2  }
0x8d: {  	s2 =	sadd.s32 s2, s17  }
0x8e: {  	[smem:$0x3FB5] =	sst s2  }
0x8f: {  	_ = 	snop  }
0x90: {  	s2 =	sld [smem:$0x3FC9]  }
0x91: {  	s18 =	sld [smem:$0x3FC7]  }
0x92: {  	s4 =	sld [smem:$0x3FD0];
	(tm) =	ssettm $0x1  }
0x93: {  	s5 =	sld [smem:$0x3FFB];
	_ =	sdelay $0x3  }
0x94: {  	_ =	strace s5  }
0x95: {  	s5 =	sld [smem:$0x3FFC];
	_ =	sdelay $0x3  }
0x96: {  	_ =	strace s5  }
0x97: {  	s5 =	sld [smem:$0x3FFD];
	_ =	sdelay $0x3  }
0x98: {  	_ =	strace s5  }
0x99: {  	_ =	strace $0x8FFFFFFF  }
0x9a: {  	s19 =	sld [smem:$0x3FDB];
	_ =	sdelay $0x1  }
0x9b: {  	s6 =	simm.s32 $_scs_section_size  }
0x9c: {  	s7 =	simm.s32 $_size__tile_overlayer_lowered;
	s8 =	simm.s32 $_tile_overlayer_lowered  }
0x9d: {  	s22 =	simm.s32 $0x1BFF;
	s21 =	sshll.u32 s8, $0x1;
	s5 =	sadd.s32 s6, s19  }
0x9e: {  	s9 =	simm.s32 $0x0;
	s20 =	sshll.u32 s7, $0x1;
	s7 =	sadd.s32 s21, s5  }
0x9f: {  	[timem:s9], [sflag:s22] =	dma.local [hbm:s7], s20  }
0xa0: {  	_ =	swait.ge [sflag:s22], s20  }
0xa1: {  	s6 =	ssub.s32 $0x0, s20;
	[sflag:s22] =	ssyncset.done $0x0  }
0xa2: {  	[sflag:s22] =	ssyncadd.s32 s6;
	_ =	sdelay $0x1  }
0xa3: {  	s23 =	simm.s32 $0x1B8B  }
0xa4: {  	_ =	swait.ge [sflag:s23], $0x1  }
0xa5: {  	[sflag:s23] =	ssyncset.done $0x0  }
0xa6: {  	s25 =	simm.s32 $0x1B8E;
	s24 =	sld [smem:$0x3FFE];
	[sflag:s23] =	ssyncadd.s32 $0xFFFFFFFF  }
0xa7: {  	s26 =	simm.s32 $execute0_lowered;
	[smem:$0x3FD2] =	sst s25  }
0xa8: {  	s7 =	sshll.u32 s26, $0x1;
	_ =	strace $0x80000046;
	[dreg:$0x1] =	wrdreg $0xFFFFFFFF  }
0xa9: {  	s28 =	simm.s32 $_size_execute0_lowered;
	s5 =	sadd.s32 s5, s7;
	[dreg:$0x0] =	wrdreg $0x0  }
0xaa: {  	s7 =	sshll.u32 s28, $0x1;
	[dreg:$0x2] =	wrdreg s5  }
0xab: {  	[dreg:$0x3] =	wrdreg s7  }
0xac: {  	[dreg:$0x4] =	wrdreg $0xC0  }
0xad: {  	_ =	task [dreg:s9], $0x5FFFF  }
0xae: {  	[dreg:$0x1] =	wrdreg $0xFFFFFFFF  }
0xaf: {  	[dreg:$0x0] =	wrdreg $0x60  }
0xb0: {  	[dreg:$0x2] =	wrdreg s2  }
0xb1: {  	[dreg:$0x3] =	wrdreg s18  }
0xb2: {  	[dreg:$0x4] =	wrdreg s24  }
0xb3: {  	[dreg:$0x5] =	wrdreg s4  }
0xb4: {  	[dreg:$0x6] =	wrdreg $0x9  }
0xb5: {  	_ =	task.clear_ibuf [dreg:s9], $0x7FFFF;
	_ =	strace $0x90000046  }
0xb6: {  	s29 =	simm.s32 $0x9;
	_ =	strace $0x80000048  }
0xb7: {  	_ =	swait.ge [sflag:s29], $0x1  }
0xb8: {  	[sflag:s29] =	ssyncadd.s32 $0xFFFFFFFF  }
0xb9: {  	_ =	strace $0x90000048  }
0xba: {  	_ =	sfence  }
0xbb: {  	s30 =	sld [smem:$0x0];
	_ =	sdelay $0x2  }
0xbc: {  	s31 =	sshll.u32 s1, $0xD;
	s1 =	sshrl.u32 s1, $0x2  }
0xbd: {  	s3 =	sand.u32 $0x4000, s31;
	s1 =	sadd.s32 s1, s30  }
0xbe: {  	s0 =	sor.u32 s3, s0;
	s1 =	sshll.u32 s1, $0x11  }
0xbf: {  	s0 =	sor.u32 s1, s0  }
0xc0: {  	s0 =	sadd.s32 $0x8F2B, s0  }
0xc1: {  	[sflag:s0] =	ssyncadd.remote.s32 $0x1  }
0xc2: {  	_ =	sfence.sel $0xFFFF  }
0xc3: {  	[dreg:$0x0] =	wrdreg $0xFFFFFFFF;
	(pc) =	sbr.abs _section_cstart, $3  }
0xc4: {  	[dreg:$0x1] =	wrdreg $0xFFFFFFFF  }
0xc5: {  	_ =	task.clear_ibuf [dreg:s9], $0x2FFFF;
	_ =	strace $0x9FFFFFFF  }
0xc6: {  	(tm) =	ssettm $0x7FFFFFFF  }
0xc7: {  	_ =	shalt  }
tec
execute0_lowered:
.L_overlay_start_1:
0x0: {  	(tag) =	ssettag $0x1  }
0x1: {  	s1 =	rddreg [dreg:$0x0]  }
0x2: {  	s2 =	rddreg [dreg:$0x1]  }
0x3: {  	s6 =	rddreg [dreg:$0x2]  }
0x4: {  	s8 =	rddreg [dreg:$0x3]  }
0x5: {  	s0 =	rddreg [dreg:$0x4];
	s4 =	simm.s32 $0x0  }
0x6: {  	s5 =	srdreg.scid;
	s3 =	stileid.u32;
	s11 =	simm.s32 $0x1000  }
0x7: {  	s13 =	simm.s32 $0x2080;
	s14 =	simm.s32 $0x2100;
	s15 =	simm.s32 $0x1  }
0x8: {  	s16 =	simm.s32 $0x0;
	[smem:$0x7FF] =	sst s4;
	s7 =	sand.u32 $0x1, s5  }
0x9: {  	s9 =	sshll.u32 s3, $0x1;
	s5 =	sadd.s32 $0x3400, s6;
	s6 =	sadd.s32 $0x3200, s6  }
0xa: {  	_ =	strace $0x80000047;
	s10 =	ssub.s32 $0x2, s7;
	s12 =	sor.u32 s7, s9  }
0xb: {  	s31 =	sshrl.u32 s10, $0x1;
	s9 =	sshll.u32 s12, $0xB;
	s7 =	sshll.u32 s12, $0x7  }
0xc: {  	v0 =	vimm.s32 $0x0;
	p0 =	sne.s32 s12, $0x0;
	s12 =	simm.s32 $0x80;
	s10 =	ssub.s32 s10, s31  }
0xd: {  	v1 =	vlaneseq.u32;
	s8 =	sadd.s32 s8, s9;
	vm0 =	vcmask @!p0 $0x300;
	vm1 =	vcmask @!p0 $0x704;
	s9 =	smax.u32 s10, $0x1;
	s10 =	simm.s32 $0x2  }
.LBB2_1:
0xe: {  	[tilespmem:s4], [sflag:$0x2] =	stream.linear.gather [hbm4b:s1+s4], $0x1000, $0x38;
	[tilespmem:$0x6100] =	vst v63  }
0xf: {  	_ =	swait.ge [sflag:s10], $0x1000  }
0x10: {  	[sflag:s10] =	ssyncset.done $0x0  }
0x11: {  	s17 =	simm.s32 $0x0;
	[sflag:s10] =	ssyncadd.s32 $0xFFFFF000  }
0x12: {  	v2 =	vld [tilespmem:s17+$0x0]  }
0x13: {  	s29 =	simm.s32 $0x10  }
0x14: {  	v3 =	vld [tilespmem:s29+$0x0]  }
0x15: {  	s30 =	simm.s32 $0x20  }
0x16: {  	v4 =	vld [tilespmem:s30+$0x0]  }
0x17: {  	vm2 =	veq.s32 v2, $0x1  }
0x18: {  	vm3 =	veq.s32 v2, $0x0;
	v2 =	vsel vm2, $0x1, v0  }
0x19: {  	vm2 =	veq.s32 v3, $0x1;
	(xrf0) =	vadd.scan.msk.s32 $0xffff, v2;
	v2 =	vsel vm3, $0x1, v0  }
0x1a: {  	vm3 =	veq.s32 v3, $0x0;
	(xrf0) =	vadd.scan.msk.s32 $0xffff, v2;
	v2 =	vsel vm2, $0x1, v0  }
0x1b: {  	v3 =	vsel vm3, $0x1, v0;
	vm2 =	veq.s32 v4, $0x1;
	(xrf0) =	vadd.scan.msk.s32 $0xffff, v2  }
0x1c: {  	vm3 =	veq.s32 v4, $0x0;
	v2 =	vsel vm2, $0x1, v0;
	(xrf0) =	vadd.scan.msk.s32 $0xffff, v3  }
0x1d: {  	s31 =	simm.s32 $0x30;
	v4 =	vsel vm3, $0x1, v0;
	(xrf0) =	vadd.scan.msk.s32 $0xffff, v2  }
0x1e: {  	v3 =	vld [tilespmem:s31+$0x0];
	(xrf0) =	vadd.scan.msk.s32 $0xffff, v4  }
0x1f: {  	v2, _, _ =	vpop (xrf0)  }
0x20: {  	v61, _, _ =	vpop (xrf0);
	(v2sf) =	vpush v2, $0xF  }
0x21: {  	v2, _, _ =	vpop (xrf0);
	(v2sf) =	vpush v61, $0xF  }
0x22: {  	v62, _, _ =	vpop (xrf0);
	(v2sf) =	vpush v2, $0xF  }
0x23: {  	vm2 =	veq.s32 v3, $0x1;
	vm3 =	veq.s32 v3, $0x0;
	(v2sf) =	vpush v62, $0xF;
	v3, _, _ =	vpop (xrf0)  }
0x24: {  	v5, _, _ =	vpop (xrf0);
	(v2sf) =	vpush v3, $0xF  }
0x25: {  	(v2sf) =	vpush v5, $0xF;
	_ =	sdelay $0x4  }
0x26: {  	s18 =	simm.s32 $0x40;
	v2 =	vsel vm2, $0x1, v0  }
0x27: {  	(xrf0) =	vadd.scan.msk.s32 $0xffff, v2;
	v2 =	vld [tilespmem:s18+$0x0]  }
0x28: {  	v63 =	vsel vm3, $0x1, v0  }
0x29: {  	(xrf0) =	vadd.scan.msk.s32 $0xffff, v63  }
0x2a: {  	s19 =	simm.s32 $0x0;
	s17 =	simm.s32 $0x140;
	s18 =	simm.s32 $0x0  }
.LBB2_2:
0x2b: {  	s20 =	sshra.s32 s17, $0x2;
	p1 =	sne.s32 s17, $0x3FC0  }
.Ltmp0:
0x2c: {  	s17 =	sadd.s32 $0x40, s17;
	vm2 =	veq.s32 v2, $0x0;
	vm3 =	veq.s32 v2, $0x1;
	s21 =	spop (v2sf);
	(pc) =	sbr.rel @p1 .LBB2_2-.Ltmp0, $4  }
0x2d: {  	v2 =	vld [tilespmem:s20+$0x0];
	v6 =	vsel vm2, $0x1, v0;
	v5 =	vsel vm3, $0x1, v0;
	s18 =	sadd.s32 s18, s21;
	s20 =	spop (v2sf)  }
0x2e: {  	(xrf0) =	vadd.scan.msk.s32 $0xffff, v5;
	v4, _, _ =	vpop (xrf0);
	s19 =	sadd.s32 s19, s20  }
0x2f: {  	(xrf0) =	vadd.scan.msk.s32 $0xffff, v6;
	v3, _, _ =	vpop (xrf0);
	(v2sf) =	vpush v4, $0xF  }
0x30: {  	(v2sf) =	vpush v3, $0xF  }
0x31: {  	_ = 	snop  }
0x32: {  	vm2 =	veq.s32 v2, $0x1  }
0x33: {  	vm3 =	veq.s32 v2, $0x0;
	v2 =	vsel vm2, $0x1, v0  }
0x34: {  	v3 =	vsel vm3, $0x1, v0;
	(xrf0) =	vadd.scan.msk.s32 $0xffff, v2  }
0x35: {  	(xrf0) =	vadd.scan.msk.s32 $0xffff, v3;
	_ =	sdelay $0x2  }
0x36: {  	v2, _, _ =	vpop (xrf0)  }
0x37: {  	v3, _, _ =	vpop (xrf0);
	(v2sf) =	vpush v2, $0xF  }
0x38: {  	(v2sf) =	vpush v3, $0xF;
	v2, _, _ =	vpop (xrf0)  }
0x39: {  	v3, _, _ =	vpop (xrf0);
	(v2sf) =	vpush v2, $0xF  }
0x3a: {  	(v2sf) =	vpush v3, $0xF;
	_ =	sdelay $0x4  }
0x3b: {  	s17 =	simm.s32 $0x0  }
0x3c: {  	s20 =	spop (v2sf);
	v2 =	vld [tilespmem:s17+$0x0]  }
0x3d: {  	s21 =	spop (v2sf)  }
0x3e: {  	s22 =	spop (v2sf)  }
0x3f: {  	s23 =	spop (v2sf)  }
0x40: {  	s24 =	spop (v2sf)  }
0x41: {  	s25 =	spop (v2sf);
	vm2 =	veq.s32 v2, $0x0  }
0x42: {  	s18 =	sadd.s32 s18, s20;
	s19 =	sadd.s32 s19, s21;
	vm3 =	veq.s32 v2, $0x1;
	v3 =	vsel vm2, $0x1, v0;
	s28 =	spop (v2sf)  }
0x43: {  	s18 =	sadd.s32 s18, s22;
	s19 =	sadd.s32 s19, s23;
	vm4 =	veq.s32 v2, $0x2;
	v2 =	vsel vm3, $0x1, v0;
	(xrf0) =	vadd.scan.msk.s32 $0xffff, v3;
	s29 =	spop (v2sf)  }
0x44: {  	s18 =	sadd.s32 s18, s24;
	s19 =	sadd.s32 s19, s25;
	v3 =	vsel vm4, $0x1, v0;
	(xrf0) =	vadd.scan.msk.s32 $0xffff, v2;
	s30 =	spop (v2sf)  }
0x45: {  	(xrf0) =	vadd.scan.msk.s32 $0xffff, v3;
	s18 =	sadd.s32 s18, s28;
	s19 =	sadd.s32 s19, s29;
	s31 =	spop (v2sf)  }
0x46: {  	v2 =	vmov s17;
	s18 =	sadd.s32 s18, s30;
	s19 =	sadd.s32 s19, s31  }
0x47: {  	v2 =	vadd.s32 $0xFFFFFFFF, v2;
	s18 =	sadd.s32 s19, s18;
	v3 =	vmov s19  }
0x48: {  	v2 =	vbroadcast v2, $0x0;
	v3 =	vadd.s32 $0xFFFFFFFF, v3;
	v4 =	vmov s18  }
0x49: {  	v5, _, _ =	vpop (xrf0);
	v3 =	vbroadcast v3, $0x0;
	v4 =	vadd.s32 $0xFFFFFFFF, v4  }
0x4a: {  	v2 =	vadd.s32 v5, v2;
	v6, _, _ =	vpop (xrf0);
	(v2sf) =	vpush v5, $0xF;
	v4 =	vbroadcast v4, $0x0  }
0x4b: {  	v7, _, _ =	vpop (xrf0);
	(v2sf) =	vpush v6, $0xF;
	v3 =	vadd.s32 v6, v3  }
0x4c: {  	(v2sf) =	vpush v7, $0xF;
	v4 =	vadd.s32 v7, v4;
	_ =	sdelay $0x1  }
0x4d: {  	v8 =	vor.u32 s17, v1  }
0x4e: {  	[tilespmem:v2+s11+$0x0] =	vst.idx.msk vm2, v8  }
0x4f: {  	[tilespmem:v3+s11+$0x0] =	vst.idx.msk vm3, v8  }
0x50: {  	s20 =	simm.s32 $0x10;
	s23 =	simm.s32 $0x20;
	[tilespmem:v4+s11+$0x0] =	vst.idx.msk vm4, v8  }
0x51: {  	s24 =	simm.s32 $0x10;
	s22 =	smov.u32 s19;
	s21 =	smov.u32 s18;
	v2 =	vld [tilespmem:s20+$0x0]  }
.LBB2_4:
0x52: {  	p1 =	sne.s32 s23, $0xFF0;
	_ =	sdelay $0x3  }
0x53: {  	vm4 =	veq.s32 v2, $0x0;
	vm3 =	veq.s32 v2, $0x1;
	vm2 =	veq.s32 v2, $0x2  }
0x54: {  	v2 =	vsel vm4, $0x1, v0  }
0x55: {  	v3 =	vsel vm3, $0x1, v0;
	(xrf0) =	vadd.scan.msk.s32 $0xffff, v2;
	s25 =	spop (v2sf)  }
0x56: {  	v2 =	vsel vm2, $0x1, v0;
	(xrf0) =	vadd.scan.msk.s32 $0xffff, v3;
	s17 =	sadd.s32 s17, s25;
	s25 =	spop (v2sf)  }
0x57: {  	v3 =	vmov s17;
	(xrf0) =	vadd.scan.msk.s32 $0xffff, v2;
	s22 =	sadd.s32 s22, s25;
	s25 =	spop (v2sf)  }
0x58: {  	v2 =	vadd.s32 $0xFFFFFFFF, v3;
	s21 =	sadd.s32 s21, s25  }
0x59: {  	v3 =	vmov s22;
	v2 =	vbroadcast v2, $0x0  }
0x5a: {  	v3 =	vadd.s32 $0xFFFFFFFF, v3;
	v4 =	vmov s21  }
0x5b: {  	v3 =	vbroadcast v3, $0x0;
	v4 =	vadd.s32 $0xFFFFFFFF, v4;
	v5, _, _ =	vpop (xrf0)  }
0x5c: {  	v4 =	vbroadcast v4, $0x0;
	v2 =	vadd.s32 v5, v2;
	v6, _, _ =	vpop (xrf0);
	(v2sf) =	vpush v5, $0xF  }
0x5d: {  	v3 =	vadd.s32 v6, v3;
	v5, _, _ =	vpop (xrf0);
	(v2sf) =	vpush v6, $0xF  }
0x5e: {  	v4 =	vadd.s32 v5, v4;
	(v2sf) =	vpush v5, $0xF;
	_ =	sdelay $0x1  }
.Ltmp1:
0x5f: {  	v5 =	vor.u32 s20, v1;
	s20 =	smov.u32 s23;
	(pc) =	sbr.rel @p1 .LBB2_4-.Ltmp1, $4  }
0x60: {  	[tilespmem:v2+s11+$0x0] =	vst.idx.msk vm4, v5  }
0x61: {  	[tilespmem:v3+s11+$0x0] =	vst.idx.msk vm3, v5  }
0x62: {  	s24 =	sadd.s32 $0x10, s24;
	[tilespmem:v4+s11+$0x0] =	vst.idx.msk vm2, v5  }
0x63: {  	s23 =	sadd.s32 $0x10, s23;
	v2 =	vld [tilespmem:s24+$0x0]  }
0x64: {  	_ =	sdelay $0x3  }
0x65: {  	vm3 =	veq.s32 v2, $0x0  }
0x66: {  	vm2 =	veq.s32 v2, $0x1;
	v3 =	vsel vm3, $0x1, v0  }
0x67: {  	vm4 =	veq.s32 v2, $0x2;
	v4 =	vsel vm2, $0x1, v0;
	(xrf0) =	vadd.scan.msk.s32 $0xffff, v3  }
0x68: {  	v2 =	vsel vm4, $0x1, v0;
	(xrf0) =	vadd.scan.msk.s32 $0xffff, v4  }
0x69: {  	(xrf0) =	vadd.scan.msk.s32 $0xffff, v2;
	_ =	sdelay $0x3  }
0x6a: {  	s23 =	spop (v2sf);
	v2, _, _ =	vpop (xrf0)  }
0x6b: {  	s17 =	sadd.s32 s17, s23;
	s26 =	spop (v2sf);
	v3, _, _ =	vpop (xrf0);
	(v2sf) =	vpush v2, $0xF  }
0x6c: {  	v5 =	vmov s17;
	s28 =	spop (v2sf);
	s22 =	sadd.s32 s22, s26;
	(v2sf) =	vpush v3, $0xF;
	v61, _, _ =	vpop (xrf0)  }
0x6d: {  	v5 =	vadd.s32 $0xFFFFFFFF, v5;
	s17 =	sadd.s32 s21, s28;
	v6 =	vmov s22;
	(v2sf) =	vpush v61, $0xF  }
0x6e: {  	v5 =	vbroadcast v5, $0x0;
	v6 =	vadd.s32 $0xFFFFFFFF, v6;
	v7 =	vmov s17  }
0x6f: {  	v6 =	vbroadcast v6, $0x0;
	v7 =	vadd.s32 $0xFFFFFFFF, v7  }
0x70: {  	v62 =	vbroadcast v7, $0x0;
	v2 =	vadd.s32 v2, v5  }
0x71: {  	v3 =	vadd.s32 v3, v6  }
0x72: {  	v4 =	vadd.s32 v61, v62;
	_ =	sdelay $0x1  }
0x73: {  	v63 =	vor.u32 s20, v1  }
0x74: {  	[tilespmem:v2+s11+$0x0] =	vst.idx.msk vm3, v63;
	v2 =	vmov @!p0 s19  }
0x75: {  	[tilespmem:v3+s11+$0x0] =	vst.idx.msk vm2, v63;
	v2 =	vnsel @!p0 vm0, $0x0, v2  }
0x76: {  	[tilespmem:v4+s11+$0x0] =	vst.idx.msk vm4, v63;
	v2 =	vsel @!p0 vm1, s18, v2  }
0x77: {  	s17 =	simm.s32 @!p0 $0x0;
	s18 =	simm.s32 @!p0 $0x1000;
	[tilespmem:$0x2000] =	vst @!p0 v2  }
0x78: {  	[hbm4b:s5+s17] =	stream.linear.scatter @!p0 [tilespmem:s18], [sflag:$0x2], $0x1000, $0x38;
	[tilespmem:$0x6100] =	vst v63  }
0x79: {  	s29 =	spop (v2sf)  }
0x7a: {  	s30 =	spop (v2sf)  }
0x7b: {  	s18 =	simm.s32 @!p0 $0x2;
	s31 =	spop (v2sf)  }
0x7c: {  	_ =	swait.ge @!p0 [sflag:s18], $0x1000  }
0x7d: {  	[sflag:s18] =	ssyncset.done @!p0 $0x0  }
0x7e: {  	s19 =	simm.s32 @!p0 $0x2000;
	[sflag:s18] =	ssyncadd.s32 @!p0 $0xFFFFF000  }
0x7f: {  	[hbm4b:s6+s17] =	stream.linear.scatter @!p0 [tilespmem:s19], [sflag:$0x2], $0x80, $0x38;
	[tilespmem:$0x6100] =	vst v63  }
0x80: {  	_ =	swait.ge @!p0 [sflag:s18], $0x80  }
0x81: {  	[sflag:s18] =	ssyncset.done @!p0 $0x0  }
0x82: {  	[sflag:s18] =	ssyncadd.s32 @!p0 $0xFFFFFF80  }
0x83: {  	v2 =	vld [tilespmem:s7+$0x1000];
	_ =	sdelay $0x4  }
0x84: {  	[tilespmem:$0x2080] =	vst v2  }
0x85: {  	v2 =	vld [tilespmem:s7+$0x1010];
	_ =	sdelay $0x4  }
0x86: {  	[tilespmem:$0x2090] =	vst v2  }
0x87: {  	v2 =	vld [tilespmem:s7+$0x1020];
	_ =	sdelay $0x4  }
0x88: {  	[tilespmem:$0x20A0] =	vst v2  }
0x89: {  	v2 =	vld [tilespmem:s7+$0x1030];
	_ =	sdelay $0x4  }
0x8a: {  	[tilespmem:$0x20B0] =	vst v2  }
0x8b: {  	v2 =	vld [tilespmem:s7+$0x1040];
	_ =	sdelay $0x4  }
0x8c: {  	[tilespmem:$0x20C0] =	vst v2  }
0x8d: {  	v2 =	vld [tilespmem:s7+$0x1050];
	_ =	sdelay $0x4  }
0x8e: {  	[tilespmem:$0x20D0] =	vst v2  }
0x8f: {  	v2 =	vld [tilespmem:s7+$0x1060];
	_ =	sdelay $0x4  }
0x90: {  	[tilespmem:$0x20E0] =	vst v2  }
0x91: {  	v2 =	vld [tilespmem:s7+$0x1070];
	_ =	sdelay $0x4  }
0x92: {  	[tilespmem:$0x20F0] =	vst v2  }
0x93: {  	[tilespmem:s14], [sflag:$0x1] =	stream.indirect.gather [hbm4b:s2+s12], $0x80, s13, s12, $0xb8;
	[tilespmem:$0x6100] =	vst v63  }
0x94: {  	s16 =	sadd.s32 $0x1, s16;
	_ =	swait.ge [sflag:s15], $0x4000  }
0x95: {  	p1 =	sne.s32 s16, s9;
	[sflag:s15] =	ssyncset.done $0x0  }
.Ltmp2:
0x96: {  	[sflag:s15] =	ssyncadd.s32 $0xFFFFC000;
	(pc) =	sbr.rel @p1 .LBB2_1-.Ltmp2, $4  }
0x97: {  	[hbm4b:s8+s4] =	stream.linear.scatter [tilespmem:s14], [sflag:$0x2], $0x4000, $0x38;
	[tilespmem:$0x6100] =	vst v63  }
0x98: {  	_ =	swait.ge [sflag:s10], $0x4000  }
0x99: {  	[sflag:s10] =	ssyncset.done $0x0  }
0x9a: {  	[sflag:s10] =	ssyncadd.s32 $0xFFFFC000  }
0x9b: {  	_ =	sfence.sel $0x180000  }
0x9c: {  	[bflag:$0x0] =	sbarrier.arrive $0xFFFF  }
0x9d: {  	p0 =	sne.s32 s3, $0x0;
	_ =	strace $0x90000047  }
0x9e: {  	s0 =	sadd.s32 @!p0 $0x100000, s0;
	[bflag:$0x2] =	sbarrier.arrive $0xFFFF  }
0x9f: {  	[sflag:s0] =	ssyncadd.tile.s32 @!p0 $0x1;
	_ =	shalt  }
.Lfunc_end2:
_tile_overlayer_lowered:
.L_overlay_start_2:
0xa0: {  	(tag) =	ssettag $0x2  }
0xa1: {  	s0 =	rddreg [dreg:$0x0];
	s2 =	stileid.u32  }
0xa2: {  	s1 =	rddreg [dreg:$0x1];
	p0 =	sne.s32 s2, $0x0  }
0xa3: {  	s3 =	rddreg [dreg:$0x2];
	[bflag:$0x3] =	sbarrier.arrive $0xFFFF;
	s2 =	simm.s32 @!p0 $0x1C02  }
0xa4: {  	[timem:s3], [sflag:s2] =	dma.local @!p0 [hbm:s0], s1  }
0xa5: {  	s0 =	simm.s32 @!p0 $0x2  }
0xa6: {  	_ =	swait.ge @!p0 [sflag:s0], s1  }
0xa7: {  	s1 =	ssub.s32 @!p0 $0x0, s1;
	[sflag:s0] =	ssyncset.done @!p0 $0x0  }
0xa8: {  	[sflag:s0] =	ssyncadd.s32 @!p0 s1  }
0xa9: {  	[bflag:$0x3] =	sbarrier.arrive $0xFFFF  }
0xaa: {  	_ =	shalt  }

// kernel: kernel.8.cloned.1.call-start
scs
__scs_entry_jumppad:
0x0: {  	(pc) =	sbr.rel $0x88, $3  }
0x1: {  	(tag) =	ssettag $0x0;
	lr =	simm.s32 $0x1  }
0x2: {  	[smem:$0x3F8E] =	sst lr;
	_ =	strace $0xD0000000  }
0x3: {  	_ = 	snop  }
0x4: {  	_ = 	snop  }
0x5: {  	_ = 	snop  }
0x6: {  	_ = 	snop  }
0x7: {  	_ = 	snop  }
__scs_overlays_trampoline_lowered:
0x8: {  	[smem:$0x3F9D] =	sst s0  }
0x9: {  	[smem:$0x3F9E] =	sst s1  }
0xa: {  	[smem:$0x3F9F] =	sst s2  }
0xb: {  	[smem:$0x3FA0] =	sst s3  }
0xc: {  	[smem:$0x3FA1] =	sst s4  }
0xd: {  	[smem:$0x3FA2] =	sst s5  }
0xe: {  	[smem:$0x3FA3] =	sst s6  }
0xf: {  	[smem:$0x3FA4] =	sst s7  }
0x10: {  	[smem:$0x3FA5] =	sst s8  }
0x11: {  	[smem:$0x3FA6] =	sst s9;
	s0 =	simm.s32 @!p0 $0x0  }
0x12: {  	s1 =	sld [smem:$0x3F8C];
	s0 =	simm.s32 @p0 $0x1  }
0x13: {  	[smem:$0x3FA7] =	sst s0;
	s0 =	simm.s32 @!p1 $0x0  }
0x14: {  	s2 =	sld [smem:$0x3F8B];
	s0 =	simm.s32 @p1 $0x1  }
0x15: {  	[smem:$0x3FA8] =	sst s0;
	s0 =	simm.s32 @!p2 $0x0  }
0x16: {  	s3 =	sld [smem:$0x3FDB];
	s0 =	simm.s32 @p2 $0x1  }
0x17: {  	s4 =	simm.s32 $0x1BF5;
	[smem:$0x3FAA] =	sst s0  }
0x18: {  	s0 =	sld [smem:$0x3F8D];
	_ =	swait.ge [sflag:s4], $0x0  }
0x19: {  	s7 =	sld [smem:$0x3F8E]  }
0x1a: {  	s8 =	sadd.s32 $0xFFFFE003, lr  }
0x1b: {  	s9 =	sadd.s32 $0xFFFFFEF7, lr;
	s5 =	simm.s32 $0xFFFFFFFF;
	p2 =	slt.u32 s8, $0xFFFFF086  }
0x1c: {  	p1 =	slt.u32 s9, $0xF7A;
	s5 =	simm.s32 @!p2 $0x0  }
0x1d: {  	s5 =	simm.s32 @p1 $0x1;
	p0 =	seq.s32 s7, s2  }
0x1e: {  	s7 =	smul.u32 @!p0 $0xF7A, s2;
	p2 =	seq.s32 @!p0 s5, $0x0  }
0x1f: {  	s9 =	smul.u32 $0xF7A, s1;
	s8 =	simm.s32 @!p0 $0x1BF5;
	p2 =	por !p2, p0  }
0x20: {  	[sflag:s8] =	ssyncset.s32 @!p0 $0xFFFFF086;
	s6 =	sadd.s32 @!p0 s3, s7;
	s7 =	simm.s32 @!p0 $0x108  }
0x21: {  	s3 =	sadd.s32 s3, s9;
	s6 =	sadd.s32 @!p0 $0x88, s6;
	s7 =	simm.s32 @p2 $0x1082  }
0x22: {  	[simem:s7], [sflag:s8] =	dma.local @!p0 [hbm:s6], $0xF7A  }
0x23: {  	s9 =	sor.u32 $0xD0000000, s2;
	s6 =	simm.s32 $0x108;
	_ =	swait.ge @!p0 [sflag:s8], $0x0  }
0x24: {  	s3 =	sadd.s32 $0x88, s3;
	s6 =	simm.s32 @!p1 $0x1082;
	[sflag:s4] =	ssyncset.s32 $0xFFFFF086  }
0x25: {  	[simem:s6], [sflag:s4] =	dma.local [hbm:s3], $0xF7A  }
0x26: {  	[smem:$0x3F8E] =	sst s1;
	(tag) =	ssettag s2;
	_ =	strace s9  }
0x27: {  	s1 =	sld [smem:$0x3F9E]  }
0x28: {  	s2 =	sld [smem:$0x3F9F]  }
0x29: {  	s4 =	sld [smem:$0x3FA1]  }
0x2a: {  	p0 =	seq.s32 s5, $0x0;
	s5 =	sld [smem:$0x3FA2]  }
0x2b: {  	s6 =	sld [smem:$0x3FA3]  }
0x2c: {  	s7 =	sld [smem:$0x3FA4]  }
0x2d: {  	s3 =	simm.s32 $0x108;
	s8 =	sld [smem:$0x3FA5]  }
0x2e: {  	s3 =	simm.s32 @!p0 $0x1082;
	s9 =	sld [smem:$0x3FA6]  }
0x2f: {  	lr =	sadd.s32 s0, s3;
	s0 =	sld [smem:$0x3F9D]  }
0x30: {  	s3 =	sld [smem:$0x3FA0]  }
0x31: {  	[smem:$0x3FA9] =	sst s10  }
0x32: {  	s10 =	sld [smem:$0x3FA7];
	_ =	sdelay $0x3  }
0x33: {  	p0 =	seq.s32 s10, $0x1;
	s10 =	sld [smem:$0x3FA9];
	_ =	sdelay $0x3  }
0x34: {  	[smem:$0x3FA9] =	sst s10  }
0x35: {  	s10 =	sld [smem:$0x3FA8];
	_ =	sdelay $0x3  }
0x36: {  	p1 =	seq.s32 s10, $0x1;
	s10 =	sld [smem:$0x3FA9];
	_ =	sdelay $0x3  }
0x37: {  	[smem:$0x3FA9] =	sst s10  }
0x38: {  	s10 =	sld [smem:$0x3FAA]  }
0x39: {  	_ = 	snop;
	(pc) =	sbr.ind lr, $3  }
0x3a: {  	_ = 	snop  }
0x3b: {  	_ = 	snop  }
0x3c: {  	p2 =	seq.s32 s10, $0x1;
	s10 =	sld [smem:$0x3FA9]  }
0x3d: {  	_ =	shalt  }
0x3e: {  	_ =	shalt  }
0x3f: {  	_ =	shalt  }
0x40: {  	_ =	shalt  }
0x41: {  	_ =	shalt  }
0x42: {  	_ =	shalt  }
0x43: {  	_ =	shalt  }
0x44: {  	_ =	shalt  }
0x45: {  	_ =	shalt  }
0x46: {  	_ =	shalt  }
0x47: {  	_ =	shalt  }
0x48: {  	_ =	shalt  }
0x49: {  	_ =	shalt  }
0x4a: {  	_ =	shalt  }
0x4b: {  	_ =	shalt  }
0x4c: {  	_ =	shalt  }
0x4d: {  	_ =	shalt  }
0x4e: {  	_ =	shalt  }
0x4f: {  	_ =	shalt  }
0x50: {  	_ =	shalt  }
0x51: {  	_ =	shalt  }
0x52: {  	_ =	shalt  }
0x53: {  	_ =	shalt  }
0x54: {  	_ =	shalt  }
0x55: {  	_ =	shalt  }
0x56: {  	_ =	shalt  }
0x57: {  	_ =	shalt  }
0x58: {  	_ =	shalt  }
0x59: {  	_ =	shalt  }
0x5a: {  	_ =	shalt  }
0x5b: {  	_ =	shalt  }
0x5c: {  	_ =	shalt  }
0x5d: {  	_ =	shalt  }
0x5e: {  	_ =	shalt  }
0x5f: {  	_ =	shalt  }
0x60: {  	_ =	shalt  }
0x61: {  	_ =	shalt  }
0x62: {  	_ =	shalt  }
0x63: {  	_ =	shalt  }
0x64: {  	_ =	shalt  }
0x65: {  	_ =	shalt  }
0x66: {  	_ =	shalt  }
0x67: {  	_ =	shalt  }
0x68: {  	_ =	shalt  }
0x69: {  	_ =	shalt  }
0x6a: {  	_ =	shalt  }
0x6b: {  	_ =	shalt  }
0x6c: {  	_ =	shalt  }
0x6d: {  	_ =	shalt  }
0x6e: {  	_ =	shalt  }
0x6f: {  	_ =	shalt  }
0x70: {  	_ =	shalt  }
0x71: {  	_ =	shalt  }
0x72: {  	_ =	shalt  }
0x73: {  	_ =	shalt  }
0x74: {  	_ =	shalt  }
0x75: {  	_ =	shalt  }
0x76: {  	_ =	shalt  }
0x77: {  	_ =	shalt  }
0x78: {  	_ =	shalt  }
0x79: {  	_ =	shalt  }
0x7a: {  	_ =	shalt  }
0x7b: {  	_ =	shalt  }
0x7c: {  	_ =	shalt  }
0x7d: {  	_ =	shalt  }
0x7e: {  	_ =	shalt  }
0x7f: {  	_ =	shalt  }
0x80: {  	_ =	shalt  }
0x81: {  	_ =	shalt  }
0x82: {  	_ =	shalt  }
0x83: {  	_ =	shalt  }
0x84: {  	_ =	shalt  }
0x85: {  	_ =	shalt  }
0x86: {  	_ =	shalt  }
0x87: {  	_ =	shalt  }
.Lfunc_end0:
.L_simem_size_0:
called_computation.1_lowered:
.L_overlay_start_0:
0x88: {  	s2 =	sld [smem:$0x3FD9]  }
0x89: {  	s3 =	sld [smem:$0x3FFE];
	_ =	sdelay $0x1  }
0x8a: {  	s1 =	srdreg.scid  }
0x8b: {  	s0 =	sand.u32 $0x1, s1  }
0x8c: {  	s17 =	sshll.u32 s0, $0xA;
	s2 =	sadd.s32 s3, s2  }
0x8d: {  	s2 =	sadd.s32 s2, s17  }
0x8e: {  	[smem:$0x3FB5] =	sst s2  }
0x8f: {  	_ = 	snop  }
0x90: {  	s2 =	sld [smem:$0x3FD0];
	(tm) =	ssettm $0x1  }
0x91: {  	s18 =	sld [smem:$0x3FFB];
	_ =	sdelay $0x3  }
0x92: {  	_ =	strace s18  }
0x93: {  	s3 =	sld [smem:$0x3FFC];
	_ =	sdelay $0x3  }
0x94: {  	_ =	strace s3  }
0x95: {  	s3 =	sld [smem:$0x3FFD];
	_ =	sdelay $0x3  }
0x96: {  	_ =	strace s3  }
0x97: {  	_ =	strace $0x8FFFFFFF  }
0x98: {  	s19 =	sld [smem:$0x3FDB];
	_ =	sdelay $0x1  }
0x99: {  	s4 =	simm.s32 $_scs_section_size  }
0x9a: {  	s5 =	simm.s32 $_size__tile_overlayer_lowered;
	s6 =	simm.s32 $_tile_overlayer_lowered  }
0x9b: {  	s22 =	simm.s32 $0x1BFF;
	s21 =	sshll.u32 s6, $0x1;
	s3 =	sadd.s32 s4, s19  }
0x9c: {  	s7 =	simm.s32 $0x0;
	s20 =	sshll.u32 s5, $0x1;
	s5 =	sadd.s32 s21, s3  }
0x9d: {  	[timem:s7], [sflag:s22] =	dma.local [hbm:s5], s20  }
0x9e: {  	_ =	swait.ge [sflag:s22], s20  }
0x9f: {  	s4 =	ssub.s32 $0x0, s20;
	[sflag:s22] =	ssyncset.done $0x0  }
0xa0: {  	[sflag:s22] =	ssyncadd.s32 s4;
	_ =	sdelay $0x1  }
0xa1: {  	s23 =	simm.s32 $0x1B8B  }
0xa2: {  	_ =	swait.ge [sflag:s23], $0x1  }
0xa3: {  	[sflag:s23] =	ssyncset.done $0x0  }
0xa4: {  	s25 =	simm.s32 $0x1B8E;
	s24 =	sld [smem:$0x3FFE];
	[sflag:s23] =	ssyncadd.s32 $0xFFFFFFFF  }
0xa5: {  	s26 =	simm.s32 $execute0_lowered;
	[smem:$0x3FD2] =	sst s25  }
0xa6: {  	s5 =	sshll.u32 s26, $0x1;
	_ =	strace $0x80000049;
	[dreg:$0x1] =	wrdreg $0xFFFFFFFF  }
0xa7: {  	s28 =	simm.s32 $_size_execute0_lowered;
	s3 =	sadd.s32 s3, s5;
	[dreg:$0x0] =	wrdreg $0x0  }
0xa8: {  	s5 =	sshll.u32 s28, $0x1;
	[dreg:$0x2] =	wrdreg s3  }
0xa9: {  	[dreg:$0x3] =	wrdreg s5  }
0xaa: {  	[dreg:$0x4] =	wrdreg $0xC0  }
0xab: {  	_ =	task [dreg:s7], $0x5FFFF  }
0xac: {  	[dreg:$0x1] =	wrdreg $0xFFFFFFFF  }
0xad: {  	[dreg:$0x0] =	wrdreg $0x60  }
0xae: {  	[dreg:$0x2] =	wrdreg s24  }
0xaf: {  	[dreg:$0x3] =	wrdreg s2  }
0xb0: {  	[dreg:$0x4] =	wrdreg $0x9  }
0xb1: {  	_ =	task.clear_ibuf [dreg:s7], $0x5FFFF;
	_ =	strace $0x90000049  }
0xb2: {  	s29 =	simm.s32 $0x9;
	_ =	strace $0x8000004B  }
0xb3: {  	_ =	swait.ge [sflag:s29], $0x1  }
0xb4: {  	[sflag:s29] =	ssyncadd.s32 $0xFFFFFFFF  }
0xb5: {  	_ =	strace $0x9000004B  }
0xb6: {  	_ =	sfence  }
0xb7: {  	s30 =	sld [smem:$0x0];
	_ =	sdelay $0x2  }
0xb8: {  	s31 =	sshll.u32 s1, $0xD;
	s1 =	sshrl.u32 s1, $0x2  }
0xb9: {  	s3 =	sand.u32 $0x4000, s31;
	s1 =	sadd.s32 s1, s30  }
0xba: {  	s0 =	sor.u32 s3, s0;
	s1 =	sshll.u32 s1, $0x11  }
0xbb: {  	s0 =	sor.u32 s1, s0  }
0xbc: {  	s0 =	sadd.s32 $0x8F2B, s0  }
0xbd: {  	[sflag:s0] =	ssyncadd.remote.s32 $0x1  }
0xbe: {  	_ =	sfence.sel $0xFFFF  }
0xbf: {  	[dreg:$0x0] =	wrdreg $0xFFFFFFFF;
	(pc) =	sbr.abs _section_cstart, $3  }
0xc0: {  	[dreg:$0x1] =	wrdreg $0xFFFFFFFF  }
0xc1: {  	_ =	task.clear_ibuf [dreg:s7], $0x2FFFF;
	_ =	strace $0x9FFFFFFF  }
0xc2: {  	(tm) =	ssettm $0x7FFFFFFF  }
0xc3: {  	_ =	shalt  }
tec
execute0_lowered:
.L_overlay_start_1:
0x0: {  	(tag) =	ssettag $0x1  }
0x1: {  	s1 =	srdreg.scid  }
0x2: {  	s0 =	stileid.u32;
	s6 =	sand.u32 $0x1, s1  }
0x3: {  	s7 =	rddreg [dreg:$0x0];
	s30 =	sshll.u32 s0, $0x8;
	s3 =	sshll.u32 s6, $0x7  }
0x4: {  	s2 =	rddreg [dreg:$0x1];
	s5 =	simm.s32 $0x2;
	s8 =	sor.u32 s3, s30  }
0x5: {  	s1 =	rddreg [dreg:$0x2];
	s3 =	simm.s32 $0x0;
	s4 =	sshrl.u32 s8, $0x3  }
0x6: {  	s31 =	ssub.s32 $0x2, s6;
	[smem:$0x7FF] =	sst s3;
	s4 =	sadd.s32 s4, s7  }
0x7: {  	s8 =	sshll.u32 s8, $0x4;
	_ =	strace $0x8000004A;
	s4 =	sadd.s32 $0x3400, s4  }
0x8: {  	[tilespmem:s3], [sflag:$0x2] =	stream.linear.gather [hbm4b:s4+s3], $0x80, $0x38;
	[tilespmem:$0x4080] =	vst v63  }
0x9: {  	s9 =	sshrl.u32 s31, $0x1;
	s7 =	sadd.s32 s8, s7;
	_ =	swait.ge [sflag:s5], $0x80  }
0xa: {  	s8 =	ssub.s32 s31, s9;
	s6 =	sadd.s32 $0x3600, s7;
	[sflag:s5] =	ssyncset.done $0x0  }
0xb: {  	s7 =	simm.s32 $0x80;
	s9 =	smax.u32 s8, $0x1;
	[sflag:s5] =	ssyncadd.s32 $0xFFFFFF80  }
0xc: {  	[tilespmem:s7], [sflag:$0x2] =	stream.linear.gather [hbm4b:s6+s3], $0x4000, $0x38;
	[tilespmem:$0x4080] =	vst v63  }
0xd: {  	p0 =	sne.s32 s9, $0x1;
	_ =	swait.ge [sflag:s5], $0x4000  }
.Ltmp0:
0xe: {  	[sflag:s5] =	ssyncset.done $0x0;
	(pc) =	sbr.rel @!p0 .LBB2_2-.Ltmp0, $4  }
0xf: {  	s8 =	simm.s32 $0x1;
	[sflag:s5] =	ssyncadd.s32 $0xFFFFC000  }
0x10: {  	[hbm4b:s2+s7] =	stream.indirect.scatter [tilespmem:s7], [sflag:$0x1], $0x80, s3, s7, $0xb8;
	[tilespmem:$0x4080] =	vst v63  }
0x11: {  	_ =	swait.ge [sflag:s8], $0x4000  }
0x12: {  	s9 =	sadd.s32 $0xFFFFFFFF, s9;
	[sflag:s8] =	ssyncset.done $0x0  }
.LBB2_1:
0x13: {  	p0 =	sne.s32 s9, $0x1;
	s9 =	sadd.s32 $0xFFFFFFFF, s9;
	[sflag:s8] =	ssyncadd.s32 $0xFFFFC000  }
0x14: {  	[tilespmem:s3], [sflag:$0x2] =	stream.linear.gather [hbm4b:s4+s3], $0x80, $0x38;
	[tilespmem:$0x4080] =	vst v63  }
0x15: {  	_ =	swait.ge [sflag:s5], $0x80  }
0x16: {  	[sflag:s5] =	ssyncset.done $0x0  }
0x17: {  	[sflag:s5] =	ssyncadd.s32 $0xFFFFFF80  }
0x18: {  	[tilespmem:s7], [sflag:$0x2] =	stream.linear.gather [hbm4b:s6+s3], $0x4000, $0x38;
	[tilespmem:$0x4080] =	vst v63  }
0x19: {  	_ =	swait.ge [sflag:s5], $0x4000  }
.Ltmp1:
0x1a: {  	[sflag:s5] =	ssyncset.done $0x0;
	(pc) =	sbr.rel @p0 .LBB2_1-.Ltmp1, $4  }
0x1b: {  	[sflag:s5] =	ssyncadd.s32 $0xFFFFC000  }
0x1c: {  	[hbm4b:s2+s7] =	stream.indirect.scatter [tilespmem:s7], [sflag:$0x1], $0x80, s3, s7, $0xb8;
	[tilespmem:$0x4080] =	vst v63  }
0x1d: {  	_ =	swait.ge [sflag:s8], $0x4000  }
0x1e: {  	[sflag:s8] =	ssyncset.done $0x0  }
.LBB2_2:
0x1f: {  	[sflag:s8] =	ssyncadd.s32 $0xFFFFC000  }
0x20: {  	_ =	sfence.sel $0x180000  }
0x21: {  	[bflag:$0x0] =	sbarrier.arrive $0xFFFF  }
0x22: {  	p0 =	sne.s32 s0, $0x0;
	_ =	strace $0x9000004A  }
0x23: {  	s0 =	sadd.s32 @!p0 $0x100000, s1;
	[bflag:$0x2] =	sbarrier.arrive $0xFFFF  }
0x24: {  	[sflag:s0] =	ssyncadd.tile.s32 @!p0 $0x1;
	_ =	shalt  }
.Lfunc_end2:
_tile_overlayer_lowered:
.L_overlay_start_2:
0x25: {  	(tag) =	ssettag $0x2  }
0x26: {  	s0 =	rddreg [dreg:$0x0];
	s2 =	stileid.u32  }
0x27: {  	s1 =	rddreg [dreg:$0x1];
	p0 =	sne.s32 s2, $0x0  }
0x28: {  	s3 =	rddreg [dreg:$0x2];
	[bflag:$0x3] =	sbarrier.arrive $0xFFFF;
	s2 =	simm.s32 @!p0 $0x1C02  }
0x29: {  	[timem:s3], [sflag:s2] =	dma.local @!p0 [hbm:s0], s1  }
0x2a: {  	s0 =	simm.s32 @!p0 $0x2  }
0x2b: {  	_ =	swait.ge @!p0 [sflag:s0], s1  }
0x2c: {  	s1 =	ssub.s32 @!p0 $0x0, s1;
	[sflag:s0] =	ssyncset.done @!p0 $0x0  }
0x2d: {  	[sflag:s0] =	ssyncadd.s32 @!p0 s1  }
0x2e: {  	[bflag:$0x3] =	sbarrier.arrive $0xFFFF  }
0x2f: {  	_ =	shalt  }

</sc_bundles>
